<compile_context>
chip_gen: v7x
topology: tpu7x:2x2x1
jax: 0.10.2.dev20260603
libtpu: 0.0.44.dev20260713+nightly
codegen_flags: <defaults>
</compile_context>

<pallas_src>
import functools

import jax
import jax.numpy as jnp
from jax import lax
from jax.experimental import pallas as pl
from jax.experimental.pallas import tpu as pltpu
from jax.experimental.pallas import tpu_sc as plsc

K = 16
N_PTS = 16384
M_SAMP = N_PTS // K
_BIG = 1 << 30



_NB = 16


def _tree(op, xs):
    xs = list(xs)
    while len(xs) > 1:
        nxt = [op(xs[j], xs[j + 1]) for j in range(0, len(xs) - 1, 2)]
        if len(xs) % 2:
            nxt.append(xs[-1])
        xs = nxt
    return xs[0]


def _fps_body(ptsc_ref, samples_ref, dists_ref, P_ref):
    lin_small = (lax.broadcasted_iota(jnp.int32, (8, 128), 0) * 128
                 + lax.broadcasted_iota(jnp.int32, (8, 128), 1))

    P_ref[:, 0:128] = ptsc_ref[0]
    P_ref[:, 128:256] = ptsc_ref[1]
    P_ref[:, 256:384] = ptsc_ref[2]
    dists_ref[...] = jnp.full((128, 128), jnp.inf, jnp.float32)

    lx0 = ptsc_ref[0, 0:1, 0:1]
    ly0 = ptsc_ref[1, 0:1, 0:1]
    lz0 = ptsc_ref[2, 0:1, 0:1]
    samples_ref[0:1, :] = jnp.concatenate([lx0, ly0, lz0], axis=1)

    def body(i, carry):
        lx, ly, lz = carry
        dbs = []
        for rb in range(_NB):
            sl = slice(rb * 8, rb * 8 + 8)
            dx = ptsc_ref[0, sl, :] - lx
            dy = ptsc_ref[1, sl, :] - ly
            dz = ptsc_ref[2, sl, :] - lz
            d = dx * dx + dy * dy + dz * dz
            db = jnp.minimum(dists_ref[sl, :], d)
            dists_ref[sl, :] = db
            dbs.append(db)
        colmax8 = _tree(jnp.maximum, dbs)
        m = jnp.max(jnp.max(colmax8, axis=0, keepdims=True), axis=1,
                    keepdims=True)
        accs = [jnp.where(dbs[rb] == m, jnp.int32(rb), jnp.int32(_NB))
                for rb in range(_NB)]
        acc = _tree(jnp.minimum, accs)
        cand = acc * 1024 + lin_small
        idx = jnp.min(jnp.min(cand, axis=0, keepdims=True), axis=1,
                      keepdims=True)
        lin_full = (lax.broadcasted_iota(jnp.int32, (128, 128), 0) * 128
                    + lax.broadcasted_iota(jnp.int32, (128, 128), 1))
        mask = lin_full == idx
        nx = jnp.sum(jnp.sum(jnp.where(mask, ptsc_ref[0], 0.0), axis=0,
                             keepdims=True), axis=1, keepdims=True)
        ny = jnp.sum(jnp.sum(jnp.where(mask, ptsc_ref[1], 0.0), axis=0,
                             keepdims=True), axis=1, keepdims=True)
        nz = jnp.sum(jnp.sum(jnp.where(mask, ptsc_ref[2], 0.0), axis=0,
                             keepdims=True), axis=1, keepdims=True)
        samples_ref[pl.ds(i, 1), :] = jnp.concatenate([nx, ny, nz], axis=1)
        return (nx, ny, nz)

    lax.fori_loop(1, M_SAMP, body, (lx0, ly0, lz0))


def _fps(ptsc):
    return pl.pallas_call(
        _fps_body,
        out_shape=jax.ShapeDtypeStruct((M_SAMP, 3), jnp.float32),
        scratch_shapes=[pltpu.VMEM((128, 128), jnp.float32),
                        pltpu.VMEM((128, 384), jnp.float32)],
    )(ptsc)



_KNN_QT = 128


def _lex_le(va, ia, vb, ib):
    return (va < vb) | ((va == vb) & (ia <= ib))


def _knn_body(samples_ref, ptsT_ref, idx_ref):
    s = samples_ref[...]
    pT = ptsT_ref[...]
    px = pT[0:1, :]
    py = pT[1:2, :]
    pz = pT[2:3, :]
    pn = px * px + py * py + pz * pz
    sn = jnp.sum(s * s, axis=1, keepdims=True)
    d2 = (sn + pn) - 2.0 * jnp.dot(s, pT, preferred_element_type=jnp.float32)

    H = N_PTS // 2
    lane16 = lax.broadcasted_iota(jnp.int32, (_KNN_QT, K), 1)
    colA = lax.broadcasted_iota(jnp.int32, (_KNN_QT, H), 1)
    colB = colA + H
    zi = jnp.zeros((_KNN_QT, K), jnp.int32)
    zv = jnp.zeros((_KNN_QT, K), jnp.float32)

    def body(kk, carry):
        dA, dB, vaccA, iaccA, vaccB, iaccB = carry
        mA = jnp.min(dA, axis=1, keepdims=True)
        mB = jnp.min(dB, axis=1, keepdims=True)
        iA = jnp.min(jnp.where(dA == mA, colA, _BIG), axis=1, keepdims=True)
        iB = jnp.min(jnp.where(dB == mB, colB, _BIG), axis=1, keepdims=True)
        vaccA = jnp.where(lane16 == kk, mA, vaccA)
        iaccA = jnp.where(lane16 == kk, iA, iaccA)
        vaccB = jnp.where(lane16 == kk, mB, vaccB)
        iaccB = jnp.where(lane16 == kk, iB, iaccB)
        dA = jnp.where(colA == iA, jnp.inf, dA)
        dB = jnp.where(colB == iB, jnp.inf, dB)
        return (dA, dB, vaccA, iaccA, vaccB, iaccB)

    _, _, vA, iA, vB, iB = lax.fori_loop(
        0, K, body, (d2[:, :H], d2[:, H:], zv, zi, zv, zi))

    vBr = jnp.concatenate([vB[:, K - 1 - j:K - j] for j in range(K)], axis=1)
    iBr = jnp.concatenate([iB[:, K - 1 - j:K - j] for j in range(K)], axis=1)
    take = _lex_le(vA, iA, vBr, iBr)
    val = jnp.where(take, vA, vBr)
    idx = jnp.where(take, iA, iBr)
    for dd in (8, 4, 2, 1):
        nv = []
        ni = []
        for blk in range(0, K, 2 * dd):
            vlo = val[:, blk:blk + dd]
            vhi = val[:, blk + dd:blk + 2 * dd]
            ilo = idx[:, blk:blk + dd]
            ihi = idx[:, blk + dd:blk + 2 * dd]
            t = _lex_le(vlo, ilo, vhi, ihi)
            nv += [jnp.where(t, vlo, vhi), jnp.where(t, vhi, vlo)]
            ni += [jnp.where(t, ilo, ihi), jnp.where(t, ihi, ilo)]
        val = jnp.concatenate(nv, axis=1)
        idx = jnp.concatenate(ni, axis=1)
    idx_ref[...] = idx


def _knn(samples, ptsT):
    grid = M_SAMP // _KNN_QT
    return pl.pallas_call(
        _knn_body,
        grid=(grid,),
        in_specs=[
            pl.BlockSpec((_KNN_QT, 3), lambda i: (i, 0)),
            pl.BlockSpec((3, N_PTS), lambda i: (0, 0)),
        ],
        out_specs=pl.BlockSpec((_KNN_QT, K), lambda i: (i, 0)),
        out_shape=jax.ShapeDtypeStruct((M_SAMP, K), jnp.int32),
    )(samples, ptsT)



def _gather_rel(points, samples, idx_flat):
    info = plsc.get_sparse_core_info()
    nw = info.num_cores * info.num_subcores
    chunk = N_PTS // nw
    mesh = plsc.VectorSubcoreMesh(core_axis_name="c", subcore_axis_name="s")
    f32 = jnp.float32

    out_t = [jax.ShapeDtypeStruct((N_PTS,), f32) for _ in range(6)]
    scratch_t = (
        [pltpu.VMEM((N_PTS * 3,), f32),
         pltpu.VMEM((M_SAMP * 3,), f32),
         pltpu.VMEM((chunk,), jnp.int32)]
        + [pltpu.VMEM((chunk,), f32) for _ in range(6)]
    )

    @functools.partial(
        pl.kernel, mesh=mesh, out_type=out_t, scratch_types=scratch_t,
        compiler_params=pltpu.CompilerParams(needs_layout_passes=False))
    def gather_k(points_hbm, samples_hbm, idx_hbm,
                 kx_hbm, ky_hbm, kz_hbm, rx_hbm, ry_hbm, rz_hbm,
                 pts_v, smp_v, idx_v,
                 kx_v, ky_v, kz_v, rx_v, ry_v, rz_v):
        wid = lax.axis_index("s") * info.num_cores + lax.axis_index("c")
        base = wid * chunk
        pltpu.sync_copy(points_hbm, pts_v)
        pltpu.sync_copy(samples_hbm, smp_v)
        pltpu.sync_copy(idx_hbm.at[pl.ds(base, chunk)], idx_v)

        lanes = lax.iota(jnp.int32, 16)
        for j in range(chunk // 16):
            idxv = idx_v[pl.ds(j * 16, 16)] * 3
            sidx = lax.shift_right_logical(lanes + (base + j * 16), 4) * 3
            gx = plsc.load_gather(pts_v, [idxv])
            gy = plsc.load_gather(pts_v, [idxv + 1])
            gz = plsc.load_gather(pts_v, [idxv + 2])
            sx = plsc.load_gather(smp_v, [sidx])
            sy = plsc.load_gather(smp_v, [sidx + 1])
            sz = plsc.load_gather(smp_v, [sidx + 2])
            kx_v[pl.ds(j * 16, 16)] = gx
            ky_v[pl.ds(j * 16, 16)] = gy
            kz_v[pl.ds(j * 16, 16)] = gz
            rx_v[pl.ds(j * 16, 16)] = gx - sx
            ry_v[pl.ds(j * 16, 16)] = gy - sy
            rz_v[pl.ds(j * 16, 16)] = gz - sz

        pltpu.sync_copy(kx_v, kx_hbm.at[pl.ds(base, chunk)])
        pltpu.sync_copy(ky_v, ky_hbm.at[pl.ds(base, chunk)])
        pltpu.sync_copy(kz_v, kz_hbm.at[pl.ds(base, chunk)])
        pltpu.sync_copy(rx_v, rx_hbm.at[pl.ds(base, chunk)])
        pltpu.sync_copy(ry_v, ry_hbm.at[pl.ds(base, chunk)])
        pltpu.sync_copy(rz_v, rz_hbm.at[pl.ds(base, chunk)])

    kx, ky, kz, rx, ry, rz = gather_k(points.reshape(-1), samples.reshape(-1),
                                      idx_flat)
    knn_pts = jnp.stack([kx, ky, kz], axis=1)
    rel = jnp.stack([rx, ry, rz], axis=1)
    return knn_pts, rel



_ENC_CT = 128
_ENC_PT = _ENC_CT * K


def _encdec_body(rel_ref, samples_ref, W1_ref, b1_ref, W2_ref, b2_ref,
                 W3_ref, b3_ref, D1_ref, c1_ref, D2_ref, c2_ref,
                 D3_ref, c3_ref, out_ref):
    rel = rel_ref[...]
    h = jnp.dot(rel, W1_ref[...], preferred_element_type=jnp.float32)
    h = jnp.maximum(h + b1_ref[...], 0.0)
    h = jnp.dot(h, W2_ref[...], preferred_element_type=jnp.float32)
    h = jnp.maximum(h + b2_ref[...], 0.0)
    pooled = jnp.max(h.reshape(_ENC_CT, K, -1), axis=1)
    enc = jnp.dot(pooled, W3_ref[...],
                  preferred_element_type=jnp.float32) + b3_ref[...]
    g = jnp.dot(enc, D1_ref[...], preferred_element_type=jnp.float32)
    g = jnp.maximum(g + c1_ref[...], 0.0)
    g = jnp.dot(g, D2_ref[...], preferred_element_type=jnp.float32)
    g = jnp.maximum(g + c2_ref[...], 0.0)
    dec = jnp.dot(g, D3_ref[...], preferred_element_type=jnp.float32)
    dec = dec + c3_ref[...]
    s = samples_ref[...]
    mids = jnp.concatenate([s] * K, axis=1)
    out_ref[...] = dec + mids


def _encdec(rel, samples, W1, b1, W2, b2, W3, b3, D1, c1, D2, c2, D3, c3):
    grid = M_SAMP // _ENC_CT
    full = lambda r, c: pl.BlockSpec((r, c), lambda i: (0, 0))
    return pl.pallas_call(
        _encdec_body,
        grid=(grid,),
        in_specs=[
            pl.BlockSpec((_ENC_PT, 3), lambda i: (i, 0)),
            pl.BlockSpec((_ENC_CT, 3), lambda i: (i, 0)),
            full(3, 128), full(1, 128),
            full(128, 256), full(1, 256),
            full(256, 512), full(1, 512),
            full(512, 256), full(1, 256),
            full(256, 128), full(1, 128),
            full(128, K * 3), full(1, K * 3),
        ],
        out_specs=pl.BlockSpec((_ENC_CT, K * 3), lambda i: (i, 0)),
        out_shape=jax.ShapeDtypeStruct((M_SAMP, K * 3), jnp.float32),
    )(rel, samples, W1, b1.reshape(1, -1), W2, b2.reshape(1, -1),
      W3, b3.reshape(1, -1), D1, c1.reshape(1, -1), D2, c2.reshape(1, -1),
      D3, c3.reshape(1, -1))



def kernel(points, W1, b1, W2, b2, W3, b3, D1, c1, D2, c2, D3, c3):
    ptsT = points.T
    ptsc = ptsT.reshape(3, 128, 128)
    samples = _fps(ptsc)
    idx = _knn(samples, ptsT)
    knn_pts, rel = _gather_rel(points, samples, idx.reshape(-1))
    dec48 = _encdec(rel, samples, W1, b1, W2, b2, W3, b3,
                    D1, c1, D2, c2, D3, c3)
    resized_orig = knn_pts.reshape(-1, K, 3)
    resized_deco = dec48.reshape(-1, K, 3)
    return (resized_orig, resized_deco)

# --- scband reference (transcript-rebuilt; emitter-appended) ---
"""Pipeline reference for scband-simple-relative-layer-86406152061330 (READ-ONLY COPY).

The authoritative reference and input builder live on the scoring server;
editing this copy changes nothing except your own understanding.
"""

import jax, jax.numpy as jnp
import numpy as np

K = 16
F1, F2, F3 = 128, 256, 512


def _lin(k, fan_in, fan_out):
    return jax.random.normal(k, (fan_in, fan_out), jnp.float32) * (1.0 / np.sqrt(fan_in))


def setup_inputs(seed: int = 0):
    key = jax.random.key(seed)
    ks = jax.random.split(key, 13)
    points = jax.random.normal(ks[0], (16384, 3), jnp.float32)
    return {
        'points': points,
        'W1': _lin(ks[1], 3, F1),  'b1': jnp.zeros((F1,), jnp.float32),
        'W2': _lin(ks[2], F1, F2), 'b2': jnp.zeros((F2,), jnp.float32),
        'W3': _lin(ks[3], F2, F3), 'b3': jnp.zeros((F3,), jnp.float32),
        'D1': _lin(ks[4], F3, F2), 'c1': jnp.zeros((F2,), jnp.float32),
        'D2': _lin(ks[5], F2, F1), 'c2': jnp.zeros((F1,), jnp.float32),
        'D3': _lin(ks[6], F1, K * 3), 'c3': jnp.zeros((K * 3,), jnp.float32),
    }


def fps(points, M):
    # farthest point sampling, start at index 0 (matches torch_geometric fps with random_start handled deterministically)
    d0 = jnp.sum((points - points[0]) ** 2, axis=-1)
    inds0 = jnp.zeros((M,), jnp.int32)

    def body(i, state):
        inds, dists = state
        last = inds[i - 1]
        d = jnp.sum((points - points[last]) ** 2, axis=-1)
        dists = jnp.minimum(dists, d)
        nxt = jnp.argmax(dists).astype(jnp.int32)
        inds = inds.at[i].set(nxt)
        return (inds, dists)

    inds, _ = jax.lax.fori_loop(1, M, body, (inds0, d0))
    return inds


def knn(points, samples, k):
    # for each sample (query), find k nearest points; returns (cluster assign into samples, point indices)
    d2 = (jnp.sum(samples ** 2, axis=1, keepdims=True)
          + jnp.sum(points ** 2, axis=1)[None, :]
          - 2.0 * samples @ points.T)
    _, idx = jax.lax.top_k(-d2, k)
    M = samples.shape[0]
    knn_cluster = jnp.repeat(jnp.arange(M), k)
    return knn_cluster, idx.reshape(-1)


def reference(points, W1, b1, W2, b2, W3, b3, D1, c1, D2, c2, D3, c3):
    N = points.shape[0]
    M = N // K  # ratio = 1 / nb_neighbours
    sample_inds = fps(points, M)
    samples = points[sample_inds]
    knn_cluster, knn_inds = knn(points, samples, K)
    knn_points = points[knn_inds]            # [M*K, 3]
    midpoints = samples[knn_cluster]         # [M*K, 3]
    relative = knn_points - midpoints
    # SimpleRelativeEncoder: per-point MLP + per-cluster max pool + fc
    h = jax.nn.relu(relative @ W1 + b1)
    h = jax.nn.relu(h @ W2 + b2)
    pooled = jax.ops.segment_max(h, knn_cluster, num_segments=M)
    encoded = pooled @ W3 + b3               # [M, F3]
    # SimpleRelativeDecoder: MLP expanding back to nb_neighbours * 3
    g = jax.nn.relu(encoded @ D1 + c1)
    g = jax.nn.relu(g @ D2 + c2)
    decoded = (g @ D3 + c3).reshape(-1, 3)   # [M*K, 3]
    dec_abs = decoded + midpoints
    resized_orig = knn_points.reshape(-1, K, 3)
    resized_deco = dec_abs.reshape(-1, K, 3)
    return (resized_orig, resized_deco)

if __name__ == "__main__":
    import jax
    _d = setup_inputs()
    print(jax.jit(kernel)(*tuple(_d.values())))

</pallas_src>

<mosaic_0001>
#map = affine_map<(d0, d1) -> (0)>
module attributes {stable_mosaic.version = 14 : i64} {
  func.func @gather_k(%arg0: i32, %arg1: i32, %arg2: memref<49152xf32, #tpu.memory_space<hbm>>, %arg3: memref<3072xf32, #tpu.memory_space<hbm>>, %arg4: memref<16384xi32, #tpu.memory_space<hbm>>, %arg5: memref<16384xf32, #tpu.memory_space<hbm>>, %arg6: memref<16384xf32, #tpu.memory_space<hbm>>, %arg7: memref<16384xf32, #tpu.memory_space<hbm>>, %arg8: memref<16384xf32, #tpu.memory_space<hbm>>, %arg9: memref<16384xf32, #tpu.memory_space<hbm>>, %arg10: memref<16384xf32, #tpu.memory_space<hbm>>, %arg11: memref<49152xf32, #tpu.memory_space<vmem>>, %arg12: memref<3072xf32, #tpu.memory_space<vmem>>, %arg13: memref<512xi32, #tpu.memory_space<vmem>>, %arg14: memref<512xf32, #tpu.memory_space<vmem>>, %arg15: memref<512xf32, #tpu.memory_space<vmem>>, %arg16: memref<512xf32, #tpu.memory_space<vmem>>, %arg17: memref<512xf32, #tpu.memory_space<vmem>>, %arg18: memref<512xf32, #tpu.memory_space<vmem>>, %arg19: memref<512xf32, #tpu.memory_space<vmem>>) attributes {dimension_semantics = [#tpu.dimension_semantics<core_parallel>, #tpu.dimension_semantics<subcore_parallel>], iteration_bounds = array<i64: 2, 16>, scalar_prefetch = 0 : i64, scratch_operands = 9 : i64, tpu.core_type = #tpu.core_type<sc_vector_subcore>, window_params = [{transform_indices = #map}, {transform_indices = #map}, {transform_indices = #map}, {transform_indices = #map}, {transform_indices = #map}, {transform_indices = #map}, {transform_indices = #map}, {transform_indices = #map}, {transform_indices = #map}]} {
    %mul3A = arith.constant 2 : i32
    %mul3A_0 = arith.muli %arg1, %mul3A : i32
    %add3A = arith.addi %mul3A_0, %arg0 : i32
    %mul3A_1 = arith.constant 512 : i32
    %mul3A_2 = arith.muli %add3A, %mul3A_1 : i32
    "tpu.region"() ({
      %run_scoped3A = tpu.sem_alloc : memref<!tpu.dma_semaphore, #tpu.memory_space<semaphore_mem>>
      tpu.enqueue_dma source(%arg2 : memref<49152xf32, #tpu.memory_space<hbm>>) target(%arg11 : memref<49152xf32, #tpu.memory_space<vmem>>) target_semaphore(%run_scoped3A : memref<!tpu.dma_semaphore, #tpu.memory_space<semaphore_mem>>)
      tpu.wait_dma2 semaphore(%run_scoped3A : memref<!tpu.dma_semaphore, #tpu.memory_space<semaphore_mem>>) src(%arg2 : memref<49152xf32, #tpu.memory_space<hbm>>) dst(%arg11 : memref<49152xf32, #tpu.memory_space<vmem>>)
      tpu.yield
    }) : () -> ()
    "tpu.region"() ({
      %run_scoped3A = tpu.sem_alloc : memref<!tpu.dma_semaphore, #tpu.memory_space<semaphore_mem>>
      tpu.enqueue_dma source(%arg3 : memref<3072xf32, #tpu.memory_space<hbm>>) target(%arg12 : memref<3072xf32, #tpu.memory_space<vmem>>) target_semaphore(%run_scoped3A : memref<!tpu.dma_semaphore, #tpu.memory_space<semaphore_mem>>)
      tpu.wait_dma2 semaphore(%run_scoped3A : memref<!tpu.dma_semaphore, #tpu.memory_space<semaphore_mem>>) src(%arg3 : memref<3072xf32, #tpu.memory_space<hbm>>) dst(%arg12 : memref<3072xf32, #tpu.memory_space<vmem>>)
      tpu.yield
    }) : () -> ()
    "tpu.region"() ({
      %run_scoped3A = tpu.sem_alloc : memref<!tpu.dma_semaphore, #tpu.memory_space<semaphore_mem>>
      %dma_start3A = tpu.memref_slice %arg4[%mul3A_2] : memref<16384xi32, #tpu.memory_space<hbm>> -> memref<512xi32, #tpu.memory_space<hbm>>
      %dma_start3A_1534 = tpu.memref_slice %arg4[%mul3A_2] : memref<16384xi32, #tpu.memory_space<hbm>> -> memref<512xi32, #tpu.memory_space<hbm>>
      tpu.enqueue_dma source(%dma_start3A_1534 : memref<512xi32, #tpu.memory_space<hbm>>) target(%arg13 : memref<512xi32, #tpu.memory_space<vmem>>) target_semaphore(%run_scoped3A : memref<!tpu.dma_semaphore, #tpu.memory_space<semaphore_mem>>)
      %dma_wait3A = tpu.memref_slice %arg4[%mul3A_2] : memref<16384xi32, #tpu.memory_space<hbm>> -> memref<512xi32, #tpu.memory_space<hbm>>
      %dma_wait3A_1535 = tpu.memref_slice %arg4[%mul3A_2] : memref<16384xi32, #tpu.memory_space<hbm>> -> memref<512xi32, #tpu.memory_space<hbm>>
      tpu.wait_dma2 semaphore(%run_scoped3A : memref<!tpu.dma_semaphore, #tpu.memory_space<semaphore_mem>>) src(%dma_wait3A_1535 : memref<512xi32, #tpu.memory_space<hbm>>) dst(%arg13 : memref<512xi32, #tpu.memory_space<vmem>>)
      tpu.yield
    }) : () -> ()
    %iota3A = tpu.iota {dimensions = array<i32: 0>} : vector<16xi32>
    %get3A = arith.constant 0 : index
    %get3A_3 = tpu.vector_load %arg13[%get3A] {strides = array<i32>} : memref<512xi32, #tpu.memory_space<vmem>>, vector<16xi32>,
    %mul3A_4 = arith.constant 3 : i32
    %mul3A_5 = vector.broadcast %mul3A_4 : i32 to vector<16xi32>
    %mul3A_6 = arith.muli %get3A_3, %mul3A_5 : vector<16xi32>
    %add3A_7 = arith.constant 0 : i32
    %add3A_8 = arith.addi %mul3A_2, %add3A_7 : i32
    %add3A_9 = vector.broadcast %add3A_8 : i32 to vector<16xi32>
    %add3A_10 = arith.addi %iota3A, %add3A_9 : vector<16xi32>
    %shift_right_logical3A = arith.constant 4 : i32
    %shift_right_logical3A_11 = vector.broadcast %shift_right_logical3A : i32 to vector<16xi32>
    %shift_right_logical3A_12 = arith.shrui %add3A_10, %shift_right_logical3A_11 : vector<16xi32>
    %mul3A_13 = arith.constant 3 : i32
    %mul3A_14 = vector.broadcast %mul3A_13 : i32 to vector<16xi32>
    %mul3A_15 = arith.muli %shift_right_logical3A_12, %mul3A_14 : vector<16xi32>
    %gather3A = tpu.vector_load_idx %arg11[%mul3A_6] : memref<49152xf32, #tpu.memory_space<vmem>>[vector<16xi32>], vector<16xf32>,
    %add3A_16 = arith.constant 1 : i32
    %add3A_17 = vector.broadcast %add3A_16 : i32 to vector<16xi32>
    %add3A_18 = arith.addi %mul3A_6, %add3A_17 : vector<16xi32>
    %gather3A_19 = tpu.vector_load_idx %arg11[%add3A_18] : memref<49152xf32, #tpu.memory_space<vmem>>[vector<16xi32>], vector<16xf32>,
    %add3A_20 = arith.constant 2 : i32
    %add3A_21 = vector.broadcast %add3A_20 : i32 to vector<16xi32>
    %add3A_22 = arith.addi %mul3A_6, %add3A_21 : vector<16xi32>
    %gather3A_23 = tpu.vector_load_idx %arg11[%add3A_22] : memref<49152xf32, #tpu.memory_space<vmem>>[vector<16xi32>], vector<16xf32>,
    %gather3A_24 = tpu.vector_load_idx %arg12[%mul3A_15] : memref<3072xf32, #tpu.memory_space<vmem>>[vector<16xi32>], vector<16xf32>,
    %add3A_25 = arith.constant 1 : i32
    %add3A_26 = vector.broadcast %add3A_25 : i32 to vector<16xi32>
    %add3A_27 = arith.addi %mul3A_15, %add3A_26 : vector<16xi32>
    %gather3A_28 = tpu.vector_load_idx %arg12[%add3A_27] : memref<3072xf32, #tpu.memory_space<vmem>>[vector<16xi32>], vector<16xf32>,
    %add3A_29 = arith.constant 2 : i32
    %add3A_30 = vector.broadcast %add3A_29 : i32 to vector<16xi32>
    %add3A_31 = arith.addi %mul3A_15, %add3A_30 : vector<16xi32>
    %gather3A_32 = tpu.vector_load_idx %arg12[%add3A_31] : memref<3072xf32, #tpu.memory_space<vmem>>[vector<16xi32>], vector<16xf32>,
    %swap3A = arith.constant 0 : index
    %swap3A_33 = tpu.vector_load %arg14[%swap3A] {strides = array<i32>} : memref<512xf32, #tpu.memory_space<vmem>>, vector<16xf32>,
    tpu.vector_store %arg14[%swap3A], %gather3A {strides = array<i32>} : memref<512xf32, #tpu.memory_space<vmem>>, vector<16xf32>,
    %swap3A_34 = arith.constant 0 : index
    %swap3A_35 = tpu.vector_load %arg15[%swap3A_34] {strides = array<i32>} : memref<512xf32, #tpu.memory_space<vmem>>, vector<16xf32>,
    tpu.vector_store %arg15[%swap3A_34], %gather3A_19 {strides = array<i32>} : memref<512xf32, #tpu.memory_space<vmem>>, vector<16xf32>,
    %swap3A_36 = arith.constant 0 : index
    %swap3A_37 = tpu.vector_load %arg16[%swap3A_36] {strides = array<i32>} : memref<512xf32, #tpu.memory_space<vmem>>, vector<16xf32>,
    tpu.vector_store %arg16[%swap3A_36], %gather3A_23 {strides = array<i32>} : memref<512xf32, #tpu.memory_space<vmem>>, vector<16xf32>,
    %sub3A = arith.subf %gather3A, %gather3A_24 : vector<16xf32>
    %swap3A_38 = arith.constant 0 : index
    %swap3A_39 = tpu.vector_load %arg17[%swap3A_38] {strides = array<i32>} : memref<512xf32, #tpu.memory_space<vmem>>, vector<16xf32>,
    tpu.vector_store %arg17[%swap3A_38], %sub3A {strides = array<i32>} : memref<512xf32, #tpu.memory_space<vmem>>, vector<16xf32>,
    %sub3A_40 = arith.subf %gather3A_19, %gather3A_28 : vector<16xf32>
    %swap3A_41 = arith.constant 0 : index
    %swap3A_42 = tpu.vector_load %arg18[%swap3A_41] {strides = array<i32>} : memref<512xf32, #tpu.memory_space<vmem>>, vector<16xf32>,
    tpu.vector_store %arg18[%swap3A_41], %sub3A_40 {strides = array<i32>} : memref<512xf32, #tpu.memory_space<vmem>>, vector<16xf32>,
    %sub3A_43 = arith.subf %gather3A_23, %gather3A_32 : vector<16xf32>
    %swap3A_44 = arith.constant 0 : index
    %swap3A_45 = tpu.vector_load %arg19[%swap3A_44] {strides = array<i32>} : memref<512xf32, #tpu.memory_space<vmem>>, vector<16xf32>,
    tpu.vector_store %arg19[%swap3A_44], %sub3A_43 {strides = array<i32>} : memref<512xf32, #tpu.memory_space<vmem>>, vector<16xf32>,
    %get3A_46 = arith.constant 16 : index
    %get3A_47 = tpu.vector_load %arg13[%get3A_46] {strides = array<i32>} : memref<512xi32, #tpu.memory_space<vmem>>, vector<16xi32>,
    %mul3A_48 = arith.constant 3 : i32
    %mul3A_49 = vector.broadcast %mul3A_48 : i32 to vector<16xi32>
    %mul3A_50 = arith.muli %get3A_47, %mul3A_49 : vector<16xi32>
    %add3A_51 = arith.constant 16 : i32
    %add3A_52 = arith.addi %mul3A_2, %add3A_51 : i32
    %add3A_53 = vector.broadcast %add3A_52 : i32 to vector<16xi32>
    %add3A_54 = arith.addi %iota3A, %add3A_53 : vector<16xi32>
    %shift_right_logical3A_55 = arith.constant 4 : i32
    %shift_right_logical3A_56 = vector.broadcast %shift_right_logical3A_55 : i32 to vector<16xi32>
    %shift_right_logical3A_57 = arith.shrui %add3A_54, %shift_right_logical3A_56 : vector<16xi32>
    %mul3A_58 = arith.constant 3 : i32
    %mul3A_59 = vector.broadcast %mul3A_58 : i32 to vector<16xi32>
    %mul3A_60 = arith.muli %shift_right_logical3A_57, %mul3A_59 : vector<16xi32>
    %gather3A_61 = tpu.vector_load_idx %arg11[%mul3A_50] : memref<49152xf32, #tpu.memory_space<vmem>>[vector<16xi32>], vector<16xf32>,
    %add3A_62 = arith.constant 1 : i32
    %add3A_63 = vector.broadcast %add3A_62 : i32 to vector<16xi32>
    %add3A_64 = arith.addi %mul3A_50, %add3A_63 : vector<16xi32>
    %gather3A_65 = tpu.vector_load_idx %arg11[%add3A_64] : memref<49152xf32, #tpu.memory_space<vmem>>[vector<16xi32>], vector<16xf32>,
    %add3A_66 = arith.constant 2 : i32
    %add3A_67 = vector.broadcast %add3A_66 : i32 to vector<16xi32>
    %add3A_68 = arith.addi %mul3A_50, %add3A_67 : vector<16xi32>
    %gather3A_69 = tpu.vector_load_idx %arg11[%add3A_68] : memref<49152xf32, #tpu.memory_space<vmem>>[vector<16xi32>], vector<16xf32>,
    %gather3A_70 = tpu.vector_load_idx %arg12[%mul3A_60] : memref<3072xf32, #tpu.memory_space<vmem>>[vector<16xi32>], vector<16xf32>,
    %add3A_71 = arith.constant 1 : i32
    %add3A_72 = vector.broadcast %add3A_71 : i32 to vector<16xi32>
    %add3A_73 = arith.addi %mul3A_60, %add3A_72 : vector<16xi32>
    %gather3A_74 = tpu.vector_load_idx %arg12[%add3A_73] : memref<3072xf32, #tpu.memory_space<vmem>>[vector<16xi32>], vector<16xf32>,
    %add3A_75 = arith.constant 2 : i32
    %add3A_76 = vector.broadcast %add3A_75 : i32 to vector<16xi32>
    %add3A_77 = arith.addi %mul3A_60, %add3A_76 : vector<16xi32>
    %gather3A_78 = tpu.vector_load_idx %arg12[%add3A_77] : memref<3072xf32, #tpu.memory_space<vmem>>[vector<16xi32>], vector<16xf32>,
    %swap3A_79 = arith.constant 16 : index
    %swap3A_80 = tpu.vector_load %arg14[%swap3A_79] {strides = array<i32>} : memref<512xf32, #tpu.memory_space<vmem>>, vector<16xf32>,
    tpu.vector_store %arg14[%swap3A_79], %gather3A_61 {strides = array<i32>} : memref<512xf32, #tpu.memory_space<vmem>>, vector<16xf32>,
    %swap3A_81 = arith.constant 16 : index
    %swap3A_82 = tpu.vector_load %arg15[%swap3A_81] {strides = array<i32>} : memref<512xf32, #tpu.memory_space<vmem>>, vector<16xf32>,
    tpu.vector_store %arg15[%swap3A_81], %gather3A_65 {strides = array<i32>} : memref<512xf32, #tpu.memory_space<vmem>>, vector<16xf32>,
    %swap3A_83 = arith.constant 16 : index
    %swap3A_84 = tpu.vector_load %arg16[%swap3A_83] {strides = array<i32>} : memref<512xf32, #tpu.memory_space<vmem>>, vector<16xf32>,
    tpu.vector_store %arg16[%swap3A_83], %gather3A_69 {strides = array<i32>} : memref<512xf32, #tpu.memory_space<vmem>>, vector<16xf32>,
    %sub3A_85 = arith.subf %gather3A_61, %gather3A_70 : vector<16xf32>
    %swap3A_86 = arith.constant 16 : index
    %swap3A_87 = tpu.vector_load %arg17[%swap3A_86] {strides = array<i32>} : memref<512xf32, #tpu.memory_space<vmem>>, vector<16xf32>,
    tpu.vector_store %arg17[%swap3A_86], %sub3A_85 {strides = array<i32>} : memref<512xf32, #tpu.memory_space<vmem>>, vector<16xf32>,
    %sub3A_88 = arith.subf %gather3A_65, %gather3A_74 : vector<16xf32>
    %swap3A_89 = arith.constant 16 : index
    %swap3A_90 = tpu.vector_load %arg18[%swap3A_89] {strides = array<i32>} : memref<512xf32, #tpu.memory_space<vmem>>, vector<16xf32>,
    tpu.vector_store %arg18[%swap3A_89], %sub3A_88 {strides = array<i32>} : memref<512xf32, #tpu.memory_space<vmem>>, vector<16xf32>,
    %sub3A_91 = arith.subf %gather3A_69, %gather3A_78 : vector<16xf32>
    %swap3A_92 = arith.constant 16 : index
    %swap3A_93 = tpu.vector_load %arg19[%swap3A_92] {strides = array<i32>} : memref<512xf32, #tpu.memory_space<vmem>>, vector<16xf32>,
    tpu.vector_store %arg19[%swap3A_92], %sub3A_91 {strides = array<i32>} : memref<512xf32, #tpu.memory_space<vmem>>, vector<16xf32>,
    %get3A_94 = arith.constant 32 : index
    %get3A_95 = tpu.vector_load %arg13[%get3A_94] {strides = array<i32>} : memref<512xi32, #tpu.memory_space<vmem>>, vector<16xi32>,
    %mul3A_96 = arith.constant 3 : i32
    %mul3A_97 = vector.broadcast %mul3A_96 : i32 to vector<16xi32>
    %mul3A_98 = arith.muli %get3A_95, %mul3A_97 : vector<16xi32>
    %add3A_99 = arith.constant 32 : i32
    %add3A_100 = arith.addi %mul3A_2, %add3A_99 : i32
    %add3A_101 = vector.broadcast %add3A_100 : i32 to vector<16xi32>
    %add3A_102 = arith.addi %iota3A, %add3A_101 : vector<16xi32>
    %shift_right_logical3A_103 = arith.constant 4 : i32
    %shift_right_logical3A_104 = vector.broadcast %shift_right_logical3A_103 : i32 to vector<16xi32>
    %shift_right_logical3A_105 = arith.shrui %add3A_102, %shift_right_logical3A_104 : vector<16xi32>
    %mul3A_106 = arith.constant 3 : i32
    %mul3A_107 = vector.broadcast %mul3A_106 : i32 to vector<16xi32>
    %mul3A_108 = arith.muli %shift_right_logical3A_105, %mul3A_107 : vector<16xi32>
    %gather3A_109 = tpu.vector_load_idx %arg11[%mul3A_98] : memref<49152xf32, #tpu.memory_space<vmem>>[vector<16xi32>], vector<16xf32>,
    %add3A_110 = arith.constant 1 : i32
    %add3A_111 = vector.broadcast %add3A_110 : i32 to vector<16xi32>
    %add3A_112 = arith.addi %mul3A_98, %add3A_111 : vector<16xi32>
    %gather3A_113 = tpu.vector_load_idx %arg11[%add3A_112] : memref<49152xf32, #tpu.memory_space<vmem>>[vector<16xi32>], vector<16xf32>,
    %add3A_114 = arith.constant 2 : i32
    %add3A_115 = vector.broadcast %add3A_114 : i32 to vector<16xi32>
    %add3A_116 = arith.addi %mul3A_98, %add3A_115 : vector<16xi32>
    %gather3A_117 = tpu.vector_load_idx %arg11[%add3A_116] : memref<49152xf32, #tpu.memory_space<vmem>>[vector<16xi32>], vector<16xf32>,
    %gather3A_118 = tpu.vector_load_idx %arg12[%mul3A_108] : memref<3072xf32, #tpu.memory_space<vmem>>[vector<16xi32>], vector<16xf32>,
    %add3A_119 = arith.constant 1 : i32
    %add3A_120 = vector.broadcast %add3A_119 : i32 to vector<16xi32>
    %add3A_121 = arith.addi %mul3A_108, %add3A_120 : vector<16xi32>
    %gather3A_122 = tpu.vector_load_idx %arg12[%add3A_121] : memref<3072xf32, #tpu.memory_space<vmem>>[vector<16xi32>], vector<16xf32>,
    %add3A_123 = arith.constant 2 : i32
    %add3A_124 = vector.broadcast %add3A_123 : i32 to vector<16xi32>
    %add3A_125 = arith.addi %mul3A_108, %add3A_124 : vector<16xi32>
    %gather3A_126 = tpu.vector_load_idx %arg12[%add3A_125] : memref<3072xf32, #tpu.memory_space<vmem>>[vector<16xi32>], vector<16xf32>,
    %swap3A_127 = arith.constant 32 : index
    %swap3A_128 = tpu.vector_load %arg14[%swap3A_127] {strides = array<i32>} : memref<512xf32, #tpu.memory_space<vmem>>, vector<16xf32>,
    tpu.vector_store %arg14[%swap3A_127], %gather3A_109 {strides = array<i32>} : memref<512xf32, #tpu.memory_space<vmem>>, vector<16xf32>,
    %swap3A_129 = arith.constant 32 : index
    %swap3A_130 = tpu.vector_load %arg15[%swap3A_129] {strides = array<i32>} : memref<512xf32, #tpu.memory_space<vmem>>, vector<16xf32>,
    tpu.vector_store %arg15[%swap3A_129], %gather3A_113 {strides = array<i32>} : memref<512xf32, #tpu.memory_space<vmem>>, vector<16xf32>,
    %swap3A_131 = arith.constant 32 : index
    %swap3A_132 = tpu.vector_load %arg16[%swap3A_131] {strides = array<i32>} : memref<512xf32, #tpu.memory_space<vmem>>, vector<16xf32>,
    tpu.vector_store %arg16[%swap3A_131], %gather3A_117 {strides = array<i32>} : memref<512xf32, #tpu.memory_space<vmem>>, vector<16xf32>,
    %sub3A_133 = arith.subf %gather3A_109, %gather3A_118 : vector<16xf32>
    %swap3A_134 = arith.constant 32 : index
    %swap3A_135 = tpu.vector_load %arg17[%swap3A_134] {strides = array<i32>} : memref<512xf32, #tpu.memory_space<vmem>>, vector<16xf32>,
    tpu.vector_store %arg17[%swap3A_134], %sub3A_133 {strides = array<i32>} : memref<512xf32, #tpu.memory_space<vmem>>, vector<16xf32>,
    %sub3A_136 = arith.subf %gather3A_113, %gather3A_122 : vector<16xf32>
    %swap3A_137 = arith.constant 32 : index
    %swap3A_138 = tpu.vector_load %arg18[%swap3A_137] {strides = array<i32>} : memref<512xf32, #tpu.memory_space<vmem>>, vector<16xf32>,
    tpu.vector_store %arg18[%swap3A_137], %sub3A_136 {strides = array<i32>} : memref<512xf32, #tpu.memory_space<vmem>>, vector<16xf32>,
    %sub3A_139 = arith.subf %gather3A_117, %gather3A_126 : vector<16xf32>
    %swap3A_140 = arith.constant 32 : index
    %swap3A_141 = tpu.vector_load %arg19[%swap3A_140] {strides = array<i32>} : memref<512xf32, #tpu.memory_space<vmem>>, vector<16xf32>,
    tpu.vector_store %arg19[%swap3A_140], %sub3A_139 {strides = array<i32>} : memref<512xf32, #tpu.memory_space<vmem>>, vector<16xf32>,
    %get3A_142 = arith.constant 48 : index
    %get3A_143 = tpu.vector_load %arg13[%get3A_142] {strides = array<i32>} : memref<512xi32, #tpu.memory_space<vmem>>, vector<16xi32>,
    %mul3A_144 = arith.constant 3 : i32
    %mul3A_145 = vector.broadcast %mul3A_144 : i32 to vector<16xi32>
    %mul3A_146 = arith.muli %get3A_143, %mul3A_145 : vector<16xi32>
    %add3A_147 = arith.constant 48 : i32
    %add3A_148 = arith.addi %mul3A_2, %add3A_147 : i32
    %add3A_149 = vector.broadcast %add3A_148 : i32 to vector<16xi32>
    %add3A_150 = arith.addi %iota3A, %add3A_149 : vector<16xi32>
    %shift_right_logical3A_151 = arith.constant 4 : i32
    %shift_right_logical3A_152 = vector.broadcast %shift_right_logical3A_151 : i32 to vector<16xi32>
    %shift_right_logical3A_153 = arith.shrui %add3A_150, %shift_right_logical3A_152 : vector<16xi32>
    %mul3A_154 = arith.constant 3 : i32
    %mul3A_155 = vector.broadcast %mul3A_154 : i32 to vector<16xi32>
    %mul3A_156 = arith.muli %shift_right_logical3A_153, %mul3A_155 : vector<16xi32>
    %gather3A_157 = tpu.vector_load_idx %arg11[%mul3A_146] : memref<49152xf32, #tpu.memory_space<vmem>>[vector<16xi32>], vector<16xf32>,
    %add3A_158 = arith.constant 1 : i32
    %add3A_159 = vector.broadcast %add3A_158 : i32 to vector<16xi32>
    %add3A_160 = arith.addi %mul3A_146, %add3A_159 : vector<16xi32>
    %gather3A_161 = tpu.vector_load_idx %arg11[%add3A_160] : memref<49152xf32, #tpu.memory_space<vmem>>[vector<16xi32>], vector<16xf32>,
    %add3A_162 = arith.constant 2 : i32
    %add3A_163 = vector.broadcast %add3A_162 : i32 to vector<16xi32>
    %add3A_164 = arith.addi %mul3A_146, %add3A_163 : vector<16xi32>
    %gather3A_165 = tpu.vector_load_idx %arg11[%add3A_164] : memref<49152xf32, #tpu.memory_space<vmem>>[vector<16xi32>], vector<16xf32>,
    %gather3A_166 = tpu.vector_load_idx %arg12[%mul3A_156] : memref<3072xf32, #tpu.memory_space<vmem>>[vector<16xi32>], vector<16xf32>,
    %add3A_167 = arith.constant 1 : i32
    %add3A_168 = vector.broadcast %add3A_167 : i32 to vector<16xi32>
    %add3A_169 = arith.addi %mul3A_156, %add3A_168 : vector<16xi32>
    %gather3A_170 = tpu.vector_load_idx %arg12[%add3A_169] : memref<3072xf32, #tpu.memory_space<vmem>>[vector<16xi32>], vector<16xf32>,
    %add3A_171 = arith.constant 2 : i32
    %add3A_172 = vector.broadcast %add3A_171 : i32 to vector<16xi32>
    %add3A_173 = arith.addi %mul3A_156, %add3A_172 : vector<16xi32>
    %gather3A_174 = tpu.vector_load_idx %arg12[%add3A_173] : memref<3072xf32, #tpu.memory_space<vmem>>[vector<16xi32>], vector<16xf32>,
    %swap3A_175 = arith.constant 48 : index
    %swap3A_176 = tpu.vector_load %arg14[%swap3A_175] {strides = array<i32>} : memref<512xf32, #tpu.memory_space<vmem>>, vector<16xf32>,
    tpu.vector_store %arg14[%swap3A_175], %gather3A_157 {strides = array<i32>} : memref<512xf32, #tpu.memory_space<vmem>>, vector<16xf32>,
    %swap3A_177 = arith.constant 48 : index
    %swap3A_178 = tpu.vector_load %arg15[%swap3A_177] {strides = array<i32>} : memref<512xf32, #tpu.memory_space<vmem>>, vector<16xf32>,
    tpu.vector_store %arg15[%swap3A_177], %gather3A_161 {strides = array<i32>} : memref<512xf32, #tpu.memory_space<vmem>>, vector<16xf32>,
    %swap3A_179 = arith.constant 48 : index
    %swap3A_180 = tpu.vector_load %arg16[%swap3A_179] {strides = array<i32>} : memref<512xf32, #tpu.memory_space<vmem>>, vector<16xf32>,
    tpu.vector_store %arg16[%swap3A_179], %gather3A_165 {strides = array<i32>} : memref<512xf32, #tpu.memory_space<vmem>>, vector<16xf32>,
    %sub3A_181 = arith.subf %gather3A_157, %gather3A_166 : vector<16xf32>
    %swap3A_182 = arith.constant 48 : index
    %swap3A_183 = tpu.vector_load %arg17[%swap3A_182] {strides = array<i32>} : memref<512xf32, #tpu.memory_space<vmem>>, vector<16xf32>,
    tpu.vector_store %arg17[%swap3A_182], %sub3A_181 {strides = array<i32>} : memref<512xf32, #tpu.memory_space<vmem>>, vector<16xf32>,
    %sub3A_184 = arith.subf %gather3A_161, %gather3A_170 : vector<16xf32>
    %swap3A_185 = arith.constant 48 : index
    %swap3A_186 = tpu.vector_load %arg18[%swap3A_185] {strides = array<i32>} : memref<512xf32, #tpu.memory_space<vmem>>, vector<16xf32>,
    tpu.vector_store %arg18[%swap3A_185], %sub3A_184 {strides = array<i32>} : memref<512xf32, #tpu.memory_space<vmem>>, vector<16xf32>,
    %sub3A_187 = arith.subf %gather3A_165, %gather3A_174 : vector<16xf32>
    %swap3A_188 = arith.constant 48 : index
    %swap3A_189 = tpu.vector_load %arg19[%swap3A_188] {strides = array<i32>} : memref<512xf32, #tpu.memory_space<vmem>>, vector<16xf32>,
    tpu.vector_store %arg19[%swap3A_188], %sub3A_187 {strides = array<i32>} : memref<512xf32, #tpu.memory_space<vmem>>, vector<16xf32>,
    %get3A_190 = arith.constant 64 : index
    %get3A_191 = tpu.vector_load %arg13[%get3A_190] {strides = array<i32>} : memref<512xi32, #tpu.memory_space<vmem>>, vector<16xi32>,
    %mul3A_192 = arith.constant 3 : i32
    %mul3A_193 = vector.broadcast %mul3A_192 : i32 to vector<16xi32>
    %mul3A_194 = arith.muli %get3A_191, %mul3A_193 : vector<16xi32>
    %add3A_195 = arith.constant 64 : i32
    %add3A_196 = arith.addi %mul3A_2, %add3A_195 : i32
    %add3A_197 = vector.broadcast %add3A_196 : i32 to vector<16xi32>
    %add3A_198 = arith.addi %iota3A, %add3A_197 : vector<16xi32>
    %shift_right_logical3A_199 = arith.constant 4 : i32
    %shift_right_logical3A_200 = vector.broadcast %shift_right_logical3A_199 : i32 to vector<16xi32>
    %shift_right_logical3A_201 = arith.shrui %add3A_198, %shift_right_logical3A_200 : vector<16xi32>
    %mul3A_202 = arith.constant 3 : i32
    %mul3A_203 = vector.broadcast %mul3A_202 : i32 to vector<16xi32>
    %mul3A_204 = arith.muli %shift_right_logical3A_201, %mul3A_203 : vector<16xi32>
    %gather3A_205 = tpu.vector_load_idx %arg11[%mul3A_194] : memref<49152xf32, #tpu.memory_space<vmem>>[vector<16xi32>], vector<16xf32>,
    %add3A_206 = arith.constant 1 : i32
    %add3A_207 = vector.broadcast %add3A_206 : i32 to vector<16xi32>
    %add3A_208 = arith.addi %mul3A_194, %add3A_207 : vector<16xi32>
    %gather3A_209 = tpu.vector_load_idx %arg11[%add3A_208] : memref<49152xf32, #tpu.memory_space<vmem>>[vector<16xi32>], vector<16xf32>,
    %add3A_210 = arith.constant 2 : i32
    %add3A_211 = vector.broadcast %add3A_210 : i32 to vector<16xi32>
    %add3A_212 = arith.addi %mul3A_194, %add3A_211 : vector<16xi32>
    %gather3A_213 = tpu.vector_load_idx %arg11[%add3A_212] : memref<49152xf32, #tpu.memory_space<vmem>>[vector<16xi32>], vector<16xf32>,
    %gather3A_214 = tpu.vector_load_idx %arg12[%mul3A_204] : memref<3072xf32, #tpu.memory_space<vmem>>[vector<16xi32>], vector<16xf32>,
    %add3A_215 = arith.constant 1 : i32
    %add3A_216 = vector.broadcast %add3A_215 : i32 to vector<16xi32>
    %add3A_217 = arith.addi %mul3A_204, %add3A_216 : vector<16xi32>
    %gather3A_218 = tpu.vector_load_idx %arg12[%add3A_217] : memref<3072xf32, #tpu.memory_space<vmem>>[vector<16xi32>], vector<16xf32>,
    %add3A_219 = arith.constant 2 : i32
    %add3A_220 = vector.broadcast %add3A_219 : i32 to vector<16xi32>
    %add3A_221 = arith.addi %mul3A_204, %add3A_220 : vector<16xi32>
    %gather3A_222 = tpu.vector_load_idx %arg12[%add3A_221] : memref<3072xf32, #tpu.memory_space<vmem>>[vector<16xi32>], vector<16xf32>,
    %swap3A_223 = arith.constant 64 : index
    %swap3A_224 = tpu.vector_load %arg14[%swap3A_223] {strides = array<i32>} : memref<512xf32, #tpu.memory_space<vmem>>, vector<16xf32>,
    tpu.vector_store %arg14[%swap3A_223], %gather3A_205 {strides = array<i32>} : memref<512xf32, #tpu.memory_space<vmem>>, vector<16xf32>,
    %swap3A_225 = arith.constant 64 : index
    %swap3A_226 = tpu.vector_load %arg15[%swap3A_225] {strides = array<i32>} : memref<512xf32, #tpu.memory_space<vmem>>, vector<16xf32>,
    tpu.vector_store %arg15[%swap3A_225], %gather3A_209 {strides = array<i32>} : memref<512xf32, #tpu.memory_space<vmem>>, vector<16xf32>,
    %swap3A_227 = arith.constant 64 : index
    %swap3A_228 = tpu.vector_load %arg16[%swap3A_227] {strides = array<i32>} : memref<512xf32, #tpu.memory_space<vmem>>, vector<16xf32>,
    tpu.vector_store %arg16[%swap3A_227], %gather3A_213 {strides = array<i32>} : memref<512xf32, #tpu.memory_space<vmem>>, vector<16xf32>,
    %sub3A_229 = arith.subf %gather3A_205, %gather3A_214 : vector<16xf32>
    %swap3A_230 = arith.constant 64 : index
    %swap3A_231 = tpu.vector_load %arg17[%swap3A_230] {strides = array<i32>} : memref<512xf32, #tpu.memory_space<vmem>>, vector<16xf32>,
    tpu.vector_store %arg17[%swap3A_230], %sub3A_229 {strides = array<i32>} : memref<512xf32, #tpu.memory_space<vmem>>, vector<16xf32>,
    %sub3A_232 = arith.subf %gather3A_209, %gather3A_218 : vector<16xf32>
    %swap3A_233 = arith.constant 64 : index
    %swap3A_234 = tpu.vector_load %arg18[%swap3A_233] {strides = array<i32>} : memref<512xf32, #tpu.memory_space<vmem>>, vector<16xf32>,
    tpu.vector_store %arg18[%swap3A_233], %sub3A_232 {strides = array<i32>} : memref<512xf32, #tpu.memory_space<vmem>>, vector<16xf32>,
    %sub3A_235 = arith.subf %gather3A_213, %gather3A_222 : vector<16xf32>
    %swap3A_236 = arith.constant 64 : index
    %swap3A_237 = tpu.vector_load %arg19[%swap3A_236] {strides = array<i32>} : memref<512xf32, #tpu.memory_space<vmem>>, vector<16xf32>,
    tpu.vector_store %arg19[%swap3A_236], %sub3A_235 {strides = array<i32>} : memref<512xf32, #tpu.memory_space<vmem>>, vector<16xf32>,
    %get3A_238 = arith.constant 80 : index
    %get3A_239 = tpu.vector_load %arg13[%get3A_238] {strides = array<i32>} : memref<512xi32, #tpu.memory_space<vmem>>, vector<16xi32>,
    %mul3A_240 = arith.constant 3 : i32
    %mul3A_241 = vector.broadcast %mul3A_240 : i32 to vector<16xi32>
    %mul3A_242 = arith.muli %get3A_239, %mul3A_241 : vector<16xi32>
    %add3A_243 = arith.constant 80 : i32
    %add3A_244 = arith.addi %mul3A_2, %add3A_243 : i32
    %add3A_245 = vector.broadcast %add3A_244 : i32 to vector<16xi32>
    %add3A_246 = arith.addi %iota3A, %add3A_245 : vector<16xi32>
    %shift_right_logical3A_247 = arith.constant 4 : i32
    %shift_right_logical3A_248 = vector.broadcast %shift_right_logical3A_247 : i32 to vector<16xi32>
    %shift_right_logical3A_249 = arith.shrui %add3A_246, %shift_right_logical3A_248 : vector<16xi32>
    %mul3A_250 = arith.constant 3 : i32
    %mul3A_251 = vector.broadcast %mul3A_250 : i32 to vector<16xi32>
    %mul3A_252 = arith.muli %shift_right_logical3A_249, %mul3A_251 : vector<16xi32>
    %gather3A_253 = tpu.vector_load_idx %arg11[%mul3A_242] : memref<49152xf32, #tpu.memory_space<vmem>>[vector<16xi32>], vector<16xf32>,
    %add3A_254 = arith.constant 1 : i32
    %add3A_255 = vector.broadcast %add3A_254 : i32 to vector<16xi32>
    %add3A_256 = arith.addi %mul3A_242, %add3A_255 : vector<16xi32>
    %gather3A_257 = tpu.vector_load_idx %arg11[%add3A_256] : memref<49152xf32, #tpu.memory_space<vmem>>[vector<16xi32>], vector<16xf32>,
    %add3A_258 = arith.constant 2 : i32
    %add3A_259 = vector.broadcast %add3A_258 : i32 to vector<16xi32>
    %add3A_260 = arith.addi %mul3A_242, %add3A_259 : vector<16xi32>
    %gather3A_261 = tpu.vector_load_idx %arg11[%add3A_260] : memref<49152xf32, #tpu.memory_space<vmem>>[vector<16xi32>], vector<16xf32>,
    %gather3A_262 = tpu.vector_load_idx %arg12[%mul3A_252] : memref<3072xf32, #tpu.memory_space<vmem>>[vector<16xi32>], vector<16xf32>,
    %add3A_263 = arith.constant 1 : i32
    %add3A_264 = vector.broadcast %add3A_263 : i32 to vector<16xi32>
    %add3A_265 = arith.addi %mul3A_252, %add3A_264 : vector<16xi32>
    %gather3A_266 = tpu.vector_load_idx %arg12[%add3A_265] : memref<3072xf32, #tpu.memory_space<vmem>>[vector<16xi32>], vector<16xf32>,
    %add3A_267 = arith.constant 2 : i32
    %add3A_268 = vector.broadcast %add3A_267 : i32 to vector<16xi32>
    %add3A_269 = arith.addi %mul3A_252, %add3A_268 : vector<16xi32>
    %gather3A_270 = tpu.vector_load_idx %arg12[%add3A_269] : memref<3072xf32, #tpu.memory_space<vmem>>[vector<16xi32>], vector<16xf32>,
    %swap3A_271 = arith.constant 80 : index
    %swap3A_272 = tpu.vector_load %arg14[%swap3A_271] {strides = array<i32>} : memref<512xf32, #tpu.memory_space<vmem>>, vector<16xf32>,
    tpu.vector_store %arg14[%swap3A_271], %gather3A_253 {strides = array<i32>} : memref<512xf32, #tpu.memory_space<vmem>>, vector<16xf32>,
    %swap3A_273 = arith.constant 80 : index
    %swap3A_274 = tpu.vector_load %arg15[%swap3A_273] {strides = array<i32>} : memref<512xf32, #tpu.memory_space<vmem>>, vector<16xf32>,
    tpu.vector_store %arg15[%swap3A_273], %gather3A_257 {strides = array<i32>} : memref<512xf32, #tpu.memory_space<vmem>>, vector<16xf32>,
    %swap3A_275 = arith.constant 80 : index
    %swap3A_276 = tpu.vector_load %arg16[%swap3A_275] {strides = array<i32>} : memref<512xf32, #tpu.memory_space<vmem>>, vector<16xf32>,
    tpu.vector_store %arg16[%swap3A_275], %gather3A_261 {strides = array<i32>} : memref<512xf32, #tpu.memory_space<vmem>>, vector<16xf32>,
    %sub3A_277 = arith.subf %gather3A_253, %gather3A_262 : vector<16xf32>
    %swap3A_278 = arith.constant 80 : index
    %swap3A_279 = tpu.vector_load %arg17[%swap3A_278] {strides = array<i32>} : memref<512xf32, #tpu.memory_space<vmem>>, vector<16xf32>,
    tpu.vector_store %arg17[%swap3A_278], %sub3A_277 {strides = array<i32>} : memref<512xf32, #tpu.memory_space<vmem>>, vector<16xf32>,
    %sub3A_280 = arith.subf %gather3A_257, %gather3A_266 : vector<16xf32>
    %swap3A_281 = arith.constant 80 : index
    %swap3A_282 = tpu.vector_load %arg18[%swap3A_281] {strides = array<i32>} : memref<512xf32, #tpu.memory_space<vmem>>, vector<16xf32>,
    tpu.vector_store %arg18[%swap3A_281], %sub3A_280 {strides = array<i32>} : memref<512xf32, #tpu.memory_space<vmem>>, vector<16xf32>,
    %sub3A_283 = arith.subf %gather3A_261, %gather3A_270 : vector<16xf32>
    %swap3A_284 = arith.constant 80 : index
    %swap3A_285 = tpu.vector_load %arg19[%swap3A_284] {strides = array<i32>} : memref<512xf32, #tpu.memory_space<vmem>>, vector<16xf32>,
    tpu.vector_store %arg19[%swap3A_284], %sub3A_283 {strides = array<i32>} : memref<512xf32, #tpu.memory_space<vmem>>, vector<16xf32>,
    %get3A_286 = arith.constant 96 : index
    %get3A_287 = tpu.vector_load %arg13[%get3A_286] {strides = array<i32>} : memref<512xi32, #tpu.memory_space<vmem>>, vector<16xi32>,
    %mul3A_288 = arith.constant 3 : i32
    %mul3A_289 = vector.broadcast %mul3A_288 : i32 to vector<16xi32>
    %mul3A_290 = arith.muli %get3A_287, %mul3A_289 : vector<16xi32>
    %add3A_291 = arith.constant 96 : i32
    %add3A_292 = arith.addi %mul3A_2, %add3A_291 : i32
    %add3A_293 = vector.broadcast %add3A_292 : i32 to vector<16xi32>
    %add3A_294 = arith.addi %iota3A, %add3A_293 : vector<16xi32>
    %shift_right_logical3A_295 = arith.constant 4 : i32
    %shift_right_logical3A_296 = vector.broadcast %shift_right_logical3A_295 : i32 to vector<16xi32>
    %shift_right_logical3A_297 = arith.shrui %add3A_294, %shift_right_logical3A_296 : vector<16xi32>
    %mul3A_298 = arith.constant 3 : i32
    %mul3A_299 = vector.broadcast %mul3A_298 : i32 to vector<16xi32>
    %mul3A_300 = arith.muli %shift_right_logical3A_297, %mul3A_299 : vector<16xi32>
    %gather3A_301 = tpu.vector_load_idx %arg11[%mul3A_290] : memref<49152xf32, #tpu.memory_space<vmem>>[vector<16xi32>], vector<16xf32>,
    %add3A_302 = arith.constant 1 : i32
    %add3A_303 = vector.broadcast %add3A_302 : i32 to vector<16xi32>
    %add3A_304 = arith.addi %mul3A_290, %add3A_303 : vector<16xi32>
    %gather3A_305 = tpu.vector_load_idx %arg11[%add3A_304] : memref<49152xf32, #tpu.memory_space<vmem>>[vector<16xi32>], vector<16xf32>,
    %add3A_306 = arith.constant 2 : i32
    %add3A_307 = vector.broadcast %add3A_306 : i32 to vector<16xi32>
    %add3A_308 = arith.addi %mul3A_290, %add3A_307 : vector<16xi32>
    %gather3A_309 = tpu.vector_load_idx %arg11[%add3A_308] : memref<49152xf32, #tpu.memory_space<vmem>>[vector<16xi32>], vector<16xf32>,
    %gather3A_310 = tpu.vector_load_idx %arg12[%mul3A_300] : memref<3072xf32, #tpu.memory_space<vmem>>[vector<16xi32>], vector<16xf32>,
    %add3A_311 = arith.constant 1 : i32
    %add3A_312 = vector.broadcast %add3A_311 : i32 to vector<16xi32>
    %add3A_313 = arith.addi %mul3A_300, %add3A_312 : vector<16xi32>
    %gather3A_314 = tpu.vector_load_idx %arg12[%add3A_313] : memref<3072xf32, #tpu.memory_space<vmem>>[vector<16xi32>], vector<16xf32>,
    %add3A_315 = arith.constant 2 : i32
    %add3A_316 = vector.broadcast %add3A_315 : i32 to vector<16xi32>
    %add3A_317 = arith.addi %mul3A_300, %add3A_316 : vector<16xi32>
    %gather3A_318 = tpu.vector_load_idx %arg12[%add3A_317] : memref<3072xf32, #tpu.memory_space<vmem>>[vector<16xi32>], vector<16xf32>,
    %swap3A_319 = arith.constant 96 : index
    %swap3A_320 = tpu.vector_load %arg14[%swap3A_319] {strides = array<i32>} : memref<512xf32, #tpu.memory_space<vmem>>, vector<16xf32>,
    tpu.vector_store %arg14[%swap3A_319], %gather3A_301 {strides = array<i32>} : memref<512xf32, #tpu.memory_space<vmem>>, vector<16xf32>,
    %swap3A_321 = arith.constant 96 : index
    %swap3A_322 = tpu.vector_load %arg15[%swap3A_321] {strides = array<i32>} : memref<512xf32, #tpu.memory_space<vmem>>, vector<16xf32>,
    tpu.vector_store %arg15[%swap3A_321], %gather3A_305 {strides = array<i32>} : memref<512xf32, #tpu.memory_space<vmem>>, vector<16xf32>,
    %swap3A_323 = arith.constant 96 : index
    %swap3A_324 = tpu.vector_load %arg16[%swap3A_323] {strides = array<i32>} : memref<512xf32, #tpu.memory_space<vmem>>, vector<16xf32>,
    tpu.vector_store %arg16[%swap3A_323], %gather3A_309 {strides = array<i32>} : memref<512xf32, #tpu.memory_space<vmem>>, vector<16xf32>,
    %sub3A_325 = arith.subf %gather3A_301, %gather3A_310 : vector<16xf32>
    %swap3A_326 = arith.constant 96 : index
    %swap3A_327 = tpu.vector_load %arg17[%swap3A_326] {strides = array<i32>} : memref<512xf32, #tpu.memory_space<vmem>>, vector<16xf32>,
    tpu.vector_store %arg17[%swap3A_326], %sub3A_325 {strides = array<i32>} : memref<512xf32, #tpu.memory_space<vmem>>, vector<16xf32>,
    %sub3A_328 = arith.subf %gather3A_305, %gather3A_314 : vector<16xf32>
    %swap3A_329 = arith.constant 96 : index
    %swap3A_330 = tpu.vector_load %arg18[%swap3A_329] {strides = array<i32>} : memref<512xf32, #tpu.memory_space<vmem>>, vector<16xf32>,
    tpu.vector_store %arg18[%swap3A_329], %sub3A_328 {strides = array<i32>} : memref<512xf32, #tpu.memory_space<vmem>>, vector<16xf32>,
    %sub3A_331 = arith.subf %gather3A_309, %gather3A_318 : vector<16xf32>
    %swap3A_332 = arith.constant 96 : index
    %swap3A_333 = tpu.vector_load %arg19[%swap3A_332] {strides = array<i32>} : memref<512xf32, #tpu.memory_space<vmem>>, vector<16xf32>,
    tpu.vector_store %arg19[%swap3A_332], %sub3A_331 {strides = array<i32>} : memref<512xf32, #tpu.memory_space<vmem>>, vector<16xf32>,
    %get3A_334 = arith.constant 112 : index
    %get3A_335 = tpu.vector_load %arg13[%get3A_334] {strides = array<i32>} : memref<512xi32, #tpu.memory_space<vmem>>, vector<16xi32>,
    %mul3A_336 = arith.constant 3 : i32
    %mul3A_337 = vector.broadcast %mul3A_336 : i32 to vector<16xi32>
    %mul3A_338 = arith.muli %get3A_335, %mul3A_337 : vector<16xi32>
    %add3A_339 = arith.constant 112 : i32
    %add3A_340 = arith.addi %mul3A_2, %add3A_339 : i32
    %add3A_341 = vector.broadcast %add3A_340 : i32 to vector<16xi32>
    %add3A_342 = arith.addi %iota3A, %add3A_341 : vector<16xi32>
    %shift_right_logical3A_343 = arith.constant 4 : i32
    %shift_right_logical3A_344 = vector.broadcast %shift_right_logical3A_343 : i32 to vector<16xi32>
    %shift_right_logical3A_345 = arith.shrui %add3A_342, %shift_right_logical3A_344 : vector<16xi32>
    %mul3A_346 = arith.constant 3 : i32
    %mul3A_347 = vector.broadcast %mul3A_346 : i32 to vector<16xi32>
    %mul3A_348 = arith.muli %shift_right_logical3A_345, %mul3A_347 : vector<16xi32>
    %gather3A_349 = tpu.vector_load_idx %arg11[%mul3A_338] : memref<49152xf32, #tpu.memory_space<vmem>>[vector<16xi32>], vector<16xf32>,
    %add3A_350 = arith.constant 1 : i32
    %add3A_351 = vector.broadcast %add3A_350 : i32 to vector<16xi32>
    %add3A_352 = arith.addi %mul3A_338, %add3A_351 : vector<16xi32>
    %gather3A_353 = tpu.vector_load_idx %arg11[%add3A_352] : memref<49152xf32, #tpu.memory_space<vmem>>[vector<16xi32>], vector<16xf32>,
    %add3A_354 = arith.constant 2 : i32
    %add3A_355 = vector.broadcast %add3A_354 : i32 to vector<16xi32>
    %add3A_356 = arith.addi %mul3A_338, %add3A_355 : vector<16xi32>
    %gather3A_357 = tpu.vector_load_idx %arg11[%add3A_356] : memref<49152xf32, #tpu.memory_space<vmem>>[vector<16xi32>], vector<16xf32>,
    %gather3A_358 = tpu.vector_load_idx %arg12[%mul3A_348] : memref<3072xf32, #tpu.memory_space<vmem>>[vector<16xi32>], vector<16xf32>,
    %add3A_359 = arith.constant 1 : i32
    %add3A_360 = vector.broadcast %add3A_359 : i32 to vector<16xi32>
    %add3A_361 = arith.addi %mul3A_348, %add3A_360 : vector<16xi32>
    %gather3A_362 = tpu.vector_load_idx %arg12[%add3A_361] : memref<3072xf32, #tpu.memory_space<vmem>>[vector<16xi32>], vector<16xf32>,
    %add3A_363 = arith.constant 2 : i32
    %add3A_364 = vector.broadcast %add3A_363 : i32 to vector<16xi32>
    %add3A_365 = arith.addi %mul3A_348, %add3A_364 : vector<16xi32>
    %gather3A_366 = tpu.vector_load_idx %arg12[%add3A_365] : memref<3072xf32, #tpu.memory_space<vmem>>[vector<16xi32>], vector<16xf32>,
    %swap3A_367 = arith.constant 112 : index
    %swap3A_368 = tpu.vector_load %arg14[%swap3A_367] {strides = array<i32>} : memref<512xf32, #tpu.memory_space<vmem>>, vector<16xf32>,
    tpu.vector_store %arg14[%swap3A_367], %gather3A_349 {strides = array<i32>} : memref<512xf32, #tpu.memory_space<vmem>>, vector<16xf32>,
    %swap3A_369 = arith.constant 112 : index
    %swap3A_370 = tpu.vector_load %arg15[%swap3A_369] {strides = array<i32>} : memref<512xf32, #tpu.memory_space<vmem>>, vector<16xf32>,
    tpu.vector_store %arg15[%swap3A_369], %gather3A_353 {strides = array<i32>} : memref<512xf32, #tpu.memory_space<vmem>>, vector<16xf32>,
    %swap3A_371 = arith.constant 112 : index
    %swap3A_372 = tpu.vector_load %arg16[%swap3A_371] {strides = array<i32>} : memref<512xf32, #tpu.memory_space<vmem>>, vector<16xf32>,
    tpu.vector_store %arg16[%swap3A_371], %gather3A_357 {strides = array<i32>} : memref<512xf32, #tpu.memory_space<vmem>>, vector<16xf32>,
    %sub3A_373 = arith.subf %gather3A_349, %gather3A_358 : vector<16xf32>
    %swap3A_374 = arith.constant 112 : index
    %swap3A_375 = tpu.vector_load %arg17[%swap3A_374] {strides = array<i32>} : memref<512xf32, #tpu.memory_space<vmem>>, vector<16xf32>,
    tpu.vector_store %arg17[%swap3A_374], %sub3A_373 {strides = array<i32>} : memref<512xf32, #tpu.memory_space<vmem>>, vector<16xf32>,
    %sub3A_376 = arith.subf %gather3A_353, %gather3A_362 : vector<16xf32>
    %swap3A_377 = arith.constant 112 : index
    %swap3A_378 = tpu.vector_load %arg18[%swap3A_377] {strides = array<i32>} : memref<512xf32, #tpu.memory_space<vmem>>, vector<16xf32>,
    tpu.vector_store %arg18[%swap3A_377], %sub3A_376 {strides = array<i32>} : memref<512xf32, #tpu.memory_space<vmem>>, vector<16xf32>,
    %sub3A_379 = arith.subf %gather3A_357, %gather3A_366 : vector<16xf32>
    %swap3A_380 = arith.constant 112 : index
    %swap3A_381 = tpu.vector_load %arg19[%swap3A_380] {strides = array<i32>} : memref<512xf32, #tpu.memory_space<vmem>>, vector<16xf32>,
    tpu.vector_store %arg19[%swap3A_380], %sub3A_379 {strides = array<i32>} : memref<512xf32, #tpu.memory_space<vmem>>, vector<16xf32>,
    %get3A_382 = arith.constant 128 : index
    %get3A_383 = tpu.vector_load %arg13[%get3A_382] {strides = array<i32>} : memref<512xi32, #tpu.memory_space<vmem>>, vector<16xi32>,
    %mul3A_384 = arith.constant 3 : i32
    %mul3A_385 = vector.broadcast %mul3A_384 : i32 to vector<16xi32>
    %mul3A_386 = arith.muli %get3A_383, %mul3A_385 : vector<16xi32>
    %add3A_387 = arith.constant 128 : i32
    %add3A_388 = arith.addi %mul3A_2, %add3A_387 : i32
    %add3A_389 = vector.broadcast %add3A_388 : i32 to vector<16xi32>
    %add3A_390 = arith.addi %iota3A, %add3A_389 : vector<16xi32>
    %shift_right_logical3A_391 = arith.constant 4 : i32
    %shift_right_logical3A_392 = vector.broadcast %shift_right_logical3A_391 : i32 to vector<16xi32>
    %shift_right_logical3A_393 = arith.shrui %add3A_390, %shift_right_logical3A_392 : vector<16xi32>
    %mul3A_394 = arith.constant 3 : i32
    %mul3A_395 = vector.broadcast %mul3A_394 : i32 to vector<16xi32>
    %mul3A_396 = arith.muli %shift_right_logical3A_393, %mul3A_395 : vector<16xi32>
    %gather3A_397 = tpu.vector_load_idx %arg11[%mul3A_386] : memref<49152xf32, #tpu.memory_space<vmem>>[vector<16xi32>], vector<16xf32>,
    %add3A_398 = arith.constant 1 : i32
    %add3A_399 = vector.broadcast %add3A_398 : i32 to vector<16xi32>
    %add3A_400 = arith.addi %mul3A_386, %add3A_399 : vector<16xi32>
    %gather3A_401 = tpu.vector_load_idx %arg11[%add3A_400] : memref<49152xf32, #tpu.memory_space<vmem>>[vector<16xi32>], vector<16xf32>,
    %add3A_402 = arith.constant 2 : i32
    %add3A_403 = vector.broadcast %add3A_402 : i32 to vector<16xi32>
    %add3A_404 = arith.addi %mul3A_386, %add3A_403 : vector<16xi32>
    %gather3A_405 = tpu.vector_load_idx %arg11[%add3A_404] : memref<49152xf32, #tpu.memory_space<vmem>>[vector<16xi32>], vector<16xf32>,
    %gather3A_406 = tpu.vector_load_idx %arg12[%mul3A_396] : memref<3072xf32, #tpu.memory_space<vmem>>[vector<16xi32>], vector<16xf32>,
    %add3A_407 = arith.constant 1 : i32
    %add3A_408 = vector.broadcast %add3A_407 : i32 to vector<16xi32>
    %add3A_409 = arith.addi %mul3A_396, %add3A_408 : vector<16xi32>
    %gather3A_410 = tpu.vector_load_idx %arg12[%add3A_409] : memref<3072xf32, #tpu.memory_space<vmem>>[vector<16xi32>], vector<16xf32>,
    %add3A_411 = arith.constant 2 : i32
    %add3A_412 = vector.broadcast %add3A_411 : i32 to vector<16xi32>
    %add3A_413 = arith.addi %mul3A_396, %add3A_412 : vector<16xi32>
    %gather3A_414 = tpu.vector_load_idx %arg12[%add3A_413] : memref<3072xf32, #tpu.memory_space<vmem>>[vector<16xi32>], vector<16xf32>,
    %swap3A_415 = arith.constant 128 : index
    %swap3A_416 = tpu.vector_load %arg14[%swap3A_415] {strides = array<i32>} : memref<512xf32, #tpu.memory_space<vmem>>, vector<16xf32>,
    tpu.vector_store %arg14[%swap3A_415], %gather3A_397 {strides = array<i32>} : memref<512xf32, #tpu.memory_space<vmem>>, vector<16xf32>,
    %swap3A_417 = arith.constant 128 : index
    %swap3A_418 = tpu.vector_load %arg15[%swap3A_417] {strides = array<i32>} : memref<512xf32, #tpu.memory_space<vmem>>, vector<16xf32>,
    tpu.vector_store %arg15[%swap3A_417], %gather3A_401 {strides = array<i32>} : memref<512xf32, #tpu.memory_space<vmem>>, vector<16xf32>,
    %swap3A_419 = arith.constant 128 : index
    %swap3A_420 = tpu.vector_load %arg16[%swap3A_419] {strides = array<i32>} : memref<512xf32, #tpu.memory_space<vmem>>, vector<16xf32>,
    tpu.vector_store %arg16[%swap3A_419], %gather3A_405 {strides = array<i32>} : memref<512xf32, #tpu.memory_space<vmem>>, vector<16xf32>,
    %sub3A_421 = arith.subf %gather3A_397, %gather3A_406 : vector<16xf32>
    %swap3A_422 = arith.constant 128 : index
    %swap3A_423 = tpu.vector_load %arg17[%swap3A_422] {strides = array<i32>} : memref<512xf32, #tpu.memory_space<vmem>>, vector<16xf32>,
    tpu.vector_store %arg17[%swap3A_422], %sub3A_421 {strides = array<i32>} : memref<512xf32, #tpu.memory_space<vmem>>, vector<16xf32>,
    %sub3A_424 = arith.subf %gather3A_401, %gather3A_410 : vector<16xf32>
    %swap3A_425 = arith.constant 128 : index
    %swap3A_426 = tpu.vector_load %arg18[%swap3A_425] {strides = array<i32>} : memref<512xf32, #tpu.memory_space<vmem>>, vector<16xf32>,
    tpu.vector_store %arg18[%swap3A_425], %sub3A_424 {strides = array<i32>} : memref<512xf32, #tpu.memory_space<vmem>>, vector<16xf32>,
    %sub3A_427 = arith.subf %gather3A_405, %gather3A_414 : vector<16xf32>
    %swap3A_428 = arith.constant 128 : index
    %swap3A_429 = tpu.vector_load %arg19[%swap3A_428] {strides = array<i32>} : memref<512xf32, #tpu.memory_space<vmem>>, vector<16xf32>,
    tpu.vector_store %arg19[%swap3A_428], %sub3A_427 {strides = array<i32>} : memref<512xf32, #tpu.memory_space<vmem>>, vector<16xf32>,
    %get3A_430 = arith.constant 144 : index
    %get3A_431 = tpu.vector_load %arg13[%get3A_430] {strides = array<i32>} : memref<512xi32, #tpu.memory_space<vmem>>, vector<16xi32>,
    %mul3A_432 = arith.constant 3 : i32
    %mul3A_433 = vector.broadcast %mul3A_432 : i32 to vector<16xi32>
    %mul3A_434 = arith.muli %get3A_431, %mul3A_433 : vector<16xi32>
    %add3A_435 = arith.constant 144 : i32
    %add3A_436 = arith.addi %mul3A_2, %add3A_435 : i32
    %add3A_437 = vector.broadcast %add3A_436 : i32 to vector<16xi32>
    %add3A_438 = arith.addi %iota3A, %add3A_437 : vector<16xi32>
    %shift_right_logical3A_439 = arith.constant 4 : i32
    %shift_right_logical3A_440 = vector.broadcast %shift_right_logical3A_439 : i32 to vector<16xi32>
    %shift_right_logical3A_441 = arith.shrui %add3A_438, %shift_right_logical3A_440 : vector<16xi32>
    %mul3A_442 = arith.constant 3 : i32
    %mul3A_443 = vector.broadcast %mul3A_442 : i32 to vector<16xi32>
    %mul3A_444 = arith.muli %shift_right_logical3A_441, %mul3A_443 : vector<16xi32>
    %gather3A_445 = tpu.vector_load_idx %arg11[%mul3A_434] : memref<49152xf32, #tpu.memory_space<vmem>>[vector<16xi32>], vector<16xf32>,
    %add3A_446 = arith.constant 1 : i32
    %add3A_447 = vector.broadcast %add3A_446 : i32 to vector<16xi32>
    %add3A_448 = arith.addi %mul3A_434, %add3A_447 : vector<16xi32>
    %gather3A_449 = tpu.vector_load_idx %arg11[%add3A_448] : memref<49152xf32, #tpu.memory_space<vmem>>[vector<16xi32>], vector<16xf32>,
    %add3A_450 = arith.constant 2 : i32
    %add3A_451 = vector.broadcast %add3A_450 : i32 to vector<16xi32>
    %add3A_452 = arith.addi %mul3A_434, %add3A_451 : vector<16xi32>
    %gather3A_453 = tpu.vector_load_idx %arg11[%add3A_452] : memref<49152xf32, #tpu.memory_space<vmem>>[vector<16xi32>], vector<16xf32>,
    %gather3A_454 = tpu.vector_load_idx %arg12[%mul3A_444] : memref<3072xf32, #tpu.memory_space<vmem>>[vector<16xi32>], vector<16xf32>,
    %add3A_455 = arith.constant 1 : i32
    %add3A_456 = vector.broadcast %add3A_455 : i32 to vector<16xi32>
    %add3A_457 = arith.addi %mul3A_444, %add3A_456 : vector<16xi32>
    %gather3A_458 = tpu.vector_load_idx %arg12[%add3A_457] : memref<3072xf32, #tpu.memory_space<vmem>>[vector<16xi32>], vector<16xf32>,
    %add3A_459 = arith.constant 2 : i32
    %add3A_460 = vector.broadcast %add3A_459 : i32 to vector<16xi32>
    %add3A_461 = arith.addi %mul3A_444, %add3A_460 : vector<16xi32>
    %gather3A_462 = tpu.vector_load_idx %arg12[%add3A_461] : memref<3072xf32, #tpu.memory_space<vmem>>[vector<16xi32>], vector<16xf32>,
    %swap3A_463 = arith.constant 144 : index
    %swap3A_464 = tpu.vector_load %arg14[%swap3A_463] {strides = array<i32>} : memref<512xf32, #tpu.memory_space<vmem>>, vector<16xf32>,
    tpu.vector_store %arg14[%swap3A_463], %gather3A_445 {strides = array<i32>} : memref<512xf32, #tpu.memory_space<vmem>>, vector<16xf32>,
    %swap3A_465 = arith.constant 144 : index
    %swap3A_466 = tpu.vector_load %arg15[%swap3A_465] {strides = array<i32>} : memref<512xf32, #tpu.memory_space<vmem>>, vector<16xf32>,
    tpu.vector_store %arg15[%swap3A_465], %gather3A_449 {strides = array<i32>} : memref<512xf32, #tpu.memory_space<vmem>>, vector<16xf32>,
    %swap3A_467 = arith.constant 144 : index
    %swap3A_468 = tpu.vector_load %arg16[%swap3A_467] {strides = array<i32>} : memref<512xf32, #tpu.memory_space<vmem>>, vector<16xf32>,
    tpu.vector_store %arg16[%swap3A_467], %gather3A_453 {strides = array<i32>} : memref<512xf32, #tpu.memory_space<vmem>>, vector<16xf32>,
    %sub3A_469 = arith.subf %gather3A_445, %gather3A_454 : vector<16xf32>
    %swap3A_470 = arith.constant 144 : index
    %swap3A_471 = tpu.vector_load %arg17[%swap3A_470] {strides = array<i32>} : memref<512xf32, #tpu.memory_space<vmem>>, vector<16xf32>,
    tpu.vector_store %arg17[%swap3A_470], %sub3A_469 {strides = array<i32>} : memref<512xf32, #tpu.memory_space<vmem>>, vector<16xf32>,
    %sub3A_472 = arith.subf %gather3A_449, %gather3A_458 : vector<16xf32>
    %swap3A_473 = arith.constant 144 : index
    %swap3A_474 = tpu.vector_load %arg18[%swap3A_473] {strides = array<i32>} : memref<512xf32, #tpu.memory_space<vmem>>, vector<16xf32>,
    tpu.vector_store %arg18[%swap3A_473], %sub3A_472 {strides = array<i32>} : memref<512xf32, #tpu.memory_space<vmem>>, vector<16xf32>,
    %sub3A_475 = arith.subf %gather3A_453, %gather3A_462 : vector<16xf32>
    %swap3A_476 = arith.constant 144 : index
    %swap3A_477 = tpu.vector_load %arg19[%swap3A_476] {strides = array<i32>} : memref<512xf32, #tpu.memory_space<vmem>>, vector<16xf32>,
    tpu.vector_store %arg19[%swap3A_476], %sub3A_475 {strides = array<i32>} : memref<512xf32, #tpu.memory_space<vmem>>, vector<16xf32>,
    %get3A_478 = arith.constant 160 : index
    %get3A_479 = tpu.vector_load %arg13[%get3A_478] {strides = array<i32>} : memref<512xi32, #tpu.memory_space<vmem>>, vector<16xi32>,
    %mul3A_480 = arith.constant 3 : i32
    %mul3A_481 = vector.broadcast %mul3A_480 : i32 to vector<16xi32>
    %mul3A_482 = arith.muli %get3A_479, %mul3A_481 : vector<16xi32>
    %add3A_483 = arith.constant 160 : i32
    %add3A_484 = arith.addi %mul3A_2, %add3A_483 : i32
    %add3A_485 = vector.broadcast %add3A_484 : i32 to vector<16xi32>
    %add3A_486 = arith.addi %iota3A, %add3A_485 : vector<16xi32>
    %shift_right_logical3A_487 = arith.constant 4 : i32
    %shift_right_logical3A_488 = vector.broadcast %shift_right_logical3A_487 : i32 to vector<16xi32>
    %shift_right_logical3A_489 = arith.shrui %add3A_486, %shift_right_logical3A_488 : vector<16xi32>
    %mul3A_490 = arith.constant 3 : i32
    %mul3A_491 = vector.broadcast %mul3A_490 : i32 to vector<16xi32>
    %mul3A_492 = arith.muli %shift_right_logical3A_489, %mul3A_491 : vector<16xi32>
    %gather3A_493 = tpu.vector_load_idx %arg11[%mul3A_482] : memref<49152xf32, #tpu.memory_space<vmem>>[vector<16xi32>], vector<16xf32>,
    %add3A_494 = arith.constant 1 : i32
    %add3A_495 = vector.broadcast %add3A_494 : i32 to vector<16xi32>
    %add3A_496 = arith.addi %mul3A_482, %add3A_495 : vector<16xi32>
    %gather3A_497 = tpu.vector_load_idx %arg11[%add3A_496] : memref<49152xf32, #tpu.memory_space<vmem>>[vector<16xi32>], vector<16xf32>,
    %add3A_498 = arith.constant 2 : i32
    %add3A_499 = vector.broadcast %add3A_498 : i32 to vector<16xi32>
    %add3A_500 = arith.addi %mul3A_482, %add3A_499 : vector<16xi32>
    %gather3A_501 = tpu.vector_load_idx %arg11[%add3A_500] : memref<49152xf32, #tpu.memory_space<vmem>>[vector<16xi32>], vector<16xf32>,
    %gather3A_502 = tpu.vector_load_idx %arg12[%mul3A_492] : memref<3072xf32, #tpu.memory_space<vmem>>[vector<16xi32>], vector<16xf32>,
    %add3A_503 = arith.constant 1 : i32
    %add3A_504 = vector.broadcast %add3A_503 : i32 to vector<16xi32>
    %add3A_505 = arith.addi %mul3A_492, %add3A_504 : vector<16xi32>
    %gather3A_506 = tpu.vector_load_idx %arg12[%add3A_505] : memref<3072xf32, #tpu.memory_space<vmem>>[vector<16xi32>], vector<16xf32>,
    %add3A_507 = arith.constant 2 : i32
    %add3A_508 = vector.broadcast %add3A_507 : i32 to vector<16xi32>
    %add3A_509 = arith.addi %mul3A_492, %add3A_508 : vector<16xi32>
    %gather3A_510 = tpu.vector_load_idx %arg12[%add3A_509] : memref<3072xf32, #tpu.memory_space<vmem>>[vector<16xi32>], vector<16xf32>,
    %swap3A_511 = arith.constant 160 : index
    %swap3A_512 = tpu.vector_load %arg14[%swap3A_511] {strides = array<i32>} : memref<512xf32, #tpu.memory_space<vmem>>, vector<16xf32>,
    tpu.vector_store %arg14[%swap3A_511], %gather3A_493 {strides = array<i32>} : memref<512xf32, #tpu.memory_space<vmem>>, vector<16xf32>,
    %swap3A_513 = arith.constant 160 : index
    %swap3A_514 = tpu.vector_load %arg15[%swap3A_513] {strides = array<i32>} : memref<512xf32, #tpu.memory_space<vmem>>, vector<16xf32>,
    tpu.vector_store %arg15[%swap3A_513], %gather3A_497 {strides = array<i32>} : memref<512xf32, #tpu.memory_space<vmem>>, vector<16xf32>,
    %swap3A_515 = arith.constant 160 : index
    %swap3A_516 = tpu.vector_load %arg16[%swap3A_515] {strides = array<i32>} : memref<512xf32, #tpu.memory_space<vmem>>, vector<16xf32>,
    tpu.vector_store %arg16[%swap3A_515], %gather3A_501 {strides = array<i32>} : memref<512xf32, #tpu.memory_space<vmem>>, vector<16xf32>,
    %sub3A_517 = arith.subf %gather3A_493, %gather3A_502 : vector<16xf32>
    %swap3A_518 = arith.constant 160 : index
    %swap3A_519 = tpu.vector_load %arg17[%swap3A_518] {strides = array<i32>} : memref<512xf32, #tpu.memory_space<vmem>>, vector<16xf32>,
    tpu.vector_store %arg17[%swap3A_518], %sub3A_517 {strides = array<i32>} : memref<512xf32, #tpu.memory_space<vmem>>, vector<16xf32>,
    %sub3A_520 = arith.subf %gather3A_497, %gather3A_506 : vector<16xf32>
    %swap3A_521 = arith.constant 160 : index
    %swap3A_522 = tpu.vector_load %arg18[%swap3A_521] {strides = array<i32>} : memref<512xf32, #tpu.memory_space<vmem>>, vector<16xf32>,
    tpu.vector_store %arg18[%swap3A_521], %sub3A_520 {strides = array<i32>} : memref<512xf32, #tpu.memory_space<vmem>>, vector<16xf32>,
    %sub3A_523 = arith.subf %gather3A_501, %gather3A_510 : vector<16xf32>
    %swap3A_524 = arith.constant 160 : index
    %swap3A_525 = tpu.vector_load %arg19[%swap3A_524] {strides = array<i32>} : memref<512xf32, #tpu.memory_space<vmem>>, vector<16xf32>,
    tpu.vector_store %arg19[%swap3A_524], %sub3A_523 {strides = array<i32>} : memref<512xf32, #tpu.memory_space<vmem>>, vector<16xf32>,
    %get3A_526 = arith.constant 176 : index
    %get3A_527 = tpu.vector_load %arg13[%get3A_526] {strides = array<i32>} : memref<512xi32, #tpu.memory_space<vmem>>, vector<16xi32>,
    %mul3A_528 = arith.constant 3 : i32
    %mul3A_529 = vector.broadcast %mul3A_528 : i32 to vector<16xi32>
    %mul3A_530 = arith.muli %get3A_527, %mul3A_529 : vector<16xi32>
    %add3A_531 = arith.constant 176 : i32
    %add3A_532 = arith.addi %mul3A_2, %add3A_531 : i32
    %add3A_533 = vector.broadcast %add3A_532 : i32 to vector<16xi32>
    %add3A_534 = arith.addi %iota3A, %add3A_533 : vector<16xi32>
    %shift_right_logical3A_535 = arith.constant 4 : i32
    %shift_right_logical3A_536 = vector.broadcast %shift_right_logical3A_535 : i32 to vector<16xi32>
    %shift_right_logical3A_537 = arith.shrui %add3A_534, %shift_right_logical3A_536 : vector<16xi32>
    %mul3A_538 = arith.constant 3 : i32
    %mul3A_539 = vector.broadcast %mul3A_538 : i32 to vector<16xi32>
    %mul3A_540 = arith.muli %shift_right_logical3A_537, %mul3A_539 : vector<16xi32>
    %gather3A_541 = tpu.vector_load_idx %arg11[%mul3A_530] : memref<49152xf32, #tpu.memory_space<vmem>>[vector<16xi32>], vector<16xf32>,
    %add3A_542 = arith.constant 1 : i32
    %add3A_543 = vector.broadcast %add3A_542 : i32 to vector<16xi32>
    %add3A_544 = arith.addi %mul3A_530, %add3A_543 : vector<16xi32>
    %gather3A_545 = tpu.vector_load_idx %arg11[%add3A_544] : memref<49152xf32, #tpu.memory_space<vmem>>[vector<16xi32>], vector<16xf32>,
    %add3A_546 = arith.constant 2 : i32
    %add3A_547 = vector.broadcast %add3A_546 : i32 to vector<16xi32>
    %add3A_548 = arith.addi %mul3A_530, %add3A_547 : vector<16xi32>
    %gather3A_549 = tpu.vector_load_idx %arg11[%add3A_548] : memref<49152xf32, #tpu.memory_space<vmem>>[vector<16xi32>], vector<16xf32>,
    %gather3A_550 = tpu.vector_load_idx %arg12[%mul3A_540] : memref<3072xf32, #tpu.memory_space<vmem>>[vector<16xi32>], vector<16xf32>,
    %add3A_551 = arith.constant 1 : i32
    %add3A_552 = vector.broadcast %add3A_551 : i32 to vector<16xi32>
    %add3A_553 = arith.addi %mul3A_540, %add3A_552 : vector<16xi32>
    %gather3A_554 = tpu.vector_load_idx %arg12[%add3A_553] : memref<3072xf32, #tpu.memory_space<vmem>>[vector<16xi32>], vector<16xf32>,
    %add3A_555 = arith.constant 2 : i32
    %add3A_556 = vector.broadcast %add3A_555 : i32 to vector<16xi32>
    %add3A_557 = arith.addi %mul3A_540, %add3A_556 : vector<16xi32>
    %gather3A_558 = tpu.vector_load_idx %arg12[%add3A_557] : memref<3072xf32, #tpu.memory_space<vmem>>[vector<16xi32>], vector<16xf32>,
    %swap3A_559 = arith.constant 176 : index
    %swap3A_560 = tpu.vector_load %arg14[%swap3A_559] {strides = array<i32>} : memref<512xf32, #tpu.memory_space<vmem>>, vector<16xf32>,
    tpu.vector_store %arg14[%swap3A_559], %gather3A_541 {strides = array<i32>} : memref<512xf32, #tpu.memory_space<vmem>>, vector<16xf32>,
    %swap3A_561 = arith.constant 176 : index
    %swap3A_562 = tpu.vector_load %arg15[%swap3A_561] {strides = array<i32>} : memref<512xf32, #tpu.memory_space<vmem>>, vector<16xf32>,
    tpu.vector_store %arg15[%swap3A_561], %gather3A_545 {strides = array<i32>} : memref<512xf32, #tpu.memory_space<vmem>>, vector<16xf32>,
    %swap3A_563 = arith.constant 176 : index
    %swap3A_564 = tpu.vector_load %arg16[%swap3A_563] {strides = array<i32>} : memref<512xf32, #tpu.memory_space<vmem>>, vector<16xf32>,
    tpu.vector_store %arg16[%swap3A_563], %gather3A_549 {strides = array<i32>} : memref<512xf32, #tpu.memory_space<vmem>>, vector<16xf32>,
    %sub3A_565 = arith.subf %gather3A_541, %gather3A_550 : vector<16xf32>
    %swap3A_566 = arith.constant 176 : index
    %swap3A_567 = tpu.vector_load %arg17[%swap3A_566] {strides = array<i32>} : memref<512xf32, #tpu.memory_space<vmem>>, vector<16xf32>,
    tpu.vector_store %arg17[%swap3A_566], %sub3A_565 {strides = array<i32>} : memref<512xf32, #tpu.memory_space<vmem>>, vector<16xf32>,
    %sub3A_568 = arith.subf %gather3A_545, %gather3A_554 : vector<16xf32>
    %swap3A_569 = arith.constant 176 : index
    %swap3A_570 = tpu.vector_load %arg18[%swap3A_569] {strides = array<i32>} : memref<512xf32, #tpu.memory_space<vmem>>, vector<16xf32>,
    tpu.vector_store %arg18[%swap3A_569], %sub3A_568 {strides = array<i32>} : memref<512xf32, #tpu.memory_space<vmem>>, vector<16xf32>,
    %sub3A_571 = arith.subf %gather3A_549, %gather3A_558 : vector<16xf32>
    %swap3A_572 = arith.constant 176 : index
    %swap3A_573 = tpu.vector_load %arg19[%swap3A_572] {strides = array<i32>} : memref<512xf32, #tpu.memory_space<vmem>>, vector<16xf32>,
    tpu.vector_store %arg19[%swap3A_572], %sub3A_571 {strides = array<i32>} : memref<512xf32, #tpu.memory_space<vmem>>, vector<16xf32>,
    %get3A_574 = arith.constant 192 : index
    %get3A_575 = tpu.vector_load %arg13[%get3A_574] {strides = array<i32>} : memref<512xi32, #tpu.memory_space<vmem>>, vector<16xi32>,
    %mul3A_576 = arith.constant 3 : i32
    %mul3A_577 = vector.broadcast %mul3A_576 : i32 to vector<16xi32>
    %mul3A_578 = arith.muli %get3A_575, %mul3A_577 : vector<16xi32>
    %add3A_579 = arith.constant 192 : i32
    %add3A_580 = arith.addi %mul3A_2, %add3A_579 : i32
    %add3A_581 = vector.broadcast %add3A_580 : i32 to vector<16xi32>
    %add3A_582 = arith.addi %iota3A, %add3A_581 : vector<16xi32>
    %shift_right_logical3A_583 = arith.constant 4 : i32
    %shift_right_logical3A_584 = vector.broadcast %shift_right_logical3A_583 : i32 to vector<16xi32>
    %shift_right_logical3A_585 = arith.shrui %add3A_582, %shift_right_logical3A_584 : vector<16xi32>
    %mul3A_586 = arith.constant 3 : i32
    %mul3A_587 = vector.broadcast %mul3A_586 : i32 to vector<16xi32>
    %mul3A_588 = arith.muli %shift_right_logical3A_585, %mul3A_587 : vector<16xi32>
    %gather3A_589 = tpu.vector_load_idx %arg11[%mul3A_578] : memref<49152xf32, #tpu.memory_space<vmem>>[vector<16xi32>], vector<16xf32>,
    %add3A_590 = arith.constant 1 : i32
    %add3A_591 = vector.broadcast %add3A_590 : i32 to vector<16xi32>
    %add3A_592 = arith.addi %mul3A_578, %add3A_591 : vector<16xi32>
    %gather3A_593 = tpu.vector_load_idx %arg11[%add3A_592] : memref<49152xf32, #tpu.memory_space<vmem>>[vector<16xi32>], vector<16xf32>,
    %add3A_594 = arith.constant 2 : i32
    %add3A_595 = vector.broadcast %add3A_594 : i32 to vector<16xi32>
    %add3A_596 = arith.addi %mul3A_578, %add3A_595 : vector<16xi32>
    %gather3A_597 = tpu.vector_load_idx %arg11[%add3A_596] : memref<49152xf32, #tpu.memory_space<vmem>>[vector<16xi32>], vector<16xf32>,
    %gather3A_598 = tpu.vector_load_idx %arg12[%mul3A_588] : memref<3072xf32, #tpu.memory_space<vmem>>[vector<16xi32>], vector<16xf32>,
    %add3A_599 = arith.constant 1 : i32
    %add3A_600 = vector.broadcast %add3A_599 : i32 to vector<16xi32>
    %add3A_601 = arith.addi %mul3A_588, %add3A_600 : vector<16xi32>
    %gather3A_602 = tpu.vector_load_idx %arg12[%add3A_601] : memref<3072xf32, #tpu.memory_space<vmem>>[vector<16xi32>], vector<16xf32>,
    %add3A_603 = arith.constant 2 : i32
    %add3A_604 = vector.broadcast %add3A_603 : i32 to vector<16xi32>
    %add3A_605 = arith.addi %mul3A_588, %add3A_604 : vector<16xi32>
    %gather3A_606 = tpu.vector_load_idx %arg12[%add3A_605] : memref<3072xf32, #tpu.memory_space<vmem>>[vector<16xi32>], vector<16xf32>,
    %swap3A_607 = arith.constant 192 : index
    %swap3A_608 = tpu.vector_load %arg14[%swap3A_607] {strides = array<i32>} : memref<512xf32, #tpu.memory_space<vmem>>, vector<16xf32>,
    tpu.vector_store %arg14[%swap3A_607], %gather3A_589 {strides = array<i32>} : memref<512xf32, #tpu.memory_space<vmem>>, vector<16xf32>,
    %swap3A_609 = arith.constant 192 : index
    %swap3A_610 = tpu.vector_load %arg15[%swap3A_609] {strides = array<i32>} : memref<512xf32, #tpu.memory_space<vmem>>, vector<16xf32>,
    tpu.vector_store %arg15[%swap3A_609], %gather3A_593 {strides = array<i32>} : memref<512xf32, #tpu.memory_space<vmem>>, vector<16xf32>,
    %swap3A_611 = arith.constant 192 : index
    %swap3A_612 = tpu.vector_load %arg16[%swap3A_611] {strides = array<i32>} : memref<512xf32, #tpu.memory_space<vmem>>, vector<16xf32>,
    tpu.vector_store %arg16[%swap3A_611], %gather3A_597 {strides = array<i32>} : memref<512xf32, #tpu.memory_space<vmem>>, vector<16xf32>,
    %sub3A_613 = arith.subf %gather3A_589, %gather3A_598 : vector<16xf32>
    %swap3A_614 = arith.constant 192 : index
    %swap3A_615 = tpu.vector_load %arg17[%swap3A_614] {strides = array<i32>} : memref<512xf32, #tpu.memory_space<vmem>>, vector<16xf32>,
    tpu.vector_store %arg17[%swap3A_614], %sub3A_613 {strides = array<i32>} : memref<512xf32, #tpu.memory_space<vmem>>, vector<16xf32>,
    %sub3A_616 = arith.subf %gather3A_593, %gather3A_602 : vector<16xf32>
    %swap3A_617 = arith.constant 192 : index
    %swap3A_618 = tpu.vector_load %arg18[%swap3A_617] {strides = array<i32>} : memref<512xf32, #tpu.memory_space<vmem>>, vector<16xf32>,
    tpu.vector_store %arg18[%swap3A_617], %sub3A_616 {strides = array<i32>} : memref<512xf32, #tpu.memory_space<vmem>>, vector<16xf32>,
    %sub3A_619 = arith.subf %gather3A_597, %gather3A_606 : vector<16xf32>
    %swap3A_620 = arith.constant 192 : index
    %swap3A_621 = tpu.vector_load %arg19[%swap3A_620] {strides = array<i32>} : memref<512xf32, #tpu.memory_space<vmem>>, vector<16xf32>,
    tpu.vector_store %arg19[%swap3A_620], %sub3A_619 {strides = array<i32>} : memref<512xf32, #tpu.memory_space<vmem>>, vector<16xf32>,
    %get3A_622 = arith.constant 208 : index
    %get3A_623 = tpu.vector_load %arg13[%get3A_622] {strides = array<i32>} : memref<512xi32, #tpu.memory_space<vmem>>, vector<16xi32>,
    %mul3A_624 = arith.constant 3 : i32
    %mul3A_625 = vector.broadcast %mul3A_624 : i32 to vector<16xi32>
    %mul3A_626 = arith.muli %get3A_623, %mul3A_625 : vector<16xi32>
    %add3A_627 = arith.constant 208 : i32
    %add3A_628 = arith.addi %mul3A_2, %add3A_627 : i32
    %add3A_629 = vector.broadcast %add3A_628 : i32 to vector<16xi32>
    %add3A_630 = arith.addi %iota3A, %add3A_629 : vector<16xi32>
    %shift_right_logical3A_631 = arith.constant 4 : i32
    %shift_right_logical3A_632 = vector.broadcast %shift_right_logical3A_631 : i32 to vector<16xi32>
    %shift_right_logical3A_633 = arith.shrui %add3A_630, %shift_right_logical3A_632 : vector<16xi32>
    %mul3A_634 = arith.constant 3 : i32
    %mul3A_635 = vector.broadcast %mul3A_634 : i32 to vector<16xi32>
    %mul3A_636 = arith.muli %shift_right_logical3A_633, %mul3A_635 : vector<16xi32>
    %gather3A_637 = tpu.vector_load_idx %arg11[%mul3A_626] : memref<49152xf32, #tpu.memory_space<vmem>>[vector<16xi32>], vector<16xf32>,
    %add3A_638 = arith.constant 1 : i32
    %add3A_639 = vector.broadcast %add3A_638 : i32 to vector<16xi32>
    %add3A_640 = arith.addi %mul3A_626, %add3A_639 : vector<16xi32>
    %gather3A_641 = tpu.vector_load_idx %arg11[%add3A_640] : memref<49152xf32, #tpu.memory_space<vmem>>[vector<16xi32>], vector<16xf32>,
    %add3A_642 = arith.constant 2 : i32
    %add3A_643 = vector.broadcast %add3A_642 : i32 to vector<16xi32>
    %add3A_644 = arith.addi %mul3A_626, %add3A_643 : vector<16xi32>
    %gather3A_645 = tpu.vector_load_idx %arg11[%add3A_644] : memref<49152xf32, #tpu.memory_space<vmem>>[vector<16xi32>], vector<16xf32>,
    %gather3A_646 = tpu.vector_load_idx %arg12[%mul3A_636] : memref<3072xf32, #tpu.memory_space<vmem>>[vector<16xi32>], vector<16xf32>,
    %add3A_647 = arith.constant 1 : i32
    %add3A_648 = vector.broadcast %add3A_647 : i32 to vector<16xi32>
    %add3A_649 = arith.addi %mul3A_636, %add3A_648 : vector<16xi32>
    %gather3A_650 = tpu.vector_load_idx %arg12[%add3A_649] : memref<3072xf32, #tpu.memory_space<vmem>>[vector<16xi32>], vector<16xf32>,
    %add3A_651 = arith.constant 2 : i32
    %add3A_652 = vector.broadcast %add3A_651 : i32 to vector<16xi32>
    %add3A_653 = arith.addi %mul3A_636, %add3A_652 : vector<16xi32>
    %gather3A_654 = tpu.vector_load_idx %arg12[%add3A_653] : memref<3072xf32, #tpu.memory_space<vmem>>[vector<16xi32>], vector<16xf32>,
    %swap3A_655 = arith.constant 208 : index
    %swap3A_656 = tpu.vector_load %arg14[%swap3A_655] {strides = array<i32>} : memref<512xf32, #tpu.memory_space<vmem>>, vector<16xf32>,
    tpu.vector_store %arg14[%swap3A_655], %gather3A_637 {strides = array<i32>} : memref<512xf32, #tpu.memory_space<vmem>>, vector<16xf32>,
    %swap3A_657 = arith.constant 208 : index
    %swap3A_658 = tpu.vector_load %arg15[%swap3A_657] {strides = array<i32>} : memref<512xf32, #tpu.memory_space<vmem>>, vector<16xf32>,
    tpu.vector_store %arg15[%swap3A_657], %gather3A_641 {strides = array<i32>} : memref<512xf32, #tpu.memory_space<vmem>>, vector<16xf32>,
    %swap3A_659 = arith.constant 208 : index
    %swap3A_660 = tpu.vector_load %arg16[%swap3A_659] {strides = array<i32>} : memref<512xf32, #tpu.memory_space<vmem>>, vector<16xf32>,
    tpu.vector_store %arg16[%swap3A_659], %gather3A_645 {strides = array<i32>} : memref<512xf32, #tpu.memory_space<vmem>>, vector<16xf32>,
    %sub3A_661 = arith.subf %gather3A_637, %gather3A_646 : vector<16xf32>
    %swap3A_662 = arith.constant 208 : index
    %swap3A_663 = tpu.vector_load %arg17[%swap3A_662] {strides = array<i32>} : memref<512xf32, #tpu.memory_space<vmem>>, vector<16xf32>,
    tpu.vector_store %arg17[%swap3A_662], %sub3A_661 {strides = array<i32>} : memref<512xf32, #tpu.memory_space<vmem>>, vector<16xf32>,
    %sub3A_664 = arith.subf %gather3A_641, %gather3A_650 : vector<16xf32>
    %swap3A_665 = arith.constant 208 : index
    %swap3A_666 = tpu.vector_load %arg18[%swap3A_665] {strides = array<i32>} : memref<512xf32, #tpu.memory_space<vmem>>, vector<16xf32>,
    tpu.vector_store %arg18[%swap3A_665], %sub3A_664 {strides = array<i32>} : memref<512xf32, #tpu.memory_space<vmem>>, vector<16xf32>,
    %sub3A_667 = arith.subf %gather3A_645, %gather3A_654 : vector<16xf32>
    %swap3A_668 = arith.constant 208 : index
    %swap3A_669 = tpu.vector_load %arg19[%swap3A_668] {strides = array<i32>} : memref<512xf32, #tpu.memory_space<vmem>>, vector<16xf32>,
    tpu.vector_store %arg19[%swap3A_668], %sub3A_667 {strides = array<i32>} : memref<512xf32, #tpu.memory_space<vmem>>, vector<16xf32>,
    %get3A_670 = arith.constant 224 : index
    %get3A_671 = tpu.vector_load %arg13[%get3A_670] {strides = array<i32>} : memref<512xi32, #tpu.memory_space<vmem>>, vector<16xi32>,
    %mul3A_672 = arith.constant 3 : i32
    %mul3A_673 = vector.broadcast %mul3A_672 : i32 to vector<16xi32>
    %mul3A_674 = arith.muli %get3A_671, %mul3A_673 : vector<16xi32>
    %add3A_675 = arith.constant 224 : i32
    %add3A_676 = arith.addi %mul3A_2, %add3A_675 : i32
    %add3A_677 = vector.broadcast %add3A_676 : i32 to vector<16xi32>
    %add3A_678 = arith.addi %iota3A, %add3A_677 : vector<16xi32>
    %shift_right_logical3A_679 = arith.constant 4 : i32
    %shift_right_logical3A_680 = vector.broadcast %shift_right_logical3A_679 : i32 to vector<16xi32>
    %shift_right_logical3A_681 = arith.shrui %add3A_678, %shift_right_logical3A_680 : vector<16xi32>
    %mul3A_682 = arith.constant 3 : i32
    %mul3A_683 = vector.broadcast %mul3A_682 : i32 to vector<16xi32>
    %mul3A_684 = arith.muli %shift_right_logical3A_681, %mul3A_683 : vector<16xi32>
    %gather3A_685 = tpu.vector_load_idx %arg11[%mul3A_674] : memref<49152xf32, #tpu.memory_space<vmem>>[vector<16xi32>], vector<16xf32>,
    %add3A_686 = arith.constant 1 : i32
    %add3A_687 = vector.broadcast %add3A_686 : i32 to vector<16xi32>
    %add3A_688 = arith.addi %mul3A_674, %add3A_687 : vector<16xi32>
    %gather3A_689 = tpu.vector_load_idx %arg11[%add3A_688] : memref<49152xf32, #tpu.memory_space<vmem>>[vector<16xi32>], vector<16xf32>,
    %add3A_690 = arith.constant 2 : i32
    %add3A_691 = vector.broadcast %add3A_690 : i32 to vector<16xi32>
    %add3A_692 = arith.addi %mul3A_674, %add3A_691 : vector<16xi32>
    %gather3A_693 = tpu.vector_load_idx %arg11[%add3A_692] : memref<49152xf32, #tpu.memory_space<vmem>>[vector<16xi32>], vector<16xf32>,
    %gather3A_694 = tpu.vector_load_idx %arg12[%mul3A_684] : memref<3072xf32, #tpu.memory_space<vmem>>[vector<16xi32>], vector<16xf32>,
    %add3A_695 = arith.constant 1 : i32
    %add3A_696 = vector.broadcast %add3A_695 : i32 to vector<16xi32>
    %add3A_697 = arith.addi %mul3A_684, %add3A_696 : vector<16xi32>
    %gather3A_698 = tpu.vector_load_idx %arg12[%add3A_697] : memref<3072xf32, #tpu.memory_space<vmem>>[vector<16xi32>], vector<16xf32>,
    %add3A_699 = arith.constant 2 : i32
    %add3A_700 = vector.broadcast %add3A_699 : i32 to vector<16xi32>
    %add3A_701 = arith.addi %mul3A_684, %add3A_700 : vector<16xi32>
    %gather3A_702 = tpu.vector_load_idx %arg12[%add3A_701] : memref<3072xf32, #tpu.memory_space<vmem>>[vector<16xi32>], vector<16xf32>,
    %swap3A_703 = arith.constant 224 : index
    %swap3A_704 = tpu.vector_load %arg14[%swap3A_703] {strides = array<i32>} : memref<512xf32, #tpu.memory_space<vmem>>, vector<16xf32>,
    tpu.vector_store %arg14[%swap3A_703], %gather3A_685 {strides = array<i32>} : memref<512xf32, #tpu.memory_space<vmem>>, vector<16xf32>,
    %swap3A_705 = arith.constant 224 : index
    %swap3A_706 = tpu.vector_load %arg15[%swap3A_705] {strides = array<i32>} : memref<512xf32, #tpu.memory_space<vmem>>, vector<16xf32>,
    tpu.vector_store %arg15[%swap3A_705], %gather3A_689 {strides = array<i32>} : memref<512xf32, #tpu.memory_space<vmem>>, vector<16xf32>,
    %swap3A_707 = arith.constant 224 : index
    %swap3A_708 = tpu.vector_load %arg16[%swap3A_707] {strides = array<i32>} : memref<512xf32, #tpu.memory_space<vmem>>, vector<16xf32>,
    tpu.vector_store %arg16[%swap3A_707], %gather3A_693 {strides = array<i32>} : memref<512xf32, #tpu.memory_space<vmem>>, vector<16xf32>,
    %sub3A_709 = arith.subf %gather3A_685, %gather3A_694 : vector<16xf32>
    %swap3A_710 = arith.constant 224 : index
    %swap3A_711 = tpu.vector_load %arg17[%swap3A_710] {strides = array<i32>} : memref<512xf32, #tpu.memory_space<vmem>>, vector<16xf32>,
    tpu.vector_store %arg17[%swap3A_710], %sub3A_709 {strides = array<i32>} : memref<512xf32, #tpu.memory_space<vmem>>, vector<16xf32>,
    %sub3A_712 = arith.subf %gather3A_689, %gather3A_698 : vector<16xf32>
    %swap3A_713 = arith.constant 224 : index
    %swap3A_714 = tpu.vector_load %arg18[%swap3A_713] {strides = array<i32>} : memref<512xf32, #tpu.memory_space<vmem>>, vector<16xf32>,
    tpu.vector_store %arg18[%swap3A_713], %sub3A_712 {strides = array<i32>} : memref<512xf32, #tpu.memory_space<vmem>>, vector<16xf32>,
    %sub3A_715 = arith.subf %gather3A_693, %gather3A_702 : vector<16xf32>
    %swap3A_716 = arith.constant 224 : index
    %swap3A_717 = tpu.vector_load %arg19[%swap3A_716] {strides = array<i32>} : memref<512xf32, #tpu.memory_space<vmem>>, vector<16xf32>,
    tpu.vector_store %arg19[%swap3A_716], %sub3A_715 {strides = array<i32>} : memref<512xf32, #tpu.memory_space<vmem>>, vector<16xf32>,
    %get3A_718 = arith.constant 240 : index
    %get3A_719 = tpu.vector_load %arg13[%get3A_718] {strides = array<i32>} : memref<512xi32, #tpu.memory_space<vmem>>, vector<16xi32>,
    %mul3A_720 = arith.constant 3 : i32
    %mul3A_721 = vector.broadcast %mul3A_720 : i32 to vector<16xi32>
    %mul3A_722 = arith.muli %get3A_719, %mul3A_721 : vector<16xi32>
    %add3A_723 = arith.constant 240 : i32
    %add3A_724 = arith.addi %mul3A_2, %add3A_723 : i32
    %add3A_725 = vector.broadcast %add3A_724 : i32 to vector<16xi32>
    %add3A_726 = arith.addi %iota3A, %add3A_725 : vector<16xi32>
    %shift_right_logical3A_727 = arith.constant 4 : i32
    %shift_right_logical3A_728 = vector.broadcast %shift_right_logical3A_727 : i32 to vector<16xi32>
    %shift_right_logical3A_729 = arith.shrui %add3A_726, %shift_right_logical3A_728 : vector<16xi32>
    %mul3A_730 = arith.constant 3 : i32
    %mul3A_731 = vector.broadcast %mul3A_730 : i32 to vector<16xi32>
    %mul3A_732 = arith.muli %shift_right_logical3A_729, %mul3A_731 : vector<16xi32>
    %gather3A_733 = tpu.vector_load_idx %arg11[%mul3A_722] : memref<49152xf32, #tpu.memory_space<vmem>>[vector<16xi32>], vector<16xf32>,
    %add3A_734 = arith.constant 1 : i32
    %add3A_735 = vector.broadcast %add3A_734 : i32 to vector<16xi32>
    %add3A_736 = arith.addi %mul3A_722, %add3A_735 : vector<16xi32>
    %gather3A_737 = tpu.vector_load_idx %arg11[%add3A_736] : memref<49152xf32, #tpu.memory_space<vmem>>[vector<16xi32>], vector<16xf32>,
    %add3A_738 = arith.constant 2 : i32
    %add3A_739 = vector.broadcast %add3A_738 : i32 to vector<16xi32>
    %add3A_740 = arith.addi %mul3A_722, %add3A_739 : vector<16xi32>
    %gather3A_741 = tpu.vector_load_idx %arg11[%add3A_740] : memref<49152xf32, #tpu.memory_space<vmem>>[vector<16xi32>], vector<16xf32>,
    %gather3A_742 = tpu.vector_load_idx %arg12[%mul3A_732] : memref<3072xf32, #tpu.memory_space<vmem>>[vector<16xi32>], vector<16xf32>,
    %add3A_743 = arith.constant 1 : i32
    %add3A_744 = vector.broadcast %add3A_743 : i32 to vector<16xi32>
    %add3A_745 = arith.addi %mul3A_732, %add3A_744 : vector<16xi32>
    %gather3A_746 = tpu.vector_load_idx %arg12[%add3A_745] : memref<3072xf32, #tpu.memory_space<vmem>>[vector<16xi32>], vector<16xf32>,
    %add3A_747 = arith.constant 2 : i32
    %add3A_748 = vector.broadcast %add3A_747 : i32 to vector<16xi32>
    %add3A_749 = arith.addi %mul3A_732, %add3A_748 : vector<16xi32>
    %gather3A_750 = tpu.vector_load_idx %arg12[%add3A_749] : memref<3072xf32, #tpu.memory_space<vmem>>[vector<16xi32>], vector<16xf32>,
    %swap3A_751 = arith.constant 240 : index
    %swap3A_752 = tpu.vector_load %arg14[%swap3A_751] {strides = array<i32>} : memref<512xf32, #tpu.memory_space<vmem>>, vector<16xf32>,
    tpu.vector_store %arg14[%swap3A_751], %gather3A_733 {strides = array<i32>} : memref<512xf32, #tpu.memory_space<vmem>>, vector<16xf32>,
    %swap3A_753 = arith.constant 240 : index
    %swap3A_754 = tpu.vector_load %arg15[%swap3A_753] {strides = array<i32>} : memref<512xf32, #tpu.memory_space<vmem>>, vector<16xf32>,
    tpu.vector_store %arg15[%swap3A_753], %gather3A_737 {strides = array<i32>} : memref<512xf32, #tpu.memory_space<vmem>>, vector<16xf32>,
    %swap3A_755 = arith.constant 240 : index
    %swap3A_756 = tpu.vector_load %arg16[%swap3A_755] {strides = array<i32>} : memref<512xf32, #tpu.memory_space<vmem>>, vector<16xf32>,
    tpu.vector_store %arg16[%swap3A_755], %gather3A_741 {strides = array<i32>} : memref<512xf32, #tpu.memory_space<vmem>>, vector<16xf32>,
    %sub3A_757 = arith.subf %gather3A_733, %gather3A_742 : vector<16xf32>
    %swap3A_758 = arith.constant 240 : index
    %swap3A_759 = tpu.vector_load %arg17[%swap3A_758] {strides = array<i32>} : memref<512xf32, #tpu.memory_space<vmem>>, vector<16xf32>,
    tpu.vector_store %arg17[%swap3A_758], %sub3A_757 {strides = array<i32>} : memref<512xf32, #tpu.memory_space<vmem>>, vector<16xf32>,
    %sub3A_760 = arith.subf %gather3A_737, %gather3A_746 : vector<16xf32>
    %swap3A_761 = arith.constant 240 : index
    %swap3A_762 = tpu.vector_load %arg18[%swap3A_761] {strides = array<i32>} : memref<512xf32, #tpu.memory_space<vmem>>, vector<16xf32>,
    tpu.vector_store %arg18[%swap3A_761], %sub3A_760 {strides = array<i32>} : memref<512xf32, #tpu.memory_space<vmem>>, vector<16xf32>,
    %sub3A_763 = arith.subf %gather3A_741, %gather3A_750 : vector<16xf32>
    %swap3A_764 = arith.constant 240 : index
    %swap3A_765 = tpu.vector_load %arg19[%swap3A_764] {strides = array<i32>} : memref<512xf32, #tpu.memory_space<vmem>>, vector<16xf32>,
    tpu.vector_store %arg19[%swap3A_764], %sub3A_763 {strides = array<i32>} : memref<512xf32, #tpu.memory_space<vmem>>, vector<16xf32>,
    %get3A_766 = arith.constant 256 : index
    %get3A_767 = tpu.vector_load %arg13[%get3A_766] {strides = array<i32>} : memref<512xi32, #tpu.memory_space<vmem>>, vector<16xi32>,
    %mul3A_768 = arith.constant 3 : i32
    %mul3A_769 = vector.broadcast %mul3A_768 : i32 to vector<16xi32>
    %mul3A_770 = arith.muli %get3A_767, %mul3A_769 : vector<16xi32>
    %add3A_771 = arith.constant 256 : i32
    %add3A_772 = arith.addi %mul3A_2, %add3A_771 : i32
    %add3A_773 = vector.broadcast %add3A_772 : i32 to vector<16xi32>
    %add3A_774 = arith.addi %iota3A, %add3A_773 : vector<16xi32>
    %shift_right_logical3A_775 = arith.constant 4 : i32
    %shift_right_logical3A_776 = vector.broadcast %shift_right_logical3A_775 : i32 to vector<16xi32>
    %shift_right_logical3A_777 = arith.shrui %add3A_774, %shift_right_logical3A_776 : vector<16xi32>
    %mul3A_778 = arith.constant 3 : i32
    %mul3A_779 = vector.broadcast %mul3A_778 : i32 to vector<16xi32>
    %mul3A_780 = arith.muli %shift_right_logical3A_777, %mul3A_779 : vector<16xi32>
    %gather3A_781 = tpu.vector_load_idx %arg11[%mul3A_770] : memref<49152xf32, #tpu.memory_space<vmem>>[vector<16xi32>], vector<16xf32>,
    %add3A_782 = arith.constant 1 : i32
    %add3A_783 = vector.broadcast %add3A_782 : i32 to vector<16xi32>
    %add3A_784 = arith.addi %mul3A_770, %add3A_783 : vector<16xi32>
    %gather3A_785 = tpu.vector_load_idx %arg11[%add3A_784] : memref<49152xf32, #tpu.memory_space<vmem>>[vector<16xi32>], vector<16xf32>,
    %add3A_786 = arith.constant 2 : i32
    %add3A_787 = vector.broadcast %add3A_786 : i32 to vector<16xi32>
    %add3A_788 = arith.addi %mul3A_770, %add3A_787 : vector<16xi32>
    %gather3A_789 = tpu.vector_load_idx %arg11[%add3A_788] : memref<49152xf32, #tpu.memory_space<vmem>>[vector<16xi32>], vector<16xf32>,
    %gather3A_790 = tpu.vector_load_idx %arg12[%mul3A_780] : memref<3072xf32, #tpu.memory_space<vmem>>[vector<16xi32>], vector<16xf32>,
    %add3A_791 = arith.constant 1 : i32
    %add3A_792 = vector.broadcast %add3A_791 : i32 to vector<16xi32>
    %add3A_793 = arith.addi %mul3A_780, %add3A_792 : vector<16xi32>
    %gather3A_794 = tpu.vector_load_idx %arg12[%add3A_793] : memref<3072xf32, #tpu.memory_space<vmem>>[vector<16xi32>], vector<16xf32>,
    %add3A_795 = arith.constant 2 : i32
    %add3A_796 = vector.broadcast %add3A_795 : i32 to vector<16xi32>
    %add3A_797 = arith.addi %mul3A_780, %add3A_796 : vector<16xi32>
    %gather3A_798 = tpu.vector_load_idx %arg12[%add3A_797] : memref<3072xf32, #tpu.memory_space<vmem>>[vector<16xi32>], vector<16xf32>,
    %swap3A_799 = arith.constant 256 : index
    %swap3A_800 = tpu.vector_load %arg14[%swap3A_799] {strides = array<i32>} : memref<512xf32, #tpu.memory_space<vmem>>, vector<16xf32>,
    tpu.vector_store %arg14[%swap3A_799], %gather3A_781 {strides = array<i32>} : memref<512xf32, #tpu.memory_space<vmem>>, vector<16xf32>,
    %swap3A_801 = arith.constant 256 : index
    %swap3A_802 = tpu.vector_load %arg15[%swap3A_801] {strides = array<i32>} : memref<512xf32, #tpu.memory_space<vmem>>, vector<16xf32>,
    tpu.vector_store %arg15[%swap3A_801], %gather3A_785 {strides = array<i32>} : memref<512xf32, #tpu.memory_space<vmem>>, vector<16xf32>,
    %swap3A_803 = arith.constant 256 : index
    %swap3A_804 = tpu.vector_load %arg16[%swap3A_803] {strides = array<i32>} : memref<512xf32, #tpu.memory_space<vmem>>, vector<16xf32>,
    tpu.vector_store %arg16[%swap3A_803], %gather3A_789 {strides = array<i32>} : memref<512xf32, #tpu.memory_space<vmem>>, vector<16xf32>,
    %sub3A_805 = arith.subf %gather3A_781, %gather3A_790 : vector<16xf32>
    %swap3A_806 = arith.constant 256 : index
    %swap3A_807 = tpu.vector_load %arg17[%swap3A_806] {strides = array<i32>} : memref<512xf32, #tpu.memory_space<vmem>>, vector<16xf32>,
    tpu.vector_store %arg17[%swap3A_806], %sub3A_805 {strides = array<i32>} : memref<512xf32, #tpu.memory_space<vmem>>, vector<16xf32>,
    %sub3A_808 = arith.subf %gather3A_785, %gather3A_794 : vector<16xf32>
    %swap3A_809 = arith.constant 256 : index
    %swap3A_810 = tpu.vector_load %arg18[%swap3A_809] {strides = array<i32>} : memref<512xf32, #tpu.memory_space<vmem>>, vector<16xf32>,
    tpu.vector_store %arg18[%swap3A_809], %sub3A_808 {strides = array<i32>} : memref<512xf32, #tpu.memory_space<vmem>>, vector<16xf32>,
    %sub3A_811 = arith.subf %gather3A_789, %gather3A_798 : vector<16xf32>
    %swap3A_812 = arith.constant 256 : index
    %swap3A_813 = tpu.vector_load %arg19[%swap3A_812] {strides = array<i32>} : memref<512xf32, #tpu.memory_space<vmem>>, vector<16xf32>,
    tpu.vector_store %arg19[%swap3A_812], %sub3A_811 {strides = array<i32>} : memref<512xf32, #tpu.memory_space<vmem>>, vector<16xf32>,
    %get3A_814 = arith.constant 272 : index
    %get3A_815 = tpu.vector_load %arg13[%get3A_814] {strides = array<i32>} : memref<512xi32, #tpu.memory_space<vmem>>, vector<16xi32>,
    %mul3A_816 = arith.constant 3 : i32
    %mul3A_817 = vector.broadcast %mul3A_816 : i32 to vector<16xi32>
    %mul3A_818 = arith.muli %get3A_815, %mul3A_817 : vector<16xi32>
    %add3A_819 = arith.constant 272 : i32
    %add3A_820 = arith.addi %mul3A_2, %add3A_819 : i32
    %add3A_821 = vector.broadcast %add3A_820 : i32 to vector<16xi32>
    %add3A_822 = arith.addi %iota3A, %add3A_821 : vector<16xi32>
    %shift_right_logical3A_823 = arith.constant 4 : i32
    %shift_right_logical3A_824 = vector.broadcast %shift_right_logical3A_823 : i32 to vector<16xi32>
    %shift_right_logical3A_825 = arith.shrui %add3A_822, %shift_right_logical3A_824 : vector<16xi32>
    %mul3A_826 = arith.constant 3 : i32
    %mul3A_827 = vector.broadcast %mul3A_826 : i32 to vector<16xi32>
    %mul3A_828 = arith.muli %shift_right_logical3A_825, %mul3A_827 : vector<16xi32>
    %gather3A_829 = tpu.vector_load_idx %arg11[%mul3A_818] : memref<49152xf32, #tpu.memory_space<vmem>>[vector<16xi32>], vector<16xf32>,
    %add3A_830 = arith.constant 1 : i32
    %add3A_831 = vector.broadcast %add3A_830 : i32 to vector<16xi32>
    %add3A_832 = arith.addi %mul3A_818, %add3A_831 : vector<16xi32>
    %gather3A_833 = tpu.vector_load_idx %arg11[%add3A_832] : memref<49152xf32, #tpu.memory_space<vmem>>[vector<16xi32>], vector<16xf32>,
    %add3A_834 = arith.constant 2 : i32
    %add3A_835 = vector.broadcast %add3A_834 : i32 to vector<16xi32>
    %add3A_836 = arith.addi %mul3A_818, %add3A_835 : vector<16xi32>
    %gather3A_837 = tpu.vector_load_idx %arg11[%add3A_836] : memref<49152xf32, #tpu.memory_space<vmem>>[vector<16xi32>], vector<16xf32>,
    %gather3A_838 = tpu.vector_load_idx %arg12[%mul3A_828] : memref<3072xf32, #tpu.memory_space<vmem>>[vector<16xi32>], vector<16xf32>,
    %add3A_839 = arith.constant 1 : i32
    %add3A_840 = vector.broadcast %add3A_839 : i32 to vector<16xi32>
    %add3A_841 = arith.addi %mul3A_828, %add3A_840 : vector<16xi32>
    %gather3A_842 = tpu.vector_load_idx %arg12[%add3A_841] : memref<3072xf32, #tpu.memory_space<vmem>>[vector<16xi32>], vector<16xf32>,
    %add3A_843 = arith.constant 2 : i32
    %add3A_844 = vector.broadcast %add3A_843 : i32 to vector<16xi32>
    %add3A_845 = arith.addi %mul3A_828, %add3A_844 : vector<16xi32>
    %gather3A_846 = tpu.vector_load_idx %arg12[%add3A_845] : memref<3072xf32, #tpu.memory_space<vmem>>[vector<16xi32>], vector<16xf32>,
    %swap3A_847 = arith.constant 272 : index
    %swap3A_848 = tpu.vector_load %arg14[%swap3A_847] {strides = array<i32>} : memref<512xf32, #tpu.memory_space<vmem>>, vector<16xf32>,
    tpu.vector_store %arg14[%swap3A_847], %gather3A_829 {strides = array<i32>} : memref<512xf32, #tpu.memory_space<vmem>>, vector<16xf32>,
    %swap3A_849 = arith.constant 272 : index
    %swap3A_850 = tpu.vector_load %arg15[%swap3A_849] {strides = array<i32>} : memref<512xf32, #tpu.memory_space<vmem>>, vector<16xf32>,
    tpu.vector_store %arg15[%swap3A_849], %gather3A_833 {strides = array<i32>} : memref<512xf32, #tpu.memory_space<vmem>>, vector<16xf32>,
    %swap3A_851 = arith.constant 272 : index
    %swap3A_852 = tpu.vector_load %arg16[%swap3A_851] {strides = array<i32>} : memref<512xf32, #tpu.memory_space<vmem>>, vector<16xf32>,
    tpu.vector_store %arg16[%swap3A_851], %gather3A_837 {strides = array<i32>} : memref<512xf32, #tpu.memory_space<vmem>>, vector<16xf32>,
    %sub3A_853 = arith.subf %gather3A_829, %gather3A_838 : vector<16xf32>
    %swap3A_854 = arith.constant 272 : index
    %swap3A_855 = tpu.vector_load %arg17[%swap3A_854] {strides = array<i32>} : memref<512xf32, #tpu.memory_space<vmem>>, vector<16xf32>,
    tpu.vector_store %arg17[%swap3A_854], %sub3A_853 {strides = array<i32>} : memref<512xf32, #tpu.memory_space<vmem>>, vector<16xf32>,
    %sub3A_856 = arith.subf %gather3A_833, %gather3A_842 : vector<16xf32>
    %swap3A_857 = arith.constant 272 : index
    %swap3A_858 = tpu.vector_load %arg18[%swap3A_857] {strides = array<i32>} : memref<512xf32, #tpu.memory_space<vmem>>, vector<16xf32>,
    tpu.vector_store %arg18[%swap3A_857], %sub3A_856 {strides = array<i32>} : memref<512xf32, #tpu.memory_space<vmem>>, vector<16xf32>,
    %sub3A_859 = arith.subf %gather3A_837, %gather3A_846 : vector<16xf32>
    %swap3A_860 = arith.constant 272 : index
    %swap3A_861 = tpu.vector_load %arg19[%swap3A_860] {strides = array<i32>} : memref<512xf32, #tpu.memory_space<vmem>>, vector<16xf32>,
    tpu.vector_store %arg19[%swap3A_860], %sub3A_859 {strides = array<i32>} : memref<512xf32, #tpu.memory_space<vmem>>, vector<16xf32>,
    %get3A_862 = arith.constant 288 : index
    %get3A_863 = tpu.vector_load %arg13[%get3A_862] {strides = array<i32>} : memref<512xi32, #tpu.memory_space<vmem>>, vector<16xi32>,
    %mul3A_864 = arith.constant 3 : i32
    %mul3A_865 = vector.broadcast %mul3A_864 : i32 to vector<16xi32>
    %mul3A_866 = arith.muli %get3A_863, %mul3A_865 : vector<16xi32>
    %add3A_867 = arith.constant 288 : i32
    %add3A_868 = arith.addi %mul3A_2, %add3A_867 : i32
    %add3A_869 = vector.broadcast %add3A_868 : i32 to vector<16xi32>
    %add3A_870 = arith.addi %iota3A, %add3A_869 : vector<16xi32>
    %shift_right_logical3A_871 = arith.constant 4 : i32
    %shift_right_logical3A_872 = vector.broadcast %shift_right_logical3A_871 : i32 to vector<16xi32>
    %shift_right_logical3A_873 = arith.shrui %add3A_870, %shift_right_logical3A_872 : vector<16xi32>
    %mul3A_874 = arith.constant 3 : i32
    %mul3A_875 = vector.broadcast %mul3A_874 : i32 to vector<16xi32>
    %mul3A_876 = arith.muli %shift_right_logical3A_873, %mul3A_875 : vector<16xi32>
    %gather3A_877 = tpu.vector_load_idx %arg11[%mul3A_866] : memref<49152xf32, #tpu.memory_space<vmem>>[vector<16xi32>], vector<16xf32>,
    %add3A_878 = arith.constant 1 : i32
    %add3A_879 = vector.broadcast %add3A_878 : i32 to vector<16xi32>
    %add3A_880 = arith.addi %mul3A_866, %add3A_879 : vector<16xi32>
    %gather3A_881 = tpu.vector_load_idx %arg11[%add3A_880] : memref<49152xf32, #tpu.memory_space<vmem>>[vector<16xi32>], vector<16xf32>,
    %add3A_882 = arith.constant 2 : i32
    %add3A_883 = vector.broadcast %add3A_882 : i32 to vector<16xi32>
    %add3A_884 = arith.addi %mul3A_866, %add3A_883 : vector<16xi32>
    %gather3A_885 = tpu.vector_load_idx %arg11[%add3A_884] : memref<49152xf32, #tpu.memory_space<vmem>>[vector<16xi32>], vector<16xf32>,
    %gather3A_886 = tpu.vector_load_idx %arg12[%mul3A_876] : memref<3072xf32, #tpu.memory_space<vmem>>[vector<16xi32>], vector<16xf32>,
    %add3A_887 = arith.constant 1 : i32
    %add3A_888 = vector.broadcast %add3A_887 : i32 to vector<16xi32>
    %add3A_889 = arith.addi %mul3A_876, %add3A_888 : vector<16xi32>
    %gather3A_890 = tpu.vector_load_idx %arg12[%add3A_889] : memref<3072xf32, #tpu.memory_space<vmem>>[vector<16xi32>], vector<16xf32>,
    %add3A_891 = arith.constant 2 : i32
    %add3A_892 = vector.broadcast %add3A_891 : i32 to vector<16xi32>
    %add3A_893 = arith.addi %mul3A_876, %add3A_892 : vector<16xi32>
    %gather3A_894 = tpu.vector_load_idx %arg12[%add3A_893] : memref<3072xf32, #tpu.memory_space<vmem>>[vector<16xi32>], vector<16xf32>,
    %swap3A_895 = arith.constant 288 : index
    %swap3A_896 = tpu.vector_load %arg14[%swap3A_895] {strides = array<i32>} : memref<512xf32, #tpu.memory_space<vmem>>, vector<16xf32>,
    tpu.vector_store %arg14[%swap3A_895], %gather3A_877 {strides = array<i32>} : memref<512xf32, #tpu.memory_space<vmem>>, vector<16xf32>,
    %swap3A_897 = arith.constant 288 : index
    %swap3A_898 = tpu.vector_load %arg15[%swap3A_897] {strides = array<i32>} : memref<512xf32, #tpu.memory_space<vmem>>, vector<16xf32>,
    tpu.vector_store %arg15[%swap3A_897], %gather3A_881 {strides = array<i32>} : memref<512xf32, #tpu.memory_space<vmem>>, vector<16xf32>,
    %swap3A_899 = arith.constant 288 : index
    %swap3A_900 = tpu.vector_load %arg16[%swap3A_899] {strides = array<i32>} : memref<512xf32, #tpu.memory_space<vmem>>, vector<16xf32>,
    tpu.vector_store %arg16[%swap3A_899], %gather3A_885 {strides = array<i32>} : memref<512xf32, #tpu.memory_space<vmem>>, vector<16xf32>,
    %sub3A_901 = arith.subf %gather3A_877, %gather3A_886 : vector<16xf32>
    %swap3A_902 = arith.constant 288 : index
    %swap3A_903 = tpu.vector_load %arg17[%swap3A_902] {strides = array<i32>} : memref<512xf32, #tpu.memory_space<vmem>>, vector<16xf32>,
    tpu.vector_store %arg17[%swap3A_902], %sub3A_901 {strides = array<i32>} : memref<512xf32, #tpu.memory_space<vmem>>, vector<16xf32>,
    %sub3A_904 = arith.subf %gather3A_881, %gather3A_890 : vector<16xf32>
    %swap3A_905 = arith.constant 288 : index
    %swap3A_906 = tpu.vector_load %arg18[%swap3A_905] {strides = array<i32>} : memref<512xf32, #tpu.memory_space<vmem>>, vector<16xf32>,
    tpu.vector_store %arg18[%swap3A_905], %sub3A_904 {strides = array<i32>} : memref<512xf32, #tpu.memory_space<vmem>>, vector<16xf32>,
    %sub3A_907 = arith.subf %gather3A_885, %gather3A_894 : vector<16xf32>
    %swap3A_908 = arith.constant 288 : index
    %swap3A_909 = tpu.vector_load %arg19[%swap3A_908] {strides = array<i32>} : memref<512xf32, #tpu.memory_space<vmem>>, vector<16xf32>,
    tpu.vector_store %arg19[%swap3A_908], %sub3A_907 {strides = array<i32>} : memref<512xf32, #tpu.memory_space<vmem>>, vector<16xf32>,
    %get3A_910 = arith.constant 304 : index
    %get3A_911 = tpu.vector_load %arg13[%get3A_910] {strides = array<i32>} : memref<512xi32, #tpu.memory_space<vmem>>, vector<16xi32>,
    %mul3A_912 = arith.constant 3 : i32
    %mul3A_913 = vector.broadcast %mul3A_912 : i32 to vector<16xi32>
    %mul3A_914 = arith.muli %get3A_911, %mul3A_913 : vector<16xi32>
    %add3A_915 = arith.constant 304 : i32
    %add3A_916 = arith.addi %mul3A_2, %add3A_915 : i32
    %add3A_917 = vector.broadcast %add3A_916 : i32 to vector<16xi32>
    %add3A_918 = arith.addi %iota3A, %add3A_917 : vector<16xi32>
    %shift_right_logical3A_919 = arith.constant 4 : i32
    %shift_right_logical3A_920 = vector.broadcast %shift_right_logical3A_919 : i32 to vector<16xi32>
    %shift_right_logical3A_921 = arith.shrui %add3A_918, %shift_right_logical3A_920 : vector<16xi32>
    %mul3A_922 = arith.constant 3 : i32
    %mul3A_923 = vector.broadcast %mul3A_922 : i32 to vector<16xi32>
    %mul3A_924 = arith.muli %shift_right_logical3A_921, %mul3A_923 : vector<16xi32>
    %gather3A_925 = tpu.vector_load_idx %arg11[%mul3A_914] : memref<49152xf32, #tpu.memory_space<vmem>>[vector<16xi32>], vector<16xf32>,
    %add3A_926 = arith.constant 1 : i32
    %add3A_927 = vector.broadcast %add3A_926 : i32 to vector<16xi32>
    %add3A_928 = arith.addi %mul3A_914, %add3A_927 : vector<16xi32>
    %gather3A_929 = tpu.vector_load_idx %arg11[%add3A_928] : memref<49152xf32, #tpu.memory_space<vmem>>[vector<16xi32>], vector<16xf32>,
    %add3A_930 = arith.constant 2 : i32
    %add3A_931 = vector.broadcast %add3A_930 : i32 to vector<16xi32>
    %add3A_932 = arith.addi %mul3A_914, %add3A_931 : vector<16xi32>
    %gather3A_933 = tpu.vector_load_idx %arg11[%add3A_932] : memref<49152xf32, #tpu.memory_space<vmem>>[vector<16xi32>], vector<16xf32>,
    %gather3A_934 = tpu.vector_load_idx %arg12[%mul3A_924] : memref<3072xf32, #tpu.memory_space<vmem>>[vector<16xi32>], vector<16xf32>,
    %add3A_935 = arith.constant 1 : i32
    %add3A_936 = vector.broadcast %add3A_935 : i32 to vector<16xi32>
    %add3A_937 = arith.addi %mul3A_924, %add3A_936 : vector<16xi32>
    %gather3A_938 = tpu.vector_load_idx %arg12[%add3A_937] : memref<3072xf32, #tpu.memory_space<vmem>>[vector<16xi32>], vector<16xf32>,
    %add3A_939 = arith.constant 2 : i32
    %add3A_940 = vector.broadcast %add3A_939 : i32 to vector<16xi32>
    %add3A_941 = arith.addi %mul3A_924, %add3A_940 : vector<16xi32>
    %gather3A_942 = tpu.vector_load_idx %arg12[%add3A_941] : memref<3072xf32, #tpu.memory_space<vmem>>[vector<16xi32>], vector<16xf32>,
    %swap3A_943 = arith.constant 304 : index
    %swap3A_944 = tpu.vector_load %arg14[%swap3A_943] {strides = array<i32>} : memref<512xf32, #tpu.memory_space<vmem>>, vector<16xf32>,
    tpu.vector_store %arg14[%swap3A_943], %gather3A_925 {strides = array<i32>} : memref<512xf32, #tpu.memory_space<vmem>>, vector<16xf32>,
    %swap3A_945 = arith.constant 304 : index
    %swap3A_946 = tpu.vector_load %arg15[%swap3A_945] {strides = array<i32>} : memref<512xf32, #tpu.memory_space<vmem>>, vector<16xf32>,
    tpu.vector_store %arg15[%swap3A_945], %gather3A_929 {strides = array<i32>} : memref<512xf32, #tpu.memory_space<vmem>>, vector<16xf32>,
    %swap3A_947 = arith.constant 304 : index
    %swap3A_948 = tpu.vector_load %arg16[%swap3A_947] {strides = array<i32>} : memref<512xf32, #tpu.memory_space<vmem>>, vector<16xf32>,
    tpu.vector_store %arg16[%swap3A_947], %gather3A_933 {strides = array<i32>} : memref<512xf32, #tpu.memory_space<vmem>>, vector<16xf32>,
    %sub3A_949 = arith.subf %gather3A_925, %gather3A_934 : vector<16xf32>
    %swap3A_950 = arith.constant 304 : index
    %swap3A_951 = tpu.vector_load %arg17[%swap3A_950] {strides = array<i32>} : memref<512xf32, #tpu.memory_space<vmem>>, vector<16xf32>,
    tpu.vector_store %arg17[%swap3A_950], %sub3A_949 {strides = array<i32>} : memref<512xf32, #tpu.memory_space<vmem>>, vector<16xf32>,
    %sub3A_952 = arith.subf %gather3A_929, %gather3A_938 : vector<16xf32>
    %swap3A_953 = arith.constant 304 : index
    %swap3A_954 = tpu.vector_load %arg18[%swap3A_953] {strides = array<i32>} : memref<512xf32, #tpu.memory_space<vmem>>, vector<16xf32>,
    tpu.vector_store %arg18[%swap3A_953], %sub3A_952 {strides = array<i32>} : memref<512xf32, #tpu.memory_space<vmem>>, vector<16xf32>,
    %sub3A_955 = arith.subf %gather3A_933, %gather3A_942 : vector<16xf32>
    %swap3A_956 = arith.constant 304 : index
    %swap3A_957 = tpu.vector_load %arg19[%swap3A_956] {strides = array<i32>} : memref<512xf32, #tpu.memory_space<vmem>>, vector<16xf32>,
    tpu.vector_store %arg19[%swap3A_956], %sub3A_955 {strides = array<i32>} : memref<512xf32, #tpu.memory_space<vmem>>, vector<16xf32>,
    %get3A_958 = arith.constant 320 : index
    %get3A_959 = tpu.vector_load %arg13[%get3A_958] {strides = array<i32>} : memref<512xi32, #tpu.memory_space<vmem>>, vector<16xi32>,
    %mul3A_960 = arith.constant 3 : i32
    %mul3A_961 = vector.broadcast %mul3A_960 : i32 to vector<16xi32>
    %mul3A_962 = arith.muli %get3A_959, %mul3A_961 : vector<16xi32>
    %add3A_963 = arith.constant 320 : i32
    %add3A_964 = arith.addi %mul3A_2, %add3A_963 : i32
    %add3A_965 = vector.broadcast %add3A_964 : i32 to vector<16xi32>
    %add3A_966 = arith.addi %iota3A, %add3A_965 : vector<16xi32>
    %shift_right_logical3A_967 = arith.constant 4 : i32
    %shift_right_logical3A_968 = vector.broadcast %shift_right_logical3A_967 : i32 to vector<16xi32>
    %shift_right_logical3A_969 = arith.shrui %add3A_966, %shift_right_logical3A_968 : vector<16xi32>
    %mul3A_970 = arith.constant 3 : i32
    %mul3A_971 = vector.broadcast %mul3A_970 : i32 to vector<16xi32>
    %mul3A_972 = arith.muli %shift_right_logical3A_969, %mul3A_971 : vector<16xi32>
    %gather3A_973 = tpu.vector_load_idx %arg11[%mul3A_962] : memref<49152xf32, #tpu.memory_space<vmem>>[vector<16xi32>], vector<16xf32>,
    %add3A_974 = arith.constant 1 : i32
    %add3A_975 = vector.broadcast %add3A_974 : i32 to vector<16xi32>
    %add3A_976 = arith.addi %mul3A_962, %add3A_975 : vector<16xi32>
    %gather3A_977 = tpu.vector_load_idx %arg11[%add3A_976] : memref<49152xf32, #tpu.memory_space<vmem>>[vector<16xi32>], vector<16xf32>,
    %add3A_978 = arith.constant 2 : i32
    %add3A_979 = vector.broadcast %add3A_978 : i32 to vector<16xi32>
    %add3A_980 = arith.addi %mul3A_962, %add3A_979 : vector<16xi32>
    %gather3A_981 = tpu.vector_load_idx %arg11[%add3A_980] : memref<49152xf32, #tpu.memory_space<vmem>>[vector<16xi32>], vector<16xf32>,
    %gather3A_982 = tpu.vector_load_idx %arg12[%mul3A_972] : memref<3072xf32, #tpu.memory_space<vmem>>[vector<16xi32>], vector<16xf32>,
    %add3A_983 = arith.constant 1 : i32
    %add3A_984 = vector.broadcast %add3A_983 : i32 to vector<16xi32>
    %add3A_985 = arith.addi %mul3A_972, %add3A_984 : vector<16xi32>
    %gather3A_986 = tpu.vector_load_idx %arg12[%add3A_985] : memref<3072xf32, #tpu.memory_space<vmem>>[vector<16xi32>], vector<16xf32>,
    %add3A_987 = arith.constant 2 : i32
    %add3A_988 = vector.broadcast %add3A_987 : i32 to vector<16xi32>
    %add3A_989 = arith.addi %mul3A_972, %add3A_988 : vector<16xi32>
    %gather3A_990 = tpu.vector_load_idx %arg12[%add3A_989] : memref<3072xf32, #tpu.memory_space<vmem>>[vector<16xi32>], vector<16xf32>,
    %swap3A_991 = arith.constant 320 : index
    %swap3A_992 = tpu.vector_load %arg14[%swap3A_991] {strides = array<i32>} : memref<512xf32, #tpu.memory_space<vmem>>, vector<16xf32>,
    tpu.vector_store %arg14[%swap3A_991], %gather3A_973 {strides = array<i32>} : memref<512xf32, #tpu.memory_space<vmem>>, vector<16xf32>,
    %swap3A_993 = arith.constant 320 : index
    %swap3A_994 = tpu.vector_load %arg15[%swap3A_993] {strides = array<i32>} : memref<512xf32, #tpu.memory_space<vmem>>, vector<16xf32>,
    tpu.vector_store %arg15[%swap3A_993], %gather3A_977 {strides = array<i32>} : memref<512xf32, #tpu.memory_space<vmem>>, vector<16xf32>,
    %swap3A_995 = arith.constant 320 : index
    %swap3A_996 = tpu.vector_load %arg16[%swap3A_995] {strides = array<i32>} : memref<512xf32, #tpu.memory_space<vmem>>, vector<16xf32>,
    tpu.vector_store %arg16[%swap3A_995], %gather3A_981 {strides = array<i32>} : memref<512xf32, #tpu.memory_space<vmem>>, vector<16xf32>,
    %sub3A_997 = arith.subf %gather3A_973, %gather3A_982 : vector<16xf32>
    %swap3A_998 = arith.constant 320 : index
    %swap3A_999 = tpu.vector_load %arg17[%swap3A_998] {strides = array<i32>} : memref<512xf32, #tpu.memory_space<vmem>>, vector<16xf32>,
    tpu.vector_store %arg17[%swap3A_998], %sub3A_997 {strides = array<i32>} : memref<512xf32, #tpu.memory_space<vmem>>, vector<16xf32>,
    %sub3A_1000 = arith.subf %gather3A_977, %gather3A_986 : vector<16xf32>
    %swap3A_1001 = arith.constant 320 : index
    %swap3A_1002 = tpu.vector_load %arg18[%swap3A_1001] {strides = array<i32>} : memref<512xf32, #tpu.memory_space<vmem>>, vector<16xf32>,
    tpu.vector_store %arg18[%swap3A_1001], %sub3A_1000 {strides = array<i32>} : memref<512xf32, #tpu.memory_space<vmem>>, vector<16xf32>,
    %sub3A_1003 = arith.subf %gather3A_981, %gather3A_990 : vector<16xf32>
    %swap3A_1004 = arith.constant 320 : index
    %swap3A_1005 = tpu.vector_load %arg19[%swap3A_1004] {strides = array<i32>} : memref<512xf32, #tpu.memory_space<vmem>>, vector<16xf32>,
    tpu.vector_store %arg19[%swap3A_1004], %sub3A_1003 {strides = array<i32>} : memref<512xf32, #tpu.memory_space<vmem>>, vector<16xf32>,
    %get3A_1006 = arith.constant 336 : index
    %get3A_1007 = tpu.vector_load %arg13[%get3A_1006] {strides = array<i32>} : memref<512xi32, #tpu.memory_space<vmem>>, vector<16xi32>,
    %mul3A_1008 = arith.constant 3 : i32
    %mul3A_1009 = vector.broadcast %mul3A_1008 : i32 to vector<16xi32>
    %mul3A_1010 = arith.muli %get3A_1007, %mul3A_1009 : vector<16xi32>
    %add3A_1011 = arith.constant 336 : i32
    %add3A_1012 = arith.addi %mul3A_2, %add3A_1011 : i32
    %add3A_1013 = vector.broadcast %add3A_1012 : i32 to vector<16xi32>
    %add3A_1014 = arith.addi %iota3A, %add3A_1013 : vector<16xi32>
    %shift_right_logical3A_1015 = arith.constant 4 : i32
    %shift_right_logical3A_1016 = vector.broadcast %shift_right_logical3A_1015 : i32 to vector<16xi32>
    %shift_right_logical3A_1017 = arith.shrui %add3A_1014, %shift_right_logical3A_1016 : vector<16xi32>
    %mul3A_1018 = arith.constant 3 : i32
    %mul3A_1019 = vector.broadcast %mul3A_1018 : i32 to vector<16xi32>
    %mul3A_1020 = arith.muli %shift_right_logical3A_1017, %mul3A_1019 : vector<16xi32>
    %gather3A_1021 = tpu.vector_load_idx %arg11[%mul3A_1010] : memref<49152xf32, #tpu.memory_space<vmem>>[vector<16xi32>], vector<16xf32>,
    %add3A_1022 = arith.constant 1 : i32
    %add3A_1023 = vector.broadcast %add3A_1022 : i32 to vector<16xi32>
    %add3A_1024 = arith.addi %mul3A_1010, %add3A_1023 : vector<16xi32>
    %gather3A_1025 = tpu.vector_load_idx %arg11[%add3A_1024] : memref<49152xf32, #tpu.memory_space<vmem>>[vector<16xi32>], vector<16xf32>,
    %add3A_1026 = arith.constant 2 : i32
    %add3A_1027 = vector.broadcast %add3A_1026 : i32 to vector<16xi32>
    %add3A_1028 = arith.addi %mul3A_1010, %add3A_1027 : vector<16xi32>
    %gather3A_1029 = tpu.vector_load_idx %arg11[%add3A_1028] : memref<49152xf32, #tpu.memory_space<vmem>>[vector<16xi32>], vector<16xf32>,
    %gather3A_1030 = tpu.vector_load_idx %arg12[%mul3A_1020] : memref<3072xf32, #tpu.memory_space<vmem>>[vector<16xi32>], vector<16xf32>,
    %add3A_1031 = arith.constant 1 : i32
    %add3A_1032 = vector.broadcast %add3A_1031 : i32 to vector<16xi32>
    %add3A_1033 = arith.addi %mul3A_1020, %add3A_1032 : vector<16xi32>
    %gather3A_1034 = tpu.vector_load_idx %arg12[%add3A_1033] : memref<3072xf32, #tpu.memory_space<vmem>>[vector<16xi32>], vector<16xf32>,
    %add3A_1035 = arith.constant 2 : i32
    %add3A_1036 = vector.broadcast %add3A_1035 : i32 to vector<16xi32>
    %add3A_1037 = arith.addi %mul3A_1020, %add3A_1036 : vector<16xi32>
    %gather3A_1038 = tpu.vector_load_idx %arg12[%add3A_1037] : memref<3072xf32, #tpu.memory_space<vmem>>[vector<16xi32>], vector<16xf32>,
    %swap3A_1039 = arith.constant 336 : index
    %swap3A_1040 = tpu.vector_load %arg14[%swap3A_1039] {strides = array<i32>} : memref<512xf32, #tpu.memory_space<vmem>>, vector<16xf32>,
    tpu.vector_store %arg14[%swap3A_1039], %gather3A_1021 {strides = array<i32>} : memref<512xf32, #tpu.memory_space<vmem>>, vector<16xf32>,
    %swap3A_1041 = arith.constant 336 : index
    %swap3A_1042 = tpu.vector_load %arg15[%swap3A_1041] {strides = array<i32>} : memref<512xf32, #tpu.memory_space<vmem>>, vector<16xf32>,
    tpu.vector_store %arg15[%swap3A_1041], %gather3A_1025 {strides = array<i32>} : memref<512xf32, #tpu.memory_space<vmem>>, vector<16xf32>,
    %swap3A_1043 = arith.constant 336 : index
    %swap3A_1044 = tpu.vector_load %arg16[%swap3A_1043] {strides = array<i32>} : memref<512xf32, #tpu.memory_space<vmem>>, vector<16xf32>,
    tpu.vector_store %arg16[%swap3A_1043], %gather3A_1029 {strides = array<i32>} : memref<512xf32, #tpu.memory_space<vmem>>, vector<16xf32>,
    %sub3A_1045 = arith.subf %gather3A_1021, %gather3A_1030 : vector<16xf32>
    %swap3A_1046 = arith.constant 336 : index
    %swap3A_1047 = tpu.vector_load %arg17[%swap3A_1046] {strides = array<i32>} : memref<512xf32, #tpu.memory_space<vmem>>, vector<16xf32>,
    tpu.vector_store %arg17[%swap3A_1046], %sub3A_1045 {strides = array<i32>} : memref<512xf32, #tpu.memory_space<vmem>>, vector<16xf32>,
    %sub3A_1048 = arith.subf %gather3A_1025, %gather3A_1034 : vector<16xf32>
    %swap3A_1049 = arith.constant 336 : index
    %swap3A_1050 = tpu.vector_load %arg18[%swap3A_1049] {strides = array<i32>} : memref<512xf32, #tpu.memory_space<vmem>>, vector<16xf32>,
    tpu.vector_store %arg18[%swap3A_1049], %sub3A_1048 {strides = array<i32>} : memref<512xf32, #tpu.memory_space<vmem>>, vector<16xf32>,
    %sub3A_1051 = arith.subf %gather3A_1029, %gather3A_1038 : vector<16xf32>
    %swap3A_1052 = arith.constant 336 : index
    %swap3A_1053 = tpu.vector_load %arg19[%swap3A_1052] {strides = array<i32>} : memref<512xf32, #tpu.memory_space<vmem>>, vector<16xf32>,
    tpu.vector_store %arg19[%swap3A_1052], %sub3A_1051 {strides = array<i32>} : memref<512xf32, #tpu.memory_space<vmem>>, vector<16xf32>,
    %get3A_1054 = arith.constant 352 : index
    %get3A_1055 = tpu.vector_load %arg13[%get3A_1054] {strides = array<i32>} : memref<512xi32, #tpu.memory_space<vmem>>, vector<16xi32>,
    %mul3A_1056 = arith.constant 3 : i32
    %mul3A_1057 = vector.broadcast %mul3A_1056 : i32 to vector<16xi32>
    %mul3A_1058 = arith.muli %get3A_1055, %mul3A_1057 : vector<16xi32>
    %add3A_1059 = arith.constant 352 : i32
    %add3A_1060 = arith.addi %mul3A_2, %add3A_1059 : i32
    %add3A_1061 = vector.broadcast %add3A_1060 : i32 to vector<16xi32>
    %add3A_1062 = arith.addi %iota3A, %add3A_1061 : vector<16xi32>
    %shift_right_logical3A_1063 = arith.constant 4 : i32
    %shift_right_logical3A_1064 = vector.broadcast %shift_right_logical3A_1063 : i32 to vector<16xi32>
    %shift_right_logical3A_1065 = arith.shrui %add3A_1062, %shift_right_logical3A_1064 : vector<16xi32>
    %mul3A_1066 = arith.constant 3 : i32
    %mul3A_1067 = vector.broadcast %mul3A_1066 : i32 to vector<16xi32>
    %mul3A_1068 = arith.muli %shift_right_logical3A_1065, %mul3A_1067 : vector<16xi32>
    %gather3A_1069 = tpu.vector_load_idx %arg11[%mul3A_1058] : memref<49152xf32, #tpu.memory_space<vmem>>[vector<16xi32>], vector<16xf32>,
    %add3A_1070 = arith.constant 1 : i32
    %add3A_1071 = vector.broadcast %add3A_1070 : i32 to vector<16xi32>
    %add3A_1072 = arith.addi %mul3A_1058, %add3A_1071 : vector<16xi32>
    %gather3A_1073 = tpu.vector_load_idx %arg11[%add3A_1072] : memref<49152xf32, #tpu.memory_space<vmem>>[vector<16xi32>], vector<16xf32>,
    %add3A_1074 = arith.constant 2 : i32
    %add3A_1075 = vector.broadcast %add3A_1074 : i32 to vector<16xi32>
    %add3A_1076 = arith.addi %mul3A_1058, %add3A_1075 : vector<16xi32>
    %gather3A_1077 = tpu.vector_load_idx %arg11[%add3A_1076] : memref<49152xf32, #tpu.memory_space<vmem>>[vector<16xi32>], vector<16xf32>,
    %gather3A_1078 = tpu.vector_load_idx %arg12[%mul3A_1068] : memref<3072xf32, #tpu.memory_space<vmem>>[vector<16xi32>], vector<16xf32>,
    %add3A_1079 = arith.constant 1 : i32
    %add3A_1080 = vector.broadcast %add3A_1079 : i32 to vector<16xi32>
    %add3A_1081 = arith.addi %mul3A_1068, %add3A_1080 : vector<16xi32>
    %gather3A_1082 = tpu.vector_load_idx %arg12[%add3A_1081] : memref<3072xf32, #tpu.memory_space<vmem>>[vector<16xi32>], vector<16xf32>,
    %add3A_1083 = arith.constant 2 : i32
    %add3A_1084 = vector.broadcast %add3A_1083 : i32 to vector<16xi32>
    %add3A_1085 = arith.addi %mul3A_1068, %add3A_1084 : vector<16xi32>
    %gather3A_1086 = tpu.vector_load_idx %arg12[%add3A_1085] : memref<3072xf32, #tpu.memory_space<vmem>>[vector<16xi32>], vector<16xf32>,
    %swap3A_1087 = arith.constant 352 : index
    %swap3A_1088 = tpu.vector_load %arg14[%swap3A_1087] {strides = array<i32>} : memref<512xf32, #tpu.memory_space<vmem>>, vector<16xf32>,
    tpu.vector_store %arg14[%swap3A_1087], %gather3A_1069 {strides = array<i32>} : memref<512xf32, #tpu.memory_space<vmem>>, vector<16xf32>,
    %swap3A_1089 = arith.constant 352 : index
    %swap3A_1090 = tpu.vector_load %arg15[%swap3A_1089] {strides = array<i32>} : memref<512xf32, #tpu.memory_space<vmem>>, vector<16xf32>,
    tpu.vector_store %arg15[%swap3A_1089], %gather3A_1073 {strides = array<i32>} : memref<512xf32, #tpu.memory_space<vmem>>, vector<16xf32>,
    %swap3A_1091 = arith.constant 352 : index
    %swap3A_1092 = tpu.vector_load %arg16[%swap3A_1091] {strides = array<i32>} : memref<512xf32, #tpu.memory_space<vmem>>, vector<16xf32>,
    tpu.vector_store %arg16[%swap3A_1091], %gather3A_1077 {strides = array<i32>} : memref<512xf32, #tpu.memory_space<vmem>>, vector<16xf32>,
    %sub3A_1093 = arith.subf %gather3A_1069, %gather3A_1078 : vector<16xf32>
    %swap3A_1094 = arith.constant 352 : index
    %swap3A_1095 = tpu.vector_load %arg17[%swap3A_1094] {strides = array<i32>} : memref<512xf32, #tpu.memory_space<vmem>>, vector<16xf32>,
    tpu.vector_store %arg17[%swap3A_1094], %sub3A_1093 {strides = array<i32>} : memref<512xf32, #tpu.memory_space<vmem>>, vector<16xf32>,
    %sub3A_1096 = arith.subf %gather3A_1073, %gather3A_1082 : vector<16xf32>
    %swap3A_1097 = arith.constant 352 : index
    %swap3A_1098 = tpu.vector_load %arg18[%swap3A_1097] {strides = array<i32>} : memref<512xf32, #tpu.memory_space<vmem>>, vector<16xf32>,
    tpu.vector_store %arg18[%swap3A_1097], %sub3A_1096 {strides = array<i32>} : memref<512xf32, #tpu.memory_space<vmem>>, vector<16xf32>,
    %sub3A_1099 = arith.subf %gather3A_1077, %gather3A_1086 : vector<16xf32>
    %swap3A_1100 = arith.constant 352 : index
    %swap3A_1101 = tpu.vector_load %arg19[%swap3A_1100] {strides = array<i32>} : memref<512xf32, #tpu.memory_space<vmem>>, vector<16xf32>,
    tpu.vector_store %arg19[%swap3A_1100], %sub3A_1099 {strides = array<i32>} : memref<512xf32, #tpu.memory_space<vmem>>, vector<16xf32>,
    %get3A_1102 = arith.constant 368 : index
    %get3A_1103 = tpu.vector_load %arg13[%get3A_1102] {strides = array<i32>} : memref<512xi32, #tpu.memory_space<vmem>>, vector<16xi32>,
    %mul3A_1104 = arith.constant 3 : i32
    %mul3A_1105 = vector.broadcast %mul3A_1104 : i32 to vector<16xi32>
    %mul3A_1106 = arith.muli %get3A_1103, %mul3A_1105 : vector<16xi32>
    %add3A_1107 = arith.constant 368 : i32
    %add3A_1108 = arith.addi %mul3A_2, %add3A_1107 : i32
    %add3A_1109 = vector.broadcast %add3A_1108 : i32 to vector<16xi32>
    %add3A_1110 = arith.addi %iota3A, %add3A_1109 : vector<16xi32>
    %shift_right_logical3A_1111 = arith.constant 4 : i32
    %shift_right_logical3A_1112 = vector.broadcast %shift_right_logical3A_1111 : i32 to vector<16xi32>
    %shift_right_logical3A_1113 = arith.shrui %add3A_1110, %shift_right_logical3A_1112 : vector<16xi32>
    %mul3A_1114 = arith.constant 3 : i32
    %mul3A_1115 = vector.broadcast %mul3A_1114 : i32 to vector<16xi32>
    %mul3A_1116 = arith.muli %shift_right_logical3A_1113, %mul3A_1115 : vector<16xi32>
    %gather3A_1117 = tpu.vector_load_idx %arg11[%mul3A_1106] : memref<49152xf32, #tpu.memory_space<vmem>>[vector<16xi32>], vector<16xf32>,
    %add3A_1118 = arith.constant 1 : i32
    %add3A_1119 = vector.broadcast %add3A_1118 : i32 to vector<16xi32>
    %add3A_1120 = arith.addi %mul3A_1106, %add3A_1119 : vector<16xi32>
    %gather3A_1121 = tpu.vector_load_idx %arg11[%add3A_1120] : memref<49152xf32, #tpu.memory_space<vmem>>[vector<16xi32>], vector<16xf32>,
    %add3A_1122 = arith.constant 2 : i32
    %add3A_1123 = vector.broadcast %add3A_1122 : i32 to vector<16xi32>
    %add3A_1124 = arith.addi %mul3A_1106, %add3A_1123 : vector<16xi32>
    %gather3A_1125 = tpu.vector_load_idx %arg11[%add3A_1124] : memref<49152xf32, #tpu.memory_space<vmem>>[vector<16xi32>], vector<16xf32>,
    %gather3A_1126 = tpu.vector_load_idx %arg12[%mul3A_1116] : memref<3072xf32, #tpu.memory_space<vmem>>[vector<16xi32>], vector<16xf32>,
    %add3A_1127 = arith.constant 1 : i32
    %add3A_1128 = vector.broadcast %add3A_1127 : i32 to vector<16xi32>
    %add3A_1129 = arith.addi %mul3A_1116, %add3A_1128 : vector<16xi32>
    %gather3A_1130 = tpu.vector_load_idx %arg12[%add3A_1129] : memref<3072xf32, #tpu.memory_space<vmem>>[vector<16xi32>], vector<16xf32>,
    %add3A_1131 = arith.constant 2 : i32
    %add3A_1132 = vector.broadcast %add3A_1131 : i32 to vector<16xi32>
    %add3A_1133 = arith.addi %mul3A_1116, %add3A_1132 : vector<16xi32>
    %gather3A_1134 = tpu.vector_load_idx %arg12[%add3A_1133] : memref<3072xf32, #tpu.memory_space<vmem>>[vector<16xi32>], vector<16xf32>,
    %swap3A_1135 = arith.constant 368 : index
    %swap3A_1136 = tpu.vector_load %arg14[%swap3A_1135] {strides = array<i32>} : memref<512xf32, #tpu.memory_space<vmem>>, vector<16xf32>,
    tpu.vector_store %arg14[%swap3A_1135], %gather3A_1117 {strides = array<i32>} : memref<512xf32, #tpu.memory_space<vmem>>, vector<16xf32>,
    %swap3A_1137 = arith.constant 368 : index
    %swap3A_1138 = tpu.vector_load %arg15[%swap3A_1137] {strides = array<i32>} : memref<512xf32, #tpu.memory_space<vmem>>, vector<16xf32>,
    tpu.vector_store %arg15[%swap3A_1137], %gather3A_1121 {strides = array<i32>} : memref<512xf32, #tpu.memory_space<vmem>>, vector<16xf32>,
    %swap3A_1139 = arith.constant 368 : index
    %swap3A_1140 = tpu.vector_load %arg16[%swap3A_1139] {strides = array<i32>} : memref<512xf32, #tpu.memory_space<vmem>>, vector<16xf32>,
    tpu.vector_store %arg16[%swap3A_1139], %gather3A_1125 {strides = array<i32>} : memref<512xf32, #tpu.memory_space<vmem>>, vector<16xf32>,
    %sub3A_1141 = arith.subf %gather3A_1117, %gather3A_1126 : vector<16xf32>
    %swap3A_1142 = arith.constant 368 : index
    %swap3A_1143 = tpu.vector_load %arg17[%swap3A_1142] {strides = array<i32>} : memref<512xf32, #tpu.memory_space<vmem>>, vector<16xf32>,
    tpu.vector_store %arg17[%swap3A_1142], %sub3A_1141 {strides = array<i32>} : memref<512xf32, #tpu.memory_space<vmem>>, vector<16xf32>,
    %sub3A_1144 = arith.subf %gather3A_1121, %gather3A_1130 : vector<16xf32>
    %swap3A_1145 = arith.constant 368 : index
    %swap3A_1146 = tpu.vector_load %arg18[%swap3A_1145] {strides = array<i32>} : memref<512xf32, #tpu.memory_space<vmem>>, vector<16xf32>,
    tpu.vector_store %arg18[%swap3A_1145], %sub3A_1144 {strides = array<i32>} : memref<512xf32, #tpu.memory_space<vmem>>, vector<16xf32>,
    %sub3A_1147 = arith.subf %gather3A_1125, %gather3A_1134 : vector<16xf32>
    %swap3A_1148 = arith.constant 368 : index
    %swap3A_1149 = tpu.vector_load %arg19[%swap3A_1148] {strides = array<i32>} : memref<512xf32, #tpu.memory_space<vmem>>, vector<16xf32>,
    tpu.vector_store %arg19[%swap3A_1148], %sub3A_1147 {strides = array<i32>} : memref<512xf32, #tpu.memory_space<vmem>>, vector<16xf32>,
    %get3A_1150 = arith.constant 384 : index
    %get3A_1151 = tpu.vector_load %arg13[%get3A_1150] {strides = array<i32>} : memref<512xi32, #tpu.memory_space<vmem>>, vector<16xi32>,
    %mul3A_1152 = arith.constant 3 : i32
    %mul3A_1153 = vector.broadcast %mul3A_1152 : i32 to vector<16xi32>
    %mul3A_1154 = arith.muli %get3A_1151, %mul3A_1153 : vector<16xi32>
    %add3A_1155 = arith.constant 384 : i32
    %add3A_1156 = arith.addi %mul3A_2, %add3A_1155 : i32
    %add3A_1157 = vector.broadcast %add3A_1156 : i32 to vector<16xi32>
    %add3A_1158 = arith.addi %iota3A, %add3A_1157 : vector<16xi32>
    %shift_right_logical3A_1159 = arith.constant 4 : i32
    %shift_right_logical3A_1160 = vector.broadcast %shift_right_logical3A_1159 : i32 to vector<16xi32>
    %shift_right_logical3A_1161 = arith.shrui %add3A_1158, %shift_right_logical3A_1160 : vector<16xi32>
    %mul3A_1162 = arith.constant 3 : i32
    %mul3A_1163 = vector.broadcast %mul3A_1162 : i32 to vector<16xi32>
    %mul3A_1164 = arith.muli %shift_right_logical3A_1161, %mul3A_1163 : vector<16xi32>
    %gather3A_1165 = tpu.vector_load_idx %arg11[%mul3A_1154] : memref<49152xf32, #tpu.memory_space<vmem>>[vector<16xi32>], vector<16xf32>,
    %add3A_1166 = arith.constant 1 : i32
    %add3A_1167 = vector.broadcast %add3A_1166 : i32 to vector<16xi32>
    %add3A_1168 = arith.addi %mul3A_1154, %add3A_1167 : vector<16xi32>
    %gather3A_1169 = tpu.vector_load_idx %arg11[%add3A_1168] : memref<49152xf32, #tpu.memory_space<vmem>>[vector<16xi32>], vector<16xf32>,
    %add3A_1170 = arith.constant 2 : i32
    %add3A_1171 = vector.broadcast %add3A_1170 : i32 to vector<16xi32>
    %add3A_1172 = arith.addi %mul3A_1154, %add3A_1171 : vector<16xi32>
    %gather3A_1173 = tpu.vector_load_idx %arg11[%add3A_1172] : memref<49152xf32, #tpu.memory_space<vmem>>[vector<16xi32>], vector<16xf32>,
    %gather3A_1174 = tpu.vector_load_idx %arg12[%mul3A_1164] : memref<3072xf32, #tpu.memory_space<vmem>>[vector<16xi32>], vector<16xf32>,
    %add3A_1175 = arith.constant 1 : i32
    %add3A_1176 = vector.broadcast %add3A_1175 : i32 to vector<16xi32>
    %add3A_1177 = arith.addi %mul3A_1164, %add3A_1176 : vector<16xi32>
    %gather3A_1178 = tpu.vector_load_idx %arg12[%add3A_1177] : memref<3072xf32, #tpu.memory_space<vmem>>[vector<16xi32>], vector<16xf32>,
    %add3A_1179 = arith.constant 2 : i32
    %add3A_1180 = vector.broadcast %add3A_1179 : i32 to vector<16xi32>
    %add3A_1181 = arith.addi %mul3A_1164, %add3A_1180 : vector<16xi32>
    %gather3A_1182 = tpu.vector_load_idx %arg12[%add3A_1181] : memref<3072xf32, #tpu.memory_space<vmem>>[vector<16xi32>], vector<16xf32>,
    %swap3A_1183 = arith.constant 384 : index
    %swap3A_1184 = tpu.vector_load %arg14[%swap3A_1183] {strides = array<i32>} : memref<512xf32, #tpu.memory_space<vmem>>, vector<16xf32>,
    tpu.vector_store %arg14[%swap3A_1183], %gather3A_1165 {strides = array<i32>} : memref<512xf32, #tpu.memory_space<vmem>>, vector<16xf32>,
    %swap3A_1185 = arith.constant 384 : index
    %swap3A_1186 = tpu.vector_load %arg15[%swap3A_1185] {strides = array<i32>} : memref<512xf32, #tpu.memory_space<vmem>>, vector<16xf32>,
    tpu.vector_store %arg15[%swap3A_1185], %gather3A_1169 {strides = array<i32>} : memref<512xf32, #tpu.memory_space<vmem>>, vector<16xf32>,
    %swap3A_1187 = arith.constant 384 : index
    %swap3A_1188 = tpu.vector_load %arg16[%swap3A_1187] {strides = array<i32>} : memref<512xf32, #tpu.memory_space<vmem>>, vector<16xf32>,
    tpu.vector_store %arg16[%swap3A_1187], %gather3A_1173 {strides = array<i32>} : memref<512xf32, #tpu.memory_space<vmem>>, vector<16xf32>,
    %sub3A_1189 = arith.subf %gather3A_1165, %gather3A_1174 : vector<16xf32>
    %swap3A_1190 = arith.constant 384 : index
    %swap3A_1191 = tpu.vector_load %arg17[%swap3A_1190] {strides = array<i32>} : memref<512xf32, #tpu.memory_space<vmem>>, vector<16xf32>,
    tpu.vector_store %arg17[%swap3A_1190], %sub3A_1189 {strides = array<i32>} : memref<512xf32, #tpu.memory_space<vmem>>, vector<16xf32>,
    %sub3A_1192 = arith.subf %gather3A_1169, %gather3A_1178 : vector<16xf32>
    %swap3A_1193 = arith.constant 384 : index
    %swap3A_1194 = tpu.vector_load %arg18[%swap3A_1193] {strides = array<i32>} : memref<512xf32, #tpu.memory_space<vmem>>, vector<16xf32>,
    tpu.vector_store %arg18[%swap3A_1193], %sub3A_1192 {strides = array<i32>} : memref<512xf32, #tpu.memory_space<vmem>>, vector<16xf32>,
    %sub3A_1195 = arith.subf %gather3A_1173, %gather3A_1182 : vector<16xf32>
    %swap3A_1196 = arith.constant 384 : index
    %swap3A_1197 = tpu.vector_load %arg19[%swap3A_1196] {strides = array<i32>} : memref<512xf32, #tpu.memory_space<vmem>>, vector<16xf32>,
    tpu.vector_store %arg19[%swap3A_1196], %sub3A_1195 {strides = array<i32>} : memref<512xf32, #tpu.memory_space<vmem>>, vector<16xf32>,
    %get3A_1198 = arith.constant 400 : index
    %get3A_1199 = tpu.vector_load %arg13[%get3A_1198] {strides = array<i32>} : memref<512xi32, #tpu.memory_space<vmem>>, vector<16xi32>,
    %mul3A_1200 = arith.constant 3 : i32
    %mul3A_1201 = vector.broadcast %mul3A_1200 : i32 to vector<16xi32>
    %mul3A_1202 = arith.muli %get3A_1199, %mul3A_1201 : vector<16xi32>
    %add3A_1203 = arith.constant 400 : i32
    %add3A_1204 = arith.addi %mul3A_2, %add3A_1203 : i32
    %add3A_1205 = vector.broadcast %add3A_1204 : i32 to vector<16xi32>
    %add3A_1206 = arith.addi %iota3A, %add3A_1205 : vector<16xi32>
    %shift_right_logical3A_1207 = arith.constant 4 : i32
    %shift_right_logical3A_1208 = vector.broadcast %shift_right_logical3A_1207 : i32 to vector<16xi32>
    %shift_right_logical3A_1209 = arith.shrui %add3A_1206, %shift_right_logical3A_1208 : vector<16xi32>
    %mul3A_1210 = arith.constant 3 : i32
    %mul3A_1211 = vector.broadcast %mul3A_1210 : i32 to vector<16xi32>
    %mul3A_1212 = arith.muli %shift_right_logical3A_1209, %mul3A_1211 : vector<16xi32>
    %gather3A_1213 = tpu.vector_load_idx %arg11[%mul3A_1202] : memref<49152xf32, #tpu.memory_space<vmem>>[vector<16xi32>], vector<16xf32>,
    %add3A_1214 = arith.constant 1 : i32
    %add3A_1215 = vector.broadcast %add3A_1214 : i32 to vector<16xi32>
    %add3A_1216 = arith.addi %mul3A_1202, %add3A_1215 : vector<16xi32>
    %gather3A_1217 = tpu.vector_load_idx %arg11[%add3A_1216] : memref<49152xf32, #tpu.memory_space<vmem>>[vector<16xi32>], vector<16xf32>,
    %add3A_1218 = arith.constant 2 : i32
    %add3A_1219 = vector.broadcast %add3A_1218 : i32 to vector<16xi32>
    %add3A_1220 = arith.addi %mul3A_1202, %add3A_1219 : vector<16xi32>
    %gather3A_1221 = tpu.vector_load_idx %arg11[%add3A_1220] : memref<49152xf32, #tpu.memory_space<vmem>>[vector<16xi32>], vector<16xf32>,
    %gather3A_1222 = tpu.vector_load_idx %arg12[%mul3A_1212] : memref<3072xf32, #tpu.memory_space<vmem>>[vector<16xi32>], vector<16xf32>,
    %add3A_1223 = arith.constant 1 : i32
    %add3A_1224 = vector.broadcast %add3A_1223 : i32 to vector<16xi32>
    %add3A_1225 = arith.addi %mul3A_1212, %add3A_1224 : vector<16xi32>
    %gather3A_1226 = tpu.vector_load_idx %arg12[%add3A_1225] : memref<3072xf32, #tpu.memory_space<vmem>>[vector<16xi32>], vector<16xf32>,
    %add3A_1227 = arith.constant 2 : i32
    %add3A_1228 = vector.broadcast %add3A_1227 : i32 to vector<16xi32>
    %add3A_1229 = arith.addi %mul3A_1212, %add3A_1228 : vector<16xi32>
    %gather3A_1230 = tpu.vector_load_idx %arg12[%add3A_1229] : memref<3072xf32, #tpu.memory_space<vmem>>[vector<16xi32>], vector<16xf32>,
    %swap3A_1231 = arith.constant 400 : index
    %swap3A_1232 = tpu.vector_load %arg14[%swap3A_1231] {strides = array<i32>} : memref<512xf32, #tpu.memory_space<vmem>>, vector<16xf32>,
    tpu.vector_store %arg14[%swap3A_1231], %gather3A_1213 {strides = array<i32>} : memref<512xf32, #tpu.memory_space<vmem>>, vector<16xf32>,
    %swap3A_1233 = arith.constant 400 : index
    %swap3A_1234 = tpu.vector_load %arg15[%swap3A_1233] {strides = array<i32>} : memref<512xf32, #tpu.memory_space<vmem>>, vector<16xf32>,
    tpu.vector_store %arg15[%swap3A_1233], %gather3A_1217 {strides = array<i32>} : memref<512xf32, #tpu.memory_space<vmem>>, vector<16xf32>,
    %swap3A_1235 = arith.constant 400 : index
    %swap3A_1236 = tpu.vector_load %arg16[%swap3A_1235] {strides = array<i32>} : memref<512xf32, #tpu.memory_space<vmem>>, vector<16xf32>,
    tpu.vector_store %arg16[%swap3A_1235], %gather3A_1221 {strides = array<i32>} : memref<512xf32, #tpu.memory_space<vmem>>, vector<16xf32>,
    %sub3A_1237 = arith.subf %gather3A_1213, %gather3A_1222 : vector<16xf32>
    %swap3A_1238 = arith.constant 400 : index
    %swap3A_1239 = tpu.vector_load %arg17[%swap3A_1238] {strides = array<i32>} : memref<512xf32, #tpu.memory_space<vmem>>, vector<16xf32>,
    tpu.vector_store %arg17[%swap3A_1238], %sub3A_1237 {strides = array<i32>} : memref<512xf32, #tpu.memory_space<vmem>>, vector<16xf32>,
    %sub3A_1240 = arith.subf %gather3A_1217, %gather3A_1226 : vector<16xf32>
    %swap3A_1241 = arith.constant 400 : index
    %swap3A_1242 = tpu.vector_load %arg18[%swap3A_1241] {strides = array<i32>} : memref<512xf32, #tpu.memory_space<vmem>>, vector<16xf32>,
    tpu.vector_store %arg18[%swap3A_1241], %sub3A_1240 {strides = array<i32>} : memref<512xf32, #tpu.memory_space<vmem>>, vector<16xf32>,
    %sub3A_1243 = arith.subf %gather3A_1221, %gather3A_1230 : vector<16xf32>
    %swap3A_1244 = arith.constant 400 : index
    %swap3A_1245 = tpu.vector_load %arg19[%swap3A_1244] {strides = array<i32>} : memref<512xf32, #tpu.memory_space<vmem>>, vector<16xf32>,
    tpu.vector_store %arg19[%swap3A_1244], %sub3A_1243 {strides = array<i32>} : memref<512xf32, #tpu.memory_space<vmem>>, vector<16xf32>,
    %get3A_1246 = arith.constant 416 : index
    %get3A_1247 = tpu.vector_load %arg13[%get3A_1246] {strides = array<i32>} : memref<512xi32, #tpu.memory_space<vmem>>, vector<16xi32>,
    %mul3A_1248 = arith.constant 3 : i32
    %mul3A_1249 = vector.broadcast %mul3A_1248 : i32 to vector<16xi32>
    %mul3A_1250 = arith.muli %get3A_1247, %mul3A_1249 : vector<16xi32>
    %add3A_1251 = arith.constant 416 : i32
    %add3A_1252 = arith.addi %mul3A_2, %add3A_1251 : i32
    %add3A_1253 = vector.broadcast %add3A_1252 : i32 to vector<16xi32>
    %add3A_1254 = arith.addi %iota3A, %add3A_1253 : vector<16xi32>
    %shift_right_logical3A_1255 = arith.constant 4 : i32
    %shift_right_logical3A_1256 = vector.broadcast %shift_right_logical3A_1255 : i32 to vector<16xi32>
    %shift_right_logical3A_1257 = arith.shrui %add3A_1254, %shift_right_logical3A_1256 : vector<16xi32>
    %mul3A_1258 = arith.constant 3 : i32
    %mul3A_1259 = vector.broadcast %mul3A_1258 : i32 to vector<16xi32>
    %mul3A_1260 = arith.muli %shift_right_logical3A_1257, %mul3A_1259 : vector<16xi32>
    %gather3A_1261 = tpu.vector_load_idx %arg11[%mul3A_1250] : memref<49152xf32, #tpu.memory_space<vmem>>[vector<16xi32>], vector<16xf32>,
    %add3A_1262 = arith.constant 1 : i32
    %add3A_1263 = vector.broadcast %add3A_1262 : i32 to vector<16xi32>
    %add3A_1264 = arith.addi %mul3A_1250, %add3A_1263 : vector<16xi32>
    %gather3A_1265 = tpu.vector_load_idx %arg11[%add3A_1264] : memref<49152xf32, #tpu.memory_space<vmem>>[vector<16xi32>], vector<16xf32>,
    %add3A_1266 = arith.constant 2 : i32
    %add3A_1267 = vector.broadcast %add3A_1266 : i32 to vector<16xi32>
    %add3A_1268 = arith.addi %mul3A_1250, %add3A_1267 : vector<16xi32>
    %gather3A_1269 = tpu.vector_load_idx %arg11[%add3A_1268] : memref<49152xf32, #tpu.memory_space<vmem>>[vector<16xi32>], vector<16xf32>,
    %gather3A_1270 = tpu.vector_load_idx %arg12[%mul3A_1260] : memref<3072xf32, #tpu.memory_space<vmem>>[vector<16xi32>], vector<16xf32>,
    %add3A_1271 = arith.constant 1 : i32
    %add3A_1272 = vector.broadcast %add3A_1271 : i32 to vector<16xi32>
    %add3A_1273 = arith.addi %mul3A_1260, %add3A_1272 : vector<16xi32>
    %gather3A_1274 = tpu.vector_load_idx %arg12[%add3A_1273] : memref<3072xf32, #tpu.memory_space<vmem>>[vector<16xi32>], vector<16xf32>,
    %add3A_1275 = arith.constant 2 : i32
    %add3A_1276 = vector.broadcast %add3A_1275 : i32 to vector<16xi32>
    %add3A_1277 = arith.addi %mul3A_1260, %add3A_1276 : vector<16xi32>
    %gather3A_1278 = tpu.vector_load_idx %arg12[%add3A_1277] : memref<3072xf32, #tpu.memory_space<vmem>>[vector<16xi32>], vector<16xf32>,
    %swap3A_1279 = arith.constant 416 : index
    %swap3A_1280 = tpu.vector_load %arg14[%swap3A_1279] {strides = array<i32>} : memref<512xf32, #tpu.memory_space<vmem>>, vector<16xf32>,
    tpu.vector_store %arg14[%swap3A_1279], %gather3A_1261 {strides = array<i32>} : memref<512xf32, #tpu.memory_space<vmem>>, vector<16xf32>,
    %swap3A_1281 = arith.constant 416 : index
    %swap3A_1282 = tpu.vector_load %arg15[%swap3A_1281] {strides = array<i32>} : memref<512xf32, #tpu.memory_space<vmem>>, vector<16xf32>,
    tpu.vector_store %arg15[%swap3A_1281], %gather3A_1265 {strides = array<i32>} : memref<512xf32, #tpu.memory_space<vmem>>, vector<16xf32>,
    %swap3A_1283 = arith.constant 416 : index
    %swap3A_1284 = tpu.vector_load %arg16[%swap3A_1283] {strides = array<i32>} : memref<512xf32, #tpu.memory_space<vmem>>, vector<16xf32>,
    tpu.vector_store %arg16[%swap3A_1283], %gather3A_1269 {strides = array<i32>} : memref<512xf32, #tpu.memory_space<vmem>>, vector<16xf32>,
    %sub3A_1285 = arith.subf %gather3A_1261, %gather3A_1270 : vector<16xf32>
    %swap3A_1286 = arith.constant 416 : index
    %swap3A_1287 = tpu.vector_load %arg17[%swap3A_1286] {strides = array<i32>} : memref<512xf32, #tpu.memory_space<vmem>>, vector<16xf32>,
    tpu.vector_store %arg17[%swap3A_1286], %sub3A_1285 {strides = array<i32>} : memref<512xf32, #tpu.memory_space<vmem>>, vector<16xf32>,
    %sub3A_1288 = arith.subf %gather3A_1265, %gather3A_1274 : vector<16xf32>
    %swap3A_1289 = arith.constant 416 : index
    %swap3A_1290 = tpu.vector_load %arg18[%swap3A_1289] {strides = array<i32>} : memref<512xf32, #tpu.memory_space<vmem>>, vector<16xf32>,
    tpu.vector_store %arg18[%swap3A_1289], %sub3A_1288 {strides = array<i32>} : memref<512xf32, #tpu.memory_space<vmem>>, vector<16xf32>,
    %sub3A_1291 = arith.subf %gather3A_1269, %gather3A_1278 : vector<16xf32>
    %swap3A_1292 = arith.constant 416 : index
    %swap3A_1293 = tpu.vector_load %arg19[%swap3A_1292] {strides = array<i32>} : memref<512xf32, #tpu.memory_space<vmem>>, vector<16xf32>,
    tpu.vector_store %arg19[%swap3A_1292], %sub3A_1291 {strides = array<i32>} : memref<512xf32, #tpu.memory_space<vmem>>, vector<16xf32>,
    %get3A_1294 = arith.constant 432 : index
    %get3A_1295 = tpu.vector_load %arg13[%get3A_1294] {strides = array<i32>} : memref<512xi32, #tpu.memory_space<vmem>>, vector<16xi32>,
    %mul3A_1296 = arith.constant 3 : i32
    %mul3A_1297 = vector.broadcast %mul3A_1296 : i32 to vector<16xi32>
    %mul3A_1298 = arith.muli %get3A_1295, %mul3A_1297 : vector<16xi32>
    %add3A_1299 = arith.constant 432 : i32
    %add3A_1300 = arith.addi %mul3A_2, %add3A_1299 : i32
    %add3A_1301 = vector.broadcast %add3A_1300 : i32 to vector<16xi32>
    %add3A_1302 = arith.addi %iota3A, %add3A_1301 : vector<16xi32>
    %shift_right_logical3A_1303 = arith.constant 4 : i32
    %shift_right_logical3A_1304 = vector.broadcast %shift_right_logical3A_1303 : i32 to vector<16xi32>
    %shift_right_logical3A_1305 = arith.shrui %add3A_1302, %shift_right_logical3A_1304 : vector<16xi32>
    %mul3A_1306 = arith.constant 3 : i32
    %mul3A_1307 = vector.broadcast %mul3A_1306 : i32 to vector<16xi32>
    %mul3A_1308 = arith.muli %shift_right_logical3A_1305, %mul3A_1307 : vector<16xi32>
    %gather3A_1309 = tpu.vector_load_idx %arg11[%mul3A_1298] : memref<49152xf32, #tpu.memory_space<vmem>>[vector<16xi32>], vector<16xf32>,
    %add3A_1310 = arith.constant 1 : i32
    %add3A_1311 = vector.broadcast %add3A_1310 : i32 to vector<16xi32>
    %add3A_1312 = arith.addi %mul3A_1298, %add3A_1311 : vector<16xi32>
    %gather3A_1313 = tpu.vector_load_idx %arg11[%add3A_1312] : memref<49152xf32, #tpu.memory_space<vmem>>[vector<16xi32>], vector<16xf32>,
    %add3A_1314 = arith.constant 2 : i32
    %add3A_1315 = vector.broadcast %add3A_1314 : i32 to vector<16xi32>
    %add3A_1316 = arith.addi %mul3A_1298, %add3A_1315 : vector<16xi32>
    %gather3A_1317 = tpu.vector_load_idx %arg11[%add3A_1316] : memref<49152xf32, #tpu.memory_space<vmem>>[vector<16xi32>], vector<16xf32>,
    %gather3A_1318 = tpu.vector_load_idx %arg12[%mul3A_1308] : memref<3072xf32, #tpu.memory_space<vmem>>[vector<16xi32>], vector<16xf32>,
    %add3A_1319 = arith.constant 1 : i32
    %add3A_1320 = vector.broadcast %add3A_1319 : i32 to vector<16xi32>
    %add3A_1321 = arith.addi %mul3A_1308, %add3A_1320 : vector<16xi32>
    %gather3A_1322 = tpu.vector_load_idx %arg12[%add3A_1321] : memref<3072xf32, #tpu.memory_space<vmem>>[vector<16xi32>], vector<16xf32>,
    %add3A_1323 = arith.constant 2 : i32
    %add3A_1324 = vector.broadcast %add3A_1323 : i32 to vector<16xi32>
    %add3A_1325 = arith.addi %mul3A_1308, %add3A_1324 : vector<16xi32>
    %gather3A_1326 = tpu.vector_load_idx %arg12[%add3A_1325] : memref<3072xf32, #tpu.memory_space<vmem>>[vector<16xi32>], vector<16xf32>,
    %swap3A_1327 = arith.constant 432 : index
    %swap3A_1328 = tpu.vector_load %arg14[%swap3A_1327] {strides = array<i32>} : memref<512xf32, #tpu.memory_space<vmem>>, vector<16xf32>,
    tpu.vector_store %arg14[%swap3A_1327], %gather3A_1309 {strides = array<i32>} : memref<512xf32, #tpu.memory_space<vmem>>, vector<16xf32>,
    %swap3A_1329 = arith.constant 432 : index
    %swap3A_1330 = tpu.vector_load %arg15[%swap3A_1329] {strides = array<i32>} : memref<512xf32, #tpu.memory_space<vmem>>, vector<16xf32>,
    tpu.vector_store %arg15[%swap3A_1329], %gather3A_1313 {strides = array<i32>} : memref<512xf32, #tpu.memory_space<vmem>>, vector<16xf32>,
    %swap3A_1331 = arith.constant 432 : index
    %swap3A_1332 = tpu.vector_load %arg16[%swap3A_1331] {strides = array<i32>} : memref<512xf32, #tpu.memory_space<vmem>>, vector<16xf32>,
    tpu.vector_store %arg16[%swap3A_1331], %gather3A_1317 {strides = array<i32>} : memref<512xf32, #tpu.memory_space<vmem>>, vector<16xf32>,
    %sub3A_1333 = arith.subf %gather3A_1309, %gather3A_1318 : vector<16xf32>
    %swap3A_1334 = arith.constant 432 : index
    %swap3A_1335 = tpu.vector_load %arg17[%swap3A_1334] {strides = array<i32>} : memref<512xf32, #tpu.memory_space<vmem>>, vector<16xf32>,
    tpu.vector_store %arg17[%swap3A_1334], %sub3A_1333 {strides = array<i32>} : memref<512xf32, #tpu.memory_space<vmem>>, vector<16xf32>,
    %sub3A_1336 = arith.subf %gather3A_1313, %gather3A_1322 : vector<16xf32>
    %swap3A_1337 = arith.constant 432 : index
    %swap3A_1338 = tpu.vector_load %arg18[%swap3A_1337] {strides = array<i32>} : memref<512xf32, #tpu.memory_space<vmem>>, vector<16xf32>,
    tpu.vector_store %arg18[%swap3A_1337], %sub3A_1336 {strides = array<i32>} : memref<512xf32, #tpu.memory_space<vmem>>, vector<16xf32>,
    %sub3A_1339 = arith.subf %gather3A_1317, %gather3A_1326 : vector<16xf32>
    %swap3A_1340 = arith.constant 432 : index
    %swap3A_1341 = tpu.vector_load %arg19[%swap3A_1340] {strides = array<i32>} : memref<512xf32, #tpu.memory_space<vmem>>, vector<16xf32>,
    tpu.vector_store %arg19[%swap3A_1340], %sub3A_1339 {strides = array<i32>} : memref<512xf32, #tpu.memory_space<vmem>>, vector<16xf32>,
    %get3A_1342 = arith.constant 448 : index
    %get3A_1343 = tpu.vector_load %arg13[%get3A_1342] {strides = array<i32>} : memref<512xi32, #tpu.memory_space<vmem>>, vector<16xi32>,
    %mul3A_1344 = arith.constant 3 : i32
    %mul3A_1345 = vector.broadcast %mul3A_1344 : i32 to vector<16xi32>
    %mul3A_1346 = arith.muli %get3A_1343, %mul3A_1345 : vector<16xi32>
    %add3A_1347 = arith.constant 448 : i32
    %add3A_1348 = arith.addi %mul3A_2, %add3A_1347 : i32
    %add3A_1349 = vector.broadcast %add3A_1348 : i32 to vector<16xi32>
    %add3A_1350 = arith.addi %iota3A, %add3A_1349 : vector<16xi32>
    %shift_right_logical3A_1351 = arith.constant 4 : i32
    %shift_right_logical3A_1352 = vector.broadcast %shift_right_logical3A_1351 : i32 to vector<16xi32>
    %shift_right_logical3A_1353 = arith.shrui %add3A_1350, %shift_right_logical3A_1352 : vector<16xi32>
    %mul3A_1354 = arith.constant 3 : i32
    %mul3A_1355 = vector.broadcast %mul3A_1354 : i32 to vector<16xi32>
    %mul3A_1356 = arith.muli %shift_right_logical3A_1353, %mul3A_1355 : vector<16xi32>
    %gather3A_1357 = tpu.vector_load_idx %arg11[%mul3A_1346] : memref<49152xf32, #tpu.memory_space<vmem>>[vector<16xi32>], vector<16xf32>,
    %add3A_1358 = arith.constant 1 : i32
    %add3A_1359 = vector.broadcast %add3A_1358 : i32 to vector<16xi32>
    %add3A_1360 = arith.addi %mul3A_1346, %add3A_1359 : vector<16xi32>
    %gather3A_1361 = tpu.vector_load_idx %arg11[%add3A_1360] : memref<49152xf32, #tpu.memory_space<vmem>>[vector<16xi32>], vector<16xf32>,
    %add3A_1362 = arith.constant 2 : i32
    %add3A_1363 = vector.broadcast %add3A_1362 : i32 to vector<16xi32>
    %add3A_1364 = arith.addi %mul3A_1346, %add3A_1363 : vector<16xi32>
    %gather3A_1365 = tpu.vector_load_idx %arg11[%add3A_1364] : memref<49152xf32, #tpu.memory_space<vmem>>[vector<16xi32>], vector<16xf32>,
    %gather3A_1366 = tpu.vector_load_idx %arg12[%mul3A_1356] : memref<3072xf32, #tpu.memory_space<vmem>>[vector<16xi32>], vector<16xf32>,
    %add3A_1367 = arith.constant 1 : i32
    %add3A_1368 = vector.broadcast %add3A_1367 : i32 to vector<16xi32>
    %add3A_1369 = arith.addi %mul3A_1356, %add3A_1368 : vector<16xi32>
    %gather3A_1370 = tpu.vector_load_idx %arg12[%add3A_1369] : memref<3072xf32, #tpu.memory_space<vmem>>[vector<16xi32>], vector<16xf32>,
    %add3A_1371 = arith.constant 2 : i32
    %add3A_1372 = vector.broadcast %add3A_1371 : i32 to vector<16xi32>
    %add3A_1373 = arith.addi %mul3A_1356, %add3A_1372 : vector<16xi32>
    %gather3A_1374 = tpu.vector_load_idx %arg12[%add3A_1373] : memref<3072xf32, #tpu.memory_space<vmem>>[vector<16xi32>], vector<16xf32>,
    %swap3A_1375 = arith.constant 448 : index
    %swap3A_1376 = tpu.vector_load %arg14[%swap3A_1375] {strides = array<i32>} : memref<512xf32, #tpu.memory_space<vmem>>, vector<16xf32>,
    tpu.vector_store %arg14[%swap3A_1375], %gather3A_1357 {strides = array<i32>} : memref<512xf32, #tpu.memory_space<vmem>>, vector<16xf32>,
    %swap3A_1377 = arith.constant 448 : index
    %swap3A_1378 = tpu.vector_load %arg15[%swap3A_1377] {strides = array<i32>} : memref<512xf32, #tpu.memory_space<vmem>>, vector<16xf32>,
    tpu.vector_store %arg15[%swap3A_1377], %gather3A_1361 {strides = array<i32>} : memref<512xf32, #tpu.memory_space<vmem>>, vector<16xf32>,
    %swap3A_1379 = arith.constant 448 : index
    %swap3A_1380 = tpu.vector_load %arg16[%swap3A_1379] {strides = array<i32>} : memref<512xf32, #tpu.memory_space<vmem>>, vector<16xf32>,
    tpu.vector_store %arg16[%swap3A_1379], %gather3A_1365 {strides = array<i32>} : memref<512xf32, #tpu.memory_space<vmem>>, vector<16xf32>,
    %sub3A_1381 = arith.subf %gather3A_1357, %gather3A_1366 : vector<16xf32>
    %swap3A_1382 = arith.constant 448 : index
    %swap3A_1383 = tpu.vector_load %arg17[%swap3A_1382] {strides = array<i32>} : memref<512xf32, #tpu.memory_space<vmem>>, vector<16xf32>,
    tpu.vector_store %arg17[%swap3A_1382], %sub3A_1381 {strides = array<i32>} : memref<512xf32, #tpu.memory_space<vmem>>, vector<16xf32>,
    %sub3A_1384 = arith.subf %gather3A_1361, %gather3A_1370 : vector<16xf32>
    %swap3A_1385 = arith.constant 448 : index
    %swap3A_1386 = tpu.vector_load %arg18[%swap3A_1385] {strides = array<i32>} : memref<512xf32, #tpu.memory_space<vmem>>, vector<16xf32>,
    tpu.vector_store %arg18[%swap3A_1385], %sub3A_1384 {strides = array<i32>} : memref<512xf32, #tpu.memory_space<vmem>>, vector<16xf32>,
    %sub3A_1387 = arith.subf %gather3A_1365, %gather3A_1374 : vector<16xf32>
    %swap3A_1388 = arith.constant 448 : index
    %swap3A_1389 = tpu.vector_load %arg19[%swap3A_1388] {strides = array<i32>} : memref<512xf32, #tpu.memory_space<vmem>>, vector<16xf32>,
    tpu.vector_store %arg19[%swap3A_1388], %sub3A_1387 {strides = array<i32>} : memref<512xf32, #tpu.memory_space<vmem>>, vector<16xf32>,
    %get3A_1390 = arith.constant 464 : index
    %get3A_1391 = tpu.vector_load %arg13[%get3A_1390] {strides = array<i32>} : memref<512xi32, #tpu.memory_space<vmem>>, vector<16xi32>,
    %mul3A_1392 = arith.constant 3 : i32
    %mul3A_1393 = vector.broadcast %mul3A_1392 : i32 to vector<16xi32>
    %mul3A_1394 = arith.muli %get3A_1391, %mul3A_1393 : vector<16xi32>
    %add3A_1395 = arith.constant 464 : i32
    %add3A_1396 = arith.addi %mul3A_2, %add3A_1395 : i32
    %add3A_1397 = vector.broadcast %add3A_1396 : i32 to vector<16xi32>
    %add3A_1398 = arith.addi %iota3A, %add3A_1397 : vector<16xi32>
    %shift_right_logical3A_1399 = arith.constant 4 : i32
    %shift_right_logical3A_1400 = vector.broadcast %shift_right_logical3A_1399 : i32 to vector<16xi32>
    %shift_right_logical3A_1401 = arith.shrui %add3A_1398, %shift_right_logical3A_1400 : vector<16xi32>
    %mul3A_1402 = arith.constant 3 : i32
    %mul3A_1403 = vector.broadcast %mul3A_1402 : i32 to vector<16xi32>
    %mul3A_1404 = arith.muli %shift_right_logical3A_1401, %mul3A_1403 : vector<16xi32>
    %gather3A_1405 = tpu.vector_load_idx %arg11[%mul3A_1394] : memref<49152xf32, #tpu.memory_space<vmem>>[vector<16xi32>], vector<16xf32>,
    %add3A_1406 = arith.constant 1 : i32
    %add3A_1407 = vector.broadcast %add3A_1406 : i32 to vector<16xi32>
    %add3A_1408 = arith.addi %mul3A_1394, %add3A_1407 : vector<16xi32>
    %gather3A_1409 = tpu.vector_load_idx %arg11[%add3A_1408] : memref<49152xf32, #tpu.memory_space<vmem>>[vector<16xi32>], vector<16xf32>,
    %add3A_1410 = arith.constant 2 : i32
    %add3A_1411 = vector.broadcast %add3A_1410 : i32 to vector<16xi32>
    %add3A_1412 = arith.addi %mul3A_1394, %add3A_1411 : vector<16xi32>
    %gather3A_1413 = tpu.vector_load_idx %arg11[%add3A_1412] : memref<49152xf32, #tpu.memory_space<vmem>>[vector<16xi32>], vector<16xf32>,
    %gather3A_1414 = tpu.vector_load_idx %arg12[%mul3A_1404] : memref<3072xf32, #tpu.memory_space<vmem>>[vector<16xi32>], vector<16xf32>,
    %add3A_1415 = arith.constant 1 : i32
    %add3A_1416 = vector.broadcast %add3A_1415 : i32 to vector<16xi32>
    %add3A_1417 = arith.addi %mul3A_1404, %add3A_1416 : vector<16xi32>
    %gather3A_1418 = tpu.vector_load_idx %arg12[%add3A_1417] : memref<3072xf32, #tpu.memory_space<vmem>>[vector<16xi32>], vector<16xf32>,
    %add3A_1419 = arith.constant 2 : i32
    %add3A_1420 = vector.broadcast %add3A_1419 : i32 to vector<16xi32>
    %add3A_1421 = arith.addi %mul3A_1404, %add3A_1420 : vector<16xi32>
    %gather3A_1422 = tpu.vector_load_idx %arg12[%add3A_1421] : memref<3072xf32, #tpu.memory_space<vmem>>[vector<16xi32>], vector<16xf32>,
    %swap3A_1423 = arith.constant 464 : index
    %swap3A_1424 = tpu.vector_load %arg14[%swap3A_1423] {strides = array<i32>} : memref<512xf32, #tpu.memory_space<vmem>>, vector<16xf32>,
    tpu.vector_store %arg14[%swap3A_1423], %gather3A_1405 {strides = array<i32>} : memref<512xf32, #tpu.memory_space<vmem>>, vector<16xf32>,
    %swap3A_1425 = arith.constant 464 : index
    %swap3A_1426 = tpu.vector_load %arg15[%swap3A_1425] {strides = array<i32>} : memref<512xf32, #tpu.memory_space<vmem>>, vector<16xf32>,
    tpu.vector_store %arg15[%swap3A_1425], %gather3A_1409 {strides = array<i32>} : memref<512xf32, #tpu.memory_space<vmem>>, vector<16xf32>,
    %swap3A_1427 = arith.constant 464 : index
    %swap3A_1428 = tpu.vector_load %arg16[%swap3A_1427] {strides = array<i32>} : memref<512xf32, #tpu.memory_space<vmem>>, vector<16xf32>,
    tpu.vector_store %arg16[%swap3A_1427], %gather3A_1413 {strides = array<i32>} : memref<512xf32, #tpu.memory_space<vmem>>, vector<16xf32>,
    %sub3A_1429 = arith.subf %gather3A_1405, %gather3A_1414 : vector<16xf32>
    %swap3A_1430 = arith.constant 464 : index
    %swap3A_1431 = tpu.vector_load %arg17[%swap3A_1430] {strides = array<i32>} : memref<512xf32, #tpu.memory_space<vmem>>, vector<16xf32>,
    tpu.vector_store %arg17[%swap3A_1430], %sub3A_1429 {strides = array<i32>} : memref<512xf32, #tpu.memory_space<vmem>>, vector<16xf32>,
    %sub3A_1432 = arith.subf %gather3A_1409, %gather3A_1418 : vector<16xf32>
    %swap3A_1433 = arith.constant 464 : index
    %swap3A_1434 = tpu.vector_load %arg18[%swap3A_1433] {strides = array<i32>} : memref<512xf32, #tpu.memory_space<vmem>>, vector<16xf32>,
    tpu.vector_store %arg18[%swap3A_1433], %sub3A_1432 {strides = array<i32>} : memref<512xf32, #tpu.memory_space<vmem>>, vector<16xf32>,
    %sub3A_1435 = arith.subf %gather3A_1413, %gather3A_1422 : vector<16xf32>
    %swap3A_1436 = arith.constant 464 : index
    %swap3A_1437 = tpu.vector_load %arg19[%swap3A_1436] {strides = array<i32>} : memref<512xf32, #tpu.memory_space<vmem>>, vector<16xf32>,
    tpu.vector_store %arg19[%swap3A_1436], %sub3A_1435 {strides = array<i32>} : memref<512xf32, #tpu.memory_space<vmem>>, vector<16xf32>,
    %get3A_1438 = arith.constant 480 : index
    %get3A_1439 = tpu.vector_load %arg13[%get3A_1438] {strides = array<i32>} : memref<512xi32, #tpu.memory_space<vmem>>, vector<16xi32>,
    %mul3A_1440 = arith.constant 3 : i32
    %mul3A_1441 = vector.broadcast %mul3A_1440 : i32 to vector<16xi32>
    %mul3A_1442 = arith.muli %get3A_1439, %mul3A_1441 : vector<16xi32>
    %add3A_1443 = arith.constant 480 : i32
    %add3A_1444 = arith.addi %mul3A_2, %add3A_1443 : i32
    %add3A_1445 = vector.broadcast %add3A_1444 : i32 to vector<16xi32>
    %add3A_1446 = arith.addi %iota3A, %add3A_1445 : vector<16xi32>
    %shift_right_logical3A_1447 = arith.constant 4 : i32
    %shift_right_logical3A_1448 = vector.broadcast %shift_right_logical3A_1447 : i32 to vector<16xi32>
    %shift_right_logical3A_1449 = arith.shrui %add3A_1446, %shift_right_logical3A_1448 : vector<16xi32>
    %mul3A_1450 = arith.constant 3 : i32
    %mul3A_1451 = vector.broadcast %mul3A_1450 : i32 to vector<16xi32>
    %mul3A_1452 = arith.muli %shift_right_logical3A_1449, %mul3A_1451 : vector<16xi32>
    %gather3A_1453 = tpu.vector_load_idx %arg11[%mul3A_1442] : memref<49152xf32, #tpu.memory_space<vmem>>[vector<16xi32>], vector<16xf32>,
    %add3A_1454 = arith.constant 1 : i32
    %add3A_1455 = vector.broadcast %add3A_1454 : i32 to vector<16xi32>
    %add3A_1456 = arith.addi %mul3A_1442, %add3A_1455 : vector<16xi32>
    %gather3A_1457 = tpu.vector_load_idx %arg11[%add3A_1456] : memref<49152xf32, #tpu.memory_space<vmem>>[vector<16xi32>], vector<16xf32>,
    %add3A_1458 = arith.constant 2 : i32
    %add3A_1459 = vector.broadcast %add3A_1458 : i32 to vector<16xi32>
    %add3A_1460 = arith.addi %mul3A_1442, %add3A_1459 : vector<16xi32>
    %gather3A_1461 = tpu.vector_load_idx %arg11[%add3A_1460] : memref<49152xf32, #tpu.memory_space<vmem>>[vector<16xi32>], vector<16xf32>,
    %gather3A_1462 = tpu.vector_load_idx %arg12[%mul3A_1452] : memref<3072xf32, #tpu.memory_space<vmem>>[vector<16xi32>], vector<16xf32>,
    %add3A_1463 = arith.constant 1 : i32
    %add3A_1464 = vector.broadcast %add3A_1463 : i32 to vector<16xi32>
    %add3A_1465 = arith.addi %mul3A_1452, %add3A_1464 : vector<16xi32>
    %gather3A_1466 = tpu.vector_load_idx %arg12[%add3A_1465] : memref<3072xf32, #tpu.memory_space<vmem>>[vector<16xi32>], vector<16xf32>,
    %add3A_1467 = arith.constant 2 : i32
    %add3A_1468 = vector.broadcast %add3A_1467 : i32 to vector<16xi32>
    %add3A_1469 = arith.addi %mul3A_1452, %add3A_1468 : vector<16xi32>
    %gather3A_1470 = tpu.vector_load_idx %arg12[%add3A_1469] : memref<3072xf32, #tpu.memory_space<vmem>>[vector<16xi32>], vector<16xf32>,
    %swap3A_1471 = arith.constant 480 : index
    %swap3A_1472 = tpu.vector_load %arg14[%swap3A_1471] {strides = array<i32>} : memref<512xf32, #tpu.memory_space<vmem>>, vector<16xf32>,
    tpu.vector_store %arg14[%swap3A_1471], %gather3A_1453 {strides = array<i32>} : memref<512xf32, #tpu.memory_space<vmem>>, vector<16xf32>,
    %swap3A_1473 = arith.constant 480 : index
    %swap3A_1474 = tpu.vector_load %arg15[%swap3A_1473] {strides = array<i32>} : memref<512xf32, #tpu.memory_space<vmem>>, vector<16xf32>,
    tpu.vector_store %arg15[%swap3A_1473], %gather3A_1457 {strides = array<i32>} : memref<512xf32, #tpu.memory_space<vmem>>, vector<16xf32>,
    %swap3A_1475 = arith.constant 480 : index
    %swap3A_1476 = tpu.vector_load %arg16[%swap3A_1475] {strides = array<i32>} : memref<512xf32, #tpu.memory_space<vmem>>, vector<16xf32>,
    tpu.vector_store %arg16[%swap3A_1475], %gather3A_1461 {strides = array<i32>} : memref<512xf32, #tpu.memory_space<vmem>>, vector<16xf32>,
    %sub3A_1477 = arith.subf %gather3A_1453, %gather3A_1462 : vector<16xf32>
    %swap3A_1478 = arith.constant 480 : index
    %swap3A_1479 = tpu.vector_load %arg17[%swap3A_1478] {strides = array<i32>} : memref<512xf32, #tpu.memory_space<vmem>>, vector<16xf32>,
    tpu.vector_store %arg17[%swap3A_1478], %sub3A_1477 {strides = array<i32>} : memref<512xf32, #tpu.memory_space<vmem>>, vector<16xf32>,
    %sub3A_1480 = arith.subf %gather3A_1457, %gather3A_1466 : vector<16xf32>
    %swap3A_1481 = arith.constant 480 : index
    %swap3A_1482 = tpu.vector_load %arg18[%swap3A_1481] {strides = array<i32>} : memref<512xf32, #tpu.memory_space<vmem>>, vector<16xf32>,
    tpu.vector_store %arg18[%swap3A_1481], %sub3A_1480 {strides = array<i32>} : memref<512xf32, #tpu.memory_space<vmem>>, vector<16xf32>,
    %sub3A_1483 = arith.subf %gather3A_1461, %gather3A_1470 : vector<16xf32>
    %swap3A_1484 = arith.constant 480 : index
    %swap3A_1485 = tpu.vector_load %arg19[%swap3A_1484] {strides = array<i32>} : memref<512xf32, #tpu.memory_space<vmem>>, vector<16xf32>,
    tpu.vector_store %arg19[%swap3A_1484], %sub3A_1483 {strides = array<i32>} : memref<512xf32, #tpu.memory_space<vmem>>, vector<16xf32>,
    %get3A_1486 = arith.constant 496 : index
    %get3A_1487 = tpu.vector_load %arg13[%get3A_1486] {strides = array<i32>} : memref<512xi32, #tpu.memory_space<vmem>>, vector<16xi32>,
    %mul3A_1488 = arith.constant 3 : i32
    %mul3A_1489 = vector.broadcast %mul3A_1488 : i32 to vector<16xi32>
    %mul3A_1490 = arith.muli %get3A_1487, %mul3A_1489 : vector<16xi32>
    %add3A_1491 = arith.constant 496 : i32
    %add3A_1492 = arith.addi %mul3A_2, %add3A_1491 : i32
    %add3A_1493 = vector.broadcast %add3A_1492 : i32 to vector<16xi32>
    %add3A_1494 = arith.addi %iota3A, %add3A_1493 : vector<16xi32>
    %shift_right_logical3A_1495 = arith.constant 4 : i32
    %shift_right_logical3A_1496 = vector.broadcast %shift_right_logical3A_1495 : i32 to vector<16xi32>
    %shift_right_logical3A_1497 = arith.shrui %add3A_1494, %shift_right_logical3A_1496 : vector<16xi32>
    %mul3A_1498 = arith.constant 3 : i32
    %mul3A_1499 = vector.broadcast %mul3A_1498 : i32 to vector<16xi32>
    %mul3A_1500 = arith.muli %shift_right_logical3A_1497, %mul3A_1499 : vector<16xi32>
    %gather3A_1501 = tpu.vector_load_idx %arg11[%mul3A_1490] : memref<49152xf32, #tpu.memory_space<vmem>>[vector<16xi32>], vector<16xf32>,
    %add3A_1502 = arith.constant 1 : i32
    %add3A_1503 = vector.broadcast %add3A_1502 : i32 to vector<16xi32>
    %add3A_1504 = arith.addi %mul3A_1490, %add3A_1503 : vector<16xi32>
    %gather3A_1505 = tpu.vector_load_idx %arg11[%add3A_1504] : memref<49152xf32, #tpu.memory_space<vmem>>[vector<16xi32>], vector<16xf32>,
    %add3A_1506 = arith.constant 2 : i32
    %add3A_1507 = vector.broadcast %add3A_1506 : i32 to vector<16xi32>
    %add3A_1508 = arith.addi %mul3A_1490, %add3A_1507 : vector<16xi32>
    %gather3A_1509 = tpu.vector_load_idx %arg11[%add3A_1508] : memref<49152xf32, #tpu.memory_space<vmem>>[vector<16xi32>], vector<16xf32>,
    %gather3A_1510 = tpu.vector_load_idx %arg12[%mul3A_1500] : memref<3072xf32, #tpu.memory_space<vmem>>[vector<16xi32>], vector<16xf32>,
    %add3A_1511 = arith.constant 1 : i32
    %add3A_1512 = vector.broadcast %add3A_1511 : i32 to vector<16xi32>
    %add3A_1513 = arith.addi %mul3A_1500, %add3A_1512 : vector<16xi32>
    %gather3A_1514 = tpu.vector_load_idx %arg12[%add3A_1513] : memref<3072xf32, #tpu.memory_space<vmem>>[vector<16xi32>], vector<16xf32>,
    %add3A_1515 = arith.constant 2 : i32
    %add3A_1516 = vector.broadcast %add3A_1515 : i32 to vector<16xi32>
    %add3A_1517 = arith.addi %mul3A_1500, %add3A_1516 : vector<16xi32>
    %gather3A_1518 = tpu.vector_load_idx %arg12[%add3A_1517] : memref<3072xf32, #tpu.memory_space<vmem>>[vector<16xi32>], vector<16xf32>,
    %swap3A_1519 = arith.constant 496 : index
    %swap3A_1520 = tpu.vector_load %arg14[%swap3A_1519] {strides = array<i32>} : memref<512xf32, #tpu.memory_space<vmem>>, vector<16xf32>,
    tpu.vector_store %arg14[%swap3A_1519], %gather3A_1501 {strides = array<i32>} : memref<512xf32, #tpu.memory_space<vmem>>, vector<16xf32>,
    %swap3A_1521 = arith.constant 496 : index
    %swap3A_1522 = tpu.vector_load %arg15[%swap3A_1521] {strides = array<i32>} : memref<512xf32, #tpu.memory_space<vmem>>, vector<16xf32>,
    tpu.vector_store %arg15[%swap3A_1521], %gather3A_1505 {strides = array<i32>} : memref<512xf32, #tpu.memory_space<vmem>>, vector<16xf32>,
    %swap3A_1523 = arith.constant 496 : index
    %swap3A_1524 = tpu.vector_load %arg16[%swap3A_1523] {strides = array<i32>} : memref<512xf32, #tpu.memory_space<vmem>>, vector<16xf32>,
    tpu.vector_store %arg16[%swap3A_1523], %gather3A_1509 {strides = array<i32>} : memref<512xf32, #tpu.memory_space<vmem>>, vector<16xf32>,
    %sub3A_1525 = arith.subf %gather3A_1501, %gather3A_1510 : vector<16xf32>
    %swap3A_1526 = arith.constant 496 : index
    %swap3A_1527 = tpu.vector_load %arg17[%swap3A_1526] {strides = array<i32>} : memref<512xf32, #tpu.memory_space<vmem>>, vector<16xf32>,
    tpu.vector_store %arg17[%swap3A_1526], %sub3A_1525 {strides = array<i32>} : memref<512xf32, #tpu.memory_space<vmem>>, vector<16xf32>,
    %sub3A_1528 = arith.subf %gather3A_1505, %gather3A_1514 : vector<16xf32>
    %swap3A_1529 = arith.constant 496 : index
    %swap3A_1530 = tpu.vector_load %arg18[%swap3A_1529] {strides = array<i32>} : memref<512xf32, #tpu.memory_space<vmem>>, vector<16xf32>,
    tpu.vector_store %arg18[%swap3A_1529], %sub3A_1528 {strides = array<i32>} : memref<512xf32, #tpu.memory_space<vmem>>, vector<16xf32>,
    %sub3A_1531 = arith.subf %gather3A_1509, %gather3A_1518 : vector<16xf32>
    %swap3A_1532 = arith.constant 496 : index
    %swap3A_1533 = tpu.vector_load %arg19[%swap3A_1532] {strides = array<i32>} : memref<512xf32, #tpu.memory_space<vmem>>, vector<16xf32>,
    tpu.vector_store %arg19[%swap3A_1532], %sub3A_1531 {strides = array<i32>} : memref<512xf32, #tpu.memory_space<vmem>>, vector<16xf32>,
    "tpu.region"() ({
      %run_scoped3A = tpu.sem_alloc : memref<!tpu.dma_semaphore, #tpu.memory_space<semaphore_mem>>
      %dma_start3A = tpu.memref_slice %arg5[%mul3A_2] : memref<16384xf32, #tpu.memory_space<hbm>> -> memref<512xf32, #tpu.memory_space<hbm>>
      %dma_start3A_1534 = tpu.memref_slice %arg5[%mul3A_2] : memref<16384xf32, #tpu.memory_space<hbm>> -> memref<512xf32, #tpu.memory_space<hbm>>
      tpu.enqueue_dma source(%arg14 : memref<512xf32, #tpu.memory_space<vmem>>) target(%dma_start3A_1534 : memref<512xf32, #tpu.memory_space<hbm>>) target_semaphore(%run_scoped3A : memref<!tpu.dma_semaphore, #tpu.memory_space<semaphore_mem>>)
      %dma_wait3A = tpu.memref_slice %arg5[%mul3A_2] : memref<16384xf32, #tpu.memory_space<hbm>> -> memref<512xf32, #tpu.memory_space<hbm>>
      %dma_wait3A_1535 = tpu.memref_slice %arg5[%mul3A_2] : memref<16384xf32, #tpu.memory_space<hbm>> -> memref<512xf32, #tpu.memory_space<hbm>>
      tpu.wait_dma2 semaphore(%run_scoped3A : memref<!tpu.dma_semaphore, #tpu.memory_space<semaphore_mem>>) src(%arg14 : memref<512xf32, #tpu.memory_space<vmem>>) dst(%dma_wait3A_1535 : memref<512xf32, #tpu.memory_space<hbm>>)
      tpu.yield
    }) : () -> ()
    "tpu.region"() ({
      %run_scoped3A = tpu.sem_alloc : memref<!tpu.dma_semaphore, #tpu.memory_space<semaphore_mem>>
      %dma_start3A = tpu.memref_slice %arg6[%mul3A_2] : memref<16384xf32, #tpu.memory_space<hbm>> -> memref<512xf32, #tpu.memory_space<hbm>>
      %dma_start3A_1534 = tpu.memref_slice %arg6[%mul3A_2] : memref<16384xf32, #tpu.memory_space<hbm>> -> memref<512xf32, #tpu.memory_space<hbm>>
      tpu.enqueue_dma source(%arg15 : memref<512xf32, #tpu.memory_space<vmem>>) target(%dma_start3A_1534 : memref<512xf32, #tpu.memory_space<hbm>>) target_semaphore(%run_scoped3A : memref<!tpu.dma_semaphore, #tpu.memory_space<semaphore_mem>>)
      %dma_wait3A = tpu.memref_slice %arg6[%mul3A_2] : memref<16384xf32, #tpu.memory_space<hbm>> -> memref<512xf32, #tpu.memory_space<hbm>>
      %dma_wait3A_1535 = tpu.memref_slice %arg6[%mul3A_2] : memref<16384xf32, #tpu.memory_space<hbm>> -> memref<512xf32, #tpu.memory_space<hbm>>
      tpu.wait_dma2 semaphore(%run_scoped3A : memref<!tpu.dma_semaphore, #tpu.memory_space<semaphore_mem>>) src(%arg15 : memref<512xf32, #tpu.memory_space<vmem>>) dst(%dma_wait3A_1535 : memref<512xf32, #tpu.memory_space<hbm>>)
      tpu.yield
    }) : () -> ()
    "tpu.region"() ({
      %run_scoped3A = tpu.sem_alloc : memref<!tpu.dma_semaphore, #tpu.memory_space<semaphore_mem>>
      %dma_start3A = tpu.memref_slice %arg7[%mul3A_2] : memref<16384xf32, #tpu.memory_space<hbm>> -> memref<512xf32, #tpu.memory_space<hbm>>
      %dma_start3A_1534 = tpu.memref_slice %arg7[%mul3A_2] : memref<16384xf32, #tpu.memory_space<hbm>> -> memref<512xf32, #tpu.memory_space<hbm>>
      tpu.enqueue_dma source(%arg16 : memref<512xf32, #tpu.memory_space<vmem>>) target(%dma_start3A_1534 : memref<512xf32, #tpu.memory_space<hbm>>) target_semaphore(%run_scoped3A : memref<!tpu.dma_semaphore, #tpu.memory_space<semaphore_mem>>)
      %dma_wait3A = tpu.memref_slice %arg7[%mul3A_2] : memref<16384xf32, #tpu.memory_space<hbm>> -> memref<512xf32, #tpu.memory_space<hbm>>
      %dma_wait3A_1535 = tpu.memref_slice %arg7[%mul3A_2] : memref<16384xf32, #tpu.memory_space<hbm>> -> memref<512xf32, #tpu.memory_space<hbm>>
      tpu.wait_dma2 semaphore(%run_scoped3A : memref<!tpu.dma_semaphore, #tpu.memory_space<semaphore_mem>>) src(%arg16 : memref<512xf32, #tpu.memory_space<vmem>>) dst(%dma_wait3A_1535 : memref<512xf32, #tpu.memory_space<hbm>>)
      tpu.yield
    }) : () -> ()
    "tpu.region"() ({
      %run_scoped3A = tpu.sem_alloc : memref<!tpu.dma_semaphore, #tpu.memory_space<semaphore_mem>>
      %dma_start3A = tpu.memref_slice %arg8[%mul3A_2] : memref<16384xf32, #tpu.memory_space<hbm>> -> memref<512xf32, #tpu.memory_space<hbm>>
      %dma_start3A_1534 = tpu.memref_slice %arg8[%mul3A_2] : memref<16384xf32, #tpu.memory_space<hbm>> -> memref<512xf32, #tpu.memory_space<hbm>>
      tpu.enqueue_dma source(%arg17 : memref<512xf32, #tpu.memory_space<vmem>>) target(%dma_start3A_1534 : memref<512xf32, #tpu.memory_space<hbm>>) target_semaphore(%run_scoped3A : memref<!tpu.dma_semaphore, #tpu.memory_space<semaphore_mem>>)
      %dma_wait3A = tpu.memref_slice %arg8[%mul3A_2] : memref<16384xf32, #tpu.memory_space<hbm>> -> memref<512xf32, #tpu.memory_space<hbm>>
      %dma_wait3A_1535 = tpu.memref_slice %arg8[%mul3A_2] : memref<16384xf32, #tpu.memory_space<hbm>> -> memref<512xf32, #tpu.memory_space<hbm>>
      tpu.wait_dma2 semaphore(%run_scoped3A : memref<!tpu.dma_semaphore, #tpu.memory_space<semaphore_mem>>) src(%arg17 : memref<512xf32, #tpu.memory_space<vmem>>) dst(%dma_wait3A_1535 : memref<512xf32, #tpu.memory_space<hbm>>)
      tpu.yield
    }) : () -> ()
    "tpu.region"() ({
      %run_scoped3A = tpu.sem_alloc : memref<!tpu.dma_semaphore, #tpu.memory_space<semaphore_mem>>
      %dma_start3A = tpu.memref_slice %arg9[%mul3A_2] : memref<16384xf32, #tpu.memory_space<hbm>> -> memref<512xf32, #tpu.memory_space<hbm>>
      %dma_start3A_1534 = tpu.memref_slice %arg9[%mul3A_2] : memref<16384xf32, #tpu.memory_space<hbm>> -> memref<512xf32, #tpu.memory_space<hbm>>
      tpu.enqueue_dma source(%arg18 : memref<512xf32, #tpu.memory_space<vmem>>) target(%dma_start3A_1534 : memref<512xf32, #tpu.memory_space<hbm>>) target_semaphore(%run_scoped3A : memref<!tpu.dma_semaphore, #tpu.memory_space<semaphore_mem>>)
      %dma_wait3A = tpu.memref_slice %arg9[%mul3A_2] : memref<16384xf32, #tpu.memory_space<hbm>> -> memref<512xf32, #tpu.memory_space<hbm>>
      %dma_wait3A_1535 = tpu.memref_slice %arg9[%mul3A_2] : memref<16384xf32, #tpu.memory_space<hbm>> -> memref<512xf32, #tpu.memory_space<hbm>>
      tpu.wait_dma2 semaphore(%run_scoped3A : memref<!tpu.dma_semaphore, #tpu.memory_space<semaphore_mem>>) src(%arg18 : memref<512xf32, #tpu.memory_space<vmem>>) dst(%dma_wait3A_1535 : memref<512xf32, #tpu.memory_space<hbm>>)
      tpu.yield
    }) : () -> ()
    "tpu.region"() ({
      %run_scoped3A = tpu.sem_alloc : memref<!tpu.dma_semaphore, #tpu.memory_space<semaphore_mem>>
      %dma_start3A = tpu.memref_slice %arg10[%mul3A_2] : memref<16384xf32, #tpu.memory_space<hbm>> -> memref<512xf32, #tpu.memory_space<hbm>>
      %dma_start3A_1534 = tpu.memref_slice %arg10[%mul3A_2] : memref<16384xf32, #tpu.memory_space<hbm>> -> memref<512xf32, #tpu.memory_space<hbm>>
      tpu.enqueue_dma source(%arg19 : memref<512xf32, #tpu.memory_space<vmem>>) target(%dma_start3A_1534 : memref<512xf32, #tpu.memory_space<hbm>>) target_semaphore(%run_scoped3A : memref<!tpu.dma_semaphore, #tpu.memory_space<semaphore_mem>>)
      %dma_wait3A = tpu.memref_slice %arg10[%mul3A_2] : memref<16384xf32, #tpu.memory_space<hbm>> -> memref<512xf32, #tpu.memory_space<hbm>>
      %dma_wait3A_1535 = tpu.memref_slice %arg10[%mul3A_2] : memref<16384xf32, #tpu.memory_space<hbm>> -> memref<512xf32, #tpu.memory_space<hbm>>
      tpu.wait_dma2 semaphore(%run_scoped3A : memref<!tpu.dma_semaphore, #tpu.memory_space<semaphore_mem>>) src(%arg19 : memref<512xf32, #tpu.memory_space<vmem>>) dst(%dma_wait3A_1535 : memref<512xf32, #tpu.memory_space<hbm>>)
      tpu.yield
    }) : () -> ()
    return
  }
}

module attributes {stable_mosaic.version = 14 : i64} {
  func.func @_fps_body(%arg0: memref<3x128x128xf32, #tpu.memory_space<vmem>>, %arg1: memref<1024x3xf32, #tpu.memory_space<vmem>>, %arg2: memref<128x128xf32, #tpu.memory_space<vmem>>, %arg3: memref<128x384xf32, #tpu.memory_space<vmem>>) attributes {dimension_semantics = [], scalar_prefetch = 0 : i64, scratch_operands = 2 : i64, tpu.core_type = #tpu.core_type<tc>} {
    %iota3A = tpu.iota {dimensions = array<i32: 0>} : vector<8x128xi32>
    %mul3A = arith.constant 128 : i32
    %mul3A_0 = vector.broadcast %mul3A : i32 to vector<8x128xi32>
    %mul3A_1 = arith.muli %iota3A, %mul3A_0 : vector<8x128xi32>
    %iota3A_2 = tpu.iota {dimensions = array<i32: 1>} : vector<8x128xi32>
    %add3A = arith.addi %mul3A_1, %iota3A_2 : vector<8x128xi32>
    %get3A = arith.constant 0 : index
    %get3A_3 = arith.constant 0 : index
    %get3A_4 = arith.constant 0 : index
    %get3A_5 = vector.load %arg0[%get3A, %get3A_3, %get3A_4] : memref<3x128x128xf32, #tpu.memory_space<vmem>>, vector<1x128x128xf32>
    %get3A_6 = vector.shape_cast %get3A_5 : vector<1x128x128xf32> to vector<128x128xf32>
    %swap3A = arith.constant 0 : index
    %swap3A_7 = arith.constant 0 : index
    %swap3A_8 = vector.load %arg3[%swap3A, %swap3A_7] : memref<128x384xf32, #tpu.memory_space<vmem>>, vector<128x128xf32>
    tpu.vector_store %arg3[%swap3A, %swap3A_7], %get3A_6 {strides = array<i32>} : memref<128x384xf32, #tpu.memory_space<vmem>>, vector<128x128xf32>,
    %get3A_9 = arith.constant 1 : index
    %get3A_10 = arith.constant 0 : index
    %get3A_11 = arith.constant 0 : index
    %get3A_12 = vector.load %arg0[%get3A_9, %get3A_10, %get3A_11] : memref<3x128x128xf32, #tpu.memory_space<vmem>>, vector<1x128x128xf32>
    %get3A_13 = vector.shape_cast %get3A_12 : vector<1x128x128xf32> to vector<128x128xf32>
    %swap3A_14 = arith.constant 0 : index
    %swap3A_15 = arith.constant 128 : index
    %swap3A_16 = vector.load %arg3[%swap3A_14, %swap3A_15] : memref<128x384xf32, #tpu.memory_space<vmem>>, vector<128x128xf32>
    tpu.vector_store %arg3[%swap3A_14, %swap3A_15], %get3A_13 {strides = array<i32>} : memref<128x384xf32, #tpu.memory_space<vmem>>, vector<128x128xf32>,
    %get3A_17 = arith.constant 2 : index
    %get3A_18 = arith.constant 0 : index
    %get3A_19 = arith.constant 0 : index
    %get3A_20 = vector.load %arg0[%get3A_17, %get3A_18, %get3A_19] : memref<3x128x128xf32, #tpu.memory_space<vmem>>, vector<1x128x128xf32>
    %get3A_21 = vector.shape_cast %get3A_20 : vector<1x128x128xf32> to vector<128x128xf32>
    %swap3A_22 = arith.constant 0 : index
    %swap3A_23 = arith.constant 256 : index
    %swap3A_24 = vector.load %arg3[%swap3A_22, %swap3A_23] : memref<128x384xf32, #tpu.memory_space<vmem>>, vector<128x128xf32>
    tpu.vector_store %arg3[%swap3A_22, %swap3A_23], %get3A_21 {strides = array<i32>} : memref<128x384xf32, #tpu.memory_space<vmem>>, vector<128x128xf32>,
    %broadcast_in_dim3A = arith.constant 0x7F800000 : f32
    %broadcast_in_dim3A_25 = vector.broadcast %broadcast_in_dim3A : f32 to vector<128x128xf32>
    %swap3A_26 = arith.constant 0 : index
    %swap3A_27 = arith.constant 0 : index
    %swap3A_28 = vector.load %arg2[%swap3A_26, %swap3A_27] : memref<128x128xf32, #tpu.memory_space<vmem>>, vector<128x128xf32>
    tpu.vector_store %arg2[%swap3A_26, %swap3A_27], %broadcast_in_dim3A_25 {strides = array<i32>} : memref<128x128xf32, #tpu.memory_space<vmem>>, vector<128x128xf32>,
    %get3A_29 = arith.constant 0 : index
    %get3A_30 = arith.constant 0 : index
    %get3A_31 = arith.constant 0 : index
    %get3A_32 = vector.load %arg0[%get3A_29, %get3A_30, %get3A_31] : memref<3x128x128xf32, #tpu.memory_space<vmem>>, vector<1x1x1xf32>
    %get3A_33 = vector.shape_cast %get3A_32 : vector<1x1x1xf32> to vector<1x1xf32>
    %get3A_34 = arith.constant 1 : index
    %get3A_35 = arith.constant 0 : index
    %get3A_36 = arith.constant 0 : index
    %get3A_37 = vector.load %arg0[%get3A_34, %get3A_35, %get3A_36] : memref<3x128x128xf32, #tpu.memory_space<vmem>>, vector<1x1x1xf32>
    %get3A_38 = vector.shape_cast %get3A_37 : vector<1x1x1xf32> to vector<1x1xf32>
    %get3A_39 = arith.constant 2 : index
    %get3A_40 = arith.constant 0 : index
    %get3A_41 = arith.constant 0 : index
    %get3A_42 = vector.load %arg0[%get3A_39, %get3A_40, %get3A_41] : memref<3x128x128xf32, #tpu.memory_space<vmem>>, vector<1x1x1xf32>
    %get3A_43 = vector.shape_cast %get3A_42 : vector<1x1x1xf32> to vector<1x1xf32>
    %concatenate3A = tpu.concatenate %get3A_33, %get3A_38, %get3A_43 in 1 : vector<1x1xf32>, vector<1x1xf32>, vector<1x1xf32> -> vector<1x3xf32>
    %swap3A_44 = arith.constant 0 : index
    %swap3A_45 = arith.constant 0 : index
    %swap3A_46 = vector.load %arg1[%swap3A_44, %swap3A_45] : memref<1024x3xf32, #tpu.memory_space<vmem>>, vector<1x3xf32>
    tpu.vector_store %arg1[%swap3A_44, %swap3A_45], %concatenate3A {strides = array<i32>} : memref<1024x3xf32, #tpu.memory_space<vmem>>, vector<1x3xf32>,
    %scan3A = arith.constant 1 : i32
    %scan3A_47 = arith.constant 1023 : i32
    %scan3A_48 = arith.addi %scan3A, %scan3A_47 : i32
    %scan3A_49 = arith.constant 1 : i32
    %scan3A_50:3 = scf.for %scan3A_52 = %scan3A to %scan3A_48 step %scan3A_49 iter_args(%scan3A_53 = %get3A_33, %scan3A_54 = %get3A_38, %scan3A_55 = %get3A_43) -> (vector<1x1xf32>, vector<1x1xf32>, vector<1x1xf32>)  : i32 {
      %get3A_56 = arith.constant 0 : index
      %get3A_57 = arith.constant 0 : index
      %get3A_58 = arith.constant 0 : index
      %get3A_59 = vector.load %arg0[%get3A_56, %get3A_57, %get3A_58] : memref<3x128x128xf32, #tpu.memory_space<vmem>>, vector<1x8x128xf32>
      %get3A_60 = vector.shape_cast %get3A_59 : vector<1x8x128xf32> to vector<8x128xf32>
      %sub3A = vector.broadcast %scan3A_53 : vector<1x1xf32> to vector<8x128xf32>
      %sub3A_61 = arith.subf %get3A_60, %sub3A : vector<8x128xf32>
      %get3A_62 = arith.constant 1 : index
      %get3A_63 = arith.constant 0 : index
      %get3A_64 = arith.constant 0 : index
      %get3A_65 = vector.load %arg0[%get3A_62, %get3A_63, %get3A_64] : memref<3x128x128xf32, #tpu.memory_space<vmem>>, vector<1x8x128xf32>
      %get3A_66 = vector.shape_cast %get3A_65 : vector<1x8x128xf32> to vector<8x128xf32>
      %sub3A_67 = vector.broadcast %scan3A_54 : vector<1x1xf32> to vector<8x128xf32>
      %sub3A_68 = arith.subf %get3A_66, %sub3A_67 : vector<8x128xf32>
      %get3A_69 = arith.constant 2 : index
      %get3A_70 = arith.constant 0 : index
      %get3A_71 = arith.constant 0 : index
      %get3A_72 = vector.load %arg0[%get3A_69, %get3A_70, %get3A_71] : memref<3x128x128xf32, #tpu.memory_space<vmem>>, vector<1x8x128xf32>
      %get3A_73 = vector.shape_cast %get3A_72 : vector<1x8x128xf32> to vector<8x128xf32>
      %sub3A_74 = vector.broadcast %scan3A_55 : vector<1x1xf32> to vector<8x128xf32>
      %sub3A_75 = arith.subf %get3A_73, %sub3A_74 : vector<8x128xf32>
      %mul3A_76 = arith.mulf %sub3A_61, %sub3A_61 : vector<8x128xf32>
      %mul3A_77 = arith.mulf %sub3A_68, %sub3A_68 : vector<8x128xf32>
      %add3A_78 = arith.addf %mul3A_76, %mul3A_77 : vector<8x128xf32>
      %mul3A_79 = arith.mulf %sub3A_75, %sub3A_75 : vector<8x128xf32>
      %add3A_80 = arith.addf %add3A_78, %mul3A_79 : vector<8x128xf32>
      %get3A_81 = arith.constant 0 : index
      %get3A_82 = arith.constant 0 : index
      %get3A_83 = vector.load %arg2[%get3A_81, %get3A_82] : memref<128x128xf32, #tpu.memory_space<vmem>>, vector<8x128xf32>
      %min3A = arith.minimumf %get3A_83, %add3A_80 : vector<8x128xf32>
      %swap3A_84 = arith.constant 0 : index
      %swap3A_85 = arith.constant 0 : index
      %swap3A_86 = vector.load %arg2[%swap3A_84, %swap3A_85] : memref<128x128xf32, #tpu.memory_space<vmem>>, vector<8x128xf32>
      tpu.vector_store %arg2[%swap3A_84, %swap3A_85], %min3A {strides = array<i32>} : memref<128x128xf32, #tpu.memory_space<vmem>>, vector<8x128xf32>,
      %get3A_87 = arith.constant 0 : index
      %get3A_88 = arith.constant 8 : index
      %get3A_89 = arith.constant 0 : index
      %get3A_90 = vector.load %arg0[%get3A_87, %get3A_88, %get3A_89] : memref<3x128x128xf32, #tpu.memory_space<vmem>>, vector<1x8x128xf32>
      %get3A_91 = vector.shape_cast %get3A_90 : vector<1x8x128xf32> to vector<8x128xf32>
      %sub3A_92 = vector.broadcast %scan3A_53 : vector<1x1xf32> to vector<8x128xf32>
      %sub3A_93 = arith.subf %get3A_91, %sub3A_92 : vector<8x128xf32>
      %get3A_94 = arith.constant 1 : index
      %get3A_95 = arith.constant 8 : index
      %get3A_96 = arith.constant 0 : index
      %get3A_97 = vector.load %arg0[%get3A_94, %get3A_95, %get3A_96] : memref<3x128x128xf32, #tpu.memory_space<vmem>>, vector<1x8x128xf32>
      %get3A_98 = vector.shape_cast %get3A_97 : vector<1x8x128xf32> to vector<8x128xf32>
      %sub3A_99 = vector.broadcast %scan3A_54 : vector<1x1xf32> to vector<8x128xf32>
      %sub3A_100 = arith.subf %get3A_98, %sub3A_99 : vector<8x128xf32>
      %get3A_101 = arith.constant 2 : index
      %get3A_102 = arith.constant 8 : index
      %get3A_103 = arith.constant 0 : index
      %get3A_104 = vector.load %arg0[%get3A_101, %get3A_102, %get3A_103] : memref<3x128x128xf32, #tpu.memory_space<vmem>>, vector<1x8x128xf32>
      %get3A_105 = vector.shape_cast %get3A_104 : vector<1x8x128xf32> to vector<8x128xf32>
      %sub3A_106 = vector.broadcast %scan3A_55 : vector<1x1xf32> to vector<8x128xf32>
      %sub3A_107 = arith.subf %get3A_105, %sub3A_106 : vector<8x128xf32>
      %mul3A_108 = arith.mulf %sub3A_93, %sub3A_93 : vector<8x128xf32>
      %mul3A_109 = arith.mulf %sub3A_100, %sub3A_100 : vector<8x128xf32>
      %add3A_110 = arith.addf %mul3A_108, %mul3A_109 : vector<8x128xf32>
      %mul3A_111 = arith.mulf %sub3A_107, %sub3A_107 : vector<8x128xf32>
      %add3A_112 = arith.addf %add3A_110, %mul3A_111 : vector<8x128xf32>
      %get3A_113 = arith.constant 8 : index
      %get3A_114 = arith.constant 0 : index
      %get3A_115 = vector.load %arg2[%get3A_113, %get3A_114] : memref<128x128xf32, #tpu.memory_space<vmem>>, vector<8x128xf32>
      %min3A_116 = arith.minimumf %get3A_115, %add3A_112 : vector<8x128xf32>
      %swap3A_117 = arith.constant 8 : index
      %swap3A_118 = arith.constant 0 : index
      %swap3A_119 = vector.load %arg2[%swap3A_117, %swap3A_118] : memref<128x128xf32, #tpu.memory_space<vmem>>, vector<8x128xf32>
      tpu.vector_store %arg2[%swap3A_117, %swap3A_118], %min3A_116 {strides = array<i32>} : memref<128x128xf32, #tpu.memory_space<vmem>>, vector<8x128xf32>,
      %get3A_120 = arith.constant 0 : index
      %get3A_121 = arith.constant 16 : index
      %get3A_122 = arith.constant 0 : index
      %get3A_123 = vector.load %arg0[%get3A_120, %get3A_121, %get3A_122] : memref<3x128x128xf32, #tpu.memory_space<vmem>>, vector<1x8x128xf32>
      %get3A_124 = vector.shape_cast %get3A_123 : vector<1x8x128xf32> to vector<8x128xf32>
      %sub3A_125 = vector.broadcast %scan3A_53 : vector<1x1xf32> to vector<8x128xf32>
      %sub3A_126 = arith.subf %get3A_124, %sub3A_125 : vector<8x128xf32>
      %get3A_127 = arith.constant 1 : index
      %get3A_128 = arith.constant 16 : index
      %get3A_129 = arith.constant 0 : index
      %get3A_130 = vector.load %arg0[%get3A_127, %get3A_128, %get3A_129] : memref<3x128x128xf32, #tpu.memory_space<vmem>>, vector<1x8x128xf32>
      %get3A_131 = vector.shape_cast %get3A_130 : vector<1x8x128xf32> to vector<8x128xf32>
      %sub3A_132 = vector.broadcast %scan3A_54 : vector<1x1xf32> to vector<8x128xf32>
      %sub3A_133 = arith.subf %get3A_131, %sub3A_132 : vector<8x128xf32>
      %get3A_134 = arith.constant 2 : index
      %get3A_135 = arith.constant 16 : index
      %get3A_136 = arith.constant 0 : index
      %get3A_137 = vector.load %arg0[%get3A_134, %get3A_135, %get3A_136] : memref<3x128x128xf32, #tpu.memory_space<vmem>>, vector<1x8x128xf32>
      %get3A_138 = vector.shape_cast %get3A_137 : vector<1x8x128xf32> to vector<8x128xf32>
      %sub3A_139 = vector.broadcast %scan3A_55 : vector<1x1xf32> to vector<8x128xf32>
      %sub3A_140 = arith.subf %get3A_138, %sub3A_139 : vector<8x128xf32>
      %mul3A_141 = arith.mulf %sub3A_126, %sub3A_126 : vector<8x128xf32>
      %mul3A_142 = arith.mulf %sub3A_133, %sub3A_133 : vector<8x128xf32>
      %add3A_143 = arith.addf %mul3A_141, %mul3A_142 : vector<8x128xf32>
      %mul3A_144 = arith.mulf %sub3A_140, %sub3A_140 : vector<8x128xf32>
      %add3A_145 = arith.addf %add3A_143, %mul3A_144 : vector<8x128xf32>
      %get3A_146 = arith.constant 16 : index
      %get3A_147 = arith.constant 0 : index
      %get3A_148 = vector.load %arg2[%get3A_146, %get3A_147] : memref<128x128xf32, #tpu.memory_space<vmem>>, vector<8x128xf32>
      %min3A_149 = arith.minimumf %get3A_148, %add3A_145 : vector<8x128xf32>
      %swap3A_150 = arith.constant 16 : index
      %swap3A_151 = arith.constant 0 : index
      %swap3A_152 = vector.load %arg2[%swap3A_150, %swap3A_151] : memref<128x128xf32, #tpu.memory_space<vmem>>, vector<8x128xf32>
      tpu.vector_store %arg2[%swap3A_150, %swap3A_151], %min3A_149 {strides = array<i32>} : memref<128x128xf32, #tpu.memory_space<vmem>>, vector<8x128xf32>,
      %get3A_153 = arith.constant 0 : index
      %get3A_154 = arith.constant 24 : index
      %get3A_155 = arith.constant 0 : index
      %get3A_156 = vector.load %arg0[%get3A_153, %get3A_154, %get3A_155] : memref<3x128x128xf32, #tpu.memory_space<vmem>>, vector<1x8x128xf32>
      %get3A_157 = vector.shape_cast %get3A_156 : vector<1x8x128xf32> to vector<8x128xf32>
      %sub3A_158 = vector.broadcast %scan3A_53 : vector<1x1xf32> to vector<8x128xf32>
      %sub3A_159 = arith.subf %get3A_157, %sub3A_158 : vector<8x128xf32>
      %get3A_160 = arith.constant 1 : index
      %get3A_161 = arith.constant 24 : index
      %get3A_162 = arith.constant 0 : index
      %get3A_163 = vector.load %arg0[%get3A_160, %get3A_161, %get3A_162] : memref<3x128x128xf32, #tpu.memory_space<vmem>>, vector<1x8x128xf32>
      %get3A_164 = vector.shape_cast %get3A_163 : vector<1x8x128xf32> to vector<8x128xf32>
      %sub3A_165 = vector.broadcast %scan3A_54 : vector<1x1xf32> to vector<8x128xf32>
      %sub3A_166 = arith.subf %get3A_164, %sub3A_165 : vector<8x128xf32>
      %get3A_167 = arith.constant 2 : index
      %get3A_168 = arith.constant 24 : index
      %get3A_169 = arith.constant 0 : index
      %get3A_170 = vector.load %arg0[%get3A_167, %get3A_168, %get3A_169] : memref<3x128x128xf32, #tpu.memory_space<vmem>>, vector<1x8x128xf32>
      %get3A_171 = vector.shape_cast %get3A_170 : vector<1x8x128xf32> to vector<8x128xf32>
      %sub3A_172 = vector.broadcast %scan3A_55 : vector<1x1xf32> to vector<8x128xf32>
      %sub3A_173 = arith.subf %get3A_171, %sub3A_172 : vector<8x128xf32>
      %mul3A_174 = arith.mulf %sub3A_159, %sub3A_159 : vector<8x128xf32>
      %mul3A_175 = arith.mulf %sub3A_166, %sub3A_166 : vector<8x128xf32>
      %add3A_176 = arith.addf %mul3A_174, %mul3A_175 : vector<8x128xf32>
      %mul3A_177 = arith.mulf %sub3A_173, %sub3A_173 : vector<8x128xf32>
      %add3A_178 = arith.addf %add3A_176, %mul3A_177 : vector<8x128xf32>
      %get3A_179 = arith.constant 24 : index
      %get3A_180 = arith.constant 0 : index
      %get3A_181 = vector.load %arg2[%get3A_179, %get3A_180] : memref<128x128xf32, #tpu.memory_space<vmem>>, vector<8x128xf32>
      %min3A_182 = arith.minimumf %get3A_181, %add3A_178 : vector<8x128xf32>
      %swap3A_183 = arith.constant 24 : index
      %swap3A_184 = arith.constant 0 : index
      %swap3A_185 = vector.load %arg2[%swap3A_183, %swap3A_184] : memref<128x128xf32, #tpu.memory_space<vmem>>, vector<8x128xf32>
      tpu.vector_store %arg2[%swap3A_183, %swap3A_184], %min3A_182 {strides = array<i32>} : memref<128x128xf32, #tpu.memory_space<vmem>>, vector<8x128xf32>,
      %get3A_186 = arith.constant 0 : index
      %get3A_187 = arith.constant 32 : index
      %get3A_188 = arith.constant 0 : index
      %get3A_189 = vector.load %arg0[%get3A_186, %get3A_187, %get3A_188] : memref<3x128x128xf32, #tpu.memory_space<vmem>>, vector<1x8x128xf32>
      %get3A_190 = vector.shape_cast %get3A_189 : vector<1x8x128xf32> to vector<8x128xf32>
      %sub3A_191 = vector.broadcast %scan3A_53 : vector<1x1xf32> to vector<8x128xf32>
      %sub3A_192 = arith.subf %get3A_190, %sub3A_191 : vector<8x128xf32>
      %get3A_193 = arith.constant 1 : index
      %get3A_194 = arith.constant 32 : index
      %get3A_195 = arith.constant 0 : index
      %get3A_196 = vector.load %arg0[%get3A_193, %get3A_194, %get3A_195] : memref<3x128x128xf32, #tpu.memory_space<vmem>>, vector<1x8x128xf32>
      %get3A_197 = vector.shape_cast %get3A_196 : vector<1x8x128xf32> to vector<8x128xf32>
      %sub3A_198 = vector.broadcast %scan3A_54 : vector<1x1xf32> to vector<8x128xf32>
      %sub3A_199 = arith.subf %get3A_197, %sub3A_198 : vector<8x128xf32>
      %get3A_200 = arith.constant 2 : index
      %get3A_201 = arith.constant 32 : index
      %get3A_202 = arith.constant 0 : index
      %get3A_203 = vector.load %arg0[%get3A_200, %get3A_201, %get3A_202] : memref<3x128x128xf32, #tpu.memory_space<vmem>>, vector<1x8x128xf32>
      %get3A_204 = vector.shape_cast %get3A_203 : vector<1x8x128xf32> to vector<8x128xf32>
      %sub3A_205 = vector.broadcast %scan3A_55 : vector<1x1xf32> to vector<8x128xf32>
      %sub3A_206 = arith.subf %get3A_204, %sub3A_205 : vector<8x128xf32>
      %mul3A_207 = arith.mulf %sub3A_192, %sub3A_192 : vector<8x128xf32>
      %mul3A_208 = arith.mulf %sub3A_199, %sub3A_199 : vector<8x128xf32>
      %add3A_209 = arith.addf %mul3A_207, %mul3A_208 : vector<8x128xf32>
      %mul3A_210 = arith.mulf %sub3A_206, %sub3A_206 : vector<8x128xf32>
      %add3A_211 = arith.addf %add3A_209, %mul3A_210 : vector<8x128xf32>
      %get3A_212 = arith.constant 32 : index
      %get3A_213 = arith.constant 0 : index
      %get3A_214 = vector.load %arg2[%get3A_212, %get3A_213] : memref<128x128xf32, #tpu.memory_space<vmem>>, vector<8x128xf32>
      %min3A_215 = arith.minimumf %get3A_214, %add3A_211 : vector<8x128xf32>
      %swap3A_216 = arith.constant 32 : index
      %swap3A_217 = arith.constant 0 : index
      %swap3A_218 = vector.load %arg2[%swap3A_216, %swap3A_217] : memref<128x128xf32, #tpu.memory_space<vmem>>, vector<8x128xf32>
      tpu.vector_store %arg2[%swap3A_216, %swap3A_217], %min3A_215 {strides = array<i32>} : memref<128x128xf32, #tpu.memory_space<vmem>>, vector<8x128xf32>,
      %get3A_219 = arith.constant 0 : index
      %get3A_220 = arith.constant 40 : index
      %get3A_221 = arith.constant 0 : index
      %get3A_222 = vector.load %arg0[%get3A_219, %get3A_220, %get3A_221] : memref<3x128x128xf32, #tpu.memory_space<vmem>>, vector<1x8x128xf32>
      %get3A_223 = vector.shape_cast %get3A_222 : vector<1x8x128xf32> to vector<8x128xf32>
      %sub3A_224 = vector.broadcast %scan3A_53 : vector<1x1xf32> to vector<8x128xf32>
      %sub3A_225 = arith.subf %get3A_223, %sub3A_224 : vector<8x128xf32>
      %get3A_226 = arith.constant 1 : index
      %get3A_227 = arith.constant 40 : index
      %get3A_228 = arith.constant 0 : index
      %get3A_229 = vector.load %arg0[%get3A_226, %get3A_227, %get3A_228] : memref<3x128x128xf32, #tpu.memory_space<vmem>>, vector<1x8x128xf32>
      %get3A_230 = vector.shape_cast %get3A_229 : vector<1x8x128xf32> to vector<8x128xf32>
      %sub3A_231 = vector.broadcast %scan3A_54 : vector<1x1xf32> to vector<8x128xf32>
      %sub3A_232 = arith.subf %get3A_230, %sub3A_231 : vector<8x128xf32>
      %get3A_233 = arith.constant 2 : index
      %get3A_234 = arith.constant 40 : index
      %get3A_235 = arith.constant 0 : index
      %get3A_236 = vector.load %arg0[%get3A_233, %get3A_234, %get3A_235] : memref<3x128x128xf32, #tpu.memory_space<vmem>>, vector<1x8x128xf32>
      %get3A_237 = vector.shape_cast %get3A_236 : vector<1x8x128xf32> to vector<8x128xf32>
      %sub3A_238 = vector.broadcast %scan3A_55 : vector<1x1xf32> to vector<8x128xf32>
      %sub3A_239 = arith.subf %get3A_237, %sub3A_238 : vector<8x128xf32>
      %mul3A_240 = arith.mulf %sub3A_225, %sub3A_225 : vector<8x128xf32>
      %mul3A_241 = arith.mulf %sub3A_232, %sub3A_232 : vector<8x128xf32>
      %add3A_242 = arith.addf %mul3A_240, %mul3A_241 : vector<8x128xf32>
      %mul3A_243 = arith.mulf %sub3A_239, %sub3A_239 : vector<8x128xf32>
      %add3A_244 = arith.addf %add3A_242, %mul3A_243 : vector<8x128xf32>
      %get3A_245 = arith.constant 40 : index
      %get3A_246 = arith.constant 0 : index
      %get3A_247 = vector.load %arg2[%get3A_245, %get3A_246] : memref<128x128xf32, #tpu.memory_space<vmem>>, vector<8x128xf32>
      %min3A_248 = arith.minimumf %get3A_247, %add3A_244 : vector<8x128xf32>
      %swap3A_249 = arith.constant 40 : index
      %swap3A_250 = arith.constant 0 : index
      %swap3A_251 = vector.load %arg2[%swap3A_249, %swap3A_250] : memref<128x128xf32, #tpu.memory_space<vmem>>, vector<8x128xf32>
      tpu.vector_store %arg2[%swap3A_249, %swap3A_250], %min3A_248 {strides = array<i32>} : memref<128x128xf32, #tpu.memory_space<vmem>>, vector<8x128xf32>,
      %get3A_252 = arith.constant 0 : index
      %get3A_253 = arith.constant 48 : index
      %get3A_254 = arith.constant 0 : index
      %get3A_255 = vector.load %arg0[%get3A_252, %get3A_253, %get3A_254] : memref<3x128x128xf32, #tpu.memory_space<vmem>>, vector<1x8x128xf32>
      %get3A_256 = vector.shape_cast %get3A_255 : vector<1x8x128xf32> to vector<8x128xf32>
      %sub3A_257 = vector.broadcast %scan3A_53 : vector<1x1xf32> to vector<8x128xf32>
      %sub3A_258 = arith.subf %get3A_256, %sub3A_257 : vector<8x128xf32>
      %get3A_259 = arith.constant 1 : index
      %get3A_260 = arith.constant 48 : index
      %get3A_261 = arith.constant 0 : index
      %get3A_262 = vector.load %arg0[%get3A_259, %get3A_260, %get3A_261] : memref<3x128x128xf32, #tpu.memory_space<vmem>>, vector<1x8x128xf32>
      %get3A_263 = vector.shape_cast %get3A_262 : vector<1x8x128xf32> to vector<8x128xf32>
      %sub3A_264 = vector.broadcast %scan3A_54 : vector<1x1xf32> to vector<8x128xf32>
      %sub3A_265 = arith.subf %get3A_263, %sub3A_264 : vector<8x128xf32>
      %get3A_266 = arith.constant 2 : index
      %get3A_267 = arith.constant 48 : index
      %get3A_268 = arith.constant 0 : index
      %get3A_269 = vector.load %arg0[%get3A_266, %get3A_267, %get3A_268] : memref<3x128x128xf32, #tpu.memory_space<vmem>>, vector<1x8x128xf32>
      %get3A_270 = vector.shape_cast %get3A_269 : vector<1x8x128xf32> to vector<8x128xf32>
      %sub3A_271 = vector.broadcast %scan3A_55 : vector<1x1xf32> to vector<8x128xf32>
      %sub3A_272 = arith.subf %get3A_270, %sub3A_271 : vector<8x128xf32>
      %mul3A_273 = arith.mulf %sub3A_258, %sub3A_258 : vector<8x128xf32>
      %mul3A_274 = arith.mulf %sub3A_265, %sub3A_265 : vector<8x128xf32>
      %add3A_275 = arith.addf %mul3A_273, %mul3A_274 : vector<8x128xf32>
      %mul3A_276 = arith.mulf %sub3A_272, %sub3A_272 : vector<8x128xf32>
      %add3A_277 = arith.addf %add3A_275, %mul3A_276 : vector<8x128xf32>
      %get3A_278 = arith.constant 48 : index
      %get3A_279 = arith.constant 0 : index
      %get3A_280 = vector.load %arg2[%get3A_278, %get3A_279] : memref<128x128xf32, #tpu.memory_space<vmem>>, vector<8x128xf32>
      %min3A_281 = arith.minimumf %get3A_280, %add3A_277 : vector<8x128xf32>
      %swap3A_282 = arith.constant 48 : index
      %swap3A_283 = arith.constant 0 : index
      %swap3A_284 = vector.load %arg2[%swap3A_282, %swap3A_283] : memref<128x128xf32, #tpu.memory_space<vmem>>, vector<8x128xf32>
      tpu.vector_store %arg2[%swap3A_282, %swap3A_283], %min3A_281 {strides = array<i32>} : memref<128x128xf32, #tpu.memory_space<vmem>>, vector<8x128xf32>,
      %get3A_285 = arith.constant 0 : index
      %get3A_286 = arith.constant 56 : index
      %get3A_287 = arith.constant 0 : index
      %get3A_288 = vector.load %arg0[%get3A_285, %get3A_286, %get3A_287] : memref<3x128x128xf32, #tpu.memory_space<vmem>>, vector<1x8x128xf32>
      %get3A_289 = vector.shape_cast %get3A_288 : vector<1x8x128xf32> to vector<8x128xf32>
      %sub3A_290 = vector.broadcast %scan3A_53 : vector<1x1xf32> to vector<8x128xf32>
      %sub3A_291 = arith.subf %get3A_289, %sub3A_290 : vector<8x128xf32>
      %get3A_292 = arith.constant 1 : index
      %get3A_293 = arith.constant 56 : index
      %get3A_294 = arith.constant 0 : index
      %get3A_295 = vector.load %arg0[%get3A_292, %get3A_293, %get3A_294] : memref<3x128x128xf32, #tpu.memory_space<vmem>>, vector<1x8x128xf32>
      %get3A_296 = vector.shape_cast %get3A_295 : vector<1x8x128xf32> to vector<8x128xf32>
      %sub3A_297 = vector.broadcast %scan3A_54 : vector<1x1xf32> to vector<8x128xf32>
      %sub3A_298 = arith.subf %get3A_296, %sub3A_297 : vector<8x128xf32>
      %get3A_299 = arith.constant 2 : index
      %get3A_300 = arith.constant 56 : index
      %get3A_301 = arith.constant 0 : index
      %get3A_302 = vector.load %arg0[%get3A_299, %get3A_300, %get3A_301] : memref<3x128x128xf32, #tpu.memory_space<vmem>>, vector<1x8x128xf32>
      %get3A_303 = vector.shape_cast %get3A_302 : vector<1x8x128xf32> to vector<8x128xf32>
      %sub3A_304 = vector.broadcast %scan3A_55 : vector<1x1xf32> to vector<8x128xf32>
      %sub3A_305 = arith.subf %get3A_303, %sub3A_304 : vector<8x128xf32>
      %mul3A_306 = arith.mulf %sub3A_291, %sub3A_291 : vector<8x128xf32>
      %mul3A_307 = arith.mulf %sub3A_298, %sub3A_298 : vector<8x128xf32>
      %add3A_308 = arith.addf %mul3A_306, %mul3A_307 : vector<8x128xf32>
      %mul3A_309 = arith.mulf %sub3A_305, %sub3A_305 : vector<8x128xf32>
      %add3A_310 = arith.addf %add3A_308, %mul3A_309 : vector<8x128xf32>
      %get3A_311 = arith.constant 56 : index
      %get3A_312 = arith.constant 0 : index
      %get3A_313 = vector.load %arg2[%get3A_311, %get3A_312] : memref<128x128xf32, #tpu.memory_space<vmem>>, vector<8x128xf32>
      %min3A_314 = arith.minimumf %get3A_313, %add3A_310 : vector<8x128xf32>
      %swap3A_315 = arith.constant 56 : index
      %swap3A_316 = arith.constant 0 : index
      %swap3A_317 = vector.load %arg2[%swap3A_315, %swap3A_316] : memref<128x128xf32, #tpu.memory_space<vmem>>, vector<8x128xf32>
      tpu.vector_store %arg2[%swap3A_315, %swap3A_316], %min3A_314 {strides = array<i32>} : memref<128x128xf32, #tpu.memory_space<vmem>>, vector<8x128xf32>,
      %get3A_318 = arith.constant 0 : index
      %get3A_319 = arith.constant 64 : index
      %get3A_320 = arith.constant 0 : index
      %get3A_321 = vector.load %arg0[%get3A_318, %get3A_319, %get3A_320] : memref<3x128x128xf32, #tpu.memory_space<vmem>>, vector<1x8x128xf32>
      %get3A_322 = vector.shape_cast %get3A_321 : vector<1x8x128xf32> to vector<8x128xf32>
      %sub3A_323 = vector.broadcast %scan3A_53 : vector<1x1xf32> to vector<8x128xf32>
      %sub3A_324 = arith.subf %get3A_322, %sub3A_323 : vector<8x128xf32>
      %get3A_325 = arith.constant 1 : index
      %get3A_326 = arith.constant 64 : index
      %get3A_327 = arith.constant 0 : index
      %get3A_328 = vector.load %arg0[%get3A_325, %get3A_326, %get3A_327] : memref<3x128x128xf32, #tpu.memory_space<vmem>>, vector<1x8x128xf32>
      %get3A_329 = vector.shape_cast %get3A_328 : vector<1x8x128xf32> to vector<8x128xf32>
      %sub3A_330 = vector.broadcast %scan3A_54 : vector<1x1xf32> to vector<8x128xf32>
      %sub3A_331 = arith.subf %get3A_329, %sub3A_330 : vector<8x128xf32>
      %get3A_332 = arith.constant 2 : index
      %get3A_333 = arith.constant 64 : index
      %get3A_334 = arith.constant 0 : index
      %get3A_335 = vector.load %arg0[%get3A_332, %get3A_333, %get3A_334] : memref<3x128x128xf32, #tpu.memory_space<vmem>>, vector<1x8x128xf32>
      %get3A_336 = vector.shape_cast %get3A_335 : vector<1x8x128xf32> to vector<8x128xf32>
      %sub3A_337 = vector.broadcast %scan3A_55 : vector<1x1xf32> to vector<8x128xf32>
      %sub3A_338 = arith.subf %get3A_336, %sub3A_337 : vector<8x128xf32>
      %mul3A_339 = arith.mulf %sub3A_324, %sub3A_324 : vector<8x128xf32>
      %mul3A_340 = arith.mulf %sub3A_331, %sub3A_331 : vector<8x128xf32>
      %add3A_341 = arith.addf %mul3A_339, %mul3A_340 : vector<8x128xf32>
      %mul3A_342 = arith.mulf %sub3A_338, %sub3A_338 : vector<8x128xf32>
      %add3A_343 = arith.addf %add3A_341, %mul3A_342 : vector<8x128xf32>
      %get3A_344 = arith.constant 64 : index
      %get3A_345 = arith.constant 0 : index
      %get3A_346 = vector.load %arg2[%get3A_344, %get3A_345] : memref<128x128xf32, #tpu.memory_space<vmem>>, vector<8x128xf32>
      %min3A_347 = arith.minimumf %get3A_346, %add3A_343 : vector<8x128xf32>
      %swap3A_348 = arith.constant 64 : index
      %swap3A_349 = arith.constant 0 : index
      %swap3A_350 = vector.load %arg2[%swap3A_348, %swap3A_349] : memref<128x128xf32, #tpu.memory_space<vmem>>, vector<8x128xf32>
      tpu.vector_store %arg2[%swap3A_348, %swap3A_349], %min3A_347 {strides = array<i32>} : memref<128x128xf32, #tpu.memory_space<vmem>>, vector<8x128xf32>,
      %get3A_351 = arith.constant 0 : index
      %get3A_352 = arith.constant 72 : index
      %get3A_353 = arith.constant 0 : index
      %get3A_354 = vector.load %arg0[%get3A_351, %get3A_352, %get3A_353] : memref<3x128x128xf32, #tpu.memory_space<vmem>>, vector<1x8x128xf32>
      %get3A_355 = vector.shape_cast %get3A_354 : vector<1x8x128xf32> to vector<8x128xf32>
      %sub3A_356 = vector.broadcast %scan3A_53 : vector<1x1xf32> to vector<8x128xf32>
      %sub3A_357 = arith.subf %get3A_355, %sub3A_356 : vector<8x128xf32>
      %get3A_358 = arith.constant 1 : index
      %get3A_359 = arith.constant 72 : index
      %get3A_360 = arith.constant 0 : index
      %get3A_361 = vector.load %arg0[%get3A_358, %get3A_359, %get3A_360] : memref<3x128x128xf32, #tpu.memory_space<vmem>>, vector<1x8x128xf32>
      %get3A_362 = vector.shape_cast %get3A_361 : vector<1x8x128xf32> to vector<8x128xf32>
      %sub3A_363 = vector.broadcast %scan3A_54 : vector<1x1xf32> to vector<8x128xf32>
      %sub3A_364 = arith.subf %get3A_362, %sub3A_363 : vector<8x128xf32>
      %get3A_365 = arith.constant 2 : index
      %get3A_366 = arith.constant 72 : index
      %get3A_367 = arith.constant 0 : index
      %get3A_368 = vector.load %arg0[%get3A_365, %get3A_366, %get3A_367] : memref<3x128x128xf32, #tpu.memory_space<vmem>>, vector<1x8x128xf32>
      %get3A_369 = vector.shape_cast %get3A_368 : vector<1x8x128xf32> to vector<8x128xf32>
      %sub3A_370 = vector.broadcast %scan3A_55 : vector<1x1xf32> to vector<8x128xf32>
      %sub3A_371 = arith.subf %get3A_369, %sub3A_370 : vector<8x128xf32>
      %mul3A_372 = arith.mulf %sub3A_357, %sub3A_357 : vector<8x128xf32>
      %mul3A_373 = arith.mulf %sub3A_364, %sub3A_364 : vector<8x128xf32>
      %add3A_374 = arith.addf %mul3A_372, %mul3A_373 : vector<8x128xf32>
      %mul3A_375 = arith.mulf %sub3A_371, %sub3A_371 : vector<8x128xf32>
      %add3A_376 = arith.addf %add3A_374, %mul3A_375 : vector<8x128xf32>
      %get3A_377 = arith.constant 72 : index
      %get3A_378 = arith.constant 0 : index
      %get3A_379 = vector.load %arg2[%get3A_377, %get3A_378] : memref<128x128xf32, #tpu.memory_space<vmem>>, vector<8x128xf32>
      %min3A_380 = arith.minimumf %get3A_379, %add3A_376 : vector<8x128xf32>
      %swap3A_381 = arith.constant 72 : index
      %swap3A_382 = arith.constant 0 : index
      %swap3A_383 = vector.load %arg2[%swap3A_381, %swap3A_382] : memref<128x128xf32, #tpu.memory_space<vmem>>, vector<8x128xf32>
      tpu.vector_store %arg2[%swap3A_381, %swap3A_382], %min3A_380 {strides = array<i32>} : memref<128x128xf32, #tpu.memory_space<vmem>>, vector<8x128xf32>,
      %get3A_384 = arith.constant 0 : index
      %get3A_385 = arith.constant 80 : index
      %get3A_386 = arith.constant 0 : index
      %get3A_387 = vector.load %arg0[%get3A_384, %get3A_385, %get3A_386] : memref<3x128x128xf32, #tpu.memory_space<vmem>>, vector<1x8x128xf32>
      %get3A_388 = vector.shape_cast %get3A_387 : vector<1x8x128xf32> to vector<8x128xf32>
      %sub3A_389 = vector.broadcast %scan3A_53 : vector<1x1xf32> to vector<8x128xf32>
      %sub3A_390 = arith.subf %get3A_388, %sub3A_389 : vector<8x128xf32>
      %get3A_391 = arith.constant 1 : index
      %get3A_392 = arith.constant 80 : index
      %get3A_393 = arith.constant 0 : index
      %get3A_394 = vector.load %arg0[%get3A_391, %get3A_392, %get3A_393] : memref<3x128x128xf32, #tpu.memory_space<vmem>>, vector<1x8x128xf32>
      %get3A_395 = vector.shape_cast %get3A_394 : vector<1x8x128xf32> to vector<8x128xf32>
      %sub3A_396 = vector.broadcast %scan3A_54 : vector<1x1xf32> to vector<8x128xf32>
      %sub3A_397 = arith.subf %get3A_395, %sub3A_396 : vector<8x128xf32>
      %get3A_398 = arith.constant 2 : index
      %get3A_399 = arith.constant 80 : index
      %get3A_400 = arith.constant 0 : index
      %get3A_401 = vector.load %arg0[%get3A_398, %get3A_399, %get3A_400] : memref<3x128x128xf32, #tpu.memory_space<vmem>>, vector<1x8x128xf32>
      %get3A_402 = vector.shape_cast %get3A_401 : vector<1x8x128xf32> to vector<8x128xf32>
      %sub3A_403 = vector.broadcast %scan3A_55 : vector<1x1xf32> to vector<8x128xf32>
      %sub3A_404 = arith.subf %get3A_402, %sub3A_403 : vector<8x128xf32>
      %mul3A_405 = arith.mulf %sub3A_390, %sub3A_390 : vector<8x128xf32>
      %mul3A_406 = arith.mulf %sub3A_397, %sub3A_397 : vector<8x128xf32>
      %add3A_407 = arith.addf %mul3A_405, %mul3A_406 : vector<8x128xf32>
      %mul3A_408 = arith.mulf %sub3A_404, %sub3A_404 : vector<8x128xf32>
      %add3A_409 = arith.addf %add3A_407, %mul3A_408 : vector<8x128xf32>
      %get3A_410 = arith.constant 80 : index
      %get3A_411 = arith.constant 0 : index
      %get3A_412 = vector.load %arg2[%get3A_410, %get3A_411] : memref<128x128xf32, #tpu.memory_space<vmem>>, vector<8x128xf32>
      %min3A_413 = arith.minimumf %get3A_412, %add3A_409 : vector<8x128xf32>
      %swap3A_414 = arith.constant 80 : index
      %swap3A_415 = arith.constant 0 : index
      %swap3A_416 = vector.load %arg2[%swap3A_414, %swap3A_415] : memref<128x128xf32, #tpu.memory_space<vmem>>, vector<8x128xf32>
      tpu.vector_store %arg2[%swap3A_414, %swap3A_415], %min3A_413 {strides = array<i32>} : memref<128x128xf32, #tpu.memory_space<vmem>>, vector<8x128xf32>,
      %get3A_417 = arith.constant 0 : index
      %get3A_418 = arith.constant 88 : index
      %get3A_419 = arith.constant 0 : index
      %get3A_420 = vector.load %arg0[%get3A_417, %get3A_418, %get3A_419] : memref<3x128x128xf32, #tpu.memory_space<vmem>>, vector<1x8x128xf32>
      %get3A_421 = vector.shape_cast %get3A_420 : vector<1x8x128xf32> to vector<8x128xf32>
      %sub3A_422 = vector.broadcast %scan3A_53 : vector<1x1xf32> to vector<8x128xf32>
      %sub3A_423 = arith.subf %get3A_421, %sub3A_422 : vector<8x128xf32>
      %get3A_424 = arith.constant 1 : index
      %get3A_425 = arith.constant 88 : index
      %get3A_426 = arith.constant 0 : index
      %get3A_427 = vector.load %arg0[%get3A_424, %get3A_425, %get3A_426] : memref<3x128x128xf32, #tpu.memory_space<vmem>>, vector<1x8x128xf32>
      %get3A_428 = vector.shape_cast %get3A_427 : vector<1x8x128xf32> to vector<8x128xf32>
      %sub3A_429 = vector.broadcast %scan3A_54 : vector<1x1xf32> to vector<8x128xf32>
      %sub3A_430 = arith.subf %get3A_428, %sub3A_429 : vector<8x128xf32>
      %get3A_431 = arith.constant 2 : index
      %get3A_432 = arith.constant 88 : index
      %get3A_433 = arith.constant 0 : index
      %get3A_434 = vector.load %arg0[%get3A_431, %get3A_432, %get3A_433] : memref<3x128x128xf32, #tpu.memory_space<vmem>>, vector<1x8x128xf32>
      %get3A_435 = vector.shape_cast %get3A_434 : vector<1x8x128xf32> to vector<8x128xf32>
      %sub3A_436 = vector.broadcast %scan3A_55 : vector<1x1xf32> to vector<8x128xf32>
      %sub3A_437 = arith.subf %get3A_435, %sub3A_436 : vector<8x128xf32>
      %mul3A_438 = arith.mulf %sub3A_423, %sub3A_423 : vector<8x128xf32>
      %mul3A_439 = arith.mulf %sub3A_430, %sub3A_430 : vector<8x128xf32>
      %add3A_440 = arith.addf %mul3A_438, %mul3A_439 : vector<8x128xf32>
      %mul3A_441 = arith.mulf %sub3A_437, %sub3A_437 : vector<8x128xf32>
      %add3A_442 = arith.addf %add3A_440, %mul3A_441 : vector<8x128xf32>
      %get3A_443 = arith.constant 88 : index
      %get3A_444 = arith.constant 0 : index
      %get3A_445 = vector.load %arg2[%get3A_443, %get3A_444] : memref<128x128xf32, #tpu.memory_space<vmem>>, vector<8x128xf32>
      %min3A_446 = arith.minimumf %get3A_445, %add3A_442 : vector<8x128xf32>
      %swap3A_447 = arith.constant 88 : index
      %swap3A_448 = arith.constant 0 : index
      %swap3A_449 = vector.load %arg2[%swap3A_447, %swap3A_448] : memref<128x128xf32, #tpu.memory_space<vmem>>, vector<8x128xf32>
      tpu.vector_store %arg2[%swap3A_447, %swap3A_448], %min3A_446 {strides = array<i32>} : memref<128x128xf32, #tpu.memory_space<vmem>>, vector<8x128xf32>,
      %get3A_450 = arith.constant 0 : index
      %get3A_451 = arith.constant 96 : index
      %get3A_452 = arith.constant 0 : index
      %get3A_453 = vector.load %arg0[%get3A_450, %get3A_451, %get3A_452] : memref<3x128x128xf32, #tpu.memory_space<vmem>>, vector<1x8x128xf32>
      %get3A_454 = vector.shape_cast %get3A_453 : vector<1x8x128xf32> to vector<8x128xf32>
      %sub3A_455 = vector.broadcast %scan3A_53 : vector<1x1xf32> to vector<8x128xf32>
      %sub3A_456 = arith.subf %get3A_454, %sub3A_455 : vector<8x128xf32>
      %get3A_457 = arith.constant 1 : index
      %get3A_458 = arith.constant 96 : index
      %get3A_459 = arith.constant 0 : index
      %get3A_460 = vector.load %arg0[%get3A_457, %get3A_458, %get3A_459] : memref<3x128x128xf32, #tpu.memory_space<vmem>>, vector<1x8x128xf32>
      %get3A_461 = vector.shape_cast %get3A_460 : vector<1x8x128xf32> to vector<8x128xf32>
      %sub3A_462 = vector.broadcast %scan3A_54 : vector<1x1xf32> to vector<8x128xf32>
      %sub3A_463 = arith.subf %get3A_461, %sub3A_462 : vector<8x128xf32>
      %get3A_464 = arith.constant 2 : index
      %get3A_465 = arith.constant 96 : index
      %get3A_466 = arith.constant 0 : index
      %get3A_467 = vector.load %arg0[%get3A_464, %get3A_465, %get3A_466] : memref<3x128x128xf32, #tpu.memory_space<vmem>>, vector<1x8x128xf32>
      %get3A_468 = vector.shape_cast %get3A_467 : vector<1x8x128xf32> to vector<8x128xf32>
      %sub3A_469 = vector.broadcast %scan3A_55 : vector<1x1xf32> to vector<8x128xf32>
      %sub3A_470 = arith.subf %get3A_468, %sub3A_469 : vector<8x128xf32>
      %mul3A_471 = arith.mulf %sub3A_456, %sub3A_456 : vector<8x128xf32>
      %mul3A_472 = arith.mulf %sub3A_463, %sub3A_463 : vector<8x128xf32>
      %add3A_473 = arith.addf %mul3A_471, %mul3A_472 : vector<8x128xf32>
      %mul3A_474 = arith.mulf %sub3A_470, %sub3A_470 : vector<8x128xf32>
      %add3A_475 = arith.addf %add3A_473, %mul3A_474 : vector<8x128xf32>
      %get3A_476 = arith.constant 96 : index
      %get3A_477 = arith.constant 0 : index
      %get3A_478 = vector.load %arg2[%get3A_476, %get3A_477] : memref<128x128xf32, #tpu.memory_space<vmem>>, vector<8x128xf32>
      %min3A_479 = arith.minimumf %get3A_478, %add3A_475 : vector<8x128xf32>
      %swap3A_480 = arith.constant 96 : index
      %swap3A_481 = arith.constant 0 : index
      %swap3A_482 = vector.load %arg2[%swap3A_480, %swap3A_481] : memref<128x128xf32, #tpu.memory_space<vmem>>, vector<8x128xf32>
      tpu.vector_store %arg2[%swap3A_480, %swap3A_481], %min3A_479 {strides = array<i32>} : memref<128x128xf32, #tpu.memory_space<vmem>>, vector<8x128xf32>,
      %get3A_483 = arith.constant 0 : index
      %get3A_484 = arith.constant 104 : index
      %get3A_485 = arith.constant 0 : index
      %get3A_486 = vector.load %arg0[%get3A_483, %get3A_484, %get3A_485] : memref<3x128x128xf32, #tpu.memory_space<vmem>>, vector<1x8x128xf32>
      %get3A_487 = vector.shape_cast %get3A_486 : vector<1x8x128xf32> to vector<8x128xf32>
      %sub3A_488 = vector.broadcast %scan3A_53 : vector<1x1xf32> to vector<8x128xf32>
      %sub3A_489 = arith.subf %get3A_487, %sub3A_488 : vector<8x128xf32>
      %get3A_490 = arith.constant 1 : index
      %get3A_491 = arith.constant 104 : index
      %get3A_492 = arith.constant 0 : index
      %get3A_493 = vector.load %arg0[%get3A_490, %get3A_491, %get3A_492] : memref<3x128x128xf32, #tpu.memory_space<vmem>>, vector<1x8x128xf32>
      %get3A_494 = vector.shape_cast %get3A_493 : vector<1x8x128xf32> to vector<8x128xf32>
      %sub3A_495 = vector.broadcast %scan3A_54 : vector<1x1xf32> to vector<8x128xf32>
      %sub3A_496 = arith.subf %get3A_494, %sub3A_495 : vector<8x128xf32>
      %get3A_497 = arith.constant 2 : index
      %get3A_498 = arith.constant 104 : index
      %get3A_499 = arith.constant 0 : index
      %get3A_500 = vector.load %arg0[%get3A_497, %get3A_498, %get3A_499] : memref<3x128x128xf32, #tpu.memory_space<vmem>>, vector<1x8x128xf32>
      %get3A_501 = vector.shape_cast %get3A_500 : vector<1x8x128xf32> to vector<8x128xf32>
      %sub3A_502 = vector.broadcast %scan3A_55 : vector<1x1xf32> to vector<8x128xf32>
      %sub3A_503 = arith.subf %get3A_501, %sub3A_502 : vector<8x128xf32>
      %mul3A_504 = arith.mulf %sub3A_489, %sub3A_489 : vector<8x128xf32>
      %mul3A_505 = arith.mulf %sub3A_496, %sub3A_496 : vector<8x128xf32>
      %add3A_506 = arith.addf %mul3A_504, %mul3A_505 : vector<8x128xf32>
      %mul3A_507 = arith.mulf %sub3A_503, %sub3A_503 : vector<8x128xf32>
      %add3A_508 = arith.addf %add3A_506, %mul3A_507 : vector<8x128xf32>
      %get3A_509 = arith.constant 104 : index
      %get3A_510 = arith.constant 0 : index
      %get3A_511 = vector.load %arg2[%get3A_509, %get3A_510] : memref<128x128xf32, #tpu.memory_space<vmem>>, vector<8x128xf32>
      %min3A_512 = arith.minimumf %get3A_511, %add3A_508 : vector<8x128xf32>
      %swap3A_513 = arith.constant 104 : index
      %swap3A_514 = arith.constant 0 : index
      %swap3A_515 = vector.load %arg2[%swap3A_513, %swap3A_514] : memref<128x128xf32, #tpu.memory_space<vmem>>, vector<8x128xf32>
      tpu.vector_store %arg2[%swap3A_513, %swap3A_514], %min3A_512 {strides = array<i32>} : memref<128x128xf32, #tpu.memory_space<vmem>>, vector<8x128xf32>,
      %get3A_516 = arith.constant 0 : index
      %get3A_517 = arith.constant 112 : index
      %get3A_518 = arith.constant 0 : index
      %get3A_519 = vector.load %arg0[%get3A_516, %get3A_517, %get3A_518] : memref<3x128x128xf32, #tpu.memory_space<vmem>>, vector<1x8x128xf32>
      %get3A_520 = vector.shape_cast %get3A_519 : vector<1x8x128xf32> to vector<8x128xf32>
      %sub3A_521 = vector.broadcast %scan3A_53 : vector<1x1xf32> to vector<8x128xf32>
      %sub3A_522 = arith.subf %get3A_520, %sub3A_521 : vector<8x128xf32>
      %get3A_523 = arith.constant 1 : index
      %get3A_524 = arith.constant 112 : index
      %get3A_525 = arith.constant 0 : index
      %get3A_526 = vector.load %arg0[%get3A_523, %get3A_524, %get3A_525] : memref<3x128x128xf32, #tpu.memory_space<vmem>>, vector<1x8x128xf32>
      %get3A_527 = vector.shape_cast %get3A_526 : vector<1x8x128xf32> to vector<8x128xf32>
      %sub3A_528 = vector.broadcast %scan3A_54 : vector<1x1xf32> to vector<8x128xf32>
      %sub3A_529 = arith.subf %get3A_527, %sub3A_528 : vector<8x128xf32>
      %get3A_530 = arith.constant 2 : index
      %get3A_531 = arith.constant 112 : index
      %get3A_532 = arith.constant 0 : index
      %get3A_533 = vector.load %arg0[%get3A_530, %get3A_531, %get3A_532] : memref<3x128x128xf32, #tpu.memory_space<vmem>>, vector<1x8x128xf32>
      %get3A_534 = vector.shape_cast %get3A_533 : vector<1x8x128xf32> to vector<8x128xf32>
      %sub3A_535 = vector.broadcast %scan3A_55 : vector<1x1xf32> to vector<8x128xf32>
      %sub3A_536 = arith.subf %get3A_534, %sub3A_535 : vector<8x128xf32>
      %mul3A_537 = arith.mulf %sub3A_522, %sub3A_522 : vector<8x128xf32>
      %mul3A_538 = arith.mulf %sub3A_529, %sub3A_529 : vector<8x128xf32>
      %add3A_539 = arith.addf %mul3A_537, %mul3A_538 : vector<8x128xf32>
      %mul3A_540 = arith.mulf %sub3A_536, %sub3A_536 : vector<8x128xf32>
      %add3A_541 = arith.addf %add3A_539, %mul3A_540 : vector<8x128xf32>
      %get3A_542 = arith.constant 112 : index
      %get3A_543 = arith.constant 0 : index
      %get3A_544 = vector.load %arg2[%get3A_542, %get3A_543] : memref<128x128xf32, #tpu.memory_space<vmem>>, vector<8x128xf32>
      %min3A_545 = arith.minimumf %get3A_544, %add3A_541 : vector<8x128xf32>
      %swap3A_546 = arith.constant 112 : index
      %swap3A_547 = arith.constant 0 : index
      %swap3A_548 = vector.load %arg2[%swap3A_546, %swap3A_547] : memref<128x128xf32, #tpu.memory_space<vmem>>, vector<8x128xf32>
      tpu.vector_store %arg2[%swap3A_546, %swap3A_547], %min3A_545 {strides = array<i32>} : memref<128x128xf32, #tpu.memory_space<vmem>>, vector<8x128xf32>,
      %get3A_549 = arith.constant 0 : index
      %get3A_550 = arith.constant 120 : index
      %get3A_551 = arith.constant 0 : index
      %get3A_552 = vector.load %arg0[%get3A_549, %get3A_550, %get3A_551] : memref<3x128x128xf32, #tpu.memory_space<vmem>>, vector<1x8x128xf32>
      %get3A_553 = vector.shape_cast %get3A_552 : vector<1x8x128xf32> to vector<8x128xf32>
      %sub3A_554 = vector.broadcast %scan3A_53 : vector<1x1xf32> to vector<8x128xf32>
      %sub3A_555 = arith.subf %get3A_553, %sub3A_554 : vector<8x128xf32>
      %get3A_556 = arith.constant 1 : index
      %get3A_557 = arith.constant 120 : index
      %get3A_558 = arith.constant 0 : index
      %get3A_559 = vector.load %arg0[%get3A_556, %get3A_557, %get3A_558] : memref<3x128x128xf32, #tpu.memory_space<vmem>>, vector<1x8x128xf32>
      %get3A_560 = vector.shape_cast %get3A_559 : vector<1x8x128xf32> to vector<8x128xf32>
      %sub3A_561 = vector.broadcast %scan3A_54 : vector<1x1xf32> to vector<8x128xf32>
      %sub3A_562 = arith.subf %get3A_560, %sub3A_561 : vector<8x128xf32>
      %get3A_563 = arith.constant 2 : index
      %get3A_564 = arith.constant 120 : index
      %get3A_565 = arith.constant 0 : index
      %get3A_566 = vector.load %arg0[%get3A_563, %get3A_564, %get3A_565] : memref<3x128x128xf32, #tpu.memory_space<vmem>>, vector<1x8x128xf32>
      %get3A_567 = vector.shape_cast %get3A_566 : vector<1x8x128xf32> to vector<8x128xf32>
      %sub3A_568 = vector.broadcast %scan3A_55 : vector<1x1xf32> to vector<8x128xf32>
      %sub3A_569 = arith.subf %get3A_567, %sub3A_568 : vector<8x128xf32>
      %mul3A_570 = arith.mulf %sub3A_555, %sub3A_555 : vector<8x128xf32>
      %mul3A_571 = arith.mulf %sub3A_562, %sub3A_562 : vector<8x128xf32>
      %add3A_572 = arith.addf %mul3A_570, %mul3A_571 : vector<8x128xf32>
      %mul3A_573 = arith.mulf %sub3A_569, %sub3A_569 : vector<8x128xf32>
      %add3A_574 = arith.addf %add3A_572, %mul3A_573 : vector<8x128xf32>
      %get3A_575 = arith.constant 120 : index
      %get3A_576 = arith.constant 0 : index
      %get3A_577 = vector.load %arg2[%get3A_575, %get3A_576] : memref<128x128xf32, #tpu.memory_space<vmem>>, vector<8x128xf32>
      %min3A_578 = arith.minimumf %get3A_577, %add3A_574 : vector<8x128xf32>
      %swap3A_579 = arith.constant 120 : index
      %swap3A_580 = arith.constant 0 : index
      %swap3A_581 = vector.load %arg2[%swap3A_579, %swap3A_580] : memref<128x128xf32, #tpu.memory_space<vmem>>, vector<8x128xf32>
      tpu.vector_store %arg2[%swap3A_579, %swap3A_580], %min3A_578 {strides = array<i32>} : memref<128x128xf32, #tpu.memory_space<vmem>>, vector<8x128xf32>,
      %max3A = arith.maximumf %min3A, %min3A_116 : vector<8x128xf32>
      %max3A_582 = arith.maximumf %min3A_149, %min3A_182 : vector<8x128xf32>
      %max3A_583 = arith.maximumf %min3A_215, %min3A_248 : vector<8x128xf32>
      %max3A_584 = arith.maximumf %min3A_281, %min3A_314 : vector<8x128xf32>
      %max3A_585 = arith.maximumf %min3A_347, %min3A_380 : vector<8x128xf32>
      %max3A_586 = arith.maximumf %min3A_413, %min3A_446 : vector<8x128xf32>
      %max3A_587 = arith.maximumf %min3A_479, %min3A_512 : vector<8x128xf32>
      %max3A_588 = arith.maximumf %min3A_545, %min3A_578 : vector<8x128xf32>
      %max3A_589 = arith.maximumf %max3A, %max3A_582 : vector<8x128xf32>
      %max3A_590 = arith.maximumf %max3A_583, %max3A_584 : vector<8x128xf32>
      %max3A_591 = arith.maximumf %max3A_585, %max3A_586 : vector<8x128xf32>
      %max3A_592 = arith.maximumf %max3A_587, %max3A_588 : vector<8x128xf32>
      %max3A_593 = arith.maximumf %max3A_589, %max3A_590 : vector<8x128xf32>
      %max3A_594 = arith.maximumf %max3A_591, %max3A_592 : vector<8x128xf32>
      %max3A_595 = arith.maximumf %max3A_593, %max3A_594 : vector<8x128xf32>
      %reduce_max3A = arith.constant dense<0xFF800000> : vector<128xf32>
      %reduce_max3A_596 = vector.multi_reduction <maximumf>, %max3A_595, %reduce_max3A [0] : vector<8x128xf32> to vector<128xf32>
      %broadcast_in_dim3A_597 = vector.shape_cast %reduce_max3A_596 : vector<128xf32> to vector<1x128xf32>
      %reduce_max3A_598 = arith.constant dense<0xFF800000> : vector<1xf32>
      %reduce_max3A_599 = vector.multi_reduction <maximumf>, %broadcast_in_dim3A_597, %reduce_max3A_598 [1] : vector<1x128xf32> to vector<1xf32>
      %broadcast_in_dim3A_600 = vector.shape_cast %reduce_max3A_599 : vector<1xf32> to vector<1x1xf32>
      %eq3A = vector.broadcast %broadcast_in_dim3A_600 : vector<1x1xf32> to vector<8x128xf32>
      %eq3A_601 = arith.cmpf oeq, %min3A, %eq3A : vector<8x128xf32>
      %jit3A = arith.constant 0 : i32
      %jit3A_602 = arith.constant 16 : i32
      %broadcast_in_dim3A_603 = vector.broadcast %jit3A : i32 to vector<8x128xi32>
      %broadcast_in_dim3A_604 = vector.broadcast %jit3A_602 : i32 to vector<8x128xi32>
      %select_n3A = arith.select %eq3A_601, %broadcast_in_dim3A_603, %broadcast_in_dim3A_604 : vector<8x128xi1>, vector<8x128xi32>
      %eq3A_605 = vector.broadcast %broadcast_in_dim3A_600 : vector<1x1xf32> to vector<8x128xf32>
      %eq3A_606 = arith.cmpf oeq, %min3A_116, %eq3A_605 : vector<8x128xf32>
      %jit3A_607 = arith.constant 1 : i32
      %jit3A_608 = arith.constant 16 : i32
      %broadcast_in_dim3A_609 = vector.broadcast %jit3A_607 : i32 to vector<8x128xi32>
      %broadcast_in_dim3A_610 = vector.broadcast %jit3A_608 : i32 to vector<8x128xi32>
      %select_n3A_611 = arith.select %eq3A_606, %broadcast_in_dim3A_609, %broadcast_in_dim3A_610 : vector<8x128xi1>, vector<8x128xi32>
      %eq3A_612 = vector.broadcast %broadcast_in_dim3A_600 : vector<1x1xf32> to vector<8x128xf32>
      %eq3A_613 = arith.cmpf oeq, %min3A_149, %eq3A_612 : vector<8x128xf32>
      %jit3A_614 = arith.constant 2 : i32
      %jit3A_615 = arith.constant 16 : i32
      %broadcast_in_dim3A_616 = vector.broadcast %jit3A_614 : i32 to vector<8x128xi32>
      %broadcast_in_dim3A_617 = vector.broadcast %jit3A_615 : i32 to vector<8x128xi32>
      %select_n3A_618 = arith.select %eq3A_613, %broadcast_in_dim3A_616, %broadcast_in_dim3A_617 : vector<8x128xi1>, vector<8x128xi32>
      %eq3A_619 = vector.broadcast %broadcast_in_dim3A_600 : vector<1x1xf32> to vector<8x128xf32>
      %eq3A_620 = arith.cmpf oeq, %min3A_182, %eq3A_619 : vector<8x128xf32>
      %jit3A_621 = arith.constant 3 : i32
      %jit3A_622 = arith.constant 16 : i32
      %broadcast_in_dim3A_623 = vector.broadcast %jit3A_621 : i32 to vector<8x128xi32>
      %broadcast_in_dim3A_624 = vector.broadcast %jit3A_622 : i32 to vector<8x128xi32>
      %select_n3A_625 = arith.select %eq3A_620, %broadcast_in_dim3A_623, %broadcast_in_dim3A_624 : vector<8x128xi1>, vector<8x128xi32>
      %eq3A_626 = vector.broadcast %broadcast_in_dim3A_600 : vector<1x1xf32> to vector<8x128xf32>
      %eq3A_627 = arith.cmpf oeq, %min3A_215, %eq3A_626 : vector<8x128xf32>
      %jit3A_628 = arith.constant 4 : i32
      %jit3A_629 = arith.constant 16 : i32
      %broadcast_in_dim3A_630 = vector.broadcast %jit3A_628 : i32 to vector<8x128xi32>
      %broadcast_in_dim3A_631 = vector.broadcast %jit3A_629 : i32 to vector<8x128xi32>
      %select_n3A_632 = arith.select %eq3A_627, %broadcast_in_dim3A_630, %broadcast_in_dim3A_631 : vector<8x128xi1>, vector<8x128xi32>
      %eq3A_633 = vector.broadcast %broadcast_in_dim3A_600 : vector<1x1xf32> to vector<8x128xf32>
      %eq3A_634 = arith.cmpf oeq, %min3A_248, %eq3A_633 : vector<8x128xf32>
      %jit3A_635 = arith.constant 5 : i32
      %jit3A_636 = arith.constant 16 : i32
      %broadcast_in_dim3A_637 = vector.broadcast %jit3A_635 : i32 to vector<8x128xi32>
      %broadcast_in_dim3A_638 = vector.broadcast %jit3A_636 : i32 to vector<8x128xi32>
      %select_n3A_639 = arith.select %eq3A_634, %broadcast_in_dim3A_637, %broadcast_in_dim3A_638 : vector<8x128xi1>, vector<8x128xi32>
      %eq3A_640 = vector.broadcast %broadcast_in_dim3A_600 : vector<1x1xf32> to vector<8x128xf32>
      %eq3A_641 = arith.cmpf oeq, %min3A_281, %eq3A_640 : vector<8x128xf32>
      %jit3A_642 = arith.constant 6 : i32
      %jit3A_643 = arith.constant 16 : i32
      %broadcast_in_dim3A_644 = vector.broadcast %jit3A_642 : i32 to vector<8x128xi32>
      %broadcast_in_dim3A_645 = vector.broadcast %jit3A_643 : i32 to vector<8x128xi32>
      %select_n3A_646 = arith.select %eq3A_641, %broadcast_in_dim3A_644, %broadcast_in_dim3A_645 : vector<8x128xi1>, vector<8x128xi32>
      %eq3A_647 = vector.broadcast %broadcast_in_dim3A_600 : vector<1x1xf32> to vector<8x128xf32>
      %eq3A_648 = arith.cmpf oeq, %min3A_314, %eq3A_647 : vector<8x128xf32>
      %jit3A_649 = arith.constant 7 : i32
      %jit3A_650 = arith.constant 16 : i32
      %broadcast_in_dim3A_651 = vector.broadcast %jit3A_649 : i32 to vector<8x128xi32>
      %broadcast_in_dim3A_652 = vector.broadcast %jit3A_650 : i32 to vector<8x128xi32>
      %select_n3A_653 = arith.select %eq3A_648, %broadcast_in_dim3A_651, %broadcast_in_dim3A_652 : vector<8x128xi1>, vector<8x128xi32>
      %eq3A_654 = vector.broadcast %broadcast_in_dim3A_600 : vector<1x1xf32> to vector<8x128xf32>
      %eq3A_655 = arith.cmpf oeq, %min3A_347, %eq3A_654 : vector<8x128xf32>
      %jit3A_656 = arith.constant 8 : i32
      %jit3A_657 = arith.constant 16 : i32
      %broadcast_in_dim3A_658 = vector.broadcast %jit3A_656 : i32 to vector<8x128xi32>
      %broadcast_in_dim3A_659 = vector.broadcast %jit3A_657 : i32 to vector<8x128xi32>
      %select_n3A_660 = arith.select %eq3A_655, %broadcast_in_dim3A_658, %broadcast_in_dim3A_659 : vector<8x128xi1>, vector<8x128xi32>
      %eq3A_661 = vector.broadcast %broadcast_in_dim3A_600 : vector<1x1xf32> to vector<8x128xf32>
      %eq3A_662 = arith.cmpf oeq, %min3A_380, %eq3A_661 : vector<8x128xf32>
      %jit3A_663 = arith.constant 9 : i32
      %jit3A_664 = arith.constant 16 : i32
      %broadcast_in_dim3A_665 = vector.broadcast %jit3A_663 : i32 to vector<8x128xi32>
      %broadcast_in_dim3A_666 = vector.broadcast %jit3A_664 : i32 to vector<8x128xi32>
      %select_n3A_667 = arith.select %eq3A_662, %broadcast_in_dim3A_665, %broadcast_in_dim3A_666 : vector<8x128xi1>, vector<8x128xi32>
      %eq3A_668 = vector.broadcast %broadcast_in_dim3A_600 : vector<1x1xf32> to vector<8x128xf32>
      %eq3A_669 = arith.cmpf oeq, %min3A_413, %eq3A_668 : vector<8x128xf32>
      %jit3A_670 = arith.constant 10 : i32
      %jit3A_671 = arith.constant 16 : i32
      %broadcast_in_dim3A_672 = vector.broadcast %jit3A_670 : i32 to vector<8x128xi32>
      %broadcast_in_dim3A_673 = vector.broadcast %jit3A_671 : i32 to vector<8x128xi32>
      %select_n3A_674 = arith.select %eq3A_669, %broadcast_in_dim3A_672, %broadcast_in_dim3A_673 : vector<8x128xi1>, vector<8x128xi32>
      %eq3A_675 = vector.broadcast %broadcast_in_dim3A_600 : vector<1x1xf32> to vector<8x128xf32>
      %eq3A_676 = arith.cmpf oeq, %min3A_446, %eq3A_675 : vector<8x128xf32>
      %jit3A_677 = arith.constant 11 : i32
      %jit3A_678 = arith.constant 16 : i32
      %broadcast_in_dim3A_679 = vector.broadcast %jit3A_677 : i32 to vector<8x128xi32>
      %broadcast_in_dim3A_680 = vector.broadcast %jit3A_678 : i32 to vector<8x128xi32>
      %select_n3A_681 = arith.select %eq3A_676, %broadcast_in_dim3A_679, %broadcast_in_dim3A_680 : vector<8x128xi1>, vector<8x128xi32>
      %eq3A_682 = vector.broadcast %broadcast_in_dim3A_600 : vector<1x1xf32> to vector<8x128xf32>
      %eq3A_683 = arith.cmpf oeq, %min3A_479, %eq3A_682 : vector<8x128xf32>
      %jit3A_684 = arith.constant 12 : i32
      %jit3A_685 = arith.constant 16 : i32
      %broadcast_in_dim3A_686 = vector.broadcast %jit3A_684 : i32 to vector<8x128xi32>
      %broadcast_in_dim3A_687 = vector.broadcast %jit3A_685 : i32 to vector<8x128xi32>
      %select_n3A_688 = arith.select %eq3A_683, %broadcast_in_dim3A_686, %broadcast_in_dim3A_687 : vector<8x128xi1>, vector<8x128xi32>
      %eq3A_689 = vector.broadcast %broadcast_in_dim3A_600 : vector<1x1xf32> to vector<8x128xf32>
      %eq3A_690 = arith.cmpf oeq, %min3A_512, %eq3A_689 : vector<8x128xf32>
      %jit3A_691 = arith.constant 13 : i32
      %jit3A_692 = arith.constant 16 : i32
      %broadcast_in_dim3A_693 = vector.broadcast %jit3A_691 : i32 to vector<8x128xi32>
      %broadcast_in_dim3A_694 = vector.broadcast %jit3A_692 : i32 to vector<8x128xi32>
      %select_n3A_695 = arith.select %eq3A_690, %broadcast_in_dim3A_693, %broadcast_in_dim3A_694 : vector<8x128xi1>, vector<8x128xi32>
      %eq3A_696 = vector.broadcast %broadcast_in_dim3A_600 : vector<1x1xf32> to vector<8x128xf32>
      %eq3A_697 = arith.cmpf oeq, %min3A_545, %eq3A_696 : vector<8x128xf32>
      %jit3A_698 = arith.constant 14 : i32
      %jit3A_699 = arith.constant 16 : i32
      %broadcast_in_dim3A_700 = vector.broadcast %jit3A_698 : i32 to vector<8x128xi32>
      %broadcast_in_dim3A_701 = vector.broadcast %jit3A_699 : i32 to vector<8x128xi32>
      %select_n3A_702 = arith.select %eq3A_697, %broadcast_in_dim3A_700, %broadcast_in_dim3A_701 : vector<8x128xi1>, vector<8x128xi32>
      %eq3A_703 = vector.broadcast %broadcast_in_dim3A_600 : vector<1x1xf32> to vector<8x128xf32>
      %eq3A_704 = arith.cmpf oeq, %min3A_578, %eq3A_703 : vector<8x128xf32>
      %jit3A_705 = arith.constant 15 : i32
      %jit3A_706 = arith.constant 16 : i32
      %broadcast_in_dim3A_707 = vector.broadcast %jit3A_705 : i32 to vector<8x128xi32>
      %broadcast_in_dim3A_708 = vector.broadcast %jit3A_706 : i32 to vector<8x128xi32>
      %select_n3A_709 = arith.select %eq3A_704, %broadcast_in_dim3A_707, %broadcast_in_dim3A_708 : vector<8x128xi1>, vector<8x128xi32>
      %min3A_710 = arith.minsi %select_n3A, %select_n3A_611 : vector<8x128xi32>
      %min3A_711 = arith.minsi %select_n3A_618, %select_n3A_625 : vector<8x128xi32>
      %min3A_712 = arith.minsi %select_n3A_632, %select_n3A_639 : vector<8x128xi32>
      %min3A_713 = arith.minsi %select_n3A_646, %select_n3A_653 : vector<8x128xi32>
      %min3A_714 = arith.minsi %select_n3A_660, %select_n3A_667 : vector<8x128xi32>
      %min3A_715 = arith.minsi %select_n3A_674, %select_n3A_681 : vector<8x128xi32>
      %min3A_716 = arith.minsi %select_n3A_688, %select_n3A_695 : vector<8x128xi32>
      %min3A_717 = arith.minsi %select_n3A_702, %select_n3A_709 : vector<8x128xi32>
      %min3A_718 = arith.minsi %min3A_710, %min3A_711 : vector<8x128xi32>
      %min3A_719 = arith.minsi %min3A_712, %min3A_713 : vector<8x128xi32>
      %min3A_720 = arith.minsi %min3A_714, %min3A_715 : vector<8x128xi32>
      %min3A_721 = arith.minsi %min3A_716, %min3A_717 : vector<8x128xi32>
      %min3A_722 = arith.minsi %min3A_718, %min3A_719 : vector<8x128xi32>
      %min3A_723 = arith.minsi %min3A_720, %min3A_721 : vector<8x128xi32>
      %min3A_724 = arith.minsi %min3A_722, %min3A_723 : vector<8x128xi32>
      %mul3A_725 = arith.constant 1024 : i32
      %mul3A_726 = vector.broadcast %mul3A_725 : i32 to vector<8x128xi32>
      %mul3A_727 = arith.muli %min3A_724, %mul3A_726 : vector<8x128xi32>
      %add3A_728 = arith.addi %mul3A_727, %add3A : vector<8x128xi32>
      %reduce_min3A = arith.constant dense<2147483647> : vector<128xi32>
      %reduce_min3A_729 = vector.multi_reduction <minsi>, %add3A_728, %reduce_min3A [0] : vector<8x128xi32> to vector<128xi32>
      %broadcast_in_dim3A_730 = vector.shape_cast %reduce_min3A_729 : vector<128xi32> to vector<1x128xi32>
      %reduce_min3A_731 = arith.constant dense<2147483647> : vector<1xi32>
      %reduce_min3A_732 = vector.multi_reduction <minsi>, %broadcast_in_dim3A_730, %reduce_min3A_731 [1] : vector<1x128xi32> to vector<1xi32>
      %broadcast_in_dim3A_733 = vector.shape_cast %reduce_min3A_732 : vector<1xi32> to vector<1x1xi32>
      %iota3A_734 = tpu.iota {dimensions = array<i32: 0>} : vector<128x128xi32>
      %mul3A_735 = arith.constant 128 : i32
      %mul3A_736 = vector.broadcast %mul3A_735 : i32 to vector<128x128xi32>
      %mul3A_737 = arith.muli %iota3A_734, %mul3A_736 : vector<128x128xi32>
      %iota3A_738 = tpu.iota {dimensions = array<i32: 1>} : vector<128x128xi32>
      %add3A_739 = arith.addi %mul3A_737, %iota3A_738 : vector<128x128xi32>
      %eq3A_740 = vector.broadcast %broadcast_in_dim3A_733 : vector<1x1xi32> to vector<128x128xi32>
      %eq3A_741 = arith.cmpi eq, %add3A_739, %eq3A_740 : vector<128x128xi32>
      %get3A_742 = arith.constant 0 : index
      %get3A_743 = arith.constant 0 : index
      %get3A_744 = arith.constant 0 : index
      %get3A_745 = vector.load %arg0[%get3A_742, %get3A_743, %get3A_744] : memref<3x128x128xf32, #tpu.memory_space<vmem>>, vector<1x128x128xf32>
      %get3A_746 = vector.shape_cast %get3A_745 : vector<1x128x128xf32> to vector<128x128xf32>
      %jit3A_747 = arith.constant 0.000000e+00 : f32
      %broadcast_in_dim3A_748 = vector.broadcast %jit3A_747 : f32 to vector<128x128xf32>
      %select_n3A_749 = arith.select %eq3A_741, %get3A_746, %broadcast_in_dim3A_748 : vector<128x128xi1>, vector<128x128xf32>
      %reduce_sum3A = arith.constant dense<0.000000e+00> : vector<128xf32>
      %reduce_sum3A_750 = vector.multi_reduction <add>, %select_n3A_749, %reduce_sum3A [0] : vector<128x128xf32> to vector<128xf32>
      %broadcast_in_dim3A_751 = vector.shape_cast %reduce_sum3A_750 : vector<128xf32> to vector<1x128xf32>
      %reduce_sum3A_752 = arith.constant dense<0.000000e+00> : vector<1xf32>
      %reduce_sum3A_753 = vector.multi_reduction <add>, %broadcast_in_dim3A_751, %reduce_sum3A_752 [1] : vector<1x128xf32> to vector<1xf32>
      %broadcast_in_dim3A_754 = vector.shape_cast %reduce_sum3A_753 : vector<1xf32> to vector<1x1xf32>
      %get3A_755 = arith.constant 1 : index
      %get3A_756 = arith.constant 0 : index
      %get3A_757 = arith.constant 0 : index
      %get3A_758 = vector.load %arg0[%get3A_755, %get3A_756, %get3A_757] : memref<3x128x128xf32, #tpu.memory_space<vmem>>, vector<1x128x128xf32>
      %get3A_759 = vector.shape_cast %get3A_758 : vector<1x128x128xf32> to vector<128x128xf32>
      %jit3A_760 = arith.constant 0.000000e+00 : f32
      %broadcast_in_dim3A_761 = vector.broadcast %jit3A_760 : f32 to vector<128x128xf32>
      %select_n3A_762 = arith.select %eq3A_741, %get3A_759, %broadcast_in_dim3A_761 : vector<128x128xi1>, vector<128x128xf32>
      %reduce_sum3A_763 = arith.constant dense<0.000000e+00> : vector<128xf32>
      %reduce_sum3A_764 = vector.multi_reduction <add>, %select_n3A_762, %reduce_sum3A_763 [0] : vector<128x128xf32> to vector<128xf32>
      %broadcast_in_dim3A_765 = vector.shape_cast %reduce_sum3A_764 : vector<128xf32> to vector<1x128xf32>
      %reduce_sum3A_766 = arith.constant dense<0.000000e+00> : vector<1xf32>
      %reduce_sum3A_767 = vector.multi_reduction <add>, %broadcast_in_dim3A_765, %reduce_sum3A_766 [1] : vector<1x128xf32> to vector<1xf32>
      %broadcast_in_dim3A_768 = vector.shape_cast %reduce_sum3A_767 : vector<1xf32> to vector<1x1xf32>
      %get3A_769 = arith.constant 2 : index
      %get3A_770 = arith.constant 0 : index
      %get3A_771 = arith.constant 0 : index
      %get3A_772 = vector.load %arg0[%get3A_769, %get3A_770, %get3A_771] : memref<3x128x128xf32, #tpu.memory_space<vmem>>, vector<1x128x128xf32>
      %get3A_773 = vector.shape_cast %get3A_772 : vector<1x128x128xf32> to vector<128x128xf32>
      %jit3A_774 = arith.constant 0.000000e+00 : f32
      %broadcast_in_dim3A_775 = vector.broadcast %jit3A_774 : f32 to vector<128x128xf32>
      %select_n3A_776 = arith.select %eq3A_741, %get3A_773, %broadcast_in_dim3A_775 : vector<128x128xi1>, vector<128x128xf32>
      %reduce_sum3A_777 = arith.constant dense<0.000000e+00> : vector<128xf32>
      %reduce_sum3A_778 = vector.multi_reduction <add>, %select_n3A_776, %reduce_sum3A_777 [0] : vector<128x128xf32> to vector<128xf32>
      %broadcast_in_dim3A_779 = vector.shape_cast %reduce_sum3A_778 : vector<128xf32> to vector<1x128xf32>
      %reduce_sum3A_780 = arith.constant dense<0.000000e+00> : vector<1xf32>
      %reduce_sum3A_781 = vector.multi_reduction <add>, %broadcast_in_dim3A_779, %reduce_sum3A_780 [1] : vector<1x128xf32> to vector<1xf32>
      %broadcast_in_dim3A_782 = vector.shape_cast %reduce_sum3A_781 : vector<1xf32> to vector<1x1xf32>
      %concatenate3A_783 = tpu.concatenate %broadcast_in_dim3A_754, %broadcast_in_dim3A_768, %broadcast_in_dim3A_782 in 1 : vector<1x1xf32>, vector<1x1xf32>, vector<1x1xf32> -> vector<1x3xf32>
      %swap3A_784 = arith.index_cast %scan3A_52 : i32 to index
      %swap3A_785 = arith.constant 0 : index
      %swap3A_786 = vector.load %arg1[%swap3A_784, %swap3A_785] : memref<1024x3xf32, #tpu.memory_space<vmem>>, vector<1x3xf32>
      tpu.vector_store %arg1[%swap3A_784, %swap3A_785], %concatenate3A_783 {strides = array<i32>} : memref<1024x3xf32, #tpu.memory_space<vmem>>, vector<1x3xf32>,
      scf.yield %broadcast_in_dim3A_754, %broadcast_in_dim3A_768, %broadcast_in_dim3A_782 : vector<1x1xf32>, vector<1x1xf32>, vector<1x1xf32>
    }
    %scan3A_51 = arith.constant 1023 : i32
    return
  }
}

module attributes {stable_mosaic.version = 14 : i64} {
  func.func @_knn_body(%arg0: i32, %arg1: memref<128x3xf32, #tpu.memory_space<vmem>>, %arg2: memref<3x16384xf32, #tpu.memory_space<vmem>>, %arg3: memref<128x16xi32, #tpu.memory_space<vmem>>) attributes {dimension_semantics = [#tpu.dimension_semantics<arbitrary>], iteration_bounds = array<i64: 8>, scalar_prefetch = 0 : i64, scratch_operands = 0 : i64, tpu.core_type = #tpu.core_type<tc>, window_params = [{transform_indices = @transform_0, window_bounds = array<i64: 128, 3>}, {pipeline_mode = #tpu.pipeline_mode<synchronous>, transform_indices = @transform_1, window_bounds = array<i64: 3, 16384>}, {transform_indices = @transform_2, window_bounds = array<i64: 128, 16>}]} {
    %get3A = arith.constant 0 : index
    %get3A_0 = arith.constant 0 : index
    %get3A_1 = vector.load %arg1[%get3A, %get3A_0] : memref<128x3xf32, #tpu.memory_space<vmem>>, vector<128x3xf32>
    %get3A_2 = arith.constant 0 : index
    %get3A_3 = arith.constant 0 : index
    %get3A_4 = vector.load %arg2[%get3A_2, %get3A_3] : memref<3x16384xf32, #tpu.memory_space<vmem>>, vector<3x16384xf32>
    %slice3A = vector.extract_strided_slice %get3A_4 {offsets = [0, 0], sizes = [1, 16384], strides = [1, 1]} : vector<3x16384xf32> to vector<1x16384xf32>
    %slice3A_5 = vector.extract_strided_slice %get3A_4 {offsets = [1, 0], sizes = [1, 16384], strides = [1, 1]} : vector<3x16384xf32> to vector<1x16384xf32>
    %slice3A_6 = vector.extract_strided_slice %get3A_4 {offsets = [2, 0], sizes = [1, 16384], strides = [1, 1]} : vector<3x16384xf32> to vector<1x16384xf32>
    %mul3A = arith.mulf %slice3A, %slice3A : vector<1x16384xf32>
    %mul3A_7 = arith.mulf %slice3A_5, %slice3A_5 : vector<1x16384xf32>
    %add3A = arith.addf %mul3A, %mul3A_7 : vector<1x16384xf32>
    %mul3A_8 = arith.mulf %slice3A_6, %slice3A_6 : vector<1x16384xf32>
    %add3A_9 = arith.addf %add3A, %mul3A_8 : vector<1x16384xf32>
    %mul3A_10 = arith.mulf %get3A_1, %get3A_1 : vector<128x3xf32>
    %reduce_sum3A = arith.constant dense<0.000000e+00> : vector<128xf32>
    %reduce_sum3A_11 = vector.multi_reduction <add>, %mul3A_10, %reduce_sum3A [1] : vector<128x3xf32> to vector<128xf32>
    %broadcast_in_dim3A = vector.shape_cast %reduce_sum3A_11 : vector<128xf32> to vector<128x1xf32>
    %add3A_12 = vector.broadcast %broadcast_in_dim3A : vector<128x1xf32> to vector<128x16384xf32>
    %add3A_13 = vector.broadcast %add3A_9 : vector<1x16384xf32> to vector<128x16384xf32>
    %add3A_14 = arith.addf %add3A_12, %add3A_13 : vector<128x16384xf32>
    %dot_general3A = arith.constant dense<0.000000e+00> : vector<128x16384xf32>
    %dot_general3A_15 = tpu.matmul %get3A_1, %get3A_4, %dot_general3A {dimension_numbers = #tpu.dot_dimension_numbers<[1], [0], [0], [1], [0, 0, 1, 1], [], []>, transpose_lhs_hint = false} : vector<128x3xf32>, vector<3x16384xf32>, vector<128x16384xf32> -> vector<128x16384xf32>
    %mul3A_16 = arith.constant 2.000000e+00 : f32
    %mul3A_17 = vector.broadcast %mul3A_16 : f32 to vector<128x16384xf32>
    %mul3A_18 = arith.mulf %mul3A_17, %dot_general3A_15 : vector<128x16384xf32>
    %sub3A = arith.subf %add3A_14, %mul3A_18 : vector<128x16384xf32>
    %iota3A = tpu.iota {dimensions = array<i32: 1>} : vector<128x16xi32>
    %iota3A_19 = tpu.iota {dimensions = array<i32: 1>} : vector<128x8192xi32>
    %add3A_20 = arith.constant 8192 : i32
    %add3A_21 = vector.broadcast %add3A_20 : i32 to vector<128x8192xi32>
    %add3A_22 = arith.addi %iota3A_19, %add3A_21 : vector<128x8192xi32>
    %broadcast_in_dim3A_23 = arith.constant 0 : i32
    %broadcast_in_dim3A_24 = vector.broadcast %broadcast_in_dim3A_23 : i32 to vector<128x16xi32>
    %broadcast_in_dim3A_25 = arith.constant 0.000000e+00 : f32
    %broadcast_in_dim3A_26 = vector.broadcast %broadcast_in_dim3A_25 : f32 to vector<128x16xf32>
    %slice3A_27 = vector.extract_strided_slice %sub3A {offsets = [0, 0], sizes = [128, 8192], strides = [1, 1]} : vector<128x16384xf32> to vector<128x8192xf32>
    %slice3A_28 = vector.extract_strided_slice %sub3A {offsets = [0, 8192], sizes = [128, 8192], strides = [1, 1]} : vector<128x16384xf32> to vector<128x8192xf32>
    %scan3A = arith.constant 0 : i32
    %scan3A_29 = arith.constant 16 : i32
    %scan3A_30 = arith.addi %scan3A, %scan3A_29 : i32
    %scan3A_31 = arith.constant 1 : i32
    %scan3A_32:6 = scf.for %scan3A_256 = %scan3A to %scan3A_30 step %scan3A_31 iter_args(%scan3A_257 = %slice3A_27, %scan3A_258 = %slice3A_28, %scan3A_259 = %broadcast_in_dim3A_26, %scan3A_260 = %broadcast_in_dim3A_24, %scan3A_261 = %broadcast_in_dim3A_26, %scan3A_262 = %broadcast_in_dim3A_24) -> (vector<128x8192xf32>, vector<128x8192xf32>, vector<128x16xf32>, vector<128x16xi32>, vector<128x16xf32>, vector<128x16xi32>)  : i32 {
      %reduce_min3A = arith.constant dense<0x7F800000> : vector<128xf32>
      %reduce_min3A_263 = vector.multi_reduction <minimumf>, %scan3A_257, %reduce_min3A [1] : vector<128x8192xf32> to vector<128xf32>
      %broadcast_in_dim3A_264 = vector.shape_cast %reduce_min3A_263 : vector<128xf32> to vector<128x1xf32>
      %reduce_min3A_265 = arith.constant dense<0x7F800000> : vector<128xf32>
      %reduce_min3A_266 = vector.multi_reduction <minimumf>, %scan3A_258, %reduce_min3A_265 [1] : vector<128x8192xf32> to vector<128xf32>
      %broadcast_in_dim3A_267 = vector.shape_cast %reduce_min3A_266 : vector<128xf32> to vector<128x1xf32>
      %eq3A_268 = vector.broadcast %broadcast_in_dim3A_264 : vector<128x1xf32> to vector<128x8192xf32>
      %eq3A_269 = arith.cmpf oeq, %scan3A_257, %eq3A_268 : vector<128x8192xf32>
      %jit3A = arith.constant 1073741824 : i32
      %broadcast_in_dim3A_270 = vector.broadcast %jit3A : i32 to vector<128x8192xi32>
      %select_n3A_271 = arith.select %eq3A_269, %iota3A_19, %broadcast_in_dim3A_270 : vector<128x8192xi1>, vector<128x8192xi32>
      %reduce_min3A_272 = arith.constant dense<2147483647> : vector<128xi32>
      %reduce_min3A_273 = vector.multi_reduction <minsi>, %select_n3A_271, %reduce_min3A_272 [1] : vector<128x8192xi32> to vector<128xi32>
      %broadcast_in_dim3A_274 = vector.shape_cast %reduce_min3A_273 : vector<128xi32> to vector<128x1xi32>
      %eq3A_275 = vector.broadcast %broadcast_in_dim3A_267 : vector<128x1xf32> to vector<128x8192xf32>
      %eq3A_276 = arith.cmpf oeq, %scan3A_258, %eq3A_275 : vector<128x8192xf32>
      %jit3A_277 = arith.constant 1073741824 : i32
      %broadcast_in_dim3A_278 = vector.broadcast %jit3A_277 : i32 to vector<128x8192xi32>
      %select_n3A_279 = arith.select %eq3A_276, %add3A_22, %broadcast_in_dim3A_278 : vector<128x8192xi1>, vector<128x8192xi32>
      %reduce_min3A_280 = arith.constant dense<2147483647> : vector<128xi32>
      %reduce_min3A_281 = vector.multi_reduction <minsi>, %select_n3A_279, %reduce_min3A_280 [1] : vector<128x8192xi32> to vector<128xi32>
      %broadcast_in_dim3A_282 = vector.shape_cast %reduce_min3A_281 : vector<128xi32> to vector<128x1xi32>
      %eq3A_283 = vector.broadcast %scan3A_256 : i32 to vector<128x16xi32>
      %eq3A_284 = arith.cmpi eq, %iota3A, %eq3A_283 : vector<128x16xi32>
      %broadcast_in_dim3A_285 = vector.shape_cast %broadcast_in_dim3A_264 : vector<128x1xf32> to vector<128x1xf32>
      %broadcast_in_dim3A_286 = vector.broadcast %broadcast_in_dim3A_285 : vector<128x1xf32> to vector<128x16xf32>
      %select_n3A_287 = arith.select %eq3A_284, %broadcast_in_dim3A_286, %scan3A_259 : vector<128x16xi1>, vector<128x16xf32>
      %eq3A_288 = vector.broadcast %scan3A_256 : i32 to vector<128x16xi32>
      %eq3A_289 = arith.cmpi eq, %iota3A, %eq3A_288 : vector<128x16xi32>
      %broadcast_in_dim3A_290 = vector.shape_cast %broadcast_in_dim3A_274 : vector<128x1xi32> to vector<128x1xi32>
      %broadcast_in_dim3A_291 = vector.broadcast %broadcast_in_dim3A_290 : vector<128x1xi32> to vector<128x16xi32>
      %select_n3A_292 = arith.select %eq3A_289, %broadcast_in_dim3A_291, %scan3A_260 : vector<128x16xi1>, vector<128x16xi32>
      %eq3A_293 = vector.broadcast %scan3A_256 : i32 to vector<128x16xi32>
      %eq3A_294 = arith.cmpi eq, %iota3A, %eq3A_293 : vector<128x16xi32>
      %broadcast_in_dim3A_295 = vector.shape_cast %broadcast_in_dim3A_267 : vector<128x1xf32> to vector<128x1xf32>
      %broadcast_in_dim3A_296 = vector.broadcast %broadcast_in_dim3A_295 : vector<128x1xf32> to vector<128x16xf32>
      %select_n3A_297 = arith.select %eq3A_294, %broadcast_in_dim3A_296, %scan3A_261 : vector<128x16xi1>, vector<128x16xf32>
      %eq3A_298 = vector.broadcast %scan3A_256 : i32 to vector<128x16xi32>
      %eq3A_299 = arith.cmpi eq, %iota3A, %eq3A_298 : vector<128x16xi32>
      %broadcast_in_dim3A_300 = vector.shape_cast %broadcast_in_dim3A_282 : vector<128x1xi32> to vector<128x1xi32>
      %broadcast_in_dim3A_301 = vector.broadcast %broadcast_in_dim3A_300 : vector<128x1xi32> to vector<128x16xi32>
      %select_n3A_302 = arith.select %eq3A_299, %broadcast_in_dim3A_301, %scan3A_262 : vector<128x16xi1>, vector<128x16xi32>
      %eq3A_303 = vector.broadcast %broadcast_in_dim3A_274 : vector<128x1xi32> to vector<128x8192xi32>
      %eq3A_304 = arith.cmpi eq, %iota3A_19, %eq3A_303 : vector<128x8192xi32>
      %jit3A_305 = arith.constant 0x7F800000 : f32
      %broadcast_in_dim3A_306 = vector.broadcast %jit3A_305 : f32 to vector<128x8192xf32>
      %select_n3A_307 = arith.select %eq3A_304, %broadcast_in_dim3A_306, %scan3A_257 : vector<128x8192xi1>, vector<128x8192xf32>
      %eq3A_308 = vector.broadcast %broadcast_in_dim3A_282 : vector<128x1xi32> to vector<128x8192xi32>
      %eq3A_309 = arith.cmpi eq, %add3A_22, %eq3A_308 : vector<128x8192xi32>
      %jit3A_310 = arith.constant 0x7F800000 : f32
      %broadcast_in_dim3A_311 = vector.broadcast %jit3A_310 : f32 to vector<128x8192xf32>
      %select_n3A_312 = arith.select %eq3A_309, %broadcast_in_dim3A_311, %scan3A_258 : vector<128x8192xi1>, vector<128x8192xf32>
      scf.yield %select_n3A_307, %select_n3A_312, %select_n3A_287, %select_n3A_292, %select_n3A_297, %select_n3A_302 : vector<128x8192xf32>, vector<128x8192xf32>, vector<128x16xf32>, vector<128x16xi32>, vector<128x16xf32>, vector<128x16xi32>
    }
    %scan3A_33 = arith.constant 16 : i32
    %slice3A_34 = vector.extract_strided_slice %scan3A_32#4 {offsets = [0, 15], sizes = [128, 1], strides = [1, 1]} : vector<128x16xf32> to vector<128x1xf32>
    %slice3A_35 = vector.extract_strided_slice %scan3A_32#4 {offsets = [0, 14], sizes = [128, 1], strides = [1, 1]} : vector<128x16xf32> to vector<128x1xf32>
    %slice3A_36 = vector.extract_strided_slice %scan3A_32#4 {offsets = [0, 13], sizes = [128, 1], strides = [1, 1]} : vector<128x16xf32> to vector<128x1xf32>
    %slice3A_37 = vector.extract_strided_slice %scan3A_32#4 {offsets = [0, 12], sizes = [128, 1], strides = [1, 1]} : vector<128x16xf32> to vector<128x1xf32>
    %slice3A_38 = vector.extract_strided_slice %scan3A_32#4 {offsets = [0, 11], sizes = [128, 1], strides = [1, 1]} : vector<128x16xf32> to vector<128x1xf32>
    %slice3A_39 = vector.extract_strided_slice %scan3A_32#4 {offsets = [0, 10], sizes = [128, 1], strides = [1, 1]} : vector<128x16xf32> to vector<128x1xf32>
    %slice3A_40 = vector.extract_strided_slice %scan3A_32#4 {offsets = [0, 9], sizes = [128, 1], strides = [1, 1]} : vector<128x16xf32> to vector<128x1xf32>
    %slice3A_41 = vector.extract_strided_slice %scan3A_32#4 {offsets = [0, 8], sizes = [128, 1], strides = [1, 1]} : vector<128x16xf32> to vector<128x1xf32>
    %slice3A_42 = vector.extract_strided_slice %scan3A_32#4 {offsets = [0, 7], sizes = [128, 1], strides = [1, 1]} : vector<128x16xf32> to vector<128x1xf32>
    %slice3A_43 = vector.extract_strided_slice %scan3A_32#4 {offsets = [0, 6], sizes = [128, 1], strides = [1, 1]} : vector<128x16xf32> to vector<128x1xf32>
    %slice3A_44 = vector.extract_strided_slice %scan3A_32#4 {offsets = [0, 5], sizes = [128, 1], strides = [1, 1]} : vector<128x16xf32> to vector<128x1xf32>
    %slice3A_45 = vector.extract_strided_slice %scan3A_32#4 {offsets = [0, 4], sizes = [128, 1], strides = [1, 1]} : vector<128x16xf32> to vector<128x1xf32>
    %slice3A_46 = vector.extract_strided_slice %scan3A_32#4 {offsets = [0, 3], sizes = [128, 1], strides = [1, 1]} : vector<128x16xf32> to vector<128x1xf32>
    %slice3A_47 = vector.extract_strided_slice %scan3A_32#4 {offsets = [0, 2], sizes = [128, 1], strides = [1, 1]} : vector<128x16xf32> to vector<128x1xf32>
    %slice3A_48 = vector.extract_strided_slice %scan3A_32#4 {offsets = [0, 1], sizes = [128, 1], strides = [1, 1]} : vector<128x16xf32> to vector<128x1xf32>
    %slice3A_49 = vector.extract_strided_slice %scan3A_32#4 {offsets = [0, 0], sizes = [128, 1], strides = [1, 1]} : vector<128x16xf32> to vector<128x1xf32>
    %concatenate3A = tpu.concatenate %slice3A_34, %slice3A_35, %slice3A_36, %slice3A_37, %slice3A_38, %slice3A_39, %slice3A_40, %slice3A_41, %slice3A_42, %slice3A_43, %slice3A_44, %slice3A_45, %slice3A_46, %slice3A_47, %slice3A_48, %slice3A_49 in 1 : vector<128x1xf32>, vector<128x1xf32>, vector<128x1xf32>, vector<128x1xf32>, vector<128x1xf32>, vector<128x1xf32>, vector<128x1xf32>, vector<128x1xf32>, vector<128x1xf32>, vector<128x1xf32>, vector<128x1xf32>, vector<128x1xf32>, vector<128x1xf32>, vector<128x1xf32>, vector<128x1xf32>, vector<128x1xf32> -> vector<128x16xf32>
    %slice3A_50 = vector.extract_strided_slice %scan3A_32#5 {offsets = [0, 15], sizes = [128, 1], strides = [1, 1]} : vector<128x16xi32> to vector<128x1xi32>
    %slice3A_51 = vector.extract_strided_slice %scan3A_32#5 {offsets = [0, 14], sizes = [128, 1], strides = [1, 1]} : vector<128x16xi32> to vector<128x1xi32>
    %slice3A_52 = vector.extract_strided_slice %scan3A_32#5 {offsets = [0, 13], sizes = [128, 1], strides = [1, 1]} : vector<128x16xi32> to vector<128x1xi32>
    %slice3A_53 = vector.extract_strided_slice %scan3A_32#5 {offsets = [0, 12], sizes = [128, 1], strides = [1, 1]} : vector<128x16xi32> to vector<128x1xi32>
    %slice3A_54 = vector.extract_strided_slice %scan3A_32#5 {offsets = [0, 11], sizes = [128, 1], strides = [1, 1]} : vector<128x16xi32> to vector<128x1xi32>
    %slice3A_55 = vector.extract_strided_slice %scan3A_32#5 {offsets = [0, 10], sizes = [128, 1], strides = [1, 1]} : vector<128x16xi32> to vector<128x1xi32>
    %slice3A_56 = vector.extract_strided_slice %scan3A_32#5 {offsets = [0, 9], sizes = [128, 1], strides = [1, 1]} : vector<128x16xi32> to vector<128x1xi32>
    %slice3A_57 = vector.extract_strided_slice %scan3A_32#5 {offsets = [0, 8], sizes = [128, 1], strides = [1, 1]} : vector<128x16xi32> to vector<128x1xi32>
    %slice3A_58 = vector.extract_strided_slice %scan3A_32#5 {offsets = [0, 7], sizes = [128, 1], strides = [1, 1]} : vector<128x16xi32> to vector<128x1xi32>
    %slice3A_59 = vector.extract_strided_slice %scan3A_32#5 {offsets = [0, 6], sizes = [128, 1], strides = [1, 1]} : vector<128x16xi32> to vector<128x1xi32>
    %slice3A_60 = vector.extract_strided_slice %scan3A_32#5 {offsets = [0, 5], sizes = [128, 1], strides = [1, 1]} : vector<128x16xi32> to vector<128x1xi32>
    %slice3A_61 = vector.extract_strided_slice %scan3A_32#5 {offsets = [0, 4], sizes = [128, 1], strides = [1, 1]} : vector<128x16xi32> to vector<128x1xi32>
    %slice3A_62 = vector.extract_strided_slice %scan3A_32#5 {offsets = [0, 3], sizes = [128, 1], strides = [1, 1]} : vector<128x16xi32> to vector<128x1xi32>
    %slice3A_63 = vector.extract_strided_slice %scan3A_32#5 {offsets = [0, 2], sizes = [128, 1], strides = [1, 1]} : vector<128x16xi32> to vector<128x1xi32>
    %slice3A_64 = vector.extract_strided_slice %scan3A_32#5 {offsets = [0, 1], sizes = [128, 1], strides = [1, 1]} : vector<128x16xi32> to vector<128x1xi32>
    %slice3A_65 = vector.extract_strided_slice %scan3A_32#5 {offsets = [0, 0], sizes = [128, 1], strides = [1, 1]} : vector<128x16xi32> to vector<128x1xi32>
    %concatenate3A_66 = tpu.concatenate %slice3A_50, %slice3A_51, %slice3A_52, %slice3A_53, %slice3A_54, %slice3A_55, %slice3A_56, %slice3A_57, %slice3A_58, %slice3A_59, %slice3A_60, %slice3A_61, %slice3A_62, %slice3A_63, %slice3A_64, %slice3A_65 in 1 : vector<128x1xi32>, vector<128x1xi32>, vector<128x1xi32>, vector<128x1xi32>, vector<128x1xi32>, vector<128x1xi32>, vector<128x1xi32>, vector<128x1xi32>, vector<128x1xi32>, vector<128x1xi32>, vector<128x1xi32>, vector<128x1xi32>, vector<128x1xi32>, vector<128x1xi32>, vector<128x1xi32>, vector<128x1xi32> -> vector<128x16xi32>
    %lt3A = arith.cmpf olt, %scan3A_32#2, %concatenate3A : vector<128x16xf32>
    %eq3A = arith.cmpf oeq, %scan3A_32#2, %concatenate3A : vector<128x16xf32>
    %le3A = arith.cmpi sle, %scan3A_32#3, %concatenate3A_66 : vector<128x16xi32>
    %and3A = arith.andi %eq3A, %le3A : vector<128x16xi1>
    %or3A = arith.ori %lt3A, %and3A : vector<128x16xi1>
    %select_n3A = arith.select %or3A, %scan3A_32#2, %concatenate3A : vector<128x16xi1>, vector<128x16xf32>
    %select_n3A_67 = arith.select %or3A, %scan3A_32#3, %concatenate3A_66 : vector<128x16xi1>, vector<128x16xi32>
    %slice3A_68 = vector.extract_strided_slice %select_n3A {offsets = [0, 0], sizes = [128, 8], strides = [1, 1]} : vector<128x16xf32> to vector<128x8xf32>
    %slice3A_69 = vector.extract_strided_slice %select_n3A {offsets = [0, 8], sizes = [128, 8], strides = [1, 1]} : vector<128x16xf32> to vector<128x8xf32>
    %slice3A_70 = vector.extract_strided_slice %select_n3A_67 {offsets = [0, 0], sizes = [128, 8], strides = [1, 1]} : vector<128x16xi32> to vector<128x8xi32>
    %slice3A_71 = vector.extract_strided_slice %select_n3A_67 {offsets = [0, 8], sizes = [128, 8], strides = [1, 1]} : vector<128x16xi32> to vector<128x8xi32>
    %lt3A_72 = arith.cmpf olt, %slice3A_68, %slice3A_69 : vector<128x8xf32>
    %eq3A_73 = arith.cmpf oeq, %slice3A_68, %slice3A_69 : vector<128x8xf32>
    %le3A_74 = arith.cmpi sle, %slice3A_70, %slice3A_71 : vector<128x8xi32>
    %and3A_75 = arith.andi %eq3A_73, %le3A_74 : vector<128x8xi1>
    %or3A_76 = arith.ori %lt3A_72, %and3A_75 : vector<128x8xi1>
    %select_n3A_77 = arith.select %or3A_76, %slice3A_68, %slice3A_69 : vector<128x8xi1>, vector<128x8xf32>
    %select_n3A_78 = arith.select %or3A_76, %slice3A_69, %slice3A_68 : vector<128x8xi1>, vector<128x8xf32>
    %select_n3A_79 = arith.select %or3A_76, %slice3A_70, %slice3A_71 : vector<128x8xi1>, vector<128x8xi32>
    %select_n3A_80 = arith.select %or3A_76, %slice3A_71, %slice3A_70 : vector<128x8xi1>, vector<128x8xi32>
    %concatenate3A_81 = tpu.concatenate %select_n3A_77, %select_n3A_78 in 1 : vector<128x8xf32>, vector<128x8xf32> -> vector<128x16xf32>
    %concatenate3A_82 = tpu.concatenate %select_n3A_79, %select_n3A_80 in 1 : vector<128x8xi32>, vector<128x8xi32> -> vector<128x16xi32>
    %slice3A_83 = vector.extract_strided_slice %concatenate3A_81 {offsets = [0, 0], sizes = [128, 4], strides = [1, 1]} : vector<128x16xf32> to vector<128x4xf32>
    %slice3A_84 = vector.extract_strided_slice %concatenate3A_81 {offsets = [0, 4], sizes = [128, 4], strides = [1, 1]} : vector<128x16xf32> to vector<128x4xf32>
    %slice3A_85 = vector.extract_strided_slice %concatenate3A_82 {offsets = [0, 0], sizes = [128, 4], strides = [1, 1]} : vector<128x16xi32> to vector<128x4xi32>
    %slice3A_86 = vector.extract_strided_slice %concatenate3A_82 {offsets = [0, 4], sizes = [128, 4], strides = [1, 1]} : vector<128x16xi32> to vector<128x4xi32>
    %lt3A_87 = arith.cmpf olt, %slice3A_83, %slice3A_84 : vector<128x4xf32>
    %eq3A_88 = arith.cmpf oeq, %slice3A_83, %slice3A_84 : vector<128x4xf32>
    %le3A_89 = arith.cmpi sle, %slice3A_85, %slice3A_86 : vector<128x4xi32>
    %and3A_90 = arith.andi %eq3A_88, %le3A_89 : vector<128x4xi1>
    %or3A_91 = arith.ori %lt3A_87, %and3A_90 : vector<128x4xi1>
    %select_n3A_92 = arith.select %or3A_91, %slice3A_83, %slice3A_84 : vector<128x4xi1>, vector<128x4xf32>
    %select_n3A_93 = arith.select %or3A_91, %slice3A_84, %slice3A_83 : vector<128x4xi1>, vector<128x4xf32>
    %select_n3A_94 = arith.select %or3A_91, %slice3A_85, %slice3A_86 : vector<128x4xi1>, vector<128x4xi32>
    %select_n3A_95 = arith.select %or3A_91, %slice3A_86, %slice3A_85 : vector<128x4xi1>, vector<128x4xi32>
    %slice3A_96 = vector.extract_strided_slice %concatenate3A_81 {offsets = [0, 8], sizes = [128, 4], strides = [1, 1]} : vector<128x16xf32> to vector<128x4xf32>
    %slice3A_97 = vector.extract_strided_slice %concatenate3A_81 {offsets = [0, 12], sizes = [128, 4], strides = [1, 1]} : vector<128x16xf32> to vector<128x4xf32>
    %slice3A_98 = vector.extract_strided_slice %concatenate3A_82 {offsets = [0, 8], sizes = [128, 4], strides = [1, 1]} : vector<128x16xi32> to vector<128x4xi32>
    %slice3A_99 = vector.extract_strided_slice %concatenate3A_82 {offsets = [0, 12], sizes = [128, 4], strides = [1, 1]} : vector<128x16xi32> to vector<128x4xi32>
    %lt3A_100 = arith.cmpf olt, %slice3A_96, %slice3A_97 : vector<128x4xf32>
    %eq3A_101 = arith.cmpf oeq, %slice3A_96, %slice3A_97 : vector<128x4xf32>
    %le3A_102 = arith.cmpi sle, %slice3A_98, %slice3A_99 : vector<128x4xi32>
    %and3A_103 = arith.andi %eq3A_101, %le3A_102 : vector<128x4xi1>
    %or3A_104 = arith.ori %lt3A_100, %and3A_103 : vector<128x4xi1>
    %select_n3A_105 = arith.select %or3A_104, %slice3A_96, %slice3A_97 : vector<128x4xi1>, vector<128x4xf32>
    %select_n3A_106 = arith.select %or3A_104, %slice3A_97, %slice3A_96 : vector<128x4xi1>, vector<128x4xf32>
    %select_n3A_107 = arith.select %or3A_104, %slice3A_98, %slice3A_99 : vector<128x4xi1>, vector<128x4xi32>
    %select_n3A_108 = arith.select %or3A_104, %slice3A_99, %slice3A_98 : vector<128x4xi1>, vector<128x4xi32>
    %concatenate3A_109 = tpu.concatenate %select_n3A_92, %select_n3A_93, %select_n3A_105, %select_n3A_106 in 1 : vector<128x4xf32>, vector<128x4xf32>, vector<128x4xf32>, vector<128x4xf32> -> vector<128x16xf32>
    %concatenate3A_110 = tpu.concatenate %select_n3A_94, %select_n3A_95, %select_n3A_107, %select_n3A_108 in 1 : vector<128x4xi32>, vector<128x4xi32>, vector<128x4xi32>, vector<128x4xi32> -> vector<128x16xi32>
    %slice3A_111 = vector.extract_strided_slice %concatenate3A_109 {offsets = [0, 0], sizes = [128, 2], strides = [1, 1]} : vector<128x16xf32> to vector<128x2xf32>
    %slice3A_112 = vector.extract_strided_slice %concatenate3A_109 {offsets = [0, 2], sizes = [128, 2], strides = [1, 1]} : vector<128x16xf32> to vector<128x2xf32>
    %slice3A_113 = vector.extract_strided_slice %concatenate3A_110 {offsets = [0, 0], sizes = [128, 2], strides = [1, 1]} : vector<128x16xi32> to vector<128x2xi32>
    %slice3A_114 = vector.extract_strided_slice %concatenate3A_110 {offsets = [0, 2], sizes = [128, 2], strides = [1, 1]} : vector<128x16xi32> to vector<128x2xi32>
    %lt3A_115 = arith.cmpf olt, %slice3A_111, %slice3A_112 : vector<128x2xf32>
    %eq3A_116 = arith.cmpf oeq, %slice3A_111, %slice3A_112 : vector<128x2xf32>
    %le3A_117 = arith.cmpi sle, %slice3A_113, %slice3A_114 : vector<128x2xi32>
    %and3A_118 = arith.andi %eq3A_116, %le3A_117 : vector<128x2xi1>
    %or3A_119 = arith.ori %lt3A_115, %and3A_118 : vector<128x2xi1>
    %select_n3A_120 = arith.select %or3A_119, %slice3A_111, %slice3A_112 : vector<128x2xi1>, vector<128x2xf32>
    %select_n3A_121 = arith.select %or3A_119, %slice3A_112, %slice3A_111 : vector<128x2xi1>, vector<128x2xf32>
    %select_n3A_122 = arith.select %or3A_119, %slice3A_113, %slice3A_114 : vector<128x2xi1>, vector<128x2xi32>
    %select_n3A_123 = arith.select %or3A_119, %slice3A_114, %slice3A_113 : vector<128x2xi1>, vector<128x2xi32>
    %slice3A_124 = vector.extract_strided_slice %concatenate3A_109 {offsets = [0, 4], sizes = [128, 2], strides = [1, 1]} : vector<128x16xf32> to vector<128x2xf32>
    %slice3A_125 = vector.extract_strided_slice %concatenate3A_109 {offsets = [0, 6], sizes = [128, 2], strides = [1, 1]} : vector<128x16xf32> to vector<128x2xf32>
    %slice3A_126 = vector.extract_strided_slice %concatenate3A_110 {offsets = [0, 4], sizes = [128, 2], strides = [1, 1]} : vector<128x16xi32> to vector<128x2xi32>
    %slice3A_127 = vector.extract_strided_slice %concatenate3A_110 {offsets = [0, 6], sizes = [128, 2], strides = [1, 1]} : vector<128x16xi32> to vector<128x2xi32>
    %lt3A_128 = arith.cmpf olt, %slice3A_124, %slice3A_125 : vector<128x2xf32>
    %eq3A_129 = arith.cmpf oeq, %slice3A_124, %slice3A_125 : vector<128x2xf32>
    %le3A_130 = arith.cmpi sle, %slice3A_126, %slice3A_127 : vector<128x2xi32>
    %and3A_131 = arith.andi %eq3A_129, %le3A_130 : vector<128x2xi1>
    %or3A_132 = arith.ori %lt3A_128, %and3A_131 : vector<128x2xi1>
    %select_n3A_133 = arith.select %or3A_132, %slice3A_124, %slice3A_125 : vector<128x2xi1>, vector<128x2xf32>
    %select_n3A_134 = arith.select %or3A_132, %slice3A_125, %slice3A_124 : vector<128x2xi1>, vector<128x2xf32>
    %select_n3A_135 = arith.select %or3A_132, %slice3A_126, %slice3A_127 : vector<128x2xi1>, vector<128x2xi32>
    %select_n3A_136 = arith.select %or3A_132, %slice3A_127, %slice3A_126 : vector<128x2xi1>, vector<128x2xi32>
    %slice3A_137 = vector.extract_strided_slice %concatenate3A_109 {offsets = [0, 8], sizes = [128, 2], strides = [1, 1]} : vector<128x16xf32> to vector<128x2xf32>
    %slice3A_138 = vector.extract_strided_slice %concatenate3A_109 {offsets = [0, 10], sizes = [128, 2], strides = [1, 1]} : vector<128x16xf32> to vector<128x2xf32>
    %slice3A_139 = vector.extract_strided_slice %concatenate3A_110 {offsets = [0, 8], sizes = [128, 2], strides = [1, 1]} : vector<128x16xi32> to vector<128x2xi32>
    %slice3A_140 = vector.extract_strided_slice %concatenate3A_110 {offsets = [0, 10], sizes = [128, 2], strides = [1, 1]} : vector<128x16xi32> to vector<128x2xi32>
    %lt3A_141 = arith.cmpf olt, %slice3A_137, %slice3A_138 : vector<128x2xf32>
    %eq3A_142 = arith.cmpf oeq, %slice3A_137, %slice3A_138 : vector<128x2xf32>
    %le3A_143 = arith.cmpi sle, %slice3A_139, %slice3A_140 : vector<128x2xi32>
    %and3A_144 = arith.andi %eq3A_142, %le3A_143 : vector<128x2xi1>
    %or3A_145 = arith.ori %lt3A_141, %and3A_144 : vector<128x2xi1>
    %select_n3A_146 = arith.select %or3A_145, %slice3A_137, %slice3A_138 : vector<128x2xi1>, vector<128x2xf32>
    %select_n3A_147 = arith.select %or3A_145, %slice3A_138, %slice3A_137 : vector<128x2xi1>, vector<128x2xf32>
    %select_n3A_148 = arith.select %or3A_145, %slice3A_139, %slice3A_140 : vector<128x2xi1>, vector<128x2xi32>
    %select_n3A_149 = arith.select %or3A_145, %slice3A_140, %slice3A_139 : vector<128x2xi1>, vector<128x2xi32>
    %slice3A_150 = vector.extract_strided_slice %concatenate3A_109 {offsets = [0, 12], sizes = [128, 2], strides = [1, 1]} : vector<128x16xf32> to vector<128x2xf32>
    %slice3A_151 = vector.extract_strided_slice %concatenate3A_109 {offsets = [0, 14], sizes = [128, 2], strides = [1, 1]} : vector<128x16xf32> to vector<128x2xf32>
    %slice3A_152 = vector.extract_strided_slice %concatenate3A_110 {offsets = [0, 12], sizes = [128, 2], strides = [1, 1]} : vector<128x16xi32> to vector<128x2xi32>
    %slice3A_153 = vector.extract_strided_slice %concatenate3A_110 {offsets = [0, 14], sizes = [128, 2], strides = [1, 1]} : vector<128x16xi32> to vector<128x2xi32>
    %lt3A_154 = arith.cmpf olt, %slice3A_150, %slice3A_151 : vector<128x2xf32>
    %eq3A_155 = arith.cmpf oeq, %slice3A_150, %slice3A_151 : vector<128x2xf32>
    %le3A_156 = arith.cmpi sle, %slice3A_152, %slice3A_153 : vector<128x2xi32>
    %and3A_157 = arith.andi %eq3A_155, %le3A_156 : vector<128x2xi1>
    %or3A_158 = arith.ori %lt3A_154, %and3A_157 : vector<128x2xi1>
    %select_n3A_159 = arith.select %or3A_158, %slice3A_150, %slice3A_151 : vector<128x2xi1>, vector<128x2xf32>
    %select_n3A_160 = arith.select %or3A_158, %slice3A_151, %slice3A_150 : vector<128x2xi1>, vector<128x2xf32>
    %select_n3A_161 = arith.select %or3A_158, %slice3A_152, %slice3A_153 : vector<128x2xi1>, vector<128x2xi32>
    %select_n3A_162 = arith.select %or3A_158, %slice3A_153, %slice3A_152 : vector<128x2xi1>, vector<128x2xi32>
    %concatenate3A_163 = tpu.concatenate %select_n3A_120, %select_n3A_121, %select_n3A_133, %select_n3A_134, %select_n3A_146, %select_n3A_147, %select_n3A_159, %select_n3A_160 in 1 : vector<128x2xf32>, vector<128x2xf32>, vector<128x2xf32>, vector<128x2xf32>, vector<128x2xf32>, vector<128x2xf32>, vector<128x2xf32>, vector<128x2xf32> -> vector<128x16xf32>
    %concatenate3A_164 = tpu.concatenate %select_n3A_122, %select_n3A_123, %select_n3A_135, %select_n3A_136, %select_n3A_148, %select_n3A_149, %select_n3A_161, %select_n3A_162 in 1 : vector<128x2xi32>, vector<128x2xi32>, vector<128x2xi32>, vector<128x2xi32>, vector<128x2xi32>, vector<128x2xi32>, vector<128x2xi32>, vector<128x2xi32> -> vector<128x16xi32>
    %slice3A_165 = vector.extract_strided_slice %concatenate3A_163 {offsets = [0, 0], sizes = [128, 1], strides = [1, 1]} : vector<128x16xf32> to vector<128x1xf32>
    %slice3A_166 = vector.extract_strided_slice %concatenate3A_163 {offsets = [0, 1], sizes = [128, 1], strides = [1, 1]} : vector<128x16xf32> to vector<128x1xf32>
    %slice3A_167 = vector.extract_strided_slice %concatenate3A_164 {offsets = [0, 0], sizes = [128, 1], strides = [1, 1]} : vector<128x16xi32> to vector<128x1xi32>
    %slice3A_168 = vector.extract_strided_slice %concatenate3A_164 {offsets = [0, 1], sizes = [128, 1], strides = [1, 1]} : vector<128x16xi32> to vector<128x1xi32>
    %lt3A_169 = arith.cmpf olt, %slice3A_165, %slice3A_166 : vector<128x1xf32>
    %eq3A_170 = arith.cmpf oeq, %slice3A_165, %slice3A_166 : vector<128x1xf32>
    %le3A_171 = arith.cmpi sle, %slice3A_167, %slice3A_168 : vector<128x1xi32>
    %and3A_172 = arith.andi %eq3A_170, %le3A_171 : vector<128x1xi1>
    %or3A_173 = arith.ori %lt3A_169, %and3A_172 : vector<128x1xi1>
    %select_n3A_174 = arith.select %or3A_173, %slice3A_167, %slice3A_168 : vector<128x1xi1>, vector<128x1xi32>
    %select_n3A_175 = arith.select %or3A_173, %slice3A_168, %slice3A_167 : vector<128x1xi1>, vector<128x1xi32>
    %slice3A_176 = vector.extract_strided_slice %concatenate3A_163 {offsets = [0, 2], sizes = [128, 1], strides = [1, 1]} : vector<128x16xf32> to vector<128x1xf32>
    %slice3A_177 = vector.extract_strided_slice %concatenate3A_163 {offsets = [0, 3], sizes = [128, 1], strides = [1, 1]} : vector<128x16xf32> to vector<128x1xf32>
    %slice3A_178 = vector.extract_strided_slice %concatenate3A_164 {offsets = [0, 2], sizes = [128, 1], strides = [1, 1]} : vector<128x16xi32> to vector<128x1xi32>
    %slice3A_179 = vector.extract_strided_slice %concatenate3A_164 {offsets = [0, 3], sizes = [128, 1], strides = [1, 1]} : vector<128x16xi32> to vector<128x1xi32>
    %lt3A_180 = arith.cmpf olt, %slice3A_176, %slice3A_177 : vector<128x1xf32>
    %eq3A_181 = arith.cmpf oeq, %slice3A_176, %slice3A_177 : vector<128x1xf32>
    %le3A_182 = arith.cmpi sle, %slice3A_178, %slice3A_179 : vector<128x1xi32>
    %and3A_183 = arith.andi %eq3A_181, %le3A_182 : vector<128x1xi1>
    %or3A_184 = arith.ori %lt3A_180, %and3A_183 : vector<128x1xi1>
    %select_n3A_185 = arith.select %or3A_184, %slice3A_178, %slice3A_179 : vector<128x1xi1>, vector<128x1xi32>
    %select_n3A_186 = arith.select %or3A_184, %slice3A_179, %slice3A_178 : vector<128x1xi1>, vector<128x1xi32>
    %slice3A_187 = vector.extract_strided_slice %concatenate3A_163 {offsets = [0, 4], sizes = [128, 1], strides = [1, 1]} : vector<128x16xf32> to vector<128x1xf32>
    %slice3A_188 = vector.extract_strided_slice %concatenate3A_163 {offsets = [0, 5], sizes = [128, 1], strides = [1, 1]} : vector<128x16xf32> to vector<128x1xf32>
    %slice3A_189 = vector.extract_strided_slice %concatenate3A_164 {offsets = [0, 4], sizes = [128, 1], strides = [1, 1]} : vector<128x16xi32> to vector<128x1xi32>
    %slice3A_190 = vector.extract_strided_slice %concatenate3A_164 {offsets = [0, 5], sizes = [128, 1], strides = [1, 1]} : vector<128x16xi32> to vector<128x1xi32>
    %lt3A_191 = arith.cmpf olt, %slice3A_187, %slice3A_188 : vector<128x1xf32>
    %eq3A_192 = arith.cmpf oeq, %slice3A_187, %slice3A_188 : vector<128x1xf32>
    %le3A_193 = arith.cmpi sle, %slice3A_189, %slice3A_190 : vector<128x1xi32>
    %and3A_194 = arith.andi %eq3A_192, %le3A_193 : vector<128x1xi1>
    %or3A_195 = arith.ori %lt3A_191, %and3A_194 : vector<128x1xi1>
    %select_n3A_196 = arith.select %or3A_195, %slice3A_189, %slice3A_190 : vector<128x1xi1>, vector<128x1xi32>
    %select_n3A_197 = arith.select %or3A_195, %slice3A_190, %slice3A_189 : vector<128x1xi1>, vector<128x1xi32>
    %slice3A_198 = vector.extract_strided_slice %concatenate3A_163 {offsets = [0, 6], sizes = [128, 1], strides = [1, 1]} : vector<128x16xf32> to vector<128x1xf32>
    %slice3A_199 = vector.extract_strided_slice %concatenate3A_163 {offsets = [0, 7], sizes = [128, 1], strides = [1, 1]} : vector<128x16xf32> to vector<128x1xf32>
    %slice3A_200 = vector.extract_strided_slice %concatenate3A_164 {offsets = [0, 6], sizes = [128, 1], strides = [1, 1]} : vector<128x16xi32> to vector<128x1xi32>
    %slice3A_201 = vector.extract_strided_slice %concatenate3A_164 {offsets = [0, 7], sizes = [128, 1], strides = [1, 1]} : vector<128x16xi32> to vector<128x1xi32>
    %lt3A_202 = arith.cmpf olt, %slice3A_198, %slice3A_199 : vector<128x1xf32>
    %eq3A_203 = arith.cmpf oeq, %slice3A_198, %slice3A_199 : vector<128x1xf32>
    %le3A_204 = arith.cmpi sle, %slice3A_200, %slice3A_201 : vector<128x1xi32>
    %and3A_205 = arith.andi %eq3A_203, %le3A_204 : vector<128x1xi1>
    %or3A_206 = arith.ori %lt3A_202, %and3A_205 : vector<128x1xi1>
    %select_n3A_207 = arith.select %or3A_206, %slice3A_200, %slice3A_201 : vector<128x1xi1>, vector<128x1xi32>
    %select_n3A_208 = arith.select %or3A_206, %slice3A_201, %slice3A_200 : vector<128x1xi1>, vector<128x1xi32>
    %slice3A_209 = vector.extract_strided_slice %concatenate3A_163 {offsets = [0, 8], sizes = [128, 1], strides = [1, 1]} : vector<128x16xf32> to vector<128x1xf32>
    %slice3A_210 = vector.extract_strided_slice %concatenate3A_163 {offsets = [0, 9], sizes = [128, 1], strides = [1, 1]} : vector<128x16xf32> to vector<128x1xf32>
    %slice3A_211 = vector.extract_strided_slice %concatenate3A_164 {offsets = [0, 8], sizes = [128, 1], strides = [1, 1]} : vector<128x16xi32> to vector<128x1xi32>
    %slice3A_212 = vector.extract_strided_slice %concatenate3A_164 {offsets = [0, 9], sizes = [128, 1], strides = [1, 1]} : vector<128x16xi32> to vector<128x1xi32>
    %lt3A_213 = arith.cmpf olt, %slice3A_209, %slice3A_210 : vector<128x1xf32>
    %eq3A_214 = arith.cmpf oeq, %slice3A_209, %slice3A_210 : vector<128x1xf32>
    %le3A_215 = arith.cmpi sle, %slice3A_211, %slice3A_212 : vector<128x1xi32>
    %and3A_216 = arith.andi %eq3A_214, %le3A_215 : vector<128x1xi1>
    %or3A_217 = arith.ori %lt3A_213, %and3A_216 : vector<128x1xi1>
    %select_n3A_218 = arith.select %or3A_217, %slice3A_211, %slice3A_212 : vector<128x1xi1>, vector<128x1xi32>
    %select_n3A_219 = arith.select %or3A_217, %slice3A_212, %slice3A_211 : vector<128x1xi1>, vector<128x1xi32>
    %slice3A_220 = vector.extract_strided_slice %concatenate3A_163 {offsets = [0, 10], sizes = [128, 1], strides = [1, 1]} : vector<128x16xf32> to vector<128x1xf32>
    %slice3A_221 = vector.extract_strided_slice %concatenate3A_163 {offsets = [0, 11], sizes = [128, 1], strides = [1, 1]} : vector<128x16xf32> to vector<128x1xf32>
    %slice3A_222 = vector.extract_strided_slice %concatenate3A_164 {offsets = [0, 10], sizes = [128, 1], strides = [1, 1]} : vector<128x16xi32> to vector<128x1xi32>
    %slice3A_223 = vector.extract_strided_slice %concatenate3A_164 {offsets = [0, 11], sizes = [128, 1], strides = [1, 1]} : vector<128x16xi32> to vector<128x1xi32>
    %lt3A_224 = arith.cmpf olt, %slice3A_220, %slice3A_221 : vector<128x1xf32>
    %eq3A_225 = arith.cmpf oeq, %slice3A_220, %slice3A_221 : vector<128x1xf32>
    %le3A_226 = arith.cmpi sle, %slice3A_222, %slice3A_223 : vector<128x1xi32>
    %and3A_227 = arith.andi %eq3A_225, %le3A_226 : vector<128x1xi1>
    %or3A_228 = arith.ori %lt3A_224, %and3A_227 : vector<128x1xi1>
    %select_n3A_229 = arith.select %or3A_228, %slice3A_222, %slice3A_223 : vector<128x1xi1>, vector<128x1xi32>
    %select_n3A_230 = arith.select %or3A_228, %slice3A_223, %slice3A_222 : vector<128x1xi1>, vector<128x1xi32>
    %slice3A_231 = vector.extract_strided_slice %concatenate3A_163 {offsets = [0, 12], sizes = [128, 1], strides = [1, 1]} : vector<128x16xf32> to vector<128x1xf32>
    %slice3A_232 = vector.extract_strided_slice %concatenate3A_163 {offsets = [0, 13], sizes = [128, 1], strides = [1, 1]} : vector<128x16xf32> to vector<128x1xf32>
    %slice3A_233 = vector.extract_strided_slice %concatenate3A_164 {offsets = [0, 12], sizes = [128, 1], strides = [1, 1]} : vector<128x16xi32> to vector<128x1xi32>
    %slice3A_234 = vector.extract_strided_slice %concatenate3A_164 {offsets = [0, 13], sizes = [128, 1], strides = [1, 1]} : vector<128x16xi32> to vector<128x1xi32>
    %lt3A_235 = arith.cmpf olt, %slice3A_231, %slice3A_232 : vector<128x1xf32>
    %eq3A_236 = arith.cmpf oeq, %slice3A_231, %slice3A_232 : vector<128x1xf32>
    %le3A_237 = arith.cmpi sle, %slice3A_233, %slice3A_234 : vector<128x1xi32>
    %and3A_238 = arith.andi %eq3A_236, %le3A_237 : vector<128x1xi1>
    %or3A_239 = arith.ori %lt3A_235, %and3A_238 : vector<128x1xi1>
    %select_n3A_240 = arith.select %or3A_239, %slice3A_233, %slice3A_234 : vector<128x1xi1>, vector<128x1xi32>
    %select_n3A_241 = arith.select %or3A_239, %slice3A_234, %slice3A_233 : vector<128x1xi1>, vector<128x1xi32>
    %slice3A_242 = vector.extract_strided_slice %concatenate3A_163 {offsets = [0, 14], sizes = [128, 1], strides = [1, 1]} : vector<128x16xf32> to vector<128x1xf32>
    %slice3A_243 = vector.extract_strided_slice %concatenate3A_163 {offsets = [0, 15], sizes = [128, 1], strides = [1, 1]} : vector<128x16xf32> to vector<128x1xf32>
    %slice3A_244 = vector.extract_strided_slice %concatenate3A_164 {offsets = [0, 14], sizes = [128, 1], strides = [1, 1]} : vector<128x16xi32> to vector<128x1xi32>
    %slice3A_245 = vector.extract_strided_slice %concatenate3A_164 {offsets = [0, 15], sizes = [128, 1], strides = [1, 1]} : vector<128x16xi32> to vector<128x1xi32>
    %lt3A_246 = arith.cmpf olt, %slice3A_242, %slice3A_243 : vector<128x1xf32>
    %eq3A_247 = arith.cmpf oeq, %slice3A_242, %slice3A_243 : vector<128x1xf32>
    %le3A_248 = arith.cmpi sle, %slice3A_244, %slice3A_245 : vector<128x1xi32>
    %and3A_249 = arith.andi %eq3A_247, %le3A_248 : vector<128x1xi1>
    %or3A_250 = arith.ori %lt3A_246, %and3A_249 : vector<128x1xi1>
    %select_n3A_251 = arith.select %or3A_250, %slice3A_244, %slice3A_245 : vector<128x1xi1>, vector<128x1xi32>
    %select_n3A_252 = arith.select %or3A_250, %slice3A_245, %slice3A_244 : vector<128x1xi1>, vector<128x1xi32>
    %concatenate3A_253 = tpu.concatenate %select_n3A_174, %select_n3A_175, %select_n3A_185, %select_n3A_186, %select_n3A_196, %select_n3A_197, %select_n3A_207, %select_n3A_208, %select_n3A_218, %select_n3A_219, %select_n3A_229, %select_n3A_230, %select_n3A_240, %select_n3A_241, %select_n3A_251, %select_n3A_252 in 1 : vector<128x1xi32>, vector<128x1xi32>, vector<128x1xi32>, vector<128x1xi32>, vector<128x1xi32>, vector<128x1xi32>, vector<128x1xi32>, vector<128x1xi32>, vector<128x1xi32>, vector<128x1xi32>, vector<128x1xi32>, vector<128x1xi32>, vector<128x1xi32>, vector<128x1xi32>, vector<128x1xi32>, vector<128x1xi32> -> vector<128x16xi32>
    %swap3A = arith.constant 0 : index
    %swap3A_254 = arith.constant 0 : index
    %swap3A_255 = vector.load %arg3[%swap3A, %swap3A_254] : memref<128x16xi32, #tpu.memory_space<vmem>>, vector<128x16xi32>
    tpu.vector_store %arg3[%swap3A, %swap3A_254], %concatenate3A_253 {strides = array<i32>} : memref<128x16xi32, #tpu.memory_space<vmem>>, vector<128x16xi32>,
    return
  }
  func.func @transform_0(%arg0: i32) -> (i32, i32) {
    %c0_i32 = arith.constant 0 : i32
    %c0_i32_0 = arith.constant 0 : i32
    return %arg0, %c0_i32 : i32, i32
  }
  func.func @transform_1(%arg0: i32) -> (i32, i32) {
    %c0_i32 = arith.constant 0 : i32
    %c0_i32_0 = arith.constant 0 : i32
    %c0_i32_1 = arith.constant 0 : i32
    return %c0_i32, %c0_i32_0 : i32, i32
  }
  func.func @transform_2(%arg0: i32) -> (i32, i32) {
    %c0_i32 = arith.constant 0 : i32
    %c0_i32_0 = arith.constant 0 : i32
    return %arg0, %c0_i32 : i32, i32
  }
}

module attributes {stable_mosaic.version = 14 : i64} {
  func.func @_encdec_body(%arg0: i32, %arg1: memref<2048x3xf32, #tpu.memory_space<vmem>>, %arg2: memref<128x3xf32, #tpu.memory_space<vmem>>, %arg3: memref<3x128xf32, #tpu.memory_space<vmem>>, %arg4: memref<1x128xf32, #tpu.memory_space<vmem>>, %arg5: memref<128x256xf32, #tpu.memory_space<vmem>>, %arg6: memref<1x256xf32, #tpu.memory_space<vmem>>, %arg7: memref<256x512xf32, #tpu.memory_space<vmem>>, %arg8: memref<1x512xf32, #tpu.memory_space<vmem>>, %arg9: memref<512x256xf32, #tpu.memory_space<vmem>>, %arg10: memref<1x256xf32, #tpu.memory_space<vmem>>, %arg11: memref<256x128xf32, #tpu.memory_space<vmem>>, %arg12: memref<1x128xf32, #tpu.memory_space<vmem>>, %arg13: memref<128x48xf32, #tpu.memory_space<vmem>>, %arg14: memref<1x48xf32, #tpu.memory_space<vmem>>, %arg15: memref<128x48xf32, #tpu.memory_space<vmem>>) attributes {dimension_semantics = [#tpu.dimension_semantics<arbitrary>], iteration_bounds = array<i64: 8>, scalar_prefetch = 0 : i64, scratch_operands = 0 : i64, tpu.core_type = #tpu.core_type<tc>, window_params = [{transform_indices = @transform_0, window_bounds = array<i64: 2048, 3>}, {transform_indices = @transform_1, window_bounds = array<i64: 128, 3>}, {pipeline_mode = #tpu.pipeline_mode<synchronous>, transform_indices = @transform_2, window_bounds = array<i64: 3, 128>}, {pipeline_mode = #tpu.pipeline_mode<synchronous>, transform_indices = @transform_3, window_bounds = array<i64: 1, 128>}, {pipeline_mode = #tpu.pipeline_mode<synchronous>, transform_indices = @transform_4, window_bounds = array<i64: 128, 256>}, {pipeline_mode = #tpu.pipeline_mode<synchronous>, transform_indices = @transform_5, window_bounds = array<i64: 1, 256>}, {pipeline_mode = #tpu.pipeline_mode<synchronous>, transform_indices = @transform_6, window_bounds = array<i64: 256, 512>}, {pipeline_mode = #tpu.pipeline_mode<synchronous>, transform_indices = @transform_7, window_bounds = array<i64: 1, 512>}, {pipeline_mode = #tpu.pipeline_mode<synchronous>, transform_indices = @transform_8, window_bounds = array<i64: 512, 256>}, {pipeline_mode = #tpu.pipeline_mode<synchronous>, transform_indices = @transform_9, window_bounds = array<i64: 1, 256>}, {pipeline_mode = #tpu.pipeline_mode<synchronous>, transform_indices = @transform_10, window_bounds = array<i64: 256, 128>}, {pipeline_mode = #tpu.pipeline_mode<synchronous>, transform_indices = @transform_11, window_bounds = array<i64: 1, 128>}, {pipeline_mode = #tpu.pipeline_mode<synchronous>, transform_indices = @transform_12, window_bounds = array<i64: 128, 48>}, {pipeline_mode = #tpu.pipeline_mode<synchronous>, transform_indices = @transform_13, window_bounds = array<i64: 1, 48>}, {transform_indices = @transform_14, window_bounds = array<i64: 128, 48>}]} {
    %get3A = arith.constant 0 : index
    %get3A_0 = arith.constant 0 : index
    %get3A_1 = vector.load %arg1[%get3A, %get3A_0] : memref<2048x3xf32, #tpu.memory_space<vmem>>, vector<2048x3xf32>
    %get3A_2 = arith.constant 0 : index
    %get3A_3 = arith.constant 0 : index
    %get3A_4 = vector.load %arg3[%get3A_2, %get3A_3] : memref<3x128xf32, #tpu.memory_space<vmem>>, vector<3x128xf32>
    %dot_general3A = arith.constant dense<0.000000e+00> : vector<2048x128xf32>
    %dot_general3A_5 = tpu.matmul %get3A_1, %get3A_4, %dot_general3A {dimension_numbers = #tpu.dot_dimension_numbers<[1], [0], [0], [1], [0, 0, 1, 1], [], []>, transpose_lhs_hint = false} : vector<2048x3xf32>, vector<3x128xf32>, vector<2048x128xf32> -> vector<2048x128xf32>
    %get3A_6 = arith.constant 0 : index
    %get3A_7 = arith.constant 0 : index
    %get3A_8 = vector.load %arg4[%get3A_6, %get3A_7] : memref<1x128xf32, #tpu.memory_space<vmem>>, vector<1x128xf32>
    %add3A = vector.broadcast %get3A_8 : vector<1x128xf32> to vector<2048x128xf32>
    %add3A_9 = arith.addf %dot_general3A_5, %add3A : vector<2048x128xf32>
    %max3A = arith.constant 0.000000e+00 : f32
    %max3A_10 = vector.broadcast %max3A : f32 to vector<2048x128xf32>
    %max3A_11 = arith.maximumf %add3A_9, %max3A_10 : vector<2048x128xf32>
    %get3A_12 = arith.constant 0 : index
    %get3A_13 = arith.constant 0 : index
    %get3A_14 = vector.load %arg5[%get3A_12, %get3A_13] : memref<128x256xf32, #tpu.memory_space<vmem>>, vector<128x256xf32>
    %dot_general3A_15 = arith.constant dense<0.000000e+00> : vector<2048x256xf32>
    %dot_general3A_16 = tpu.matmul %max3A_11, %get3A_14, %dot_general3A_15 {dimension_numbers = #tpu.dot_dimension_numbers<[1], [0], [0], [1], [0, 0, 1, 1], [], []>, transpose_lhs_hint = false} : vector<2048x128xf32>, vector<128x256xf32>, vector<2048x256xf32> -> vector<2048x256xf32>
    %get3A_17 = arith.constant 0 : index
    %get3A_18 = arith.constant 0 : index
    %get3A_19 = vector.load %arg6[%get3A_17, %get3A_18] : memref<1x256xf32, #tpu.memory_space<vmem>>, vector<1x256xf32>
    %add3A_20 = vector.broadcast %get3A_19 : vector<1x256xf32> to vector<2048x256xf32>
    %add3A_21 = arith.addf %dot_general3A_16, %add3A_20 : vector<2048x256xf32>
    %max3A_22 = arith.constant 0.000000e+00 : f32
    %max3A_23 = vector.broadcast %max3A_22 : f32 to vector<2048x256xf32>
    %max3A_24 = arith.maximumf %add3A_21, %max3A_23 : vector<2048x256xf32>
    %reshape3A = vector.shape_cast %max3A_24 : vector<2048x256xf32> to vector<128x16x256xf32>
    %reduce_max3A = arith.constant dense<0xFF800000> : vector<128x256xf32>
    %reduce_max3A_25 = vector.multi_reduction <maximumf>, %reshape3A, %reduce_max3A [1] : vector<128x16x256xf32> to vector<128x256xf32>
    %get3A_26 = arith.constant 0 : index
    %get3A_27 = arith.constant 0 : index
    %get3A_28 = vector.load %arg7[%get3A_26, %get3A_27] : memref<256x512xf32, #tpu.memory_space<vmem>>, vector<256x512xf32>
    %dot_general3A_29 = arith.constant dense<0.000000e+00> : vector<128x512xf32>
    %dot_general3A_30 = tpu.matmul %reduce_max3A_25, %get3A_28, %dot_general3A_29 {dimension_numbers = #tpu.dot_dimension_numbers<[1], [0], [0], [1], [0, 0, 1, 1], [], []>, transpose_lhs_hint = false} : vector<128x256xf32>, vector<256x512xf32>, vector<128x512xf32> -> vector<128x512xf32>
    %get3A_31 = arith.constant 0 : index
    %get3A_32 = arith.constant 0 : index
    %get3A_33 = vector.load %arg8[%get3A_31, %get3A_32] : memref<1x512xf32, #tpu.memory_space<vmem>>, vector<1x512xf32>
    %add3A_34 = vector.broadcast %get3A_33 : vector<1x512xf32> to vector<128x512xf32>
    %add3A_35 = arith.addf %dot_general3A_30, %add3A_34 : vector<128x512xf32>
    %get3A_36 = arith.constant 0 : index
    %get3A_37 = arith.constant 0 : index
    %get3A_38 = vector.load %arg9[%get3A_36, %get3A_37] : memref<512x256xf32, #tpu.memory_space<vmem>>, vector<512x256xf32>
    %dot_general3A_39 = arith.constant dense<0.000000e+00> : vector<128x256xf32>
    %dot_general3A_40 = tpu.matmul %add3A_35, %get3A_38, %dot_general3A_39 {dimension_numbers = #tpu.dot_dimension_numbers<[1], [0], [0], [1], [0, 0, 1, 1], [], []>, transpose_lhs_hint = false} : vector<128x512xf32>, vector<512x256xf32>, vector<128x256xf32> -> vector<128x256xf32>
    %get3A_41 = arith.constant 0 : index
    %get3A_42 = arith.constant 0 : index
    %get3A_43 = vector.load %arg10[%get3A_41, %get3A_42] : memref<1x256xf32, #tpu.memory_space<vmem>>, vector<1x256xf32>
    %add3A_44 = vector.broadcast %get3A_43 : vector<1x256xf32> to vector<128x256xf32>
    %add3A_45 = arith.addf %dot_general3A_40, %add3A_44 : vector<128x256xf32>
    %max3A_46 = arith.constant 0.000000e+00 : f32
    %max3A_47 = vector.broadcast %max3A_46 : f32 to vector<128x256xf32>
    %max3A_48 = arith.maximumf %add3A_45, %max3A_47 : vector<128x256xf32>
    %get3A_49 = arith.constant 0 : index
    %get3A_50 = arith.constant 0 : index
    %get3A_51 = vector.load %arg11[%get3A_49, %get3A_50] : memref<256x128xf32, #tpu.memory_space<vmem>>, vector<256x128xf32>
    %dot_general3A_52 = arith.constant dense<0.000000e+00> : vector<128x128xf32>
    %dot_general3A_53 = tpu.matmul %max3A_48, %get3A_51, %dot_general3A_52 {dimension_numbers = #tpu.dot_dimension_numbers<[1], [0], [0], [1], [0, 0, 1, 1], [], []>, transpose_lhs_hint = false} : vector<128x256xf32>, vector<256x128xf32>, vector<128x128xf32> -> vector<128x128xf32>
    %get3A_54 = arith.constant 0 : index
    %get3A_55 = arith.constant 0 : index
    %get3A_56 = vector.load %arg12[%get3A_54, %get3A_55] : memref<1x128xf32, #tpu.memory_space<vmem>>, vector<1x128xf32>
    %add3A_57 = vector.broadcast %get3A_56 : vector<1x128xf32> to vector<128x128xf32>
    %add3A_58 = arith.addf %dot_general3A_53, %add3A_57 : vector<128x128xf32>
    %max3A_59 = arith.constant 0.000000e+00 : f32
    %max3A_60 = vector.broadcast %max3A_59 : f32 to vector<128x128xf32>
    %max3A_61 = arith.maximumf %add3A_58, %max3A_60 : vector<128x128xf32>
    %get3A_62 = arith.constant 0 : index
    %get3A_63 = arith.constant 0 : index
    %get3A_64 = vector.load %arg13[%get3A_62, %get3A_63] : memref<128x48xf32, #tpu.memory_space<vmem>>, vector<128x48xf32>
    %dot_general3A_65 = arith.constant dense<0.000000e+00> : vector<128x48xf32>
    %dot_general3A_66 = tpu.matmul %max3A_61, %get3A_64, %dot_general3A_65 {dimension_numbers = #tpu.dot_dimension_numbers<[1], [0], [0], [1], [0, 0, 1, 1], [], []>, transpose_lhs_hint = false} : vector<128x128xf32>, vector<128x48xf32>, vector<128x48xf32> -> vector<128x48xf32>
    %get3A_67 = arith.constant 0 : index
    %get3A_68 = arith.constant 0 : index
    %get3A_69 = vector.load %arg14[%get3A_67, %get3A_68] : memref<1x48xf32, #tpu.memory_space<vmem>>, vector<1x48xf32>
    %add3A_70 = vector.broadcast %get3A_69 : vector<1x48xf32> to vector<128x48xf32>
    %add3A_71 = arith.addf %dot_general3A_66, %add3A_70 : vector<128x48xf32>
    %get3A_72 = arith.constant 0 : index
    %get3A_73 = arith.constant 0 : index
    %get3A_74 = vector.load %arg2[%get3A_72, %get3A_73] : memref<128x3xf32, #tpu.memory_space<vmem>>, vector<128x3xf32>
    %concatenate3A = tpu.concatenate %get3A_74, %get3A_74, %get3A_74, %get3A_74, %get3A_74, %get3A_74, %get3A_74, %get3A_74, %get3A_74, %get3A_74, %get3A_74, %get3A_74, %get3A_74, %get3A_74, %get3A_74, %get3A_74 in 1 : vector<128x3xf32>, vector<128x3xf32>, vector<128x3xf32>, vector<128x3xf32>, vector<128x3xf32>, vector<128x3xf32>, vector<128x3xf32>, vector<128x3xf32>, vector<128x3xf32>, vector<128x3xf32>, vector<128x3xf32>, vector<128x3xf32>, vector<128x3xf32>, vector<128x3xf32>, vector<128x3xf32>, vector<128x3xf32> -> vector<128x48xf32>
    %add3A_75 = arith.addf %add3A_71, %concatenate3A : vector<128x48xf32>
    %swap3A = arith.constant 0 : index
    %swap3A_76 = arith.constant 0 : index
    %swap3A_77 = vector.load %arg15[%swap3A, %swap3A_76] : memref<128x48xf32, #tpu.memory_space<vmem>>, vector<128x48xf32>
    tpu.vector_store %arg15[%swap3A, %swap3A_76], %add3A_75 {strides = array<i32>} : memref<128x48xf32, #tpu.memory_space<vmem>>, vector<128x48xf32>,
    return
  }
  func.func @transform_0(%arg0: i32) -> (i32, i32) {
    %c0_i32 = arith.constant 0 : i32
    %c0_i32_0 = arith.constant 0 : i32
    return %arg0, %c0_i32 : i32, i32
  }
  func.func @transform_1(%arg0: i32) -> (i32, i32) {
    %c0_i32 = arith.constant 0 : i32
    %c0_i32_0 = arith.constant 0 : i32
    return %arg0, %c0_i32 : i32, i32
  }
  func.func @transform_2(%arg0: i32) -> (i32, i32) {
    %c0_i32 = arith.constant 0 : i32
    %c0_i32_0 = arith.constant 0 : i32
    %c0_i32_1 = arith.constant 0 : i32
    return %c0_i32, %c0_i32_0 : i32, i32
  }
  func.func @transform_3(%arg0: i32) -> (i32, i32) {
    %c0_i32 = arith.constant 0 : i32
    %c0_i32_0 = arith.constant 0 : i32
    %c0_i32_1 = arith.constant 0 : i32
    return %c0_i32, %c0_i32_0 : i32, i32
  }
  func.func @transform_4(%arg0: i32) -> (i32, i32) {
    %c0_i32 = arith.constant 0 : i32
    %c0_i32_0 = arith.constant 0 : i32
    %c0_i32_1 = arith.constant 0 : i32
    return %c0_i32, %c0_i32_0 : i32, i32
  }
  func.func @transform_5(%arg0: i32) -> (i32, i32) {
    %c0_i32 = arith.constant 0 : i32
    %c0_i32_0 = arith.constant 0 : i32
    %c0_i32_1 = arith.constant 0 : i32
    return %c0_i32, %c0_i32_0 : i32, i32
  }
  func.func @transform_6(%arg0: i32) -> (i32, i32) {
    %c0_i32 = arith.constant 0 : i32
    %c0_i32_0 = arith.constant 0 : i32
    %c0_i32_1 = arith.constant 0 : i32
    return %c0_i32, %c0_i32_0 : i32, i32
  }
  func.func @transform_7(%arg0: i32) -> (i32, i32) {
    %c0_i32 = arith.constant 0 : i32
    %c0_i32_0 = arith.constant 0 : i32
    %c0_i32_1 = arith.constant 0 : i32
    return %c0_i32, %c0_i32_0 : i32, i32
  }
  func.func @transform_8(%arg0: i32) -> (i32, i32) {
    %c0_i32 = arith.constant 0 : i32
    %c0_i32_0 = arith.constant 0 : i32
    %c0_i32_1 = arith.constant 0 : i32
    return %c0_i32, %c0_i32_0 : i32, i32
  }
  func.func @transform_9(%arg0: i32) -> (i32, i32) {
    %c0_i32 = arith.constant 0 : i32
    %c0_i32_0 = arith.constant 0 : i32
    %c0_i32_1 = arith.constant 0 : i32
    return %c0_i32, %c0_i32_0 : i32, i32
  }
  func.func @transform_10(%arg0: i32) -> (i32, i32) {
    %c0_i32 = arith.constant 0 : i32
    %c0_i32_0 = arith.constant 0 : i32
    %c0_i32_1 = arith.constant 0 : i32
    return %c0_i32, %c0_i32_0 : i32, i32
  }
  func.func @transform_11(%arg0: i32) -> (i32, i32) {
    %c0_i32 = arith.constant 0 : i32
    %c0_i32_0 = arith.constant 0 : i32
    %c0_i32_1 = arith.constant 0 : i32
    return %c0_i32, %c0_i32_0 : i32, i32
  }
  func.func @transform_12(%arg0: i32) -> (i32, i32) {
    %c0_i32 = arith.constant 0 : i32
    %c0_i32_0 = arith.constant 0 : i32
    %c0_i32_1 = arith.constant 0 : i32
    return %c0_i32, %c0_i32_0 : i32, i32
  }
  func.func @transform_13(%arg0: i32) -> (i32, i32) {
    %c0_i32 = arith.constant 0 : i32
    %c0_i32_0 = arith.constant 0 : i32
    %c0_i32_1 = arith.constant 0 : i32
    return %c0_i32, %c0_i32_0 : i32, i32
  }
  func.func @transform_14(%arg0: i32) -> (i32, i32) {
    %c0_i32 = arith.constant 0 : i32
    %c0_i32_0 = arith.constant 0 : i32
    return %arg0, %c0_i32 : i32, i32
  }
}

</mosaic_0001>

<sc_bundles>
// kernel: kernel.6.cloned.1.call-start
scs
__scs_entry_jumppad:
0x0: {  	(pc) =	sbr.rel $0x88, $3  }
0x1: {  	(tag) =	ssettag $0x0;
	lr =	simm.s32 $0x1  }
0x2: {  	[smem:$0x3F94] =	sst lr;
	_ =	strace $0xD0000000  }
0x3: {  	_ = 	snop  }
0x4: {  	_ = 	snop  }
0x5: {  	_ = 	snop  }
0x6: {  	_ = 	snop  }
0x7: {  	_ = 	snop  }
__scs_overlays_trampoline_lowered:
0x8: {  	[smem:$0x3FA3] =	sst s0  }
0x9: {  	[smem:$0x3FA4] =	sst s1  }
0xa: {  	[smem:$0x3FA5] =	sst s2  }
0xb: {  	[smem:$0x3FA6] =	sst s3  }
0xc: {  	[smem:$0x3FA7] =	sst s4  }
0xd: {  	[smem:$0x3FA8] =	sst s5  }
0xe: {  	[smem:$0x3FA9] =	sst s6  }
0xf: {  	[smem:$0x3FAA] =	sst s7  }
0x10: {  	[smem:$0x3FAB] =	sst s8  }
0x11: {  	[smem:$0x3FAC] =	sst s9;
	s0 =	simm.s32 @!p0 $0x0  }
0x12: {  	s1 =	sld [smem:$0x3F92];
	s0 =	simm.s32 @p0 $0x1  }
0x13: {  	[smem:$0x3FAD] =	sst s0;
	s0 =	simm.s32 @!p1 $0x0  }
0x14: {  	s2 =	sld [smem:$0x3F91];
	s0 =	simm.s32 @p1 $0x1  }
0x15: {  	[smem:$0x3FAE] =	sst s0;
	s0 =	simm.s32 @!p2 $0x0  }
0x16: {  	s3 =	sld [smem:$0x3FDB];
	s0 =	simm.s32 @p2 $0x1  }
0x17: {  	s4 =	simm.s32 $0x1BF5;
	[smem:$0x3FB0] =	sst s0  }
0x18: {  	s0 =	sld [smem:$0x3F93];
	_ =	swait.ge [sflag:s4], $0x0  }
0x19: {  	s7 =	sld [smem:$0x3F94]  }
0x1a: {  	s8 =	sadd.s32 $0xFFFFE003, lr  }
0x1b: {  	s9 =	sadd.s32 $0xFFFFFEF7, lr;
	s5 =	simm.s32 $0xFFFFFFFF;
	p2 =	slt.u32 s8, $0xFFFFF086  }
0x1c: {  	p1 =	slt.u32 s9, $0xF7A;
	s5 =	simm.s32 @!p2 $0x0  }
0x1d: {  	s5 =	simm.s32 @p1 $0x1;
	p0 =	seq.s32 s7, s2  }
0x1e: {  	s7 =	smul.u32 @!p0 $0xF7A, s2;
	p2 =	seq.s32 @!p0 s5, $0x0  }
0x1f: {  	s9 =	smul.u32 $0xF7A, s1;
	s8 =	simm.s32 @!p0 $0x1BF5;
	p2 =	por !p2, p0  }
0x20: {  	[sflag:s8] =	ssyncset.s32 @!p0 $0xFFFFF086;
	s6 =	sadd.s32 @!p0 s3, s7;
	s7 =	simm.s32 @!p0 $0x108  }
0x21: {  	s3 =	sadd.s32 s3, s9;
	s6 =	sadd.s32 @!p0 $0x88, s6;
	s7 =	simm.s32 @p2 $0x1082  }
0x22: {  	[simem:s7], [sflag:s8] =	dma.local @!p0 [hbm:s6], $0xF7A  }
0x23: {  	s9 =	sor.u32 $0xD0000000, s2;
	s6 =	simm.s32 $0x108;
	_ =	swait.ge @!p0 [sflag:s8], $0x0  }
0x24: {  	s3 =	sadd.s32 $0x88, s3;
	s6 =	simm.s32 @!p1 $0x1082;
	[sflag:s4] =	ssyncset.s32 $0xFFFFF086  }
0x25: {  	[simem:s6], [sflag:s4] =	dma.local [hbm:s3], $0xF7A  }
0x26: {  	[smem:$0x3F94] =	sst s1;
	(tag) =	ssettag s2;
	_ =	strace s9  }
0x27: {  	s1 =	sld [smem:$0x3FA4]  }
0x28: {  	s2 =	sld [smem:$0x3FA5]  }
0x29: {  	s4 =	sld [smem:$0x3FA7]  }
0x2a: {  	p0 =	seq.s32 s5, $0x0;
	s5 =	sld [smem:$0x3FA8]  }
0x2b: {  	s6 =	sld [smem:$0x3FA9]  }
0x2c: {  	s7 =	sld [smem:$0x3FAA]  }
0x2d: {  	s3 =	simm.s32 $0x108;
	s8 =	sld [smem:$0x3FAB]  }
0x2e: {  	s3 =	simm.s32 @!p0 $0x1082;
	s9 =	sld [smem:$0x3FAC]  }
0x2f: {  	lr =	sadd.s32 s0, s3;
	s0 =	sld [smem:$0x3FA3]  }
0x30: {  	s3 =	sld [smem:$0x3FA6]  }
0x31: {  	[smem:$0x3FAF] =	sst s10  }
0x32: {  	s10 =	sld [smem:$0x3FAD];
	_ =	sdelay $0x3  }
0x33: {  	p0 =	seq.s32 s10, $0x1;
	s10 =	sld [smem:$0x3FAF];
	_ =	sdelay $0x3  }
0x34: {  	[smem:$0x3FAF] =	sst s10  }
0x35: {  	s10 =	sld [smem:$0x3FAE];
	_ =	sdelay $0x3  }
0x36: {  	p1 =	seq.s32 s10, $0x1;
	s10 =	sld [smem:$0x3FAF];
	_ =	sdelay $0x3  }
0x37: {  	[smem:$0x3FAF] =	sst s10  }
0x38: {  	s10 =	sld [smem:$0x3FB0]  }
0x39: {  	_ = 	snop;
	(pc) =	sbr.ind lr, $3  }
0x3a: {  	_ = 	snop  }
0x3b: {  	_ = 	snop  }
0x3c: {  	p2 =	seq.s32 s10, $0x1;
	s10 =	sld [smem:$0x3FAF]  }
0x3d: {  	_ =	shalt  }
0x3e: {  	_ =	shalt  }
0x3f: {  	_ =	shalt  }
0x40: {  	_ =	shalt  }
0x41: {  	_ =	shalt  }
0x42: {  	_ =	shalt  }
0x43: {  	_ =	shalt  }
0x44: {  	_ =	shalt  }
0x45: {  	_ =	shalt  }
0x46: {  	_ =	shalt  }
0x47: {  	_ =	shalt  }
0x48: {  	_ =	shalt  }
0x49: {  	_ =	shalt  }
0x4a: {  	_ =	shalt  }
0x4b: {  	_ =	shalt  }
0x4c: {  	_ =	shalt  }
0x4d: {  	_ =	shalt  }
0x4e: {  	_ =	shalt  }
0x4f: {  	_ =	shalt  }
0x50: {  	_ =	shalt  }
0x51: {  	_ =	shalt  }
0x52: {  	_ =	shalt  }
0x53: {  	_ =	shalt  }
0x54: {  	_ =	shalt  }
0x55: {  	_ =	shalt  }
0x56: {  	_ =	shalt  }
0x57: {  	_ =	shalt  }
0x58: {  	_ =	shalt  }
0x59: {  	_ =	shalt  }
0x5a: {  	_ =	shalt  }
0x5b: {  	_ =	shalt  }
0x5c: {  	_ =	shalt  }
0x5d: {  	_ =	shalt  }
0x5e: {  	_ =	shalt  }
0x5f: {  	_ =	shalt  }
0x60: {  	_ =	shalt  }
0x61: {  	_ =	shalt  }
0x62: {  	_ =	shalt  }
0x63: {  	_ =	shalt  }
0x64: {  	_ =	shalt  }
0x65: {  	_ =	shalt  }
0x66: {  	_ =	shalt  }
0x67: {  	_ =	shalt  }
0x68: {  	_ =	shalt  }
0x69: {  	_ =	shalt  }
0x6a: {  	_ =	shalt  }
0x6b: {  	_ =	shalt  }
0x6c: {  	_ =	shalt  }
0x6d: {  	_ =	shalt  }
0x6e: {  	_ =	shalt  }
0x6f: {  	_ =	shalt  }
0x70: {  	_ =	shalt  }
0x71: {  	_ =	shalt  }
0x72: {  	_ =	shalt  }
0x73: {  	_ =	shalt  }
0x74: {  	_ =	shalt  }
0x75: {  	_ =	shalt  }
0x76: {  	_ =	shalt  }
0x77: {  	_ =	shalt  }
0x78: {  	_ =	shalt  }
0x79: {  	_ =	shalt  }
0x7a: {  	_ =	shalt  }
0x7b: {  	_ =	shalt  }
0x7c: {  	_ =	shalt  }
0x7d: {  	_ =	shalt  }
0x7e: {  	_ =	shalt  }
0x7f: {  	_ =	shalt  }
0x80: {  	_ =	shalt  }
0x81: {  	_ =	shalt  }
0x82: {  	_ =	shalt  }
0x83: {  	_ =	shalt  }
0x84: {  	_ =	shalt  }
0x85: {  	_ =	shalt  }
0x86: {  	_ =	shalt  }
0x87: {  	_ =	shalt  }
.Lfunc_end0:
.L_simem_size_0:
called_computation_lowered:
.L_overlay_start_0:
0x88: {  	s2 =	sld [smem:$0x3FD9]  }
0x89: {  	s3 =	sld [smem:$0x3FFE];
	_ =	sdelay $0x1  }
0x8a: {  	s1 =	srdreg.scid  }
0x8b: {  	s0 =	sand.u32 $0x1, s1  }
0x8c: {  	s14 =	sshll.u32 s0, $0xA;
	s2 =	sadd.s32 s3, s2  }
0x8d: {  	s2 =	sadd.s32 s2, s14  }
0x8e: {  	[smem:$0x3FBB] =	sst s2  }
0x8f: {  	_ = 	snop  }
0x90: {  	s2 =	sld [smem:$0x3FD0];
	_ =	sdelay $0x2  }
0x91: {  	s15 =	simm.s32 $0xA;
	s4 =	simm.s32 $0x10  }
0x92: {  	[smem:s4], [sflag:s15] =	dma.local [hbm:s2], $0x1  }
0x93: {  	_ =	swait.eq [sflag:s15], $0x1  }
0x94: {  	[sflag:s15] =	ssyncset.done $0x0  }
0x95: {  	s16 =	sld [smem:$0x10];
	[sflag:s15] =	ssyncadd.s32 $0xFFFFFFFF  }
0x96: {  	s17 =	sld [smem:$0x11];
	(tm) =	ssettm $0x1  }
0x97: {  	s18 =	sld [smem:$0x3FFB];
	_ =	sdelay $0x3  }
0x98: {  	_ =	strace s18  }
0x99: {  	s4 =	sld [smem:$0x3FFC];
	_ =	sdelay $0x3  }
0x9a: {  	_ =	strace s4  }
0x9b: {  	s4 =	sld [smem:$0x3FFD];
	_ =	sdelay $0x3  }
0x9c: {  	_ =	strace s4  }
0x9d: {  	_ =	strace $0x8FFFFFFF  }
0x9e: {  	s19 =	sld [smem:$0x3FDB];
	_ =	sdelay $0x1  }
0x9f: {  	s5 =	simm.s32 $_scs_section_size  }
0xa0: {  	s6 =	simm.s32 $_size__tile_overlayer_lowered;
	s7 =	simm.s32 $_tile_overlayer_lowered  }
0xa1: {  	s22 =	simm.s32 $0x1BFF;
	s21 =	sshll.u32 s7, $0x1;
	s4 =	sadd.s32 s5, s19  }
0xa2: {  	s8 =	simm.s32 $0x0;
	s20 =	sshll.u32 s6, $0x1;
	s6 =	sadd.s32 s21, s4  }
0xa3: {  	[timem:s8], [sflag:s22] =	dma.local [hbm:s6], s20  }
0xa4: {  	_ =	swait.ge [sflag:s22], s20  }
0xa5: {  	s5 =	ssub.s32 $0x0, s20;
	[sflag:s22] =	ssyncset.done $0x0  }
0xa6: {  	[sflag:s22] =	ssyncadd.s32 s5;
	_ =	sdelay $0x1  }
0xa7: {  	s23 =	simm.s32 $0x1B8B  }
0xa8: {  	_ =	swait.ge [sflag:s23], $0x1  }
0xa9: {  	[sflag:s23] =	ssyncset.done $0x0  }
0xaa: {  	s25 =	simm.s32 $0x1B8E;
	s24 =	sld [smem:$0x3FFE];
	[sflag:s23] =	ssyncadd.s32 $0xFFFFFFFF  }
0xab: {  	s26 =	simm.s32 $execute0_lowered;
	[smem:$0x3FD2] =	sst s25  }
0xac: {  	s6 =	sshll.u32 s26, $0x1;
	_ =	strace $0x80000046;
	[dreg:$0x1] =	wrdreg $0xFFFFFFFF  }
0xad: {  	s28 =	simm.s32 $_size_execute0_lowered;
	s4 =	sadd.s32 s4, s6;
	[dreg:$0x0] =	wrdreg $0x0  }
0xae: {  	s6 =	sshll.u32 s28, $0x1;
	[dreg:$0x2] =	wrdreg s4  }
0xaf: {  	[dreg:$0x3] =	wrdreg s6  }
0xb0: {  	[dreg:$0x4] =	wrdreg $0xC0  }
0xb1: {  	_ =	task [dreg:s8], $0x5FFFF  }
0xb2: {  	[dreg:$0x1] =	wrdreg $0xFFFFFFFF  }
0xb3: {  	[dreg:$0x0] =	wrdreg $0x60  }
0xb4: {  	[dreg:$0x2] =	wrdreg s17  }
0xb5: {  	[dreg:$0x3] =	wrdreg s24  }
0xb6: {  	[dreg:$0x4] =	wrdreg s16  }
0xb7: {  	[dreg:$0x5] =	wrdreg $0x9  }
0xb8: {  	_ =	task.clear_ibuf [dreg:s8], $0x6FFFF;
	_ =	strace $0x90000046  }
0xb9: {  	s29 =	simm.s32 $0x9;
	_ =	strace $0x80000048  }
0xba: {  	_ =	swait.ge [sflag:s29], $0x1  }
0xbb: {  	[sflag:s29] =	ssyncadd.s32 $0xFFFFFFFF  }
0xbc: {  	_ =	strace $0x90000048  }
0xbd: {  	_ =	sfence  }
0xbe: {  	s30 =	sld [smem:$0x0];
	_ =	sdelay $0x2  }
0xbf: {  	s31 =	sshll.u32 s1, $0xD;
	s1 =	sshrl.u32 s1, $0x2  }
0xc0: {  	s3 =	sand.u32 $0x4000, s31;
	s1 =	sadd.s32 s1, s30  }
0xc1: {  	s0 =	sor.u32 s3, s0;
	s1 =	sshll.u32 s1, $0x11  }
0xc2: {  	s0 =	sor.u32 s1, s0  }
0xc3: {  	s0 =	sadd.s32 $0x8F2B, s0  }
0xc4: {  	[sflag:s0] =	ssyncadd.remote.s32 $0x1  }
0xc5: {  	_ =	sfence.sel $0xFFFF  }
0xc6: {  	[dreg:$0x0] =	wrdreg $0xFFFFFFFF;
	(pc) =	sbr.abs _section_cstart, $3  }
0xc7: {  	[dreg:$0x1] =	wrdreg $0xFFFFFFFF  }
0xc8: {  	_ =	task.clear_ibuf [dreg:s8], $0x2FFFF;
	_ =	strace $0x9FFFFFFF  }
0xc9: {  	(tm) =	ssettm $0x7FFFFFFF  }
tec
execute0_lowered:
.L_overlay_start_1:
0x0: {  	(tag) =	ssettag $0x1  }
0x1: {  	s1 =	srdreg.scid  }
0x2: {  	s0 =	stileid.u32;
	s4 =	sand.u32 $0x1, s1  }
0x3: {  	s28 =	sshll.u32 s0, $0xA;
	s2 =	sshll.u32 s4, $0x9  }
0x4: {  	s5 =	sor.u32 s2, s28  }
0x5: {  	v0 =	vmov s5  }
0x6: {  	s1 =	sor.u32 $0x10, s5;
	v0 =	vshrl.u32 v0, $0x4  }
0x7: {  	v1 =	vmov s1;
	v0 =	vmul.u32 $0x3, v0  }
0x8: {  	s29 =	sor.u32 $0x20, s5;
	v1 =	vshrl.u32 v1, $0x4  }
0x9: {  	v2 =	vmov s29;
	v1 =	vmul.u32 $0x3, v1;
	v3 =	vbroadcast v0, $0x0  }
0xa: {  	v2 =	vshrl.u32 v2, $0x4  }
0xb: {  	s30 =	sor.u32 $0x30, s5;
	v0 =	vmul.u32 $0x3, v2;
	v2 =	vbroadcast v1, $0x0;
	v4 =	vor.u32 $0x1, v3;
	[tilespmem:$0x1FDA0] =	vst v3  }
0xc: {  	v1 =	vmov s30;
	[tilespmem:$0x1FD90] =	vst v4  }
0xd: {  	v4 =	vbroadcast v0, $0x0;
	v0 =	vshrl.u32 v1, $0x4;
	v1 =	vor.u32 $0x2, v3;
	[tilespmem:$0x1FDD0] =	vst v2  }
0xe: {  	[tilespmem:$0x1FDB0] =	vst v1;
	v1 =	vadd.s32 $0x1, v2  }
0xf: {  	v0 =	vmul.u32 $0x3, v0;
	[tilespmem:$0x1FDC0] =	vst v1;
	v1 =	vadd.s32 $0x2, v2  }
0x10: {  	s31 =	sor.u32 $0x40, s5;
	[tilespmem:$0x1FDE0] =	vst v1;
	v1 =	vadd.s32 $0x1, v4  }
0x11: {  	s2 =	sor.u32 $0x50, s5;
	v3 =	vbroadcast v0, $0x0;
	[tilespmem:$0x1FDF0] =	vst v1;
	v1 =	vmov s31  }
0x12: {  	s3 =	sor.u32 $0x60, s5;
	[tilespmem:$0x1FE00] =	vst v4;
	v4 =	vadd.s32 $0x2, v4;
	v0 =	vshrl.u32 v1, $0x4;
	v1 =	vmov s2  }
0x13: {  	v2 =	vmov s3;
	[tilespmem:$0x1FE10] =	vst v4;
	v0 =	vmul.u32 $0x3, v0;
	v1 =	vshrl.u32 v1, $0x4  }
0x14: {  	v2 =	vshrl.u32 v2, $0x4;
	v4 =	vadd.s32 $0x1, v3;
	[tilespmem:$0x1FE30] =	vst v3;
	v1 =	vmul.u32 $0x3, v1  }
0x15: {  	[tilespmem:$0x1FE20] =	vst v4;
	v4 =	vbroadcast v0, $0x0;
	v0 =	vmul.u32 $0x3, v2;
	v2 =	vor.u32 $0x2, v3  }
0x16: {  	s6 =	sor.u32 $0x70, s5;
	[tilespmem:$0x1FE40] =	vst v2  }
0x17: {  	v2 =	vbroadcast v1, $0x0;
	v1 =	vmov s6;
	v3 =	vadd.s32 $0x1, v4;
	[tilespmem:$0x1FE60] =	vst v4  }
0x18: {  	[tilespmem:$0x1FE50] =	vst v3;
	v3 =	vbroadcast v0, $0x0;
	v0 =	vshrl.u32 v1, $0x4;
	v1 =	vadd.s32 $0x2, v4  }
0x19: {  	[tilespmem:$0x1FE70] =	vst v1;
	v1 =	vadd.s32 $0x1, v2  }
0x1a: {  	[tilespmem:$0x1FE80] =	vst v1;
	v1 =	vadd.s32 $0x2, v2  }
0x1b: {  	s7 =	sor.u32 $0x80, s5;
	v0 =	vmul.u32 $0x3, v0;
	[tilespmem:$0x1FEA0] =	vst v1;
	v1 =	vadd.s32 $0x1, v3  }
0x1c: {  	[tilespmem:$0x1FEB0] =	vst v1;
	v1 =	vmov s7  }
0x1d: {  	s8 =	sor.u32 $0x90, s5;
	[tilespmem:$0x1FE90] =	vst v2;
	v4 =	vbroadcast v0, $0x0;
	v0 =	vshrl.u32 v1, $0x4  }
0x1e: {  	s9 =	sor.u32 $0xA0, s5;
	[tilespmem:$0x1FEC0] =	vst v3;
	v3 =	vadd.s32 $0x2, v3;
	v1 =	vmov s8;
	v0 =	vmul.u32 $0x3, v0  }
0x1f: {  	v2 =	vmov s9;
	[tilespmem:$0x1FED0] =	vst v3;
	v3 =	vadd.s32 $0x1, v4;
	v1 =	vshrl.u32 v1, $0x4  }
0x20: {  	v2 =	vshrl.u32 v2, $0x4;
	[tilespmem:$0x1FEE0] =	vst v3;
	v1 =	vmul.u32 $0x3, v1;
	v3 =	vbroadcast v0, $0x0  }
0x21: {  	s10 =	sor.u32 $0xB0, s5;
	v0 =	vmul.u32 $0x3, v2;
	v2 =	vor.u32 $0x2, v4  }
0x22: {  	[tilespmem:$0x1FF00] =	vst v2;
	v25 =	vbroadcast v1, $0x0;
	v1 =	vmov s10;
	v2 =	vadd.s32 $0x1, v3  }
0x23: {  	v27 =	vbroadcast v0, $0x0;
	v0 =	vshrl.u32 v1, $0x4;
	v1 =	vadd.s32 $0x2, v3;
	[tilespmem:$0x1FF10] =	vst v2  }
0x24: {  	[tilespmem:$0x1FF30] =	vst v1;
	v1 =	vadd.s32 $0x1, v25  }
0x25: {  	[tilespmem:$0x1FF40] =	vst v1;
	v1 =	vadd.s32 $0x2, v25  }
0x26: {  	s11 =	sor.u32 $0xC0, s5;
	s13 =	sor.u32 $0xE0, s5;
	v0 =	vmul.u32 $0x3, v0;
	[tilespmem:$0x1FF50] =	vst v1;
	v1 =	vadd.s32 $0x1, v27  }
0x27: {  	s12 =	sor.u32 $0xD0, s5;
	v2 =	vmov s13;
	[tilespmem:$0x1FF60] =	vst v1;
	v1 =	vmov s11  }
0x28: {  	v32 =	vbroadcast v0, $0x0;
	v0 =	vshrl.u32 v1, $0x4;
	v1 =	vmov s12  }
0x29: {  	[tilespmem:$0x1FF20] =	vst v3;
	v3 =	vadd.s32 $0x2, v27;
	v0 =	vmul.u32 $0x3, v0;
	v1 =	vshrl.u32 v1, $0x4  }
0x2a: {  	s2 =	sor.u32 $0x150, s5;
	v2 =	vshrl.u32 v2, $0x4;
	[tilespmem:$0x1FF70] =	vst v3;
	v3 =	vadd.s32 $0x1, v32;
	v1 =	vmul.u32 $0x3, v1  }
0x2b: {  	s14 =	sor.u32 $0xF0, s5;
	[tilespmem:$0x1FF80] =	vst v3;
	v3 =	vmov s2;
	v35 =	vbroadcast v0, $0x0;
	v0 =	vmul.u32 $0x3, v2  }
0x2c: {  	[tilespmem:$0x1FEF0] =	vst v4;
	v2 =	vor.u32 $0x2, v32;
	v37 =	vbroadcast v1, $0x0;
	v1 =	vmov s14  }
0x2d: {  	[tilespmem:$0x1FF90] =	vst v2;
	v39 =	vbroadcast v0, $0x0;
	v0 =	vshrl.u32 v1, $0x4;
	v1 =	vadd.s32 $0x2, v35  }
0x2e: {  	s20 =	sor.u32 $0x160, s5;
	v3 =	vshrl.u32 v3, $0x4;
	[tilespmem:$0x1FFB0] =	vst v1;
	v1 =	vadd.s32 $0x1, v37  }
0x2f: {  	v4 =	vmov s20;
	v3 =	vmul.u32 $0x3, v3;
	[tilespmem:$0x1FFC0] =	vst v1;
	v1 =	vadd.s32 $0x2, v37  }
0x30: {  	s15 =	sor.u32 $0x100, s5;
	v4 =	vshrl.u32 v4, $0x4;
	v0 =	vmul.u32 $0x3, v0;
	[tilespmem:$0x1FFD0] =	vst v1;
	v1 =	vadd.s32 $0x1, v39  }
0x31: {  	s16 =	sor.u32 $0x110, s5;
	v2 =	vadd.s32 $0x1, v35;
	v52 =	vbroadcast v3, $0x0;
	[tilespmem:$0x1FFE0] =	vst v1;
	v1 =	vmov s15  }
0x32: {  	s24 =	sor.u32 $0x1A0, s5;
	v44 =	vbroadcast v0, $0x0;
	v0 =	vshrl.u32 v1, $0x4;
	v1 =	vmov s16  }
0x33: {  	v3 =	vmov s24;
	v0 =	vmul.u32 $0x3, v0;
	v1 =	vshrl.u32 v1, $0x4  }
0x34: {  	s17 =	sor.u32 $0x120, s5;
	[tilespmem:$0x1FFA0] =	vst v2;
	v2 =	vadd.s32 $0x2, v39;
	v17 =	vadd.s32 $0x1, v52;
	v1 =	vmul.u32 $0x3, v1  }
0x35: {  	s18 =	sor.u32 $0x130, s5;
	v18 =	vadd.s32 $0x2, v52;
	[tilespmem:$0x1FFF0] =	vst v2;
	v2 =	vmov s17;
	v47 =	vbroadcast v0, $0x0  }
0x36: {  	s19 =	sor.u32 $0x140, s5;
	v0 =	vshrl.u32 v2, $0x4;
	v2 =	vmov s18;
	v48 =	vbroadcast v1, $0x0  }
0x37: {  	v0 =	vmul.u32 $0x3, v0;
	v1 =	vshrl.u32 v2, $0x4;
	v2 =	vmov s19  }
0x38: {  	v46 =	vadd.s32 $0x1, v44;
	v60 =	vor.u32 $0x2, v44;
	v2 =	vshrl.u32 v2, $0x4  }
0x39: {  	s30 =	sor.u32 $0x1F0, s5;
	v1 =	vmul.u32 $0x3, v1;
	v2 =	vmul.u32 $0x3, v2;
	v49 =	vbroadcast v0, $0x0  }
0x3a: {  	s21 =	sor.u32 $0x170, s5;
	v0 =	vmul.u32 $0x3, v4;
	v4 =	vmov s30;
	v5 =	vadd.s32 $0x1, v48  }
0x3b: {  	v6 =	vadd.s32 $0x2, v48;
	v50 =	vbroadcast v1, $0x0;
	v1 =	vmov s21  }
0x3c: {  	s22 =	sor.u32 $0x180, s5;
	s23 =	sor.u32 $0x190, s5;
	v4 =	vshrl.u32 v4, $0x4;
	v51 =	vbroadcast v2, $0x0;
	v53 =	vbroadcast v0, $0x0  }
0x3d: {  	v0 =	vshrl.u32 v1, $0x4;
	v1 =	vmov s22;
	v2 =	vmov s23  }
0x3e: {  	v7 =	vadd.s32 $0x1, v49;
	v9 =	vadd.s32 $0x2, v49;
	v0 =	vmul.u32 $0x3, v0  }
0x3f: {  	v1 =	vshrl.u32 v1, $0x4;
	v2 =	vshrl.u32 v2, $0x4;
	v10 =	vadd.s32 $0x1, v50  }
0x40: {  	v12 =	vor.u32 $0x2, v50;
	v1 =	vmul.u32 $0x3, v1;
	v14 =	vadd.s32 $0x1, v51  }
0x41: {  	v16 =	vadd.s32 $0x2, v51;
	v19 =	vadd.s32 $0x1, v53;
	v21 =	vadd.s32 $0x2, v53  }
0x42: {  	s29 =	sor.u32 $0x1E0, s5;
	v54 =	vbroadcast v0, $0x0;
	v0 =	vmul.u32 $0x3, v2;
	v2 =	vshrl.u32 v3, $0x4  }
0x43: {  	s25 =	sor.u32 $0x1B0, s5;
	v3 =	vmov s29;
	v55 =	vbroadcast v1, $0x0;
	v1 =	vmul.u32 $0x3, v2  }
0x44: {  	s26 =	sor.u32 $0x1C0, s5;
	v2 =	vmov s25;
	v3 =	vshrl.u32 v3, $0x4;
	v56 =	vbroadcast v0, $0x0  }
0x45: {  	v0 =	vshrl.u32 v2, $0x4;
	v2 =	vmov s26;
	v3 =	vmul.u32 $0x3, v3  }
0x46: {  	s28 =	sor.u32 $0x1D0, s5;
	s1 =	rddreg [dreg:$0x0];
	s3 =	simm.s32 $0x0;
	v22 =	vor.u32 $0x2, v54;
	v57 =	vbroadcast v1, $0x0;
	v0 =	vmul.u32 $0x3, v0  }
0x47: {  	[smem:$0x7FF] =	sst s3;
	v1 =	vshrl.u32 v2, $0x4;
	v2 =	vmov s28;
	v24 =	vadd.s32 $0x2, v55  }
0x48: {  	s5 =	sshrl.u32 s5, $0x3;
	s6 =	rddreg [dreg:$0x1];
	s8 =	ssub.s32 $0x2, s4;
	v1 =	vmul.u32 $0x3, v1;
	v2 =	vshrl.u32 v2, $0x4;
	v62 =	vbroadcast v3, $0x0  }
0x49: {  	s7 =	rddreg [dreg:$0x2];
	s4 =	sadd.s32 $0x2200, s6;
	s31 =	sshrl.u32 s8, $0x1;
	v3 =	vadd.s32 $0x1, v56;
	v26 =	vadd.s32 $0x2, v56;
	v2 =	vmul.u32 $0x3, v2  }
0x4a: {  	s20 =	simm.s32 $0xD600;
	s13 =	simm.s32 $0x1;
	s11 =	sadd.s32 s5, s6;
	v58 =	vbroadcast v0, $0x0;
	v0 =	vmul.u32 $0x3, v4;
	v4 =	vadd.s32 $0x2, v47  }
0x4b: {  	s5 =	sadd.s32 s7, s5;
	s12 =	ssub.s32 s8, s31;
	s6 =	sadd.s32 $0x2400, s11;
	v28 =	vadd.s32 $0x1, v57;
	v29 =	vadd.s32 $0x2, v57;
	v59 =	vbroadcast v1, $0x0  }
0x4c: {  	s7 =	sadd.s32 $0x2C00, s11;
	s8 =	sadd.s32 $0x3400, s11;
	s9 =	sadd.s32 $0x3C00, s11;
	v1 =	vadd.s32 $0x1, v55;
	v34 =	vadd.s32 $0x1, v62;
	v15 =	vadd.s32 $0x2, v62  }
0x4d: {  	s10 =	sadd.s32 $0x4400, s11;
	s11 =	sadd.s32 $0x4C00, s11;
	s2 =	rddreg [dreg:$0x3];
	v61 =	vbroadcast v2, $0x0;
	v63 =	vbroadcast v0, $0x0;
	v2 =	vadd.s32 $0x1, v47  }
0x4e: {  	s12 =	smax.u32 s12, $0x1;
	s14 =	simm.s32 $0xC000;
	s17 =	simm.s32 $0xD000;
	v0 =	vadd.s32 $0x1, v54;
	v8 =	vadd.s32 $0x1, v58;
	v30 =	vor.u32 $0x2, v58  }
0x4f: {  	s15 =	simm.s32 $0xCC00;
	_ =	strace $0x80000047;
	s16 =	simm.s32 $0xCE00;
	v31 =	vadd.s32 $0x1, v59;
	v11 =	vadd.s32 $0x2, v59;
	v33 =	vadd.s32 $0x1, v61  }
0x50: {  	s18 =	simm.s32 $0xD200;
	s19 =	simm.s32 $0xD400;
	s21 =	simm.s32 $0xD800;
	v13 =	vadd.s32 $0x2, v61;
	v36 =	vadd.s32 $0x1, v63;
	v38 =	vor.u32 $0x2, v63  }
.LBB2_1:
0x51: {  	[tilespmem:s3], [sflag:$0x1] =	stream.linear.gather [hbm4b:s1+s3], $0xC000, $0x38;
	[tilespmem:$0xDA00] =	vst v63  }
0x52: {  	_ =	swait.ge [sflag:s13], $0xC000  }
0x53: {  	[sflag:s13] =	ssyncset.done $0x0  }
0x54: {  	[sflag:s13] =	ssyncadd.s32 $0xFFFF4000  }
0x55: {  	[tilespmem:s14], [sflag:$0x1] =	stream.linear.gather [hbm4b:s4+s3], $0xC00, $0x38;
	[tilespmem:$0xDA00] =	vst v63  }
0x56: {  	_ =	swait.ge [sflag:s13], $0xC00  }
0x57: {  	[sflag:s13] =	ssyncset.done $0x0  }
0x58: {  	[sflag:s13] =	ssyncadd.s32 $0xFFFFF400  }
0x59: {  	[tilespmem:s15], [sflag:$0x1] =	stream.linear.gather [hbm4b:s5+s3], $0x200, $0x38;
	[tilespmem:$0xDA00] =	vst v63  }
0x5a: {  	_ =	swait.ge [sflag:s13], $0x200  }
0x5b: {  	v23 =	vld [tilespmem:$0x1FDA0];
	_ =	sdelay $0x5  }
0x5c: {  	[sflag:s13] =	ssyncset.done $0x0  }
0x5d: {  	[sflag:s13] =	ssyncadd.s32 $0xFFFFFE00  }
0x5e: {  	v43 =	vld.idx.msk [tilespmem:v23+s14+$0x0], $0xffff  }
0x5f: {  	v23 =	vld [tilespmem:$0x1FD90];
	_ =	sdelay $0x2  }
0x60: {  	v40 =	vld [tilespmem:$0xCC00];
	_ =	sdelay $0x4  }
0x61: {  	v40 =	vmul.u32 $0x3, v40;
	v45 =	vld.idx.msk [tilespmem:v23+s14+$0x0], $0xffff  }
0x62: {  	v23 =	vld [tilespmem:$0x1FDB0]  }
0x63: {  	v41 =	vadd.s32 $0x1, v40  }
0x64: {  	v20 =	vadd.s32 $0x2, v40;
	_ =	sdelay $0x1  }
0x65: {  	v42 =	vld [tilespmem:$0xCC10]  }
0x66: {  	v40 =	vld.idx.msk [tilespmem:v40+s3+$0x0], $0xffff  }
0x67: {  	v41 =	vld.idx.msk [tilespmem:v41+s3+$0x0], $0xffff  }
0x68: {  	v20 =	vld.idx.msk [tilespmem:v20+s3+$0x0], $0xffff  }
0x69: {  	v23 =	vld.idx.msk [tilespmem:v23+s14+$0x0], $0xffff  }
0x6a: {  	v42 =	vmul.u32 $0x3, v42  }
0x6b: {  	[tilespmem:$0xCE00] =	vst v40  }
0x6c: {  	[tilespmem:$0xD000] =	vst v41;
	v40 =	vsub.f32 v40, v43;
	v41 =	vsub.f32 v41, v45;
	v45 =	vadd.s32 $0x1, v42  }
0x6d: {  	[tilespmem:$0xD200] =	vst v20  }
0x6e: {  	[tilespmem:$0xD400] =	vst v40;
	v20 =	vsub.f32 v20, v23  }
0x6f: {  	[tilespmem:$0xD600] =	vst v41  }
0x70: {  	[tilespmem:$0xD800] =	vst v20  }
0x71: {  	v40 =	vld.idx.msk [tilespmem:v45+s3+$0x0], $0xffff  }
0x72: {  	v45 =	vld [tilespmem:$0x1FDD0];
	_ =	sdelay $0x6  }
0x73: {  	v20 =	vld.idx.msk [tilespmem:v42+s3+$0x0], $0xffff  }
0x74: {  	v23 =	vadd.s32 $0x2, v42;
	v42 =	vld.idx.msk [tilespmem:v45+s14+$0x0], $0xffff  }
0x75: {  	v45 =	vld [tilespmem:$0x1FDC0];
	_ =	sdelay $0x7  }
0x76: {  	v43 =	vld.idx.msk [tilespmem:v45+s14+$0x0], $0xffff  }
0x77: {  	v45 =	vld [tilespmem:$0x1FDE0];
	_ =	sdelay $0x5  }
0x78: {  	v41 =	vld [tilespmem:$0xCC20]  }
0x79: {  	v23 =	vld.idx.msk [tilespmem:v23+s3+$0x0], $0xffff  }
0x7a: {  	v45 =	vld.idx.msk [tilespmem:v45+s14+$0x0], $0xffff;
	_ =	sdelay $0x2  }
0x7b: {  	[tilespmem:$0xCE10] =	vst v20;
	v20 =	vsub.f32 v20, v42;
	_ =	sdelay $0x1  }
0x7c: {  	v41 =	vmul.u32 $0x3, v41;
	[tilespmem:$0xD410] =	vst v20;
	v20 =	vsub.f32 v23, v45;
	v45 =	vld [tilespmem:$0x1FE00];
	_ =	sdelay $0x1  }
0x7d: {  	v42 =	vadd.s32 $0x1, v41  }
0x7e: {  	[tilespmem:$0xD010] =	vst v40;
	v40 =	vsub.f32 v40, v43  }
0x7f: {  	[tilespmem:$0xD210] =	vst v23  }
0x80: {  	[tilespmem:$0xD610] =	vst v40  }
0x81: {  	[tilespmem:$0xD810] =	vst v20  }
0x82: {  	v40 =	vld.idx.msk [tilespmem:v42+s3+$0x0], $0xffff  }
0x83: {  	v42 =	vld.idx.msk [tilespmem:v45+s14+$0x0], $0xffff  }
0x84: {  	v45 =	vld [tilespmem:$0x1FDF0];
	_ =	sdelay $0x7  }
0x85: {  	v43 =	vld.idx.msk [tilespmem:v45+s14+$0x0], $0xffff  }
0x86: {  	v45 =	vld [tilespmem:$0x1FE10];
	_ =	sdelay $0x1  }
0x87: {  	v23 =	vadd.s32 $0x2, v41;
	_ =	sdelay $0x2  }
0x88: {  	v20 =	vld.idx.msk [tilespmem:v41+s3+$0x0], $0xffff  }
0x89: {  	v41 =	vld [tilespmem:$0xCC30]  }
0x8a: {  	v23 =	vld.idx.msk [tilespmem:v23+s3+$0x0], $0xffff  }
0x8b: {  	v45 =	vld.idx.msk [tilespmem:v45+s14+$0x0], $0xffff;
	_ =	sdelay $0x2  }
0x8c: {  	[tilespmem:$0xCE20] =	vst v20;
	v20 =	vsub.f32 v20, v42;
	_ =	sdelay $0x1  }
0x8d: {  	v41 =	vmul.u32 $0x3, v41;
	[tilespmem:$0xD420] =	vst v20;
	v20 =	vsub.f32 v23, v45;
	v45 =	vld [tilespmem:$0x1FE30];
	_ =	sdelay $0x1  }
0x8e: {  	v42 =	vadd.s32 $0x1, v41  }
0x8f: {  	[tilespmem:$0xD020] =	vst v40;
	v40 =	vsub.f32 v40, v43  }
0x90: {  	[tilespmem:$0xD220] =	vst v23  }
0x91: {  	[tilespmem:$0xD620] =	vst v40  }
0x92: {  	[tilespmem:$0xD820] =	vst v20  }
0x93: {  	v40 =	vld.idx.msk [tilespmem:v42+s3+$0x0], $0xffff  }
0x94: {  	v42 =	vld.idx.msk [tilespmem:v45+s14+$0x0], $0xffff  }
0x95: {  	v45 =	vld [tilespmem:$0x1FE20];
	_ =	sdelay $0x7  }
0x96: {  	v43 =	vld.idx.msk [tilespmem:v45+s14+$0x0], $0xffff  }
0x97: {  	v45 =	vld [tilespmem:$0x1FE40];
	_ =	sdelay $0x1  }
0x98: {  	v23 =	vadd.s32 $0x2, v41;
	_ =	sdelay $0x2  }
0x99: {  	v20 =	vld.idx.msk [tilespmem:v41+s3+$0x0], $0xffff  }
0x9a: {  	v41 =	vld [tilespmem:$0xCC40]  }
0x9b: {  	v23 =	vld.idx.msk [tilespmem:v23+s3+$0x0], $0xffff  }
0x9c: {  	v45 =	vld.idx.msk [tilespmem:v45+s14+$0x0], $0xffff;
	_ =	sdelay $0x2  }
0x9d: {  	[tilespmem:$0xCE30] =	vst v20;
	v20 =	vsub.f32 v20, v42;
	_ =	sdelay $0x1  }
0x9e: {  	v41 =	vmul.u32 $0x3, v41;
	[tilespmem:$0xD430] =	vst v20;
	v20 =	vsub.f32 v23, v45;
	v45 =	vld [tilespmem:$0x1FE60];
	_ =	sdelay $0x1  }
0x9f: {  	v42 =	vadd.s32 $0x1, v41  }
0xa0: {  	[tilespmem:$0xD030] =	vst v40;
	v40 =	vsub.f32 v40, v43  }
0xa1: {  	[tilespmem:$0xD230] =	vst v23  }
0xa2: {  	[tilespmem:$0xD630] =	vst v40  }
0xa3: {  	[tilespmem:$0xD830] =	vst v20  }
0xa4: {  	v40 =	vld.idx.msk [tilespmem:v42+s3+$0x0], $0xffff  }
0xa5: {  	v42 =	vld.idx.msk [tilespmem:v45+s14+$0x0], $0xffff  }
0xa6: {  	v45 =	vld [tilespmem:$0x1FE50];
	_ =	sdelay $0x7  }
0xa7: {  	v43 =	vld.idx.msk [tilespmem:v45+s14+$0x0], $0xffff  }
0xa8: {  	v45 =	vld [tilespmem:$0x1FE70];
	_ =	sdelay $0x1  }
0xa9: {  	v23 =	vadd.s32 $0x2, v41;
	_ =	sdelay $0x2  }
0xaa: {  	v20 =	vld.idx.msk [tilespmem:v41+s3+$0x0], $0xffff  }
0xab: {  	v41 =	vld [tilespmem:$0xCC50]  }
0xac: {  	v23 =	vld.idx.msk [tilespmem:v23+s3+$0x0], $0xffff  }
0xad: {  	v45 =	vld.idx.msk [tilespmem:v45+s14+$0x0], $0xffff;
	_ =	sdelay $0x2  }
0xae: {  	[tilespmem:$0xCE40] =	vst v20;
	v20 =	vsub.f32 v20, v42;
	_ =	sdelay $0x1  }
0xaf: {  	v41 =	vmul.u32 $0x3, v41;
	[tilespmem:$0xD440] =	vst v20;
	v20 =	vsub.f32 v23, v45;
	v45 =	vld [tilespmem:$0x1FE90];
	_ =	sdelay $0x1  }
0xb0: {  	v42 =	vadd.s32 $0x1, v41  }
0xb1: {  	[tilespmem:$0xD040] =	vst v40;
	v40 =	vsub.f32 v40, v43  }
0xb2: {  	[tilespmem:$0xD240] =	vst v23  }
0xb3: {  	[tilespmem:$0xD640] =	vst v40  }
0xb4: {  	[tilespmem:$0xD840] =	vst v20  }
0xb5: {  	v40 =	vld.idx.msk [tilespmem:v42+s3+$0x0], $0xffff  }
0xb6: {  	v42 =	vld.idx.msk [tilespmem:v45+s14+$0x0], $0xffff  }
0xb7: {  	v45 =	vld [tilespmem:$0x1FE80];
	_ =	sdelay $0x7  }
0xb8: {  	v43 =	vld.idx.msk [tilespmem:v45+s14+$0x0], $0xffff  }
0xb9: {  	v45 =	vld [tilespmem:$0x1FEA0];
	_ =	sdelay $0x1  }
0xba: {  	v23 =	vadd.s32 $0x2, v41;
	_ =	sdelay $0x2  }
0xbb: {  	v20 =	vld.idx.msk [tilespmem:v41+s3+$0x0], $0xffff  }
0xbc: {  	v41 =	vld [tilespmem:$0xCC60]  }
0xbd: {  	v23 =	vld.idx.msk [tilespmem:v23+s3+$0x0], $0xffff  }
0xbe: {  	v45 =	vld.idx.msk [tilespmem:v45+s14+$0x0], $0xffff;
	_ =	sdelay $0x2  }
0xbf: {  	[tilespmem:$0xCE50] =	vst v20;
	v20 =	vsub.f32 v20, v42;
	_ =	sdelay $0x1  }
0xc0: {  	v41 =	vmul.u32 $0x3, v41;
	[tilespmem:$0xD450] =	vst v20;
	v20 =	vsub.f32 v23, v45;
	v45 =	vld [tilespmem:$0x1FEC0];
	_ =	sdelay $0x1  }
0xc1: {  	v42 =	vadd.s32 $0x1, v41  }
0xc2: {  	[tilespmem:$0xD050] =	vst v40;
	v40 =	vsub.f32 v40, v43  }
0xc3: {  	[tilespmem:$0xD250] =	vst v23  }
0xc4: {  	[tilespmem:$0xD650] =	vst v40  }
0xc5: {  	[tilespmem:$0xD850] =	vst v20  }
0xc6: {  	v40 =	vld.idx.msk [tilespmem:v42+s3+$0x0], $0xffff  }
0xc7: {  	v42 =	vld.idx.msk [tilespmem:v45+s14+$0x0], $0xffff  }
0xc8: {  	v45 =	vld [tilespmem:$0x1FEB0];
	_ =	sdelay $0x7  }
0xc9: {  	v43 =	vld.idx.msk [tilespmem:v45+s14+$0x0], $0xffff  }
0xca: {  	v45 =	vld [tilespmem:$0x1FED0];
	_ =	sdelay $0x1  }
0xcb: {  	v23 =	vadd.s32 $0x2, v41;
	_ =	sdelay $0x2  }
0xcc: {  	v20 =	vld.idx.msk [tilespmem:v41+s3+$0x0], $0xffff  }
0xcd: {  	v41 =	vld [tilespmem:$0xCC70]  }
0xce: {  	v23 =	vld.idx.msk [tilespmem:v23+s3+$0x0], $0xffff  }
0xcf: {  	v45 =	vld.idx.msk [tilespmem:v45+s14+$0x0], $0xffff;
	_ =	sdelay $0x2  }
0xd0: {  	[tilespmem:$0xCE60] =	vst v20;
	v20 =	vsub.f32 v20, v42;
	_ =	sdelay $0x1  }
0xd1: {  	v41 =	vmul.u32 $0x3, v41;
	[tilespmem:$0xD460] =	vst v20;
	v20 =	vsub.f32 v23, v45;
	v45 =	vld [tilespmem:$0x1FEF0];
	_ =	sdelay $0x1  }
0xd2: {  	v42 =	vadd.s32 $0x1, v41  }
0xd3: {  	[tilespmem:$0xD060] =	vst v40;
	v40 =	vsub.f32 v40, v43  }
0xd4: {  	[tilespmem:$0xD260] =	vst v23  }
0xd5: {  	[tilespmem:$0xD660] =	vst v40  }
0xd6: {  	[tilespmem:$0xD860] =	vst v20  }
0xd7: {  	v40 =	vld.idx.msk [tilespmem:v42+s3+$0x0], $0xffff  }
0xd8: {  	v42 =	vld.idx.msk [tilespmem:v45+s14+$0x0], $0xffff  }
0xd9: {  	v45 =	vld [tilespmem:$0x1FEE0];
	_ =	sdelay $0x7  }
0xda: {  	v43 =	vld.idx.msk [tilespmem:v45+s14+$0x0], $0xffff  }
0xdb: {  	v45 =	vld [tilespmem:$0x1FF00];
	_ =	sdelay $0x1  }
0xdc: {  	v23 =	vadd.s32 $0x2, v41;
	_ =	sdelay $0x2  }
0xdd: {  	v20 =	vld.idx.msk [tilespmem:v41+s3+$0x0], $0xffff  }
0xde: {  	v41 =	vld [tilespmem:$0xCC80]  }
0xdf: {  	v23 =	vld.idx.msk [tilespmem:v23+s3+$0x0], $0xffff  }
0xe0: {  	v45 =	vld.idx.msk [tilespmem:v45+s14+$0x0], $0xffff;
	_ =	sdelay $0x2  }
0xe1: {  	[tilespmem:$0xCE70] =	vst v20;
	v20 =	vsub.f32 v20, v42;
	_ =	sdelay $0x1  }
0xe2: {  	v41 =	vmul.u32 $0x3, v41;
	[tilespmem:$0xD470] =	vst v20;
	v20 =	vsub.f32 v23, v45;
	v45 =	vld [tilespmem:$0x1FF20];
	_ =	sdelay $0x1  }
0xe3: {  	v42 =	vadd.s32 $0x1, v41  }
0xe4: {  	[tilespmem:$0xD070] =	vst v40;
	v40 =	vsub.f32 v40, v43  }
0xe5: {  	[tilespmem:$0xD270] =	vst v23  }
0xe6: {  	[tilespmem:$0xD670] =	vst v40  }
0xe7: {  	[tilespmem:$0xD870] =	vst v20  }
0xe8: {  	v40 =	vld.idx.msk [tilespmem:v42+s3+$0x0], $0xffff  }
0xe9: {  	v42 =	vld.idx.msk [tilespmem:v45+s14+$0x0], $0xffff  }
0xea: {  	v45 =	vld [tilespmem:$0x1FF10];
	_ =	sdelay $0x7  }
0xeb: {  	v43 =	vld.idx.msk [tilespmem:v45+s14+$0x0], $0xffff  }
0xec: {  	v45 =	vld [tilespmem:$0x1FF30];
	_ =	sdelay $0x1  }
0xed: {  	v23 =	vadd.s32 $0x2, v41;
	_ =	sdelay $0x3  }
0xee: {  	v20 =	vld.idx.msk [tilespmem:v41+s3+$0x0], $0xffff  }
0xef: {  	v23 =	vld.idx.msk [tilespmem:v23+s3+$0x0], $0xffff  }
0xf0: {  	v45 =	vld.idx.msk [tilespmem:v45+s14+$0x0], $0xffff;
	_ =	sdelay $0x2  }
0xf1: {  	[tilespmem:$0xCE80] =	vst v20;
	v20 =	vsub.f32 v20, v42;
	_ =	sdelay $0x1  }
0xf2: {  	[tilespmem:$0xD480] =	vst v20;
	v20 =	vsub.f32 v23, v45;
	v45 =	vld [tilespmem:$0x1FF40];
	_ =	sdelay $0x1  }
0xf3: {  	v41 =	vld [tilespmem:$0xCC90];
	_ =	sdelay $0x1  }
0xf4: {  	[tilespmem:$0xD080] =	vst v40;
	v40 =	vsub.f32 v40, v43  }
0xf5: {  	[tilespmem:$0xD280] =	vst v23  }
0xf6: {  	[tilespmem:$0xD680] =	vst v40  }
0xf7: {  	v41 =	vmul.u32 $0x3, v41;
	[tilespmem:$0xD880] =	vst v20  }
0xf8: {  	v43 =	vld.idx.msk [tilespmem:v45+s14+$0x0], $0xffff  }
0xf9: {  	v42 =	vadd.s32 $0x1, v41;
	v45 =	vld [tilespmem:$0x1FF50];
	_ =	sdelay $0x1  }
0xfa: {  	v23 =	vadd.s32 $0x2, v41;
	_ =	sdelay $0x1  }
0xfb: {  	v20 =	vld.idx.msk [tilespmem:v41+s3+$0x0], $0xffff  }
0xfc: {  	v40 =	vld.idx.msk [tilespmem:v42+s3+$0x0], $0xffff  }
0xfd: {  	v42 =	vld.idx.msk [tilespmem:v25+s14+$0x0], $0xffff  }
0xfe: {  	v23 =	vld.idx.msk [tilespmem:v23+s3+$0x0], $0xffff  }
0xff: {  	v45 =	vld.idx.msk [tilespmem:v45+s14+$0x0], $0xffff;
	_ =	sdelay $0x2  }
0x100: {  	[tilespmem:$0xCE90] =	vst v20;
	v20 =	vsub.f32 v20, v42;
	_ =	sdelay $0x1  }
0x101: {  	[tilespmem:$0xD490] =	vst v20;
	v20 =	vsub.f32 v23, v45;
	v45 =	vld [tilespmem:$0x1FF60];
	_ =	sdelay $0x1  }
0x102: {  	v41 =	vld [tilespmem:$0xCCA0];
	_ =	sdelay $0x1  }
0x103: {  	[tilespmem:$0xD090] =	vst v40;
	v40 =	vsub.f32 v40, v43  }
0x104: {  	[tilespmem:$0xD290] =	vst v23  }
0x105: {  	[tilespmem:$0xD690] =	vst v40  }
0x106: {  	v41 =	vmul.u32 $0x3, v41;
	[tilespmem:$0xD890] =	vst v20  }
0x107: {  	v43 =	vld.idx.msk [tilespmem:v45+s14+$0x0], $0xffff  }
0x108: {  	v42 =	vadd.s32 $0x1, v41;
	v45 =	vld [tilespmem:$0x1FF70];
	_ =	sdelay $0x1  }
0x109: {  	v23 =	vadd.s32 $0x2, v41;
	_ =	sdelay $0x1  }
0x10a: {  	v20 =	vld.idx.msk [tilespmem:v41+s3+$0x0], $0xffff  }
0x10b: {  	v40 =	vld.idx.msk [tilespmem:v42+s3+$0x0], $0xffff  }
0x10c: {  	v42 =	vld.idx.msk [tilespmem:v27+s14+$0x0], $0xffff  }
0x10d: {  	v23 =	vld.idx.msk [tilespmem:v23+s3+$0x0], $0xffff  }
0x10e: {  	v45 =	vld.idx.msk [tilespmem:v45+s14+$0x0], $0xffff;
	_ =	sdelay $0x2  }
0x10f: {  	[tilespmem:$0xCEA0] =	vst v20;
	v20 =	vsub.f32 v20, v42;
	_ =	sdelay $0x1  }
0x110: {  	[tilespmem:$0xD4A0] =	vst v20;
	v20 =	vsub.f32 v23, v45;
	v45 =	vld [tilespmem:$0x1FF80];
	_ =	sdelay $0x1  }
0x111: {  	v41 =	vld [tilespmem:$0xCCB0];
	_ =	sdelay $0x1  }
0x112: {  	[tilespmem:$0xD0A0] =	vst v40;
	v40 =	vsub.f32 v40, v43  }
0x113: {  	[tilespmem:$0xD2A0] =	vst v23  }
0x114: {  	[tilespmem:$0xD6A0] =	vst v40  }
0x115: {  	v41 =	vmul.u32 $0x3, v41;
	[tilespmem:$0xD8A0] =	vst v20  }
0x116: {  	v43 =	vld.idx.msk [tilespmem:v45+s14+$0x0], $0xffff  }
0x117: {  	v42 =	vadd.s32 $0x1, v41;
	v45 =	vld [tilespmem:$0x1FF90];
	_ =	sdelay $0x1  }
0x118: {  	v23 =	vadd.s32 $0x2, v41;
	_ =	sdelay $0x1  }
0x119: {  	v20 =	vld.idx.msk [tilespmem:v41+s3+$0x0], $0xffff  }
0x11a: {  	v40 =	vld.idx.msk [tilespmem:v42+s3+$0x0], $0xffff  }
0x11b: {  	v42 =	vld.idx.msk [tilespmem:v32+s14+$0x0], $0xffff  }
0x11c: {  	v23 =	vld.idx.msk [tilespmem:v23+s3+$0x0], $0xffff  }
0x11d: {  	v45 =	vld.idx.msk [tilespmem:v45+s14+$0x0], $0xffff;
	_ =	sdelay $0x2  }
0x11e: {  	[tilespmem:$0xCEB0] =	vst v20;
	v20 =	vsub.f32 v20, v42;
	_ =	sdelay $0x1  }
0x11f: {  	[tilespmem:$0xD4B0] =	vst v20;
	v20 =	vsub.f32 v23, v45;
	v45 =	vld [tilespmem:$0x1FFA0];
	_ =	sdelay $0x1  }
0x120: {  	v41 =	vld [tilespmem:$0xCCC0];
	_ =	sdelay $0x1  }
0x121: {  	[tilespmem:$0xD0B0] =	vst v40;
	v40 =	vsub.f32 v40, v43  }
0x122: {  	[tilespmem:$0xD2B0] =	vst v23  }
0x123: {  	[tilespmem:$0xD6B0] =	vst v40  }
0x124: {  	v41 =	vmul.u32 $0x3, v41;
	[tilespmem:$0xD8B0] =	vst v20  }
0x125: {  	v43 =	vld.idx.msk [tilespmem:v45+s14+$0x0], $0xffff  }
0x126: {  	v42 =	vadd.s32 $0x1, v41;
	v45 =	vld [tilespmem:$0x1FFB0];
	_ =	sdelay $0x1  }
0x127: {  	v23 =	vadd.s32 $0x2, v41;
	_ =	sdelay $0x1  }
0x128: {  	v20 =	vld.idx.msk [tilespmem:v41+s3+$0x0], $0xffff  }
0x129: {  	v40 =	vld.idx.msk [tilespmem:v42+s3+$0x0], $0xffff  }
0x12a: {  	v42 =	vld.idx.msk [tilespmem:v35+s14+$0x0], $0xffff  }
0x12b: {  	v23 =	vld.idx.msk [tilespmem:v23+s3+$0x0], $0xffff  }
0x12c: {  	v45 =	vld.idx.msk [tilespmem:v45+s14+$0x0], $0xffff;
	_ =	sdelay $0x2  }
0x12d: {  	[tilespmem:$0xCEC0] =	vst v20;
	v20 =	vsub.f32 v20, v42;
	_ =	sdelay $0x1  }
0x12e: {  	[tilespmem:$0xD4C0] =	vst v20;
	v20 =	vsub.f32 v23, v45;
	v45 =	vld [tilespmem:$0x1FFC0];
	_ =	sdelay $0x1  }
0x12f: {  	v41 =	vld [tilespmem:$0xCCD0];
	_ =	sdelay $0x1  }
0x130: {  	[tilespmem:$0xD0C0] =	vst v40;
	v40 =	vsub.f32 v40, v43  }
0x131: {  	[tilespmem:$0xD2C0] =	vst v23  }
0x132: {  	[tilespmem:$0xD6C0] =	vst v40  }
0x133: {  	v41 =	vmul.u32 $0x3, v41;
	[tilespmem:$0xD8C0] =	vst v20  }
0x134: {  	v43 =	vld.idx.msk [tilespmem:v45+s14+$0x0], $0xffff  }
0x135: {  	v42 =	vadd.s32 $0x1, v41;
	v45 =	vld [tilespmem:$0x1FFD0];
	_ =	sdelay $0x1  }
0x136: {  	v23 =	vadd.s32 $0x2, v41;
	_ =	sdelay $0x1  }
0x137: {  	v20 =	vld.idx.msk [tilespmem:v41+s3+$0x0], $0xffff  }
0x138: {  	v40 =	vld.idx.msk [tilespmem:v42+s3+$0x0], $0xffff  }
0x139: {  	v42 =	vld.idx.msk [tilespmem:v37+s14+$0x0], $0xffff  }
0x13a: {  	v23 =	vld.idx.msk [tilespmem:v23+s3+$0x0], $0xffff  }
0x13b: {  	v45 =	vld.idx.msk [tilespmem:v45+s14+$0x0], $0xffff;
	_ =	sdelay $0x2  }
0x13c: {  	[tilespmem:$0xCED0] =	vst v20;
	v20 =	vsub.f32 v20, v42;
	_ =	sdelay $0x1  }
0x13d: {  	[tilespmem:$0xD4D0] =	vst v20;
	v20 =	vsub.f32 v23, v45;
	v45 =	vld [tilespmem:$0x1FFE0]  }
0x13e: {  	v41 =	vld [tilespmem:$0xCCE0];
	_ =	sdelay $0x2  }
0x13f: {  	[tilespmem:$0xD0D0] =	vst v40;
	v40 =	vsub.f32 v40, v43  }
0x140: {  	[tilespmem:$0xD2D0] =	vst v23  }
0x141: {  	v41 =	vmul.u32 $0x3, v41;
	[tilespmem:$0xD6D0] =	vst v40  }
0x142: {  	[tilespmem:$0xD8D0] =	vst v20  }
0x143: {  	v42 =	vadd.s32 $0x1, v41;
	v43 =	vld.idx.msk [tilespmem:v45+s14+$0x0], $0xffff  }
0x144: {  	v45 =	vld [tilespmem:$0x1FFF0];
	_ =	sdelay $0x1  }
0x145: {  	v23 =	vadd.s32 $0x2, v41  }
0x146: {  	v20 =	vld.idx.msk [tilespmem:v41+s3+$0x0], $0xffff  }
0x147: {  	v40 =	vld.idx.msk [tilespmem:v42+s3+$0x0], $0xffff  }
0x148: {  	v41 =	vld [tilespmem:$0xCCF0]  }
0x149: {  	v42 =	vld.idx.msk [tilespmem:v39+s14+$0x0], $0xffff  }
0x14a: {  	v23 =	vld.idx.msk [tilespmem:v23+s3+$0x0], $0xffff  }
0x14b: {  	v45 =	vld.idx.msk [tilespmem:v45+s14+$0x0], $0xffff;
	_ =	sdelay $0x1  }
0x14c: {  	v41 =	vmul.u32 $0x3, v41;
	[tilespmem:$0xCEE0] =	vst v20  }
0x14d: {  	[tilespmem:$0xD0E0] =	vst v40;
	v20 =	vsub.f32 v20, v42  }
0x14e: {  	[tilespmem:$0xD2E0] =	vst v23;
	v40 =	vsub.f32 v40, v43;
	v42 =	vadd.s32 $0x1, v41  }
0x14f: {  	[tilespmem:$0xD4E0] =	vst v20;
	v20 =	vsub.f32 v23, v45  }
0x150: {  	[tilespmem:$0xD6E0] =	vst v40  }
0x151: {  	[tilespmem:$0xD8E0] =	vst v20  }
0x152: {  	v23 =	vadd.s32 $0x2, v41;
	v20 =	vld.idx.msk [tilespmem:v41+s3+$0x0], $0xffff  }
0x153: {  	v40 =	vld.idx.msk [tilespmem:v42+s3+$0x0], $0xffff  }
0x154: {  	v41 =	vld [tilespmem:$0xCD00]  }
0x155: {  	v42 =	vld.idx.msk [tilespmem:v44+s14+$0x0], $0xffff  }
0x156: {  	v43 =	vld.idx.msk [tilespmem:v46+s14+$0x0], $0xffff  }
0x157: {  	v23 =	vld.idx.msk [tilespmem:v23+s3+$0x0], $0xffff  }
0x158: {  	v45 =	vld.idx.msk [tilespmem:v60+s14+$0x0], $0xffff;
	_ =	sdelay $0x1  }
0x159: {  	[tilespmem:$0xCEF0] =	vst v20  }
0x15a: {  	v41 =	vmul.u32 $0x3, v41;
	[tilespmem:$0xD0F0] =	vst v40;
	v20 =	vsub.f32 v20, v42  }
0x15b: {  	v40 =	vsub.f32 v40, v43;
	[tilespmem:$0xD2F0] =	vst v23  }
0x15c: {  	[tilespmem:$0xD4F0] =	vst v20;
	v20 =	vsub.f32 v23, v45  }
0x15d: {  	v42 =	vadd.s32 $0x1, v41;
	[tilespmem:$0xD6F0] =	vst v40  }
0x15e: {  	[tilespmem:$0xD8F0] =	vst v20  }
0x15f: {  	v23 =	vadd.s32 $0x2, v41;
	v43 =	vld.idx.msk [tilespmem:v2+s14+$0x0], $0xffff  }
0x160: {  	v20 =	vld.idx.msk [tilespmem:v41+s3+$0x0], $0xffff  }
0x161: {  	v41 =	vld [tilespmem:$0xCD10]  }
0x162: {  	v40 =	vld.idx.msk [tilespmem:v42+s3+$0x0], $0xffff  }
0x163: {  	v42 =	vld.idx.msk [tilespmem:v47+s14+$0x0], $0xffff  }
0x164: {  	v23 =	vld.idx.msk [tilespmem:v23+s3+$0x0], $0xffff  }
0x165: {  	v45 =	vld.idx.msk [tilespmem:v4+s14+$0x0], $0xffff;
	_ =	sdelay $0x1  }
0x166: {  	[tilespmem:$0xCF00] =	vst v20;
	v41 =	vmul.u32 $0x3, v41  }
0x167: {  	[tilespmem:$0xD100] =	vst v40;
	v20 =	vsub.f32 v20, v42  }
0x168: {  	[tilespmem:$0xD300] =	vst v23;
	v40 =	vsub.f32 v40, v43  }
0x169: {  	[tilespmem:$0xD500] =	vst v20;
	v20 =	vsub.f32 v23, v45  }
0x16a: {  	v42 =	vadd.s32 $0x1, v41;
	[tilespmem:$0xD700] =	vst v40  }
0x16b: {  	[tilespmem:$0xD900] =	vst v20  }
0x16c: {  	v23 =	vadd.s32 $0x2, v41;
	v20 =	vld.idx.msk [tilespmem:v41+s3+$0x0], $0xffff  }
0x16d: {  	v41 =	vld [tilespmem:$0xCD20]  }
0x16e: {  	v43 =	vld.idx.msk [tilespmem:v5+s14+$0x0], $0xffff  }
0x16f: {  	v40 =	vld.idx.msk [tilespmem:v42+s3+$0x0], $0xffff  }
0x170: {  	v42 =	vld.idx.msk [tilespmem:v48+s14+$0x0], $0xffff  }
0x171: {  	v23 =	vld.idx.msk [tilespmem:v23+s3+$0x0], $0xffff  }
0x172: {  	v45 =	vld.idx.msk [tilespmem:v6+s14+$0x0], $0xffff;
	_ =	sdelay $0x1  }
0x173: {  	[tilespmem:$0xCF10] =	vst v20;
	v41 =	vmul.u32 $0x3, v41  }
0x174: {  	[tilespmem:$0xD110] =	vst v40;
	v20 =	vsub.f32 v20, v42  }
0x175: {  	v40 =	vsub.f32 v40, v43;
	[tilespmem:$0xD310] =	vst v23  }
0x176: {  	[tilespmem:$0xD510] =	vst v20;
	v20 =	vsub.f32 v23, v45  }
0x177: {  	v42 =	vadd.s32 $0x1, v41;
	[tilespmem:$0xD710] =	vst v40  }
0x178: {  	[tilespmem:$0xD910] =	vst v20  }
0x179: {  	v23 =	vadd.s32 $0x2, v41;
	v20 =	vld.idx.msk [tilespmem:v41+s3+$0x0], $0xffff  }
0x17a: {  	v41 =	vld [tilespmem:$0xCD30]  }
0x17b: {  	v43 =	vld.idx.msk [tilespmem:v7+s14+$0x0], $0xffff  }
0x17c: {  	v40 =	vld.idx.msk [tilespmem:v42+s3+$0x0], $0xffff  }
0x17d: {  	v42 =	vld.idx.msk [tilespmem:v49+s14+$0x0], $0xffff  }
0x17e: {  	v23 =	vld.idx.msk [tilespmem:v23+s3+$0x0], $0xffff  }
0x17f: {  	v45 =	vld.idx.msk [tilespmem:v9+s14+$0x0], $0xffff;
	_ =	sdelay $0x1  }
0x180: {  	[tilespmem:$0xCF20] =	vst v20;
	v41 =	vmul.u32 $0x3, v41  }
0x181: {  	[tilespmem:$0xD120] =	vst v40;
	v20 =	vsub.f32 v20, v42  }
0x182: {  	v40 =	vsub.f32 v40, v43;
	[tilespmem:$0xD320] =	vst v23  }
0x183: {  	[tilespmem:$0xD520] =	vst v20;
	v20 =	vsub.f32 v23, v45  }
0x184: {  	v42 =	vadd.s32 $0x1, v41;
	[tilespmem:$0xD720] =	vst v40  }
0x185: {  	[tilespmem:$0xD920] =	vst v20  }
0x186: {  	v23 =	vadd.s32 $0x2, v41;
	v20 =	vld.idx.msk [tilespmem:v41+s3+$0x0], $0xffff  }
0x187: {  	v41 =	vld [tilespmem:$0xCD40]  }
0x188: {  	v43 =	vld.idx.msk [tilespmem:v10+s14+$0x0], $0xffff  }
0x189: {  	v40 =	vld.idx.msk [tilespmem:v42+s3+$0x0], $0xffff  }
0x18a: {  	v42 =	vld.idx.msk [tilespmem:v50+s14+$0x0], $0xffff  }
0x18b: {  	v23 =	vld.idx.msk [tilespmem:v23+s3+$0x0], $0xffff  }
0x18c: {  	v45 =	vld.idx.msk [tilespmem:v12+s14+$0x0], $0xffff;
	_ =	sdelay $0x1  }
0x18d: {  	[tilespmem:$0xCF30] =	vst v20;
	v41 =	vmul.u32 $0x3, v41  }
0x18e: {  	[tilespmem:$0xD130] =	vst v40;
	v20 =	vsub.f32 v20, v42  }
0x18f: {  	v40 =	vsub.f32 v40, v43;
	[tilespmem:$0xD330] =	vst v23  }
0x190: {  	[tilespmem:$0xD530] =	vst v20;
	v20 =	vsub.f32 v23, v45  }
0x191: {  	v42 =	vadd.s32 $0x1, v41;
	[tilespmem:$0xD730] =	vst v40  }
0x192: {  	[tilespmem:$0xD930] =	vst v20  }
0x193: {  	v23 =	vadd.s32 $0x2, v41;
	v20 =	vld.idx.msk [tilespmem:v41+s3+$0x0], $0xffff  }
0x194: {  	v41 =	vld [tilespmem:$0xCD50]  }
0x195: {  	v43 =	vld.idx.msk [tilespmem:v14+s14+$0x0], $0xffff  }
0x196: {  	v40 =	vld.idx.msk [tilespmem:v42+s3+$0x0], $0xffff  }
0x197: {  	v42 =	vld.idx.msk [tilespmem:v51+s14+$0x0], $0xffff  }
0x198: {  	v23 =	vld.idx.msk [tilespmem:v23+s3+$0x0], $0xffff  }
0x199: {  	v45 =	vld.idx.msk [tilespmem:v16+s14+$0x0], $0xffff;
	_ =	sdelay $0x1  }
0x19a: {  	[tilespmem:$0xCF40] =	vst v20;
	v41 =	vmul.u32 $0x3, v41  }
0x19b: {  	[tilespmem:$0xD140] =	vst v40;
	v20 =	vsub.f32 v20, v42  }
0x19c: {  	v40 =	vsub.f32 v40, v43;
	[tilespmem:$0xD340] =	vst v23  }
0x19d: {  	[tilespmem:$0xD540] =	vst v20;
	v20 =	vsub.f32 v23, v45  }
0x19e: {  	v42 =	vadd.s32 $0x1, v41;
	[tilespmem:$0xD740] =	vst v40  }
0x19f: {  	[tilespmem:$0xD940] =	vst v20  }
0x1a0: {  	v23 =	vadd.s32 $0x2, v41;
	v20 =	vld.idx.msk [tilespmem:v41+s3+$0x0], $0xffff  }
0x1a1: {  	v41 =	vld [tilespmem:$0xCD60]  }
0x1a2: {  	v43 =	vld.idx.msk [tilespmem:v17+s14+$0x0], $0xffff  }
0x1a3: {  	v40 =	vld.idx.msk [tilespmem:v42+s3+$0x0], $0xffff  }
0x1a4: {  	v42 =	vld.idx.msk [tilespmem:v52+s14+$0x0], $0xffff  }
0x1a5: {  	v23 =	vld.idx.msk [tilespmem:v23+s3+$0x0], $0xffff  }
0x1a6: {  	v45 =	vld.idx.msk [tilespmem:v18+s14+$0x0], $0xffff;
	_ =	sdelay $0x1  }
0x1a7: {  	[tilespmem:$0xCF50] =	vst v20;
	v41 =	vmul.u32 $0x3, v41  }
0x1a8: {  	[tilespmem:$0xD150] =	vst v40;
	v20 =	vsub.f32 v20, v42  }
0x1a9: {  	v40 =	vsub.f32 v40, v43;
	[tilespmem:$0xD350] =	vst v23  }
0x1aa: {  	[tilespmem:$0xD550] =	vst v20;
	v20 =	vsub.f32 v23, v45  }
0x1ab: {  	v42 =	vadd.s32 $0x1, v41;
	[tilespmem:$0xD750] =	vst v40  }
0x1ac: {  	[tilespmem:$0xD950] =	vst v20  }
0x1ad: {  	v23 =	vadd.s32 $0x2, v41;
	v20 =	vld.idx.msk [tilespmem:v41+s3+$0x0], $0xffff  }
0x1ae: {  	v41 =	vld [tilespmem:$0xCD70]  }
0x1af: {  	v43 =	vld.idx.msk [tilespmem:v19+s14+$0x0], $0xffff  }
0x1b0: {  	v40 =	vld.idx.msk [tilespmem:v42+s3+$0x0], $0xffff  }
0x1b1: {  	v42 =	vld.idx.msk [tilespmem:v53+s14+$0x0], $0xffff  }
0x1b2: {  	v23 =	vld.idx.msk [tilespmem:v23+s3+$0x0], $0xffff  }
0x1b3: {  	v45 =	vld.idx.msk [tilespmem:v21+s14+$0x0], $0xffff;
	_ =	sdelay $0x1  }
0x1b4: {  	[tilespmem:$0xCF60] =	vst v20;
	v41 =	vmul.u32 $0x3, v41  }
0x1b5: {  	[tilespmem:$0xD160] =	vst v40;
	v20 =	vsub.f32 v20, v42  }
0x1b6: {  	v40 =	vsub.f32 v40, v43;
	[tilespmem:$0xD360] =	vst v23  }
0x1b7: {  	[tilespmem:$0xD560] =	vst v20;
	v20 =	vsub.f32 v23, v45  }
0x1b8: {  	v42 =	vadd.s32 $0x1, v41;
	[tilespmem:$0xD760] =	vst v40  }
0x1b9: {  	[tilespmem:$0xD960] =	vst v20  }
0x1ba: {  	v23 =	vadd.s32 $0x2, v41;
	v20 =	vld.idx.msk [tilespmem:v41+s3+$0x0], $0xffff  }
0x1bb: {  	v41 =	vld [tilespmem:$0xCD80]  }
0x1bc: {  	v43 =	vld.idx.msk [tilespmem:v0+s14+$0x0], $0xffff  }
0x1bd: {  	v40 =	vld.idx.msk [tilespmem:v42+s3+$0x0], $0xffff  }
0x1be: {  	v42 =	vld.idx.msk [tilespmem:v54+s14+$0x0], $0xffff  }
0x1bf: {  	v23 =	vld.idx.msk [tilespmem:v23+s3+$0x0], $0xffff  }
0x1c0: {  	v45 =	vld.idx.msk [tilespmem:v22+s14+$0x0], $0xffff;
	_ =	sdelay $0x1  }
0x1c1: {  	[tilespmem:$0xCF70] =	vst v20;
	v41 =	vmul.u32 $0x3, v41  }
0x1c2: {  	[tilespmem:$0xD170] =	vst v40;
	v20 =	vsub.f32 v20, v42  }
0x1c3: {  	v40 =	vsub.f32 v40, v43;
	[tilespmem:$0xD370] =	vst v23  }
0x1c4: {  	[tilespmem:$0xD570] =	vst v20;
	v20 =	vsub.f32 v23, v45  }
0x1c5: {  	v42 =	vadd.s32 $0x1, v41;
	[tilespmem:$0xD770] =	vst v40  }
0x1c6: {  	[tilespmem:$0xD970] =	vst v20  }
0x1c7: {  	v23 =	vadd.s32 $0x2, v41;
	v20 =	vld.idx.msk [tilespmem:v41+s3+$0x0], $0xffff  }
0x1c8: {  	v41 =	vld [tilespmem:$0xCD90]  }
0x1c9: {  	v43 =	vld.idx.msk [tilespmem:v1+s14+$0x0], $0xffff  }
0x1ca: {  	v40 =	vld.idx.msk [tilespmem:v42+s3+$0x0], $0xffff  }
0x1cb: {  	v42 =	vld.idx.msk [tilespmem:v55+s14+$0x0], $0xffff  }
0x1cc: {  	v23 =	vld.idx.msk [tilespmem:v23+s3+$0x0], $0xffff  }
0x1cd: {  	v45 =	vld.idx.msk [tilespmem:v24+s14+$0x0], $0xffff;
	_ =	sdelay $0x1  }
0x1ce: {  	[tilespmem:$0xCF80] =	vst v20;
	v41 =	vmul.u32 $0x3, v41  }
0x1cf: {  	[tilespmem:$0xD180] =	vst v40;
	v20 =	vsub.f32 v20, v42  }
0x1d0: {  	v40 =	vsub.f32 v40, v43;
	[tilespmem:$0xD380] =	vst v23  }
0x1d1: {  	[tilespmem:$0xD580] =	vst v20;
	v20 =	vsub.f32 v23, v45  }
0x1d2: {  	v42 =	vadd.s32 $0x1, v41;
	[tilespmem:$0xD780] =	vst v40  }
0x1d3: {  	[tilespmem:$0xD980] =	vst v20  }
0x1d4: {  	v23 =	vadd.s32 $0x2, v41;
	v20 =	vld.idx.msk [tilespmem:v41+s3+$0x0], $0xffff  }
0x1d5: {  	v41 =	vld [tilespmem:$0xCDA0]  }
0x1d6: {  	v43 =	vld.idx.msk [tilespmem:v3+s14+$0x0], $0xffff  }
0x1d7: {  	v40 =	vld.idx.msk [tilespmem:v42+s3+$0x0], $0xffff  }
0x1d8: {  	v42 =	vld.idx.msk [tilespmem:v56+s14+$0x0], $0xffff  }
0x1d9: {  	v23 =	vld.idx.msk [tilespmem:v23+s3+$0x0], $0xffff  }
0x1da: {  	v45 =	vld.idx.msk [tilespmem:v26+s14+$0x0], $0xffff;
	_ =	sdelay $0x1  }
0x1db: {  	[tilespmem:$0xCF90] =	vst v20;
	v41 =	vmul.u32 $0x3, v41  }
0x1dc: {  	[tilespmem:$0xD190] =	vst v40;
	v20 =	vsub.f32 v20, v42  }
0x1dd: {  	v40 =	vsub.f32 v40, v43;
	[tilespmem:$0xD390] =	vst v23  }
0x1de: {  	[tilespmem:$0xD590] =	vst v20;
	v20 =	vsub.f32 v23, v45  }
0x1df: {  	v42 =	vadd.s32 $0x1, v41;
	[tilespmem:$0xD790] =	vst v40  }
0x1e0: {  	[tilespmem:$0xD990] =	vst v20  }
0x1e1: {  	v23 =	vadd.s32 $0x2, v41;
	v20 =	vld.idx.msk [tilespmem:v41+s3+$0x0], $0xffff  }
0x1e2: {  	v41 =	vld [tilespmem:$0xCDB0]  }
0x1e3: {  	v43 =	vld.idx.msk [tilespmem:v28+s14+$0x0], $0xffff  }
0x1e4: {  	v40 =	vld.idx.msk [tilespmem:v42+s3+$0x0], $0xffff  }
0x1e5: {  	v42 =	vld.idx.msk [tilespmem:v57+s14+$0x0], $0xffff  }
0x1e6: {  	v23 =	vld.idx.msk [tilespmem:v23+s3+$0x0], $0xffff  }
0x1e7: {  	v45 =	vld.idx.msk [tilespmem:v29+s14+$0x0], $0xffff;
	_ =	sdelay $0x1  }
0x1e8: {  	[tilespmem:$0xCFA0] =	vst v20;
	v41 =	vmul.u32 $0x3, v41  }
0x1e9: {  	[tilespmem:$0xD1A0] =	vst v40;
	v20 =	vsub.f32 v20, v42  }
0x1ea: {  	v40 =	vsub.f32 v40, v43;
	[tilespmem:$0xD3A0] =	vst v23  }
0x1eb: {  	[tilespmem:$0xD5A0] =	vst v20;
	v20 =	vsub.f32 v23, v45  }
0x1ec: {  	v42 =	vadd.s32 $0x1, v41;
	[tilespmem:$0xD7A0] =	vst v40  }
0x1ed: {  	[tilespmem:$0xD9A0] =	vst v20  }
0x1ee: {  	v23 =	vadd.s32 $0x2, v41;
	v20 =	vld.idx.msk [tilespmem:v41+s3+$0x0], $0xffff  }
0x1ef: {  	v41 =	vld [tilespmem:$0xCDC0]  }
0x1f0: {  	v43 =	vld.idx.msk [tilespmem:v8+s14+$0x0], $0xffff  }
0x1f1: {  	v40 =	vld.idx.msk [tilespmem:v42+s3+$0x0], $0xffff  }
0x1f2: {  	v42 =	vld.idx.msk [tilespmem:v58+s14+$0x0], $0xffff  }
0x1f3: {  	v23 =	vld.idx.msk [tilespmem:v23+s3+$0x0], $0xffff  }
0x1f4: {  	v45 =	vld.idx.msk [tilespmem:v30+s14+$0x0], $0xffff;
	_ =	sdelay $0x1  }
0x1f5: {  	[tilespmem:$0xCFB0] =	vst v20;
	v41 =	vmul.u32 $0x3, v41  }
0x1f6: {  	[tilespmem:$0xD1B0] =	vst v40;
	v20 =	vsub.f32 v20, v42  }
0x1f7: {  	v40 =	vsub.f32 v40, v43;
	[tilespmem:$0xD3B0] =	vst v23  }
0x1f8: {  	[tilespmem:$0xD5B0] =	vst v20;
	v20 =	vsub.f32 v23, v45  }
0x1f9: {  	v42 =	vadd.s32 $0x1, v41;
	[tilespmem:$0xD7B0] =	vst v40  }
0x1fa: {  	[tilespmem:$0xD9B0] =	vst v20  }
0x1fb: {  	v23 =	vadd.s32 $0x2, v41;
	v20 =	vld.idx.msk [tilespmem:v41+s3+$0x0], $0xffff  }
0x1fc: {  	v41 =	vld [tilespmem:$0xCDD0]  }
0x1fd: {  	v43 =	vld.idx.msk [tilespmem:v31+s14+$0x0], $0xffff  }
0x1fe: {  	v40 =	vld.idx.msk [tilespmem:v42+s3+$0x0], $0xffff  }
0x1ff: {  	v42 =	vld.idx.msk [tilespmem:v59+s14+$0x0], $0xffff  }
0x200: {  	v23 =	vld.idx.msk [tilespmem:v23+s3+$0x0], $0xffff  }
0x201: {  	v45 =	vld.idx.msk [tilespmem:v11+s14+$0x0], $0xffff;
	_ =	sdelay $0x1  }
0x202: {  	[tilespmem:$0xCFC0] =	vst v20;
	v41 =	vmul.u32 $0x3, v41  }
0x203: {  	[tilespmem:$0xD1C0] =	vst v40;
	v20 =	vsub.f32 v20, v42  }
0x204: {  	v40 =	vsub.f32 v40, v43;
	[tilespmem:$0xD3C0] =	vst v23  }
0x205: {  	[tilespmem:$0xD5C0] =	vst v20;
	v20 =	vsub.f32 v23, v45  }
0x206: {  	v42 =	vadd.s32 $0x1, v41;
	[tilespmem:$0xD7C0] =	vst v40  }
0x207: {  	[tilespmem:$0xD9C0] =	vst v20  }
0x208: {  	v23 =	vadd.s32 $0x2, v41;
	v20 =	vld.idx.msk [tilespmem:v41+s3+$0x0], $0xffff  }
0x209: {  	v41 =	vld [tilespmem:$0xCDE0]  }
0x20a: {  	v43 =	vld.idx.msk [tilespmem:v33+s14+$0x0], $0xffff  }
0x20b: {  	v40 =	vld.idx.msk [tilespmem:v42+s3+$0x0], $0xffff  }
0x20c: {  	v42 =	vld.idx.msk [tilespmem:v61+s14+$0x0], $0xffff  }
0x20d: {  	v23 =	vld.idx.msk [tilespmem:v23+s3+$0x0], $0xffff  }
0x20e: {  	v45 =	vld.idx.msk [tilespmem:v13+s14+$0x0], $0xffff;
	_ =	sdelay $0x1  }
0x20f: {  	[tilespmem:$0xCFD0] =	vst v20;
	v41 =	vmul.u32 $0x3, v41  }
0x210: {  	[tilespmem:$0xD1D0] =	vst v40;
	v20 =	vsub.f32 v20, v42  }
0x211: {  	v40 =	vsub.f32 v40, v43;
	[tilespmem:$0xD3D0] =	vst v23  }
0x212: {  	[tilespmem:$0xD5D0] =	vst v20;
	v20 =	vsub.f32 v23, v45  }
0x213: {  	v42 =	vadd.s32 $0x1, v41;
	[tilespmem:$0xD7D0] =	vst v40  }
0x214: {  	[tilespmem:$0xD9D0] =	vst v20  }
0x215: {  	v23 =	vadd.s32 $0x2, v41;
	v20 =	vld.idx.msk [tilespmem:v41+s3+$0x0], $0xffff  }
0x216: {  	v41 =	vld [tilespmem:$0xCDF0]  }
0x217: {  	v43 =	vld.idx.msk [tilespmem:v34+s14+$0x0], $0xffff  }
0x218: {  	v40 =	vld.idx.msk [tilespmem:v42+s3+$0x0], $0xffff  }
0x219: {  	v42 =	vld.idx.msk [tilespmem:v62+s14+$0x0], $0xffff  }
0x21a: {  	v23 =	vld.idx.msk [tilespmem:v23+s3+$0x0], $0xffff  }
0x21b: {  	v45 =	vld.idx.msk [tilespmem:v15+s14+$0x0], $0xffff;
	_ =	sdelay $0x1  }
0x21c: {  	[tilespmem:$0xCFE0] =	vst v20;
	v41 =	vmul.u32 $0x3, v41  }
0x21d: {  	v20 =	vsub.f32 v20, v42;
	[tilespmem:$0xD1E0] =	vst v40  }
0x21e: {  	v40 =	vsub.f32 v40, v43;
	[tilespmem:$0xD3E0] =	vst v23  }
0x21f: {  	[tilespmem:$0xD5E0] =	vst v20;
	v20 =	vsub.f32 v23, v45  }
0x220: {  	v23 =	vadd.s32 $0x1, v41;
	[tilespmem:$0xD7E0] =	vst v40  }
0x221: {  	v45 =	vadd.s32 $0x2, v41;
	[tilespmem:$0xD9E0] =	vst v20  }
0x222: {  	v20 =	vld.idx.msk [tilespmem:v41+s3+$0x0], $0xffff  }
0x223: {  	v41 =	vld.idx.msk [tilespmem:v63+s14+$0x0], $0xffff  }
0x224: {  	v42 =	vld.idx.msk [tilespmem:v36+s14+$0x0], $0xffff  }
0x225: {  	v23 =	vld.idx.msk [tilespmem:v23+s3+$0x0], $0xffff  }
0x226: {  	v40 =	vld.idx.msk [tilespmem:v45+s3+$0x0], $0xffff  }
0x227: {  	v45 =	vld.idx.msk [tilespmem:v38+s14+$0x0], $0xffff  }
0x228: {  	v41 =	vsub.f32 v20, v41  }
0x229: {  	[tilespmem:$0xCFF0] =	vst v20  }
0x22a: {  	[tilespmem:$0xD5F0] =	vst v41  }
0x22b: {  	[tilespmem:$0xD1F0] =	vst v23;
	v20 =	vsub.f32 v23, v42  }
0x22c: {  	[tilespmem:$0xD3F0] =	vst v40;
	v23 =	vsub.f32 v40, v45  }
0x22d: {  	[tilespmem:$0xD7F0] =	vst v20  }
0x22e: {  	[tilespmem:$0xD9F0] =	vst v23  }
0x22f: {  	[hbm4b:s6+s3] =	stream.linear.scatter [tilespmem:s16], [sflag:$0x1], $0x200, $0x38;
	[tilespmem:$0xDA00] =	vst v63  }
0x230: {  	_ =	swait.ge [sflag:s13], $0x200  }
0x231: {  	[sflag:s13] =	ssyncset.done $0x0  }
0x232: {  	[sflag:s13] =	ssyncadd.s32 $0xFFFFFE00  }
0x233: {  	[hbm4b:s7+s3] =	stream.linear.scatter [tilespmem:s17], [sflag:$0x1], $0x200, $0x38;
	[tilespmem:$0xDA00] =	vst v63  }
0x234: {  	_ =	swait.ge [sflag:s13], $0x200  }
0x235: {  	[sflag:s13] =	ssyncset.done $0x0  }
0x236: {  	[sflag:s13] =	ssyncadd.s32 $0xFFFFFE00  }
0x237: {  	[hbm4b:s8+s3] =	stream.linear.scatter [tilespmem:s18], [sflag:$0x1], $0x200, $0x38;
	[tilespmem:$0xDA00] =	vst v63  }
0x238: {  	_ =	swait.ge [sflag:s13], $0x200  }
0x239: {  	[sflag:s13] =	ssyncset.done $0x0  }
0x23a: {  	[sflag:s13] =	ssyncadd.s32 $0xFFFFFE00  }
0x23b: {  	[hbm4b:s9+s3] =	stream.linear.scatter [tilespmem:s19], [sflag:$0x1], $0x200, $0x38;
	[tilespmem:$0xDA00] =	vst v63  }
0x23c: {  	_ =	swait.ge [sflag:s13], $0x200  }
0x23d: {  	[sflag:s13] =	ssyncset.done $0x0  }
0x23e: {  	[sflag:s13] =	ssyncadd.s32 $0xFFFFFE00  }
0x23f: {  	[hbm4b:s10+s3] =	stream.linear.scatter [tilespmem:s20], [sflag:$0x1], $0x200, $0x38;
	[tilespmem:$0xDA00] =	vst v63  }
0x240: {  	_ =	swait.ge [sflag:s13], $0x200  }
0x241: {  	p0 =	sne.s32 s12, $0x1;
	[sflag:s13] =	ssyncset.done $0x0  }
.Ltmp0:
0x242: {  	[sflag:s13] =	ssyncadd.s32 $0xFFFFFE00;
	(pc) =	sbr.rel @p0 .LBB2_1-.Ltmp0, $4  }
0x243: {  	[hbm4b:s11+s3] =	stream.linear.scatter [tilespmem:s21], [sflag:$0x1], $0x200, $0x38;
	[tilespmem:$0xDA00] =	vst v63  }
0x244: {  	_ =	swait.ge [sflag:s13], $0x200  }
0x245: {  	[sflag:s13] =	ssyncset.done $0x0  }
0x246: {  	s12 =	sadd.s32 $0xFFFFFFFF, s12;
	[sflag:s13] =	ssyncadd.s32 $0xFFFFFE00  }
0x247: {  	_ =	sfence.sel $0x180000  }
0x248: {  	[bflag:$0x0] =	sbarrier.arrive $0xFFFF  }
0x249: {  	p0 =	sne.s32 s0, $0x0;
	_ =	strace $0x90000047  }
0x24a: {  	s0 =	sadd.s32 @!p0 $0x100000, s2;
	[bflag:$0x2] =	sbarrier.arrive $0xFFFF  }
0x24b: {  	[sflag:s0] =	ssyncadd.tile.s32 @!p0 $0x1;
	_ =	shalt  }
.Lfunc_end2:
_tile_overlayer_lowered:
.L_overlay_start_2:
0x24c: {  	(tag) =	ssettag $0x2  }
0x24d: {  	s0 =	rddreg [dreg:$0x0];
	s2 =	stileid.u32  }
0x24e: {  	s1 =	rddreg [dreg:$0x1];
	p0 =	sne.s32 s2, $0x0  }
0x24f: {  	s3 =	rddreg [dreg:$0x2];
	[bflag:$0x3] =	sbarrier.arrive $0xFFFF;
	s2 =	simm.s32 @!p0 $0x1C01  }
0x250: {  	[timem:s3], [sflag:s2] =	dma.local @!p0 [hbm:s0], s1  }
0x251: {  	s0 =	simm.s32 @!p0 $0x1  }
0x252: {  	_ =	swait.ge @!p0 [sflag:s0], s1  }
0x253: {  	s1 =	ssub.s32 @!p0 $0x0, s1;
	[sflag:s0] =	ssyncset.done @!p0 $0x0  }
0x254: {  	[sflag:s0] =	ssyncadd.s32 @!p0 s1  }
0x255: {  	[bflag:$0x3] =	sbarrier.arrive $0xFFFF  }
0x256: {  	_ =	shalt  }

</sc_bundles>
